<compile_context>
chip_gen: v7x
topology: tpu7x:2x2x1
jax: 0.10.2.dev20260603
libtpu: 0.0.44.dev20260713+nightly
codegen_flags: <defaults>
</compile_context>

<pallas_src>
import functools

import jax
import jax.numpy as jnp
from jax import lax
from jax.experimental import pallas as pl
from jax.experimental.pallas import tpu as pltpu
from jax.experimental.pallas import tpu_sc as plsc

N_ROWS = 100000
NSEG = 512
D = 128
C = 64
NFULL = N_ROWS // C
TAIL = N_ROWS - NFULL * C
TAIL_W = NFULL % 32
NSUB = 16
NW = 32
PAIRS = (NFULL + 2 * NW - 1) // (2 * NW)
SEG_PER_SUB = NSEG // NSUB
SEG_PER_W = NSEG // NW
RV = 16

_mesh = plsc.VectorSubcoreMesh(core_axis_name="c", subcore_axis_name="s")

_ACC_SCRATCH = (
    [pltpu.VMEM((C, D), jnp.float32) for _ in range(8)]
    + [pltpu.VMEM((C,), jnp.int32) for _ in range(2)]
    + [
        pltpu.VMEM((C, D), jnp.float32),
        pltpu.VMEM((TAIL, D), jnp.float32),
        pltpu.VMEM((TAIL, D), jnp.float32),
        pltpu.VMEM((TAIL,), jnp.int32),
        pltpu.VMEM((SEG_PER_SUB, D), jnp.float32),
        pltpu.VMEM((RV, D), jnp.float32),
    ]
    + [pltpu.VMEM((RV, D), jnp.float32) for _ in range(8)]
    + [pltpu.VMEM((RV,), jnp.int32) for _ in range(2)]
    + [pltpu.VMEM_SHARED((NSEG, D), jnp.float32) for _ in range(5)]
    + [pltpu.SemaphoreType.DMA for _ in range(14)]
)


@functools.partial(
    pl.kernel,
    mesh=_mesh,
    out_type=[jax.ShapeDtypeStruct((2, NSEG, D), jnp.float32)] * 5,
    scratch_types=_ACC_SCRATCH,
)
def _sc_accumulate(x0, x1, x2, x3, idx, p0, p1, p2, p3, pc, *scr):
    bufs = [scr[0:2], scr[2:4], scr[4:6], scr[6:8]]
    idx_buf = scr[8:10]
    ones_v, ones_t, x_t, idx_t, z2, c64 = scr[10:16]
    red = [scr[16:18], scr[18:20], scr[20:22], scr[22:24]]
    idx1 = scr[24:26]
    accs = scr[26:30]
    cnt = scr[30]
    sem_l = [scr[31:33], scr[33:35], scr[35:37], scr[37:39]]
    sem_i = scr[39:41]
    sem_s = scr[41:45]

    xs = (x0, x1, x2, x3)
    cid = lax.axis_index("c")
    sid = lax.axis_index("s")
    wid = cid * NSUB + sid
    seg0 = sid * SEG_PER_SUB

    ones16 = jnp.ones((16,), jnp.float32)
    zeros16 = jnp.zeros((16,), jnp.float32)
    c16 = jnp.full((16,), float(C), jnp.float32)

    def fill_ones(i, carry):
        for k in range(D // 16):
            ones_v[i, pl.ds(k * 16, 16)] = ones16
        return carry
    lax.fori_loop(0, C, fill_ones, 0)

    def fill_ones_t(i, carry):
        for k in range(D // 16):
            ones_t[i, pl.ds(k * 16, 16)] = ones16
        return carry
    lax.fori_loop(0, TAIL, fill_ones_t, 0)

    def fill_z(i, carry):
        for k in range(D // 16):
            z2[i, pl.ds(k * 16, 16)] = zeros16
        return carry
    lax.fori_loop(0, SEG_PER_SUB, fill_z, 0)

    def fill_red(i, carry):
        for k in range(D // 16):
            ks = pl.ds(k * 16, 16)
            c64[i, ks] = zeros16
            for a in range(4):
                for q in range(2):
                    red[a][q][i, ks] = zeros16
        return carry
    lax.fori_loop(0, RV, fill_red, 0)
    for k in range(D // 16):
        c64[0, pl.ds(k * 16, 16)] = c16

    for acc in accs:
        pltpu.sync_copy(z2, acc.at[pl.ds(seg0, SEG_PER_SUB)])
    pltpu.sync_copy(z2, cnt.at[pl.ds(seg0, SEG_PER_SUB)])
    plsc.subcore_barrier()

    def start_loads(r, q):
        ch = r * NW + wid
        base = pl.multiple_of(ch * C, C)
        pltpu.async_copy(idx.at[pl.ds(base, C)], idx_buf[q], sem_i[q])
        for a in range(4):
            pltpu.async_copy(xs[a].at[pl.ds(base, C)], bufs[a][q],
                             sem_l[a][q])

    def reduce_rows(buf, out_ref):
        zeros8 = tuple(jnp.zeros((16,), jnp.float32) for _ in range(D // 16))

        def body(i, carry):
            new = []
            for k in range(D // 16):
                ks = pl.ds(k * 16, 16)
                new.append(carry[k] + buf[2 * i, ks] + buf[2 * i + 1, ks])
            return tuple(new)

        acc = lax.fori_loop(0, C // 2, body, zeros8)
        for k in range(D // 16):
            out_ref[0, pl.ds(k * 16, 16)] = acc[k]

    def half_round(r, q):
        ch = r * NW + wid
        base = pl.multiple_of(ch * C, C)
        qn = 1 - q

        @pl.when(ch < NFULL)
        def _():
            @pl.when(ch + NW < NFULL)
            def _():
                start_loads(r + 1, qn)

            pltpu.make_async_copy(
                idx.at[pl.ds(base, C)], idx_buf[q], sem_i[q]).wait()
            for a in range(4):
                pltpu.make_async_copy(
                    xs[a].at[pl.ds(base, C)], bufs[a][q], sem_l[a][q]).wait()

            iv = [idx_buf[q][pl.ds(k * 16, 16)] for k in range(C // 16)]
            fast = iv[0][0] == iv[C // 16 - 1][15]

            @pl.when(fast)
            def _():
                idx1[q][...] = iv[0]
                h_s = []
                for a in range(4):
                    reduce_rows(bufs[a][q], red[a][q])
                    h_s.append(
                        pltpu.async_copy(red[a][q], accs[a].at[idx1[q]],
                                         sem_s[a], add=True))
                pltpu.sync_copy(c64, cnt.at[idx1[q]], add=True)
                for h in h_s:
                    h.wait()

            @pl.when(jnp.logical_not(fast))
            def _():
                h_s = []
                for a in range(4):
                    h_s.append(
                        pltpu.async_copy(bufs[a][q], accs[a].at[idx_buf[q]],
                                         sem_s[a], add=True))
                pltpu.sync_copy(ones_v, cnt.at[idx_buf[q]], add=True)
                for h in h_s:
                    h.wait()

    def pair_body(p, carry):
        half_round(2 * p, 0)
        half_round(2 * p + 1, 1)
        return carry

    start_loads(0, 0)
    lax.fori_loop(0, PAIRS, pair_body, 0)

    @pl.when(wid == TAIL_W)
    def _():
        tbase = NFULL * C
        pltpu.sync_copy(idx.at[pl.ds(tbase, TAIL)], idx_t)
        for a in range(4):
            pltpu.sync_copy(xs[a].at[pl.ds(tbase, TAIL)], x_t)
            pltpu.sync_copy(x_t, accs[a].at[idx_t], add=True)
        pltpu.sync_copy(ones_t, cnt.at[idx_t], add=True)

    plsc.subcore_barrier()

    sl = pl.ds(seg0, SEG_PER_SUB)
    for acc, p_out in zip(accs, (p0, p1, p2, p3)):
        pltpu.sync_copy(acc.at[sl], p_out.at[cid, sl])
    pltpu.sync_copy(cnt.at[sl], pc.at[cid, sl])


@functools.partial(
    pl.kernel,
    mesh=_mesh,
    out_type=jax.ShapeDtypeStruct((NSEG, NSEG), jnp.float32),
    scratch_types=[
        pltpu.VMEM((SEG_PER_W, D), jnp.float32),
        pltpu.VMEM((SEG_PER_W, D), jnp.float32),
        pltpu.VMEM((SEG_PER_W, D), jnp.float32),
        pltpu.VMEM((SEG_PER_W, D), jnp.float32),
        pltpu.VMEM((SEG_PER_W, D), jnp.float32),
        pltpu.VMEM((SEG_PER_W, 16), jnp.float32),
    ],
)
def _sc_combine(p0, p1, p2, p3, pc, out,
                a_buf, b_buf, o_buf, ca_buf, cb_buf, rec_buf):
    cid = lax.axis_index("c")
    sid = lax.axis_index("s")
    wid = cid * NSUB + sid
    seg0 = wid * SEG_PER_W
    sl = pl.ds(seg0, SEG_PER_W)

    pltpu.sync_copy(pc.at[0, sl], ca_buf)
    pltpu.sync_copy(pc.at[1, sl], cb_buf)

    def rec_body(i, carry):
        cv = ca_buf[i, pl.ds(0, 16)] + cb_buf[i, pl.ds(0, 16)]
        rec_buf[i, :] = 1.0 / jnp.maximum(cv, 1.0)
        return carry
    lax.fori_loop(0, SEG_PER_W, rec_body, 0)

    def div_body(i, carry):
        recip = rec_buf[i, :]
        for k in range(D // 16):
            ks = pl.ds(k * 16, 16)
            o_buf[i, ks] = (a_buf[i, ks] + b_buf[i, ks]) * recip
        return carry

    for j, p in enumerate((p0, p1, p2, p3)):
        pltpu.sync_copy(p.at[0, sl], a_buf)
        pltpu.sync_copy(p.at[1, sl], b_buf)
        lax.fori_loop(0, SEG_PER_W, div_body, 0)
        pltpu.sync_copy(o_buf, out.at[sl, pl.ds(j * D, D)])


def kernel(x0, x1, x2, x3, index):
    p0, p1, p2, p3, pc = _sc_accumulate(x0, x1, x2, x3, index)
    return _sc_combine(p0, p1, p2, p3, pc)

# --- scband reference (transcript-rebuilt; emitter-appended) ---
"""Pipeline reference for scband-shared-jkreadout-13048110645772 (READ-ONLY COPY).

The authoritative reference and input builder live on the scoring server;
editing this copy changes nothing except your own understanding.
"""

import jax, jax.numpy as jnp
import numpy as np

S = 2
NUM_SEGMENTS = 512
N_ROWS = 100000
IN_DIM = 128
EMB_DIM = 128
NUM_LAYERS = 3
OUT_DIM = IN_DIM + NUM_LAYERS * EMB_DIM


def reshaper(x, dim, out):
    # stacked_samples=True: converts between sample-major [S*n, d] and
    # node-major [n*S, d] layouts (out=False: in-reshape, out=True: out-reshape).
    rows = x.shape[0]
    n = rows // S
    if not out:
        return x.reshape(S, n, dim).transpose(1, 0, 2).reshape(rows, dim)
    else:
        return x.reshape(n, S, dim).transpose(1, 0, 2).reshape(rows, dim)


def setup_inputs(seed: int = 0):
    key = jax.random.key(seed)
    ks = jax.random.split(key, 5)
    x0 = jax.random.normal(ks[0], (N_ROWS, IN_DIM), dtype=jnp.float32)
    x1 = jax.random.normal(ks[1], (N_ROWS, EMB_DIM), dtype=jnp.float32)
    x2 = jax.random.normal(ks[2], (N_ROWS, EMB_DIM), dtype=jnp.float32)
    x3 = jax.random.normal(ks[3], (N_ROWS, EMB_DIM), dtype=jnp.float32)
    index = jnp.sort(jax.random.randint(ks[4], (N_ROWS,), 0, NUM_SEGMENTS, dtype=jnp.int32))
    return {"x0": x0, "x1": x1, "x2": x2, "x3": x3, "index": index}


def reference(x0, x1, x2, x3, index):
    x_list = [x0, x1, x2, x3]
    x_list_ = []
    for i, x in enumerate(x_list):
        if i == 0:
            x_list_.append(reshaper(x, IN_DIM, out=False))
        else:
            x_list_.append(reshaper(x, EMB_DIM, out=False))
    x_ = jnp.concatenate(x_list_, axis=1)
    assert x_.shape[1] == OUT_DIM
    x = reshaper(x_, OUT_DIM, out=True)
    # readout: global mean pool (segment mean)
    seg_sum = jax.ops.segment_sum(x, index, num_segments=NUM_SEGMENTS)
    seg_cnt = jax.ops.segment_sum(jnp.ones((x.shape[0], 1), dtype=x.dtype), index, num_segments=NUM_SEGMENTS)
    return seg_sum / jnp.clip(seg_cnt, 1.0, None)

if __name__ == "__main__":
    import jax
    _d = setup_inputs()
    print(jax.jit(kernel)(*tuple(_d.values())))

</pallas_src>

<mosaic_0001>
#map = affine_map<(d0, d1) -> (0, 0)>
#map1 = affine_map<(d0, d1) -> (0)>
#map2 = affine_map<(d0, d1) -> (0, 0, 0)>
module attributes {stable_mosaic.version = 14 : i64} {
  func.func @_sc_accumulate(%arg0: i32, %arg1: i32, %arg2: memref<100000x128xf32, #tpu.memory_space<hbm>>, %arg3: memref<100000x128xf32, #tpu.memory_space<hbm>>, %arg4: memref<100000x128xf32, #tpu.memory_space<hbm>>, %arg5: memref<100000x128xf32, #tpu.memory_space<hbm>>, %arg6: memref<100000xi32, #tpu.memory_space<hbm>>, %arg7: memref<2x512x128xf32, #tpu.memory_space<hbm>>, %arg8: memref<2x512x128xf32, #tpu.memory_space<hbm>>, %arg9: memref<2x512x128xf32, #tpu.memory_space<hbm>>, %arg10: memref<2x512x128xf32, #tpu.memory_space<hbm>>, %arg11: memref<2x512x128xf32, #tpu.memory_space<hbm>>, %arg12: memref<64x128xf32, #tpu.memory_space<vmem>>, %arg13: memref<64x128xf32, #tpu.memory_space<vmem>>, %arg14: memref<64x128xf32, #tpu.memory_space<vmem>>, %arg15: memref<64x128xf32, #tpu.memory_space<vmem>>, %arg16: memref<64x128xf32, #tpu.memory_space<vmem>>, %arg17: memref<64x128xf32, #tpu.memory_space<vmem>>, %arg18: memref<64x128xf32, #tpu.memory_space<vmem>>, %arg19: memref<64x128xf32, #tpu.memory_space<vmem>>, %arg20: memref<64xi32, #tpu.memory_space<vmem>>, %arg21: memref<64xi32, #tpu.memory_space<vmem>>, %arg22: memref<64x128xf32, #tpu.memory_space<vmem>>, %arg23: memref<32x128xf32, #tpu.memory_space<vmem>>, %arg24: memref<32x128xf32, #tpu.memory_space<vmem>>, %arg25: memref<32xi32, #tpu.memory_space<vmem>>, %arg26: memref<32x128xf32, #tpu.memory_space<vmem>>, %arg27: memref<16x128xf32, #tpu.memory_space<vmem>>, %arg28: memref<16x128xf32, #tpu.memory_space<vmem>>, %arg29: memref<16x128xf32, #tpu.memory_space<vmem>>, %arg30: memref<16x128xf32, #tpu.memory_space<vmem>>, %arg31: memref<16x128xf32, #tpu.memory_space<vmem>>, %arg32: memref<16x128xf32, #tpu.memory_space<vmem>>, %arg33: memref<16x128xf32, #tpu.memory_space<vmem>>, %arg34: memref<16x128xf32, #tpu.memory_space<vmem>>, %arg35: memref<16x128xf32, #tpu.memory_space<vmem>>, %arg36: memref<16xi32, #tpu.memory_space<vmem>>, %arg37: memref<16xi32, #tpu.memory_space<vmem>>, %arg38: memref<512x128xf32, #tpu.memory_space<vmem_shared>>, %arg39: memref<512x128xf32, #tpu.memory_space<vmem_shared>>, %arg40: memref<512x128xf32, #tpu.memory_space<vmem_shared>>, %arg41: memref<512x128xf32, #tpu.memory_space<vmem_shared>>, %arg42: memref<512x128xf32, #tpu.memory_space<vmem_shared>>, %arg43: memref<!tpu.dma_semaphore, #tpu.memory_space<semaphore_mem>>, %arg44: memref<!tpu.dma_semaphore, #tpu.memory_space<semaphore_mem>>, %arg45: memref<!tpu.dma_semaphore, #tpu.memory_space<semaphore_mem>>, %arg46: memref<!tpu.dma_semaphore, #tpu.memory_space<semaphore_mem>>, %arg47: memref<!tpu.dma_semaphore, #tpu.memory_space<semaphore_mem>>, %arg48: memref<!tpu.dma_semaphore, #tpu.memory_space<semaphore_mem>>, %arg49: memref<!tpu.dma_semaphore, #tpu.memory_space<semaphore_mem>>, %arg50: memref<!tpu.dma_semaphore, #tpu.memory_space<semaphore_mem>>, %arg51: memref<!tpu.dma_semaphore, #tpu.memory_space<semaphore_mem>>, %arg52: memref<!tpu.dma_semaphore, #tpu.memory_space<semaphore_mem>>, %arg53: memref<!tpu.dma_semaphore, #tpu.memory_space<semaphore_mem>>, %arg54: memref<!tpu.dma_semaphore, #tpu.memory_space<semaphore_mem>>, %arg55: memref<!tpu.dma_semaphore, #tpu.memory_space<semaphore_mem>>, %arg56: memref<!tpu.dma_semaphore, #tpu.memory_space<semaphore_mem>>) attributes {dimension_semantics = [#tpu.dimension_semantics<core_parallel>, #tpu.dimension_semantics<subcore_parallel>], iteration_bounds = array<i64: 2, 16>, scalar_prefetch = 0 : i64, scratch_operands = 45 : i64, tpu.core_type = #tpu.core_type<sc_vector_subcore>, window_params = [{transform_indices = #map}, {transform_indices = #map}, {transform_indices = #map}, {transform_indices = #map}, {transform_indices = #map1}, {transform_indices = #map2}, {transform_indices = #map2}, {transform_indices = #map2}, {transform_indices = #map2}, {transform_indices = #map2}]} {
    %mul3A = arith.constant 16 : i32
    %mul3A_0 = arith.muli %arg0, %mul3A : i32
    %add3A = arith.addi %mul3A_0, %arg1 : i32
    %mul3A_1 = arith.constant 32 : i32
    %mul3A_2 = arith.muli %arg1, %mul3A_1 : i32
    %broadcast_in_dim3A = arith.constant 1.000000e+00 : f32
    %broadcast_in_dim3A_3 = vector.broadcast %broadcast_in_dim3A : f32 to vector<16xf32>
    %broadcast_in_dim3A_4 = arith.constant 0.000000e+00 : f32
    %broadcast_in_dim3A_5 = vector.broadcast %broadcast_in_dim3A_4 : f32 to vector<16xf32>
    %broadcast_in_dim3A_6 = arith.constant 6.400000e+01 : f32
    %broadcast_in_dim3A_7 = vector.broadcast %broadcast_in_dim3A_6 : f32 to vector<16xf32>
    %scan3A = arith.constant 0 : i32
    %scan3A_8 = arith.constant 0 : i32
    %scan3A_9 = arith.constant 64 : i32
    %scan3A_10 = arith.addi %scan3A_8, %scan3A_9 : i32
    %scan3A_11 = arith.constant 1 : i32
    scf.for %scan3A_108 = %scan3A_8 to %scan3A_10 step %scan3A_11  : i32 {
      %swap3A_109 = arith.index_cast %scan3A_108 : i32 to index
      %swap3A_110 = arith.constant 0 : index
      %swap3A_111 = tpu.vector_load %arg22[%swap3A_109, %swap3A_110] {strides = array<i32>} : memref<64x128xf32, #tpu.memory_space<vmem>>, vector<1x16xf32>,
      %swap3A_112 = vector.shape_cast %swap3A_111 : vector<1x16xf32> to vector<16xf32>
      %swap3A_113 = vector.shape_cast %broadcast_in_dim3A_3 : vector<16xf32> to vector<1x16xf32>
      tpu.vector_store %arg22[%swap3A_109, %swap3A_110], %swap3A_113 {strides = array<i32>} : memref<64x128xf32, #tpu.memory_space<vmem>>, vector<1x16xf32>,
      %swap3A_114 = arith.index_cast %scan3A_108 : i32 to index
      %swap3A_115 = arith.constant 16 : index
      %swap3A_116 = tpu.vector_load %arg22[%swap3A_114, %swap3A_115] {strides = array<i32>} : memref<64x128xf32, #tpu.memory_space<vmem>>, vector<1x16xf32>,
      %swap3A_117 = vector.shape_cast %swap3A_116 : vector<1x16xf32> to vector<16xf32>
      %swap3A_118 = vector.shape_cast %broadcast_in_dim3A_3 : vector<16xf32> to vector<1x16xf32>
      tpu.vector_store %arg22[%swap3A_114, %swap3A_115], %swap3A_118 {strides = array<i32>} : memref<64x128xf32, #tpu.memory_space<vmem>>, vector<1x16xf32>,
      %swap3A_119 = arith.index_cast %scan3A_108 : i32 to index
      %swap3A_120 = arith.constant 32 : index
      %swap3A_121 = tpu.vector_load %arg22[%swap3A_119, %swap3A_120] {strides = array<i32>} : memref<64x128xf32, #tpu.memory_space<vmem>>, vector<1x16xf32>,
      %swap3A_122 = vector.shape_cast %swap3A_121 : vector<1x16xf32> to vector<16xf32>
      %swap3A_123 = vector.shape_cast %broadcast_in_dim3A_3 : vector<16xf32> to vector<1x16xf32>
      tpu.vector_store %arg22[%swap3A_119, %swap3A_120], %swap3A_123 {strides = array<i32>} : memref<64x128xf32, #tpu.memory_space<vmem>>, vector<1x16xf32>,
      %swap3A_124 = arith.index_cast %scan3A_108 : i32 to index
      %swap3A_125 = arith.constant 48 : index
      %swap3A_126 = tpu.vector_load %arg22[%swap3A_124, %swap3A_125] {strides = array<i32>} : memref<64x128xf32, #tpu.memory_space<vmem>>, vector<1x16xf32>,
      %swap3A_127 = vector.shape_cast %swap3A_126 : vector<1x16xf32> to vector<16xf32>
      %swap3A_128 = vector.shape_cast %broadcast_in_dim3A_3 : vector<16xf32> to vector<1x16xf32>
      tpu.vector_store %arg22[%swap3A_124, %swap3A_125], %swap3A_128 {strides = array<i32>} : memref<64x128xf32, #tpu.memory_space<vmem>>, vector<1x16xf32>,
      %swap3A_129 = arith.index_cast %scan3A_108 : i32 to index
      %swap3A_130 = arith.constant 64 : index
      %swap3A_131 = tpu.vector_load %arg22[%swap3A_129, %swap3A_130] {strides = array<i32>} : memref<64x128xf32, #tpu.memory_space<vmem>>, vector<1x16xf32>,
      %swap3A_132 = vector.shape_cast %swap3A_131 : vector<1x16xf32> to vector<16xf32>
      %swap3A_133 = vector.shape_cast %broadcast_in_dim3A_3 : vector<16xf32> to vector<1x16xf32>
      tpu.vector_store %arg22[%swap3A_129, %swap3A_130], %swap3A_133 {strides = array<i32>} : memref<64x128xf32, #tpu.memory_space<vmem>>, vector<1x16xf32>,
      %swap3A_134 = arith.index_cast %scan3A_108 : i32 to index
      %swap3A_135 = arith.constant 80 : index
      %swap3A_136 = tpu.vector_load %arg22[%swap3A_134, %swap3A_135] {strides = array<i32>} : memref<64x128xf32, #tpu.memory_space<vmem>>, vector<1x16xf32>,
      %swap3A_137 = vector.shape_cast %swap3A_136 : vector<1x16xf32> to vector<16xf32>
      %swap3A_138 = vector.shape_cast %broadcast_in_dim3A_3 : vector<16xf32> to vector<1x16xf32>
      tpu.vector_store %arg22[%swap3A_134, %swap3A_135], %swap3A_138 {strides = array<i32>} : memref<64x128xf32, #tpu.memory_space<vmem>>, vector<1x16xf32>,
      %swap3A_139 = arith.index_cast %scan3A_108 : i32 to index
      %swap3A_140 = arith.constant 96 : index
      %swap3A_141 = tpu.vector_load %arg22[%swap3A_139, %swap3A_140] {strides = array<i32>} : memref<64x128xf32, #tpu.memory_space<vmem>>, vector<1x16xf32>,
      %swap3A_142 = vector.shape_cast %swap3A_141 : vector<1x16xf32> to vector<16xf32>
      %swap3A_143 = vector.shape_cast %broadcast_in_dim3A_3 : vector<16xf32> to vector<1x16xf32>
      tpu.vector_store %arg22[%swap3A_139, %swap3A_140], %swap3A_143 {strides = array<i32>} : memref<64x128xf32, #tpu.memory_space<vmem>>, vector<1x16xf32>,
      %swap3A_144 = arith.index_cast %scan3A_108 : i32 to index
      %swap3A_145 = arith.constant 112 : index
      %swap3A_146 = tpu.vector_load %arg22[%swap3A_144, %swap3A_145] {strides = array<i32>} : memref<64x128xf32, #tpu.memory_space<vmem>>, vector<1x16xf32>,
      %swap3A_147 = vector.shape_cast %swap3A_146 : vector<1x16xf32> to vector<16xf32>
      %swap3A_148 = vector.shape_cast %broadcast_in_dim3A_3 : vector<16xf32> to vector<1x16xf32>
      tpu.vector_store %arg22[%swap3A_144, %swap3A_145], %swap3A_148 {strides = array<i32>} : memref<64x128xf32, #tpu.memory_space<vmem>>, vector<1x16xf32>,
    }
    %scan3A_12 = arith.constant 64 : i32
    %scan3A_13 = arith.constant 0 : i32
    %scan3A_14 = arith.constant 0 : i32
    %scan3A_15 = arith.constant 32 : i32
    %scan3A_16 = arith.addi %scan3A_14, %scan3A_15 : i32
    %scan3A_17 = arith.constant 1 : i32
    scf.for %scan3A_108 = %scan3A_14 to %scan3A_16 step %scan3A_17  : i32 {
      %swap3A_109 = arith.index_cast %scan3A_108 : i32 to index
      %swap3A_110 = arith.constant 0 : index
      %swap3A_111 = tpu.vector_load %arg23[%swap3A_109, %swap3A_110] {strides = array<i32>} : memref<32x128xf32, #tpu.memory_space<vmem>>, vector<1x16xf32>,
      %swap3A_112 = vector.shape_cast %swap3A_111 : vector<1x16xf32> to vector<16xf32>
      %swap3A_113 = vector.shape_cast %broadcast_in_dim3A_3 : vector<16xf32> to vector<1x16xf32>
      tpu.vector_store %arg23[%swap3A_109, %swap3A_110], %swap3A_113 {strides = array<i32>} : memref<32x128xf32, #tpu.memory_space<vmem>>, vector<1x16xf32>,
      %swap3A_114 = arith.index_cast %scan3A_108 : i32 to index
      %swap3A_115 = arith.constant 16 : index
      %swap3A_116 = tpu.vector_load %arg23[%swap3A_114, %swap3A_115] {strides = array<i32>} : memref<32x128xf32, #tpu.memory_space<vmem>>, vector<1x16xf32>,
      %swap3A_117 = vector.shape_cast %swap3A_116 : vector<1x16xf32> to vector<16xf32>
      %swap3A_118 = vector.shape_cast %broadcast_in_dim3A_3 : vector<16xf32> to vector<1x16xf32>
      tpu.vector_store %arg23[%swap3A_114, %swap3A_115], %swap3A_118 {strides = array<i32>} : memref<32x128xf32, #tpu.memory_space<vmem>>, vector<1x16xf32>,
      %swap3A_119 = arith.index_cast %scan3A_108 : i32 to index
      %swap3A_120 = arith.constant 32 : index
      %swap3A_121 = tpu.vector_load %arg23[%swap3A_119, %swap3A_120] {strides = array<i32>} : memref<32x128xf32, #tpu.memory_space<vmem>>, vector<1x16xf32>,
      %swap3A_122 = vector.shape_cast %swap3A_121 : vector<1x16xf32> to vector<16xf32>
      %swap3A_123 = vector.shape_cast %broadcast_in_dim3A_3 : vector<16xf32> to vector<1x16xf32>
      tpu.vector_store %arg23[%swap3A_119, %swap3A_120], %swap3A_123 {strides = array<i32>} : memref<32x128xf32, #tpu.memory_space<vmem>>, vector<1x16xf32>,
      %swap3A_124 = arith.index_cast %scan3A_108 : i32 to index
      %swap3A_125 = arith.constant 48 : index
      %swap3A_126 = tpu.vector_load %arg23[%swap3A_124, %swap3A_125] {strides = array<i32>} : memref<32x128xf32, #tpu.memory_space<vmem>>, vector<1x16xf32>,
      %swap3A_127 = vector.shape_cast %swap3A_126 : vector<1x16xf32> to vector<16xf32>
      %swap3A_128 = vector.shape_cast %broadcast_in_dim3A_3 : vector<16xf32> to vector<1x16xf32>
      tpu.vector_store %arg23[%swap3A_124, %swap3A_125], %swap3A_128 {strides = array<i32>} : memref<32x128xf32, #tpu.memory_space<vmem>>, vector<1x16xf32>,
      %swap3A_129 = arith.index_cast %scan3A_108 : i32 to index
      %swap3A_130 = arith.constant 64 : index
      %swap3A_131 = tpu.vector_load %arg23[%swap3A_129, %swap3A_130] {strides = array<i32>} : memref<32x128xf32, #tpu.memory_space<vmem>>, vector<1x16xf32>,
      %swap3A_132 = vector.shape_cast %swap3A_131 : vector<1x16xf32> to vector<16xf32>
      %swap3A_133 = vector.shape_cast %broadcast_in_dim3A_3 : vector<16xf32> to vector<1x16xf32>
      tpu.vector_store %arg23[%swap3A_129, %swap3A_130], %swap3A_133 {strides = array<i32>} : memref<32x128xf32, #tpu.memory_space<vmem>>, vector<1x16xf32>,
      %swap3A_134 = arith.index_cast %scan3A_108 : i32 to index
      %swap3A_135 = arith.constant 80 : index
      %swap3A_136 = tpu.vector_load %arg23[%swap3A_134, %swap3A_135] {strides = array<i32>} : memref<32x128xf32, #tpu.memory_space<vmem>>, vector<1x16xf32>,
      %swap3A_137 = vector.shape_cast %swap3A_136 : vector<1x16xf32> to vector<16xf32>
      %swap3A_138 = vector.shape_cast %broadcast_in_dim3A_3 : vector<16xf32> to vector<1x16xf32>
      tpu.vector_store %arg23[%swap3A_134, %swap3A_135], %swap3A_138 {strides = array<i32>} : memref<32x128xf32, #tpu.memory_space<vmem>>, vector<1x16xf32>,
      %swap3A_139 = arith.index_cast %scan3A_108 : i32 to index
      %swap3A_140 = arith.constant 96 : index
      %swap3A_141 = tpu.vector_load %arg23[%swap3A_139, %swap3A_140] {strides = array<i32>} : memref<32x128xf32, #tpu.memory_space<vmem>>, vector<1x16xf32>,
      %swap3A_142 = vector.shape_cast %swap3A_141 : vector<1x16xf32> to vector<16xf32>
      %swap3A_143 = vector.shape_cast %broadcast_in_dim3A_3 : vector<16xf32> to vector<1x16xf32>
      tpu.vector_store %arg23[%swap3A_139, %swap3A_140], %swap3A_143 {strides = array<i32>} : memref<32x128xf32, #tpu.memory_space<vmem>>, vector<1x16xf32>,
      %swap3A_144 = arith.index_cast %scan3A_108 : i32 to index
      %swap3A_145 = arith.constant 112 : index
      %swap3A_146 = tpu.vector_load %arg23[%swap3A_144, %swap3A_145] {strides = array<i32>} : memref<32x128xf32, #tpu.memory_space<vmem>>, vector<1x16xf32>,
      %swap3A_147 = vector.shape_cast %swap3A_146 : vector<1x16xf32> to vector<16xf32>
      %swap3A_148 = vector.shape_cast %broadcast_in_dim3A_3 : vector<16xf32> to vector<1x16xf32>
      tpu.vector_store %arg23[%swap3A_144, %swap3A_145], %swap3A_148 {strides = array<i32>} : memref<32x128xf32, #tpu.memory_space<vmem>>, vector<1x16xf32>,
    }
    %scan3A_18 = arith.constant 32 : i32
    %scan3A_19 = arith.constant 0 : i32
    %scan3A_20 = arith.constant 0 : i32
    %scan3A_21 = arith.constant 32 : i32
    %scan3A_22 = arith.addi %scan3A_20, %scan3A_21 : i32
    %scan3A_23 = arith.constant 1 : i32
    scf.for %scan3A_108 = %scan3A_20 to %scan3A_22 step %scan3A_23  : i32 {
      %swap3A_109 = arith.index_cast %scan3A_108 : i32 to index
      %swap3A_110 = arith.constant 0 : index
      %swap3A_111 = tpu.vector_load %arg26[%swap3A_109, %swap3A_110] {strides = array<i32>} : memref<32x128xf32, #tpu.memory_space<vmem>>, vector<1x16xf32>,
      %swap3A_112 = vector.shape_cast %swap3A_111 : vector<1x16xf32> to vector<16xf32>
      %swap3A_113 = vector.shape_cast %broadcast_in_dim3A_5 : vector<16xf32> to vector<1x16xf32>
      tpu.vector_store %arg26[%swap3A_109, %swap3A_110], %swap3A_113 {strides = array<i32>} : memref<32x128xf32, #tpu.memory_space<vmem>>, vector<1x16xf32>,
      %swap3A_114 = arith.index_cast %scan3A_108 : i32 to index
      %swap3A_115 = arith.constant 16 : index
      %swap3A_116 = tpu.vector_load %arg26[%swap3A_114, %swap3A_115] {strides = array<i32>} : memref<32x128xf32, #tpu.memory_space<vmem>>, vector<1x16xf32>,
      %swap3A_117 = vector.shape_cast %swap3A_116 : vector<1x16xf32> to vector<16xf32>
      %swap3A_118 = vector.shape_cast %broadcast_in_dim3A_5 : vector<16xf32> to vector<1x16xf32>
      tpu.vector_store %arg26[%swap3A_114, %swap3A_115], %swap3A_118 {strides = array<i32>} : memref<32x128xf32, #tpu.memory_space<vmem>>, vector<1x16xf32>,
      %swap3A_119 = arith.index_cast %scan3A_108 : i32 to index
      %swap3A_120 = arith.constant 32 : index
      %swap3A_121 = tpu.vector_load %arg26[%swap3A_119, %swap3A_120] {strides = array<i32>} : memref<32x128xf32, #tpu.memory_space<vmem>>, vector<1x16xf32>,
      %swap3A_122 = vector.shape_cast %swap3A_121 : vector<1x16xf32> to vector<16xf32>
      %swap3A_123 = vector.shape_cast %broadcast_in_dim3A_5 : vector<16xf32> to vector<1x16xf32>
      tpu.vector_store %arg26[%swap3A_119, %swap3A_120], %swap3A_123 {strides = array<i32>} : memref<32x128xf32, #tpu.memory_space<vmem>>, vector<1x16xf32>,
      %swap3A_124 = arith.index_cast %scan3A_108 : i32 to index
      %swap3A_125 = arith.constant 48 : index
      %swap3A_126 = tpu.vector_load %arg26[%swap3A_124, %swap3A_125] {strides = array<i32>} : memref<32x128xf32, #tpu.memory_space<vmem>>, vector<1x16xf32>,
      %swap3A_127 = vector.shape_cast %swap3A_126 : vector<1x16xf32> to vector<16xf32>
      %swap3A_128 = vector.shape_cast %broadcast_in_dim3A_5 : vector<16xf32> to vector<1x16xf32>
      tpu.vector_store %arg26[%swap3A_124, %swap3A_125], %swap3A_128 {strides = array<i32>} : memref<32x128xf32, #tpu.memory_space<vmem>>, vector<1x16xf32>,
      %swap3A_129 = arith.index_cast %scan3A_108 : i32 to index
      %swap3A_130 = arith.constant 64 : index
      %swap3A_131 = tpu.vector_load %arg26[%swap3A_129, %swap3A_130] {strides = array<i32>} : memref<32x128xf32, #tpu.memory_space<vmem>>, vector<1x16xf32>,
      %swap3A_132 = vector.shape_cast %swap3A_131 : vector<1x16xf32> to vector<16xf32>
      %swap3A_133 = vector.shape_cast %broadcast_in_dim3A_5 : vector<16xf32> to vector<1x16xf32>
      tpu.vector_store %arg26[%swap3A_129, %swap3A_130], %swap3A_133 {strides = array<i32>} : memref<32x128xf32, #tpu.memory_space<vmem>>, vector<1x16xf32>,
      %swap3A_134 = arith.index_cast %scan3A_108 : i32 to index
      %swap3A_135 = arith.constant 80 : index
      %swap3A_136 = tpu.vector_load %arg26[%swap3A_134, %swap3A_135] {strides = array<i32>} : memref<32x128xf32, #tpu.memory_space<vmem>>, vector<1x16xf32>,
      %swap3A_137 = vector.shape_cast %swap3A_136 : vector<1x16xf32> to vector<16xf32>
      %swap3A_138 = vector.shape_cast %broadcast_in_dim3A_5 : vector<16xf32> to vector<1x16xf32>
      tpu.vector_store %arg26[%swap3A_134, %swap3A_135], %swap3A_138 {strides = array<i32>} : memref<32x128xf32, #tpu.memory_space<vmem>>, vector<1x16xf32>,
      %swap3A_139 = arith.index_cast %scan3A_108 : i32 to index
      %swap3A_140 = arith.constant 96 : index
      %swap3A_141 = tpu.vector_load %arg26[%swap3A_139, %swap3A_140] {strides = array<i32>} : memref<32x128xf32, #tpu.memory_space<vmem>>, vector<1x16xf32>,
      %swap3A_142 = vector.shape_cast %swap3A_141 : vector<1x16xf32> to vector<16xf32>
      %swap3A_143 = vector.shape_cast %broadcast_in_dim3A_5 : vector<16xf32> to vector<1x16xf32>
      tpu.vector_store %arg26[%swap3A_139, %swap3A_140], %swap3A_143 {strides = array<i32>} : memref<32x128xf32, #tpu.memory_space<vmem>>, vector<1x16xf32>,
      %swap3A_144 = arith.index_cast %scan3A_108 : i32 to index
      %swap3A_145 = arith.constant 112 : index
      %swap3A_146 = tpu.vector_load %arg26[%swap3A_144, %swap3A_145] {strides = array<i32>} : memref<32x128xf32, #tpu.memory_space<vmem>>, vector<1x16xf32>,
      %swap3A_147 = vector.shape_cast %swap3A_146 : vector<1x16xf32> to vector<16xf32>
      %swap3A_148 = vector.shape_cast %broadcast_in_dim3A_5 : vector<16xf32> to vector<1x16xf32>
      tpu.vector_store %arg26[%swap3A_144, %swap3A_145], %swap3A_148 {strides = array<i32>} : memref<32x128xf32, #tpu.memory_space<vmem>>, vector<1x16xf32>,
    }
    %scan3A_24 = arith.constant 32 : i32
    %scan3A_25 = arith.constant 0 : i32
    %scan3A_26 = arith.constant 0 : i32
    %scan3A_27 = arith.constant 16 : i32
    %scan3A_28 = arith.addi %scan3A_26, %scan3A_27 : i32
    %scan3A_29 = arith.constant 1 : i32
    scf.for %scan3A_108 = %scan3A_26 to %scan3A_28 step %scan3A_29  : i32 {
      %swap3A_109 = arith.index_cast %scan3A_108 : i32 to index
      %swap3A_110 = arith.constant 0 : index
      %swap3A_111 = tpu.vector_load %arg27[%swap3A_109, %swap3A_110] {strides = array<i32>} : memref<16x128xf32, #tpu.memory_space<vmem>>, vector<1x16xf32>,
      %swap3A_112 = vector.shape_cast %swap3A_111 : vector<1x16xf32> to vector<16xf32>
      %swap3A_113 = vector.shape_cast %broadcast_in_dim3A_5 : vector<16xf32> to vector<1x16xf32>
      tpu.vector_store %arg27[%swap3A_109, %swap3A_110], %swap3A_113 {strides = array<i32>} : memref<16x128xf32, #tpu.memory_space<vmem>>, vector<1x16xf32>,
      %swap3A_114 = arith.index_cast %scan3A_108 : i32 to index
      %swap3A_115 = arith.constant 0 : index
      %swap3A_116 = tpu.vector_load %arg28[%swap3A_114, %swap3A_115] {strides = array<i32>} : memref<16x128xf32, #tpu.memory_space<vmem>>, vector<1x16xf32>,
      %swap3A_117 = vector.shape_cast %swap3A_116 : vector<1x16xf32> to vector<16xf32>
      %swap3A_118 = vector.shape_cast %broadcast_in_dim3A_5 : vector<16xf32> to vector<1x16xf32>
      tpu.vector_store %arg28[%swap3A_114, %swap3A_115], %swap3A_118 {strides = array<i32>} : memref<16x128xf32, #tpu.memory_space<vmem>>, vector<1x16xf32>,
      %swap3A_119 = arith.index_cast %scan3A_108 : i32 to index
      %swap3A_120 = arith.constant 0 : index
      %swap3A_121 = tpu.vector_load %arg29[%swap3A_119, %swap3A_120] {strides = array<i32>} : memref<16x128xf32, #tpu.memory_space<vmem>>, vector<1x16xf32>,
      %swap3A_122 = vector.shape_cast %swap3A_121 : vector<1x16xf32> to vector<16xf32>
      %swap3A_123 = vector.shape_cast %broadcast_in_dim3A_5 : vector<16xf32> to vector<1x16xf32>
      tpu.vector_store %arg29[%swap3A_119, %swap3A_120], %swap3A_123 {strides = array<i32>} : memref<16x128xf32, #tpu.memory_space<vmem>>, vector<1x16xf32>,
      %swap3A_124 = arith.index_cast %scan3A_108 : i32 to index
      %swap3A_125 = arith.constant 0 : index
      %swap3A_126 = tpu.vector_load %arg30[%swap3A_124, %swap3A_125] {strides = array<i32>} : memref<16x128xf32, #tpu.memory_space<vmem>>, vector<1x16xf32>,
      %swap3A_127 = vector.shape_cast %swap3A_126 : vector<1x16xf32> to vector<16xf32>
      %swap3A_128 = vector.shape_cast %broadcast_in_dim3A_5 : vector<16xf32> to vector<1x16xf32>
      tpu.vector_store %arg30[%swap3A_124, %swap3A_125], %swap3A_128 {strides = array<i32>} : memref<16x128xf32, #tpu.memory_space<vmem>>, vector<1x16xf32>,
      %swap3A_129 = arith.index_cast %scan3A_108 : i32 to index
      %swap3A_130 = arith.constant 0 : index
      %swap3A_131 = tpu.vector_load %arg31[%swap3A_129, %swap3A_130] {strides = array<i32>} : memref<16x128xf32, #tpu.memory_space<vmem>>, vector<1x16xf32>,
      %swap3A_132 = vector.shape_cast %swap3A_131 : vector<1x16xf32> to vector<16xf32>
      %swap3A_133 = vector.shape_cast %broadcast_in_dim3A_5 : vector<16xf32> to vector<1x16xf32>
      tpu.vector_store %arg31[%swap3A_129, %swap3A_130], %swap3A_133 {strides = array<i32>} : memref<16x128xf32, #tpu.memory_space<vmem>>, vector<1x16xf32>,
      %swap3A_134 = arith.index_cast %scan3A_108 : i32 to index
      %swap3A_135 = arith.constant 0 : index
      %swap3A_136 = tpu.vector_load %arg32[%swap3A_134, %swap3A_135] {strides = array<i32>} : memref<16x128xf32, #tpu.memory_space<vmem>>, vector<1x16xf32>,
      %swap3A_137 = vector.shape_cast %swap3A_136 : vector<1x16xf32> to vector<16xf32>
      %swap3A_138 = vector.shape_cast %broadcast_in_dim3A_5 : vector<16xf32> to vector<1x16xf32>
      tpu.vector_store %arg32[%swap3A_134, %swap3A_135], %swap3A_138 {strides = array<i32>} : memref<16x128xf32, #tpu.memory_space<vmem>>, vector<1x16xf32>,
      %swap3A_139 = arith.index_cast %scan3A_108 : i32 to index
      %swap3A_140 = arith.constant 0 : index
      %swap3A_141 = tpu.vector_load %arg33[%swap3A_139, %swap3A_140] {strides = array<i32>} : memref<16x128xf32, #tpu.memory_space<vmem>>, vector<1x16xf32>,
      %swap3A_142 = vector.shape_cast %swap3A_141 : vector<1x16xf32> to vector<16xf32>
      %swap3A_143 = vector.shape_cast %broadcast_in_dim3A_5 : vector<16xf32> to vector<1x16xf32>
      tpu.vector_store %arg33[%swap3A_139, %swap3A_140], %swap3A_143 {strides = array<i32>} : memref<16x128xf32, #tpu.memory_space<vmem>>, vector<1x16xf32>,
      %swap3A_144 = arith.index_cast %scan3A_108 : i32 to index
      %swap3A_145 = arith.constant 0 : index
      %swap3A_146 = tpu.vector_load %arg34[%swap3A_144, %swap3A_145] {strides = array<i32>} : memref<16x128xf32, #tpu.memory_space<vmem>>, vector<1x16xf32>,
      %swap3A_147 = vector.shape_cast %swap3A_146 : vector<1x16xf32> to vector<16xf32>
      %swap3A_148 = vector.shape_cast %broadcast_in_dim3A_5 : vector<16xf32> to vector<1x16xf32>
      tpu.vector_store %arg34[%swap3A_144, %swap3A_145], %swap3A_148 {strides = array<i32>} : memref<16x128xf32, #tpu.memory_space<vmem>>, vector<1x16xf32>,
      %swap3A_149 = arith.index_cast %scan3A_108 : i32 to index
      %swap3A_150 = arith.constant 0 : index
      %swap3A_151 = tpu.vector_load %arg35[%swap3A_149, %swap3A_150] {strides = array<i32>} : memref<16x128xf32, #tpu.memory_space<vmem>>, vector<1x16xf32>,
      %swap3A_152 = vector.shape_cast %swap3A_151 : vector<1x16xf32> to vector<16xf32>
      %swap3A_153 = vector.shape_cast %broadcast_in_dim3A_5 : vector<16xf32> to vector<1x16xf32>
      tpu.vector_store %arg35[%swap3A_149, %swap3A_150], %swap3A_153 {strides = array<i32>} : memref<16x128xf32, #tpu.memory_space<vmem>>, vector<1x16xf32>,
      %swap3A_154 = arith.index_cast %scan3A_108 : i32 to index
      %swap3A_155 = arith.constant 16 : index
      %swap3A_156 = tpu.vector_load %arg27[%swap3A_154, %swap3A_155] {strides = array<i32>} : memref<16x128xf32, #tpu.memory_space<vmem>>, vector<1x16xf32>,
      %swap3A_157 = vector.shape_cast %swap3A_156 : vector<1x16xf32> to vector<16xf32>
      %swap3A_158 = vector.shape_cast %broadcast_in_dim3A_5 : vector<16xf32> to vector<1x16xf32>
      tpu.vector_store %arg27[%swap3A_154, %swap3A_155], %swap3A_158 {strides = array<i32>} : memref<16x128xf32, #tpu.memory_space<vmem>>, vector<1x16xf32>,
      %swap3A_159 = arith.index_cast %scan3A_108 : i32 to index
      %swap3A_160 = arith.constant 16 : index
      %swap3A_161 = tpu.vector_load %arg28[%swap3A_159, %swap3A_160] {strides = array<i32>} : memref<16x128xf32, #tpu.memory_space<vmem>>, vector<1x16xf32>,
      %swap3A_162 = vector.shape_cast %swap3A_161 : vector<1x16xf32> to vector<16xf32>
      %swap3A_163 = vector.shape_cast %broadcast_in_dim3A_5 : vector<16xf32> to vector<1x16xf32>
      tpu.vector_store %arg28[%swap3A_159, %swap3A_160], %swap3A_163 {strides = array<i32>} : memref<16x128xf32, #tpu.memory_space<vmem>>, vector<1x16xf32>,
      %swap3A_164 = arith.index_cast %scan3A_108 : i32 to index
      %swap3A_165 = arith.constant 16 : index
      %swap3A_166 = tpu.vector_load %arg29[%swap3A_164, %swap3A_165] {strides = array<i32>} : memref<16x128xf32, #tpu.memory_space<vmem>>, vector<1x16xf32>,
      %swap3A_167 = vector.shape_cast %swap3A_166 : vector<1x16xf32> to vector<16xf32>
      %swap3A_168 = vector.shape_cast %broadcast_in_dim3A_5 : vector<16xf32> to vector<1x16xf32>
      tpu.vector_store %arg29[%swap3A_164, %swap3A_165], %swap3A_168 {strides = array<i32>} : memref<16x128xf32, #tpu.memory_space<vmem>>, vector<1x16xf32>,
      %swap3A_169 = arith.index_cast %scan3A_108 : i32 to index
      %swap3A_170 = arith.constant 16 : index
      %swap3A_171 = tpu.vector_load %arg30[%swap3A_169, %swap3A_170] {strides = array<i32>} : memref<16x128xf32, #tpu.memory_space<vmem>>, vector<1x16xf32>,
      %swap3A_172 = vector.shape_cast %swap3A_171 : vector<1x16xf32> to vector<16xf32>
      %swap3A_173 = vector.shape_cast %broadcast_in_dim3A_5 : vector<16xf32> to vector<1x16xf32>
      tpu.vector_store %arg30[%swap3A_169, %swap3A_170], %swap3A_173 {strides = array<i32>} : memref<16x128xf32, #tpu.memory_space<vmem>>, vector<1x16xf32>,
      %swap3A_174 = arith.index_cast %scan3A_108 : i32 to index
      %swap3A_175 = arith.constant 16 : index
      %swap3A_176 = tpu.vector_load %arg31[%swap3A_174, %swap3A_175] {strides = array<i32>} : memref<16x128xf32, #tpu.memory_space<vmem>>, vector<1x16xf32>,
      %swap3A_177 = vector.shape_cast %swap3A_176 : vector<1x16xf32> to vector<16xf32>
      %swap3A_178 = vector.shape_cast %broadcast_in_dim3A_5 : vector<16xf32> to vector<1x16xf32>
      tpu.vector_store %arg31[%swap3A_174, %swap3A_175], %swap3A_178 {strides = array<i32>} : memref<16x128xf32, #tpu.memory_space<vmem>>, vector<1x16xf32>,
      %swap3A_179 = arith.index_cast %scan3A_108 : i32 to index
      %swap3A_180 = arith.constant 16 : index
      %swap3A_181 = tpu.vector_load %arg32[%swap3A_179, %swap3A_180] {strides = array<i32>} : memref<16x128xf32, #tpu.memory_space<vmem>>, vector<1x16xf32>,
      %swap3A_182 = vector.shape_cast %swap3A_181 : vector<1x16xf32> to vector<16xf32>
      %swap3A_183 = vector.shape_cast %broadcast_in_dim3A_5 : vector<16xf32> to vector<1x16xf32>
      tpu.vector_store %arg32[%swap3A_179, %swap3A_180], %swap3A_183 {strides = array<i32>} : memref<16x128xf32, #tpu.memory_space<vmem>>, vector<1x16xf32>,
      %swap3A_184 = arith.index_cast %scan3A_108 : i32 to index
      %swap3A_185 = arith.constant 16 : index
      %swap3A_186 = tpu.vector_load %arg33[%swap3A_184, %swap3A_185] {strides = array<i32>} : memref<16x128xf32, #tpu.memory_space<vmem>>, vector<1x16xf32>,
      %swap3A_187 = vector.shape_cast %swap3A_186 : vector<1x16xf32> to vector<16xf32>
      %swap3A_188 = vector.shape_cast %broadcast_in_dim3A_5 : vector<16xf32> to vector<1x16xf32>
      tpu.vector_store %arg33[%swap3A_184, %swap3A_185], %swap3A_188 {strides = array<i32>} : memref<16x128xf32, #tpu.memory_space<vmem>>, vector<1x16xf32>,
      %swap3A_189 = arith.index_cast %scan3A_108 : i32 to index
      %swap3A_190 = arith.constant 16 : index
      %swap3A_191 = tpu.vector_load %arg34[%swap3A_189, %swap3A_190] {strides = array<i32>} : memref<16x128xf32, #tpu.memory_space<vmem>>, vector<1x16xf32>,
      %swap3A_192 = vector.shape_cast %swap3A_191 : vector<1x16xf32> to vector<16xf32>
      %swap3A_193 = vector.shape_cast %broadcast_in_dim3A_5 : vector<16xf32> to vector<1x16xf32>
      tpu.vector_store %arg34[%swap3A_189, %swap3A_190], %swap3A_193 {strides = array<i32>} : memref<16x128xf32, #tpu.memory_space<vmem>>, vector<1x16xf32>,
      %swap3A_194 = arith.index_cast %scan3A_108 : i32 to index
      %swap3A_195 = arith.constant 16 : index
      %swap3A_196 = tpu.vector_load %arg35[%swap3A_194, %swap3A_195] {strides = array<i32>} : memref<16x128xf32, #tpu.memory_space<vmem>>, vector<1x16xf32>,
      %swap3A_197 = vector.shape_cast %swap3A_196 : vector<1x16xf32> to vector<16xf32>
      %swap3A_198 = vector.shape_cast %broadcast_in_dim3A_5 : vector<16xf32> to vector<1x16xf32>
      tpu.vector_store %arg35[%swap3A_194, %swap3A_195], %swap3A_198 {strides = array<i32>} : memref<16x128xf32, #tpu.memory_space<vmem>>, vector<1x16xf32>,
      %swap3A_199 = arith.index_cast %scan3A_108 : i32 to index
      %swap3A_200 = arith.constant 32 : index
      %swap3A_201 = tpu.vector_load %arg27[%swap3A_199, %swap3A_200] {strides = array<i32>} : memref<16x128xf32, #tpu.memory_space<vmem>>, vector<1x16xf32>,
      %swap3A_202 = vector.shape_cast %swap3A_201 : vector<1x16xf32> to vector<16xf32>
      %swap3A_203 = vector.shape_cast %broadcast_in_dim3A_5 : vector<16xf32> to vector<1x16xf32>
      tpu.vector_store %arg27[%swap3A_199, %swap3A_200], %swap3A_203 {strides = array<i32>} : memref<16x128xf32, #tpu.memory_space<vmem>>, vector<1x16xf32>,
      %swap3A_204 = arith.index_cast %scan3A_108 : i32 to index
      %swap3A_205 = arith.constant 32 : index
      %swap3A_206 = tpu.vector_load %arg28[%swap3A_204, %swap3A_205] {strides = array<i32>} : memref<16x128xf32, #tpu.memory_space<vmem>>, vector<1x16xf32>,
      %swap3A_207 = vector.shape_cast %swap3A_206 : vector<1x16xf32> to vector<16xf32>
      %swap3A_208 = vector.shape_cast %broadcast_in_dim3A_5 : vector<16xf32> to vector<1x16xf32>
      tpu.vector_store %arg28[%swap3A_204, %swap3A_205], %swap3A_208 {strides = array<i32>} : memref<16x128xf32, #tpu.memory_space<vmem>>, vector<1x16xf32>,
      %swap3A_209 = arith.index_cast %scan3A_108 : i32 to index
      %swap3A_210 = arith.constant 32 : index
      %swap3A_211 = tpu.vector_load %arg29[%swap3A_209, %swap3A_210] {strides = array<i32>} : memref<16x128xf32, #tpu.memory_space<vmem>>, vector<1x16xf32>,
      %swap3A_212 = vector.shape_cast %swap3A_211 : vector<1x16xf32> to vector<16xf32>
      %swap3A_213 = vector.shape_cast %broadcast_in_dim3A_5 : vector<16xf32> to vector<1x16xf32>
      tpu.vector_store %arg29[%swap3A_209, %swap3A_210], %swap3A_213 {strides = array<i32>} : memref<16x128xf32, #tpu.memory_space<vmem>>, vector<1x16xf32>,
      %swap3A_214 = arith.index_cast %scan3A_108 : i32 to index
      %swap3A_215 = arith.constant 32 : index
      %swap3A_216 = tpu.vector_load %arg30[%swap3A_214, %swap3A_215] {strides = array<i32>} : memref<16x128xf32, #tpu.memory_space<vmem>>, vector<1x16xf32>,
      %swap3A_217 = vector.shape_cast %swap3A_216 : vector<1x16xf32> to vector<16xf32>
      %swap3A_218 = vector.shape_cast %broadcast_in_dim3A_5 : vector<16xf32> to vector<1x16xf32>
      tpu.vector_store %arg30[%swap3A_214, %swap3A_215], %swap3A_218 {strides = array<i32>} : memref<16x128xf32, #tpu.memory_space<vmem>>, vector<1x16xf32>,
      %swap3A_219 = arith.index_cast %scan3A_108 : i32 to index
      %swap3A_220 = arith.constant 32 : index
      %swap3A_221 = tpu.vector_load %arg31[%swap3A_219, %swap3A_220] {strides = array<i32>} : memref<16x128xf32, #tpu.memory_space<vmem>>, vector<1x16xf32>,
      %swap3A_222 = vector.shape_cast %swap3A_221 : vector<1x16xf32> to vector<16xf32>
      %swap3A_223 = vector.shape_cast %broadcast_in_dim3A_5 : vector<16xf32> to vector<1x16xf32>
      tpu.vector_store %arg31[%swap3A_219, %swap3A_220], %swap3A_223 {strides = array<i32>} : memref<16x128xf32, #tpu.memory_space<vmem>>, vector<1x16xf32>,
      %swap3A_224 = arith.index_cast %scan3A_108 : i32 to index
      %swap3A_225 = arith.constant 32 : index
      %swap3A_226 = tpu.vector_load %arg32[%swap3A_224, %swap3A_225] {strides = array<i32>} : memref<16x128xf32, #tpu.memory_space<vmem>>, vector<1x16xf32>,
      %swap3A_227 = vector.shape_cast %swap3A_226 : vector<1x16xf32> to vector<16xf32>
      %swap3A_228 = vector.shape_cast %broadcast_in_dim3A_5 : vector<16xf32> to vector<1x16xf32>
      tpu.vector_store %arg32[%swap3A_224, %swap3A_225], %swap3A_228 {strides = array<i32>} : memref<16x128xf32, #tpu.memory_space<vmem>>, vector<1x16xf32>,
      %swap3A_229 = arith.index_cast %scan3A_108 : i32 to index
      %swap3A_230 = arith.constant 32 : index
      %swap3A_231 = tpu.vector_load %arg33[%swap3A_229, %swap3A_230] {strides = array<i32>} : memref<16x128xf32, #tpu.memory_space<vmem>>, vector<1x16xf32>,
      %swap3A_232 = vector.shape_cast %swap3A_231 : vector<1x16xf32> to vector<16xf32>
      %swap3A_233 = vector.shape_cast %broadcast_in_dim3A_5 : vector<16xf32> to vector<1x16xf32>
      tpu.vector_store %arg33[%swap3A_229, %swap3A_230], %swap3A_233 {strides = array<i32>} : memref<16x128xf32, #tpu.memory_space<vmem>>, vector<1x16xf32>,
      %swap3A_234 = arith.index_cast %scan3A_108 : i32 to index
      %swap3A_235 = arith.constant 32 : index
      %swap3A_236 = tpu.vector_load %arg34[%swap3A_234, %swap3A_235] {strides = array<i32>} : memref<16x128xf32, #tpu.memory_space<vmem>>, vector<1x16xf32>,
      %swap3A_237 = vector.shape_cast %swap3A_236 : vector<1x16xf32> to vector<16xf32>
      %swap3A_238 = vector.shape_cast %broadcast_in_dim3A_5 : vector<16xf32> to vector<1x16xf32>
      tpu.vector_store %arg34[%swap3A_234, %swap3A_235], %swap3A_238 {strides = array<i32>} : memref<16x128xf32, #tpu.memory_space<vmem>>, vector<1x16xf32>,
      %swap3A_239 = arith.index_cast %scan3A_108 : i32 to index
      %swap3A_240 = arith.constant 32 : index
      %swap3A_241 = tpu.vector_load %arg35[%swap3A_239, %swap3A_240] {strides = array<i32>} : memref<16x128xf32, #tpu.memory_space<vmem>>, vector<1x16xf32>,
      %swap3A_242 = vector.shape_cast %swap3A_241 : vector<1x16xf32> to vector<16xf32>
      %swap3A_243 = vector.shape_cast %broadcast_in_dim3A_5 : vector<16xf32> to vector<1x16xf32>
      tpu.vector_store %arg35[%swap3A_239, %swap3A_240], %swap3A_243 {strides = array<i32>} : memref<16x128xf32, #tpu.memory_space<vmem>>, vector<1x16xf32>,
      %swap3A_244 = arith.index_cast %scan3A_108 : i32 to index
      %swap3A_245 = arith.constant 48 : index
      %swap3A_246 = tpu.vector_load %arg27[%swap3A_244, %swap3A_245] {strides = array<i32>} : memref<16x128xf32, #tpu.memory_space<vmem>>, vector<1x16xf32>,
      %swap3A_247 = vector.shape_cast %swap3A_246 : vector<1x16xf32> to vector<16xf32>
      %swap3A_248 = vector.shape_cast %broadcast_in_dim3A_5 : vector<16xf32> to vector<1x16xf32>
      tpu.vector_store %arg27[%swap3A_244, %swap3A_245], %swap3A_248 {strides = array<i32>} : memref<16x128xf32, #tpu.memory_space<vmem>>, vector<1x16xf32>,
      %swap3A_249 = arith.index_cast %scan3A_108 : i32 to index
      %swap3A_250 = arith.constant 48 : index
      %swap3A_251 = tpu.vector_load %arg28[%swap3A_249, %swap3A_250] {strides = array<i32>} : memref<16x128xf32, #tpu.memory_space<vmem>>, vector<1x16xf32>,
      %swap3A_252 = vector.shape_cast %swap3A_251 : vector<1x16xf32> to vector<16xf32>
      %swap3A_253 = vector.shape_cast %broadcast_in_dim3A_5 : vector<16xf32> to vector<1x16xf32>
      tpu.vector_store %arg28[%swap3A_249, %swap3A_250], %swap3A_253 {strides = array<i32>} : memref<16x128xf32, #tpu.memory_space<vmem>>, vector<1x16xf32>,
      %swap3A_254 = arith.index_cast %scan3A_108 : i32 to index
      %swap3A_255 = arith.constant 48 : index
      %swap3A_256 = tpu.vector_load %arg29[%swap3A_254, %swap3A_255] {strides = array<i32>} : memref<16x128xf32, #tpu.memory_space<vmem>>, vector<1x16xf32>,
      %swap3A_257 = vector.shape_cast %swap3A_256 : vector<1x16xf32> to vector<16xf32>
      %swap3A_258 = vector.shape_cast %broadcast_in_dim3A_5 : vector<16xf32> to vector<1x16xf32>
      tpu.vector_store %arg29[%swap3A_254, %swap3A_255], %swap3A_258 {strides = array<i32>} : memref<16x128xf32, #tpu.memory_space<vmem>>, vector<1x16xf32>,
      %swap3A_259 = arith.index_cast %scan3A_108 : i32 to index
      %swap3A_260 = arith.constant 48 : index
      %swap3A_261 = tpu.vector_load %arg30[%swap3A_259, %swap3A_260] {strides = array<i32>} : memref<16x128xf32, #tpu.memory_space<vmem>>, vector<1x16xf32>,
      %swap3A_262 = vector.shape_cast %swap3A_261 : vector<1x16xf32> to vector<16xf32>
      %swap3A_263 = vector.shape_cast %broadcast_in_dim3A_5 : vector<16xf32> to vector<1x16xf32>
      tpu.vector_store %arg30[%swap3A_259, %swap3A_260], %swap3A_263 {strides = array<i32>} : memref<16x128xf32, #tpu.memory_space<vmem>>, vector<1x16xf32>,
      %swap3A_264 = arith.index_cast %scan3A_108 : i32 to index
      %swap3A_265 = arith.constant 48 : index
      %swap3A_266 = tpu.vector_load %arg31[%swap3A_264, %swap3A_265] {strides = array<i32>} : memref<16x128xf32, #tpu.memory_space<vmem>>, vector<1x16xf32>,
      %swap3A_267 = vector.shape_cast %swap3A_266 : vector<1x16xf32> to vector<16xf32>
      %swap3A_268 = vector.shape_cast %broadcast_in_dim3A_5 : vector<16xf32> to vector<1x16xf32>
      tpu.vector_store %arg31[%swap3A_264, %swap3A_265], %swap3A_268 {strides = array<i32>} : memref<16x128xf32, #tpu.memory_space<vmem>>, vector<1x16xf32>,
      %swap3A_269 = arith.index_cast %scan3A_108 : i32 to index
      %swap3A_270 = arith.constant 48 : index
      %swap3A_271 = tpu.vector_load %arg32[%swap3A_269, %swap3A_270] {strides = array<i32>} : memref<16x128xf32, #tpu.memory_space<vmem>>, vector<1x16xf32>,
      %swap3A_272 = vector.shape_cast %swap3A_271 : vector<1x16xf32> to vector<16xf32>
      %swap3A_273 = vector.shape_cast %broadcast_in_dim3A_5 : vector<16xf32> to vector<1x16xf32>
      tpu.vector_store %arg32[%swap3A_269, %swap3A_270], %swap3A_273 {strides = array<i32>} : memref<16x128xf32, #tpu.memory_space<vmem>>, vector<1x16xf32>,
      %swap3A_274 = arith.index_cast %scan3A_108 : i32 to index
      %swap3A_275 = arith.constant 48 : index
      %swap3A_276 = tpu.vector_load %arg33[%swap3A_274, %swap3A_275] {strides = array<i32>} : memref<16x128xf32, #tpu.memory_space<vmem>>, vector<1x16xf32>,
      %swap3A_277 = vector.shape_cast %swap3A_276 : vector<1x16xf32> to vector<16xf32>
      %swap3A_278 = vector.shape_cast %broadcast_in_dim3A_5 : vector<16xf32> to vector<1x16xf32>
      tpu.vector_store %arg33[%swap3A_274, %swap3A_275], %swap3A_278 {strides = array<i32>} : memref<16x128xf32, #tpu.memory_space<vmem>>, vector<1x16xf32>,
      %swap3A_279 = arith.index_cast %scan3A_108 : i32 to index
      %swap3A_280 = arith.constant 48 : index
      %swap3A_281 = tpu.vector_load %arg34[%swap3A_279, %swap3A_280] {strides = array<i32>} : memref<16x128xf32, #tpu.memory_space<vmem>>, vector<1x16xf32>,
      %swap3A_282 = vector.shape_cast %swap3A_281 : vector<1x16xf32> to vector<16xf32>
      %swap3A_283 = vector.shape_cast %broadcast_in_dim3A_5 : vector<16xf32> to vector<1x16xf32>
      tpu.vector_store %arg34[%swap3A_279, %swap3A_280], %swap3A_283 {strides = array<i32>} : memref<16x128xf32, #tpu.memory_space<vmem>>, vector<1x16xf32>,
      %swap3A_284 = arith.index_cast %scan3A_108 : i32 to index
      %swap3A_285 = arith.constant 48 : index
      %swap3A_286 = tpu.vector_load %arg35[%swap3A_284, %swap3A_285] {strides = array<i32>} : memref<16x128xf32, #tpu.memory_space<vmem>>, vector<1x16xf32>,
      %swap3A_287 = vector.shape_cast %swap3A_286 : vector<1x16xf32> to vector<16xf32>
      %swap3A_288 = vector.shape_cast %broadcast_in_dim3A_5 : vector<16xf32> to vector<1x16xf32>
      tpu.vector_store %arg35[%swap3A_284, %swap3A_285], %swap3A_288 {strides = array<i32>} : memref<16x128xf32, #tpu.memory_space<vmem>>, vector<1x16xf32>,
      %swap3A_289 = arith.index_cast %scan3A_108 : i32 to index
      %swap3A_290 = arith.constant 64 : index
      %swap3A_291 = tpu.vector_load %arg27[%swap3A_289, %swap3A_290] {strides = array<i32>} : memref<16x128xf32, #tpu.memory_space<vmem>>, vector<1x16xf32>,
      %swap3A_292 = vector.shape_cast %swap3A_291 : vector<1x16xf32> to vector<16xf32>
      %swap3A_293 = vector.shape_cast %broadcast_in_dim3A_5 : vector<16xf32> to vector<1x16xf32>
      tpu.vector_store %arg27[%swap3A_289, %swap3A_290], %swap3A_293 {strides = array<i32>} : memref<16x128xf32, #tpu.memory_space<vmem>>, vector<1x16xf32>,
      %swap3A_294 = arith.index_cast %scan3A_108 : i32 to index
      %swap3A_295 = arith.constant 64 : index
      %swap3A_296 = tpu.vector_load %arg28[%swap3A_294, %swap3A_295] {strides = array<i32>} : memref<16x128xf32, #tpu.memory_space<vmem>>, vector<1x16xf32>,
      %swap3A_297 = vector.shape_cast %swap3A_296 : vector<1x16xf32> to vector<16xf32>
      %swap3A_298 = vector.shape_cast %broadcast_in_dim3A_5 : vector<16xf32> to vector<1x16xf32>
      tpu.vector_store %arg28[%swap3A_294, %swap3A_295], %swap3A_298 {strides = array<i32>} : memref<16x128xf32, #tpu.memory_space<vmem>>, vector<1x16xf32>,
      %swap3A_299 = arith.index_cast %scan3A_108 : i32 to index
      %swap3A_300 = arith.constant 64 : index
      %swap3A_301 = tpu.vector_load %arg29[%swap3A_299, %swap3A_300] {strides = array<i32>} : memref<16x128xf32, #tpu.memory_space<vmem>>, vector<1x16xf32>,
      %swap3A_302 = vector.shape_cast %swap3A_301 : vector<1x16xf32> to vector<16xf32>
      %swap3A_303 = vector.shape_cast %broadcast_in_dim3A_5 : vector<16xf32> to vector<1x16xf32>
      tpu.vector_store %arg29[%swap3A_299, %swap3A_300], %swap3A_303 {strides = array<i32>} : memref<16x128xf32, #tpu.memory_space<vmem>>, vector<1x16xf32>,
      %swap3A_304 = arith.index_cast %scan3A_108 : i32 to index
      %swap3A_305 = arith.constant 64 : index
      %swap3A_306 = tpu.vector_load %arg30[%swap3A_304, %swap3A_305] {strides = array<i32>} : memref<16x128xf32, #tpu.memory_space<vmem>>, vector<1x16xf32>,
      %swap3A_307 = vector.shape_cast %swap3A_306 : vector<1x16xf32> to vector<16xf32>
      %swap3A_308 = vector.shape_cast %broadcast_in_dim3A_5 : vector<16xf32> to vector<1x16xf32>
      tpu.vector_store %arg30[%swap3A_304, %swap3A_305], %swap3A_308 {strides = array<i32>} : memref<16x128xf32, #tpu.memory_space<vmem>>, vector<1x16xf32>,
      %swap3A_309 = arith.index_cast %scan3A_108 : i32 to index
      %swap3A_310 = arith.constant 64 : index
      %swap3A_311 = tpu.vector_load %arg31[%swap3A_309, %swap3A_310] {strides = array<i32>} : memref<16x128xf32, #tpu.memory_space<vmem>>, vector<1x16xf32>,
      %swap3A_312 = vector.shape_cast %swap3A_311 : vector<1x16xf32> to vector<16xf32>
      %swap3A_313 = vector.shape_cast %broadcast_in_dim3A_5 : vector<16xf32> to vector<1x16xf32>
      tpu.vector_store %arg31[%swap3A_309, %swap3A_310], %swap3A_313 {strides = array<i32>} : memref<16x128xf32, #tpu.memory_space<vmem>>, vector<1x16xf32>,
      %swap3A_314 = arith.index_cast %scan3A_108 : i32 to index
      %swap3A_315 = arith.constant 64 : index
      %swap3A_316 = tpu.vector_load %arg32[%swap3A_314, %swap3A_315] {strides = array<i32>} : memref<16x128xf32, #tpu.memory_space<vmem>>, vector<1x16xf32>,
      %swap3A_317 = vector.shape_cast %swap3A_316 : vector<1x16xf32> to vector<16xf32>
      %swap3A_318 = vector.shape_cast %broadcast_in_dim3A_5 : vector<16xf32> to vector<1x16xf32>
      tpu.vector_store %arg32[%swap3A_314, %swap3A_315], %swap3A_318 {strides = array<i32>} : memref<16x128xf32, #tpu.memory_space<vmem>>, vector<1x16xf32>,
      %swap3A_319 = arith.index_cast %scan3A_108 : i32 to index
      %swap3A_320 = arith.constant 64 : index
      %swap3A_321 = tpu.vector_load %arg33[%swap3A_319, %swap3A_320] {strides = array<i32>} : memref<16x128xf32, #tpu.memory_space<vmem>>, vector<1x16xf32>,
      %swap3A_322 = vector.shape_cast %swap3A_321 : vector<1x16xf32> to vector<16xf32>
      %swap3A_323 = vector.shape_cast %broadcast_in_dim3A_5 : vector<16xf32> to vector<1x16xf32>
      tpu.vector_store %arg33[%swap3A_319, %swap3A_320], %swap3A_323 {strides = array<i32>} : memref<16x128xf32, #tpu.memory_space<vmem>>, vector<1x16xf32>,
      %swap3A_324 = arith.index_cast %scan3A_108 : i32 to index
      %swap3A_325 = arith.constant 64 : index
      %swap3A_326 = tpu.vector_load %arg34[%swap3A_324, %swap3A_325] {strides = array<i32>} : memref<16x128xf32, #tpu.memory_space<vmem>>, vector<1x16xf32>,
      %swap3A_327 = vector.shape_cast %swap3A_326 : vector<1x16xf32> to vector<16xf32>
      %swap3A_328 = vector.shape_cast %broadcast_in_dim3A_5 : vector<16xf32> to vector<1x16xf32>
      tpu.vector_store %arg34[%swap3A_324, %swap3A_325], %swap3A_328 {strides = array<i32>} : memref<16x128xf32, #tpu.memory_space<vmem>>, vector<1x16xf32>,
      %swap3A_329 = arith.index_cast %scan3A_108 : i32 to index
      %swap3A_330 = arith.constant 64 : index
      %swap3A_331 = tpu.vector_load %arg35[%swap3A_329, %swap3A_330] {strides = array<i32>} : memref<16x128xf32, #tpu.memory_space<vmem>>, vector<1x16xf32>,
      %swap3A_332 = vector.shape_cast %swap3A_331 : vector<1x16xf32> to vector<16xf32>
      %swap3A_333 = vector.shape_cast %broadcast_in_dim3A_5 : vector<16xf32> to vector<1x16xf32>
      tpu.vector_store %arg35[%swap3A_329, %swap3A_330], %swap3A_333 {strides = array<i32>} : memref<16x128xf32, #tpu.memory_space<vmem>>, vector<1x16xf32>,
      %swap3A_334 = arith.index_cast %scan3A_108 : i32 to index
      %swap3A_335 = arith.constant 80 : index
      %swap3A_336 = tpu.vector_load %arg27[%swap3A_334, %swap3A_335] {strides = array<i32>} : memref<16x128xf32, #tpu.memory_space<vmem>>, vector<1x16xf32>,
      %swap3A_337 = vector.shape_cast %swap3A_336 : vector<1x16xf32> to vector<16xf32>
      %swap3A_338 = vector.shape_cast %broadcast_in_dim3A_5 : vector<16xf32> to vector<1x16xf32>
      tpu.vector_store %arg27[%swap3A_334, %swap3A_335], %swap3A_338 {strides = array<i32>} : memref<16x128xf32, #tpu.memory_space<vmem>>, vector<1x16xf32>,
      %swap3A_339 = arith.index_cast %scan3A_108 : i32 to index
      %swap3A_340 = arith.constant 80 : index
      %swap3A_341 = tpu.vector_load %arg28[%swap3A_339, %swap3A_340] {strides = array<i32>} : memref<16x128xf32, #tpu.memory_space<vmem>>, vector<1x16xf32>,
      %swap3A_342 = vector.shape_cast %swap3A_341 : vector<1x16xf32> to vector<16xf32>
      %swap3A_343 = vector.shape_cast %broadcast_in_dim3A_5 : vector<16xf32> to vector<1x16xf32>
      tpu.vector_store %arg28[%swap3A_339, %swap3A_340], %swap3A_343 {strides = array<i32>} : memref<16x128xf32, #tpu.memory_space<vmem>>, vector<1x16xf32>,
      %swap3A_344 = arith.index_cast %scan3A_108 : i32 to index
      %swap3A_345 = arith.constant 80 : index
      %swap3A_346 = tpu.vector_load %arg29[%swap3A_344, %swap3A_345] {strides = array<i32>} : memref<16x128xf32, #tpu.memory_space<vmem>>, vector<1x16xf32>,
      %swap3A_347 = vector.shape_cast %swap3A_346 : vector<1x16xf32> to vector<16xf32>
      %swap3A_348 = vector.shape_cast %broadcast_in_dim3A_5 : vector<16xf32> to vector<1x16xf32>
      tpu.vector_store %arg29[%swap3A_344, %swap3A_345], %swap3A_348 {strides = array<i32>} : memref<16x128xf32, #tpu.memory_space<vmem>>, vector<1x16xf32>,
      %swap3A_349 = arith.index_cast %scan3A_108 : i32 to index
      %swap3A_350 = arith.constant 80 : index
      %swap3A_351 = tpu.vector_load %arg30[%swap3A_349, %swap3A_350] {strides = array<i32>} : memref<16x128xf32, #tpu.memory_space<vmem>>, vector<1x16xf32>,
      %swap3A_352 = vector.shape_cast %swap3A_351 : vector<1x16xf32> to vector<16xf32>
      %swap3A_353 = vector.shape_cast %broadcast_in_dim3A_5 : vector<16xf32> to vector<1x16xf32>
      tpu.vector_store %arg30[%swap3A_349, %swap3A_350], %swap3A_353 {strides = array<i32>} : memref<16x128xf32, #tpu.memory_space<vmem>>, vector<1x16xf32>,
      %swap3A_354 = arith.index_cast %scan3A_108 : i32 to index
      %swap3A_355 = arith.constant 80 : index
      %swap3A_356 = tpu.vector_load %arg31[%swap3A_354, %swap3A_355] {strides = array<i32>} : memref<16x128xf32, #tpu.memory_space<vmem>>, vector<1x16xf32>,
      %swap3A_357 = vector.shape_cast %swap3A_356 : vector<1x16xf32> to vector<16xf32>
      %swap3A_358 = vector.shape_cast %broadcast_in_dim3A_5 : vector<16xf32> to vector<1x16xf32>
      tpu.vector_store %arg31[%swap3A_354, %swap3A_355], %swap3A_358 {strides = array<i32>} : memref<16x128xf32, #tpu.memory_space<vmem>>, vector<1x16xf32>,
      %swap3A_359 = arith.index_cast %scan3A_108 : i32 to index
      %swap3A_360 = arith.constant 80 : index
      %swap3A_361 = tpu.vector_load %arg32[%swap3A_359, %swap3A_360] {strides = array<i32>} : memref<16x128xf32, #tpu.memory_space<vmem>>, vector<1x16xf32>,
      %swap3A_362 = vector.shape_cast %swap3A_361 : vector<1x16xf32> to vector<16xf32>
      %swap3A_363 = vector.shape_cast %broadcast_in_dim3A_5 : vector<16xf32> to vector<1x16xf32>
      tpu.vector_store %arg32[%swap3A_359, %swap3A_360], %swap3A_363 {strides = array<i32>} : memref<16x128xf32, #tpu.memory_space<vmem>>, vector<1x16xf32>,
      %swap3A_364 = arith.index_cast %scan3A_108 : i32 to index
      %swap3A_365 = arith.constant 80 : index
      %swap3A_366 = tpu.vector_load %arg33[%swap3A_364, %swap3A_365] {strides = array<i32>} : memref<16x128xf32, #tpu.memory_space<vmem>>, vector<1x16xf32>,
      %swap3A_367 = vector.shape_cast %swap3A_366 : vector<1x16xf32> to vector<16xf32>
      %swap3A_368 = vector.shape_cast %broadcast_in_dim3A_5 : vector<16xf32> to vector<1x16xf32>
      tpu.vector_store %arg33[%swap3A_364, %swap3A_365], %swap3A_368 {strides = array<i32>} : memref<16x128xf32, #tpu.memory_space<vmem>>, vector<1x16xf32>,
      %swap3A_369 = arith.index_cast %scan3A_108 : i32 to index
      %swap3A_370 = arith.constant 80 : index
      %swap3A_371 = tpu.vector_load %arg34[%swap3A_369, %swap3A_370] {strides = array<i32>} : memref<16x128xf32, #tpu.memory_space<vmem>>, vector<1x16xf32>,
      %swap3A_372 = vector.shape_cast %swap3A_371 : vector<1x16xf32> to vector<16xf32>
      %swap3A_373 = vector.shape_cast %broadcast_in_dim3A_5 : vector<16xf32> to vector<1x16xf32>
      tpu.vector_store %arg34[%swap3A_369, %swap3A_370], %swap3A_373 {strides = array<i32>} : memref<16x128xf32, #tpu.memory_space<vmem>>, vector<1x16xf32>,
      %swap3A_374 = arith.index_cast %scan3A_108 : i32 to index
      %swap3A_375 = arith.constant 80 : index
      %swap3A_376 = tpu.vector_load %arg35[%swap3A_374, %swap3A_375] {strides = array<i32>} : memref<16x128xf32, #tpu.memory_space<vmem>>, vector<1x16xf32>,
      %swap3A_377 = vector.shape_cast %swap3A_376 : vector<1x16xf32> to vector<16xf32>
      %swap3A_378 = vector.shape_cast %broadcast_in_dim3A_5 : vector<16xf32> to vector<1x16xf32>
      tpu.vector_store %arg35[%swap3A_374, %swap3A_375], %swap3A_378 {strides = array<i32>} : memref<16x128xf32, #tpu.memory_space<vmem>>, vector<1x16xf32>,
      %swap3A_379 = arith.index_cast %scan3A_108 : i32 to index
      %swap3A_380 = arith.constant 96 : index
      %swap3A_381 = tpu.vector_load %arg27[%swap3A_379, %swap3A_380] {strides = array<i32>} : memref<16x128xf32, #tpu.memory_space<vmem>>, vector<1x16xf32>,
      %swap3A_382 = vector.shape_cast %swap3A_381 : vector<1x16xf32> to vector<16xf32>
      %swap3A_383 = vector.shape_cast %broadcast_in_dim3A_5 : vector<16xf32> to vector<1x16xf32>
      tpu.vector_store %arg27[%swap3A_379, %swap3A_380], %swap3A_383 {strides = array<i32>} : memref<16x128xf32, #tpu.memory_space<vmem>>, vector<1x16xf32>,
      %swap3A_384 = arith.index_cast %scan3A_108 : i32 to index
      %swap3A_385 = arith.constant 96 : index
      %swap3A_386 = tpu.vector_load %arg28[%swap3A_384, %swap3A_385] {strides = array<i32>} : memref<16x128xf32, #tpu.memory_space<vmem>>, vector<1x16xf32>,
      %swap3A_387 = vector.shape_cast %swap3A_386 : vector<1x16xf32> to vector<16xf32>
      %swap3A_388 = vector.shape_cast %broadcast_in_dim3A_5 : vector<16xf32> to vector<1x16xf32>
      tpu.vector_store %arg28[%swap3A_384, %swap3A_385], %swap3A_388 {strides = array<i32>} : memref<16x128xf32, #tpu.memory_space<vmem>>, vector<1x16xf32>,
      %swap3A_389 = arith.index_cast %scan3A_108 : i32 to index
      %swap3A_390 = arith.constant 96 : index
      %swap3A_391 = tpu.vector_load %arg29[%swap3A_389, %swap3A_390] {strides = array<i32>} : memref<16x128xf32, #tpu.memory_space<vmem>>, vector<1x16xf32>,
      %swap3A_392 = vector.shape_cast %swap3A_391 : vector<1x16xf32> to vector<16xf32>
      %swap3A_393 = vector.shape_cast %broadcast_in_dim3A_5 : vector<16xf32> to vector<1x16xf32>
      tpu.vector_store %arg29[%swap3A_389, %swap3A_390], %swap3A_393 {strides = array<i32>} : memref<16x128xf32, #tpu.memory_space<vmem>>, vector<1x16xf32>,
      %swap3A_394 = arith.index_cast %scan3A_108 : i32 to index
      %swap3A_395 = arith.constant 96 : index
      %swap3A_396 = tpu.vector_load %arg30[%swap3A_394, %swap3A_395] {strides = array<i32>} : memref<16x128xf32, #tpu.memory_space<vmem>>, vector<1x16xf32>,
      %swap3A_397 = vector.shape_cast %swap3A_396 : vector<1x16xf32> to vector<16xf32>
      %swap3A_398 = vector.shape_cast %broadcast_in_dim3A_5 : vector<16xf32> to vector<1x16xf32>
      tpu.vector_store %arg30[%swap3A_394, %swap3A_395], %swap3A_398 {strides = array<i32>} : memref<16x128xf32, #tpu.memory_space<vmem>>, vector<1x16xf32>,
      %swap3A_399 = arith.index_cast %scan3A_108 : i32 to index
      %swap3A_400 = arith.constant 96 : index
      %swap3A_401 = tpu.vector_load %arg31[%swap3A_399, %swap3A_400] {strides = array<i32>} : memref<16x128xf32, #tpu.memory_space<vmem>>, vector<1x16xf32>,
      %swap3A_402 = vector.shape_cast %swap3A_401 : vector<1x16xf32> to vector<16xf32>
      %swap3A_403 = vector.shape_cast %broadcast_in_dim3A_5 : vector<16xf32> to vector<1x16xf32>
      tpu.vector_store %arg31[%swap3A_399, %swap3A_400], %swap3A_403 {strides = array<i32>} : memref<16x128xf32, #tpu.memory_space<vmem>>, vector<1x16xf32>,
      %swap3A_404 = arith.index_cast %scan3A_108 : i32 to index
      %swap3A_405 = arith.constant 96 : index
      %swap3A_406 = tpu.vector_load %arg32[%swap3A_404, %swap3A_405] {strides = array<i32>} : memref<16x128xf32, #tpu.memory_space<vmem>>, vector<1x16xf32>,
      %swap3A_407 = vector.shape_cast %swap3A_406 : vector<1x16xf32> to vector<16xf32>
      %swap3A_408 = vector.shape_cast %broadcast_in_dim3A_5 : vector<16xf32> to vector<1x16xf32>
      tpu.vector_store %arg32[%swap3A_404, %swap3A_405], %swap3A_408 {strides = array<i32>} : memref<16x128xf32, #tpu.memory_space<vmem>>, vector<1x16xf32>,
      %swap3A_409 = arith.index_cast %scan3A_108 : i32 to index
      %swap3A_410 = arith.constant 96 : index
      %swap3A_411 = tpu.vector_load %arg33[%swap3A_409, %swap3A_410] {strides = array<i32>} : memref<16x128xf32, #tpu.memory_space<vmem>>, vector<1x16xf32>,
      %swap3A_412 = vector.shape_cast %swap3A_411 : vector<1x16xf32> to vector<16xf32>
      %swap3A_413 = vector.shape_cast %broadcast_in_dim3A_5 : vector<16xf32> to vector<1x16xf32>
      tpu.vector_store %arg33[%swap3A_409, %swap3A_410], %swap3A_413 {strides = array<i32>} : memref<16x128xf32, #tpu.memory_space<vmem>>, vector<1x16xf32>,
      %swap3A_414 = arith.index_cast %scan3A_108 : i32 to index
      %swap3A_415 = arith.constant 96 : index
      %swap3A_416 = tpu.vector_load %arg34[%swap3A_414, %swap3A_415] {strides = array<i32>} : memref<16x128xf32, #tpu.memory_space<vmem>>, vector<1x16xf32>,
      %swap3A_417 = vector.shape_cast %swap3A_416 : vector<1x16xf32> to vector<16xf32>
      %swap3A_418 = vector.shape_cast %broadcast_in_dim3A_5 : vector<16xf32> to vector<1x16xf32>
      tpu.vector_store %arg34[%swap3A_414, %swap3A_415], %swap3A_418 {strides = array<i32>} : memref<16x128xf32, #tpu.memory_space<vmem>>, vector<1x16xf32>,
      %swap3A_419 = arith.index_cast %scan3A_108 : i32 to index
      %swap3A_420 = arith.constant 96 : index
      %swap3A_421 = tpu.vector_load %arg35[%swap3A_419, %swap3A_420] {strides = array<i32>} : memref<16x128xf32, #tpu.memory_space<vmem>>, vector<1x16xf32>,
      %swap3A_422 = vector.shape_cast %swap3A_421 : vector<1x16xf32> to vector<16xf32>
      %swap3A_423 = vector.shape_cast %broadcast_in_dim3A_5 : vector<16xf32> to vector<1x16xf32>
      tpu.vector_store %arg35[%swap3A_419, %swap3A_420], %swap3A_423 {strides = array<i32>} : memref<16x128xf32, #tpu.memory_space<vmem>>, vector<1x16xf32>,
      %swap3A_424 = arith.index_cast %scan3A_108 : i32 to index
      %swap3A_425 = arith.constant 112 : index
      %swap3A_426 = tpu.vector_load %arg27[%swap3A_424, %swap3A_425] {strides = array<i32>} : memref<16x128xf32, #tpu.memory_space<vmem>>, vector<1x16xf32>,
      %swap3A_427 = vector.shape_cast %swap3A_426 : vector<1x16xf32> to vector<16xf32>
      %swap3A_428 = vector.shape_cast %broadcast_in_dim3A_5 : vector<16xf32> to vector<1x16xf32>
      tpu.vector_store %arg27[%swap3A_424, %swap3A_425], %swap3A_428 {strides = array<i32>} : memref<16x128xf32, #tpu.memory_space<vmem>>, vector<1x16xf32>,
      %swap3A_429 = arith.index_cast %scan3A_108 : i32 to index
      %swap3A_430 = arith.constant 112 : index
      %swap3A_431 = tpu.vector_load %arg28[%swap3A_429, %swap3A_430] {strides = array<i32>} : memref<16x128xf32, #tpu.memory_space<vmem>>, vector<1x16xf32>,
      %swap3A_432 = vector.shape_cast %swap3A_431 : vector<1x16xf32> to vector<16xf32>
      %swap3A_433 = vector.shape_cast %broadcast_in_dim3A_5 : vector<16xf32> to vector<1x16xf32>
      tpu.vector_store %arg28[%swap3A_429, %swap3A_430], %swap3A_433 {strides = array<i32>} : memref<16x128xf32, #tpu.memory_space<vmem>>, vector<1x16xf32>,
      %swap3A_434 = arith.index_cast %scan3A_108 : i32 to index
      %swap3A_435 = arith.constant 112 : index
      %swap3A_436 = tpu.vector_load %arg29[%swap3A_434, %swap3A_435] {strides = array<i32>} : memref<16x128xf32, #tpu.memory_space<vmem>>, vector<1x16xf32>,
      %swap3A_437 = vector.shape_cast %swap3A_436 : vector<1x16xf32> to vector<16xf32>
      %swap3A_438 = vector.shape_cast %broadcast_in_dim3A_5 : vector<16xf32> to vector<1x16xf32>
      tpu.vector_store %arg29[%swap3A_434, %swap3A_435], %swap3A_438 {strides = array<i32>} : memref<16x128xf32, #tpu.memory_space<vmem>>, vector<1x16xf32>,
      %swap3A_439 = arith.index_cast %scan3A_108 : i32 to index
      %swap3A_440 = arith.constant 112 : index
      %swap3A_441 = tpu.vector_load %arg30[%swap3A_439, %swap3A_440] {strides = array<i32>} : memref<16x128xf32, #tpu.memory_space<vmem>>, vector<1x16xf32>,
      %swap3A_442 = vector.shape_cast %swap3A_441 : vector<1x16xf32> to vector<16xf32>
      %swap3A_443 = vector.shape_cast %broadcast_in_dim3A_5 : vector<16xf32> to vector<1x16xf32>
      tpu.vector_store %arg30[%swap3A_439, %swap3A_440], %swap3A_443 {strides = array<i32>} : memref<16x128xf32, #tpu.memory_space<vmem>>, vector<1x16xf32>,
      %swap3A_444 = arith.index_cast %scan3A_108 : i32 to index
      %swap3A_445 = arith.constant 112 : index
      %swap3A_446 = tpu.vector_load %arg31[%swap3A_444, %swap3A_445] {strides = array<i32>} : memref<16x128xf32, #tpu.memory_space<vmem>>, vector<1x16xf32>,
      %swap3A_447 = vector.shape_cast %swap3A_446 : vector<1x16xf32> to vector<16xf32>
      %swap3A_448 = vector.shape_cast %broadcast_in_dim3A_5 : vector<16xf32> to vector<1x16xf32>
      tpu.vector_store %arg31[%swap3A_444, %swap3A_445], %swap3A_448 {strides = array<i32>} : memref<16x128xf32, #tpu.memory_space<vmem>>, vector<1x16xf32>,
      %swap3A_449 = arith.index_cast %scan3A_108 : i32 to index
      %swap3A_450 = arith.constant 112 : index
      %swap3A_451 = tpu.vector_load %arg32[%swap3A_449, %swap3A_450] {strides = array<i32>} : memref<16x128xf32, #tpu.memory_space<vmem>>, vector<1x16xf32>,
      %swap3A_452 = vector.shape_cast %swap3A_451 : vector<1x16xf32> to vector<16xf32>
      %swap3A_453 = vector.shape_cast %broadcast_in_dim3A_5 : vector<16xf32> to vector<1x16xf32>
      tpu.vector_store %arg32[%swap3A_449, %swap3A_450], %swap3A_453 {strides = array<i32>} : memref<16x128xf32, #tpu.memory_space<vmem>>, vector<1x16xf32>,
      %swap3A_454 = arith.index_cast %scan3A_108 : i32 to index
      %swap3A_455 = arith.constant 112 : index
      %swap3A_456 = tpu.vector_load %arg33[%swap3A_454, %swap3A_455] {strides = array<i32>} : memref<16x128xf32, #tpu.memory_space<vmem>>, vector<1x16xf32>,
      %swap3A_457 = vector.shape_cast %swap3A_456 : vector<1x16xf32> to vector<16xf32>
      %swap3A_458 = vector.shape_cast %broadcast_in_dim3A_5 : vector<16xf32> to vector<1x16xf32>
      tpu.vector_store %arg33[%swap3A_454, %swap3A_455], %swap3A_458 {strides = array<i32>} : memref<16x128xf32, #tpu.memory_space<vmem>>, vector<1x16xf32>,
      %swap3A_459 = arith.index_cast %scan3A_108 : i32 to index
      %swap3A_460 = arith.constant 112 : index
      %swap3A_461 = tpu.vector_load %arg34[%swap3A_459, %swap3A_460] {strides = array<i32>} : memref<16x128xf32, #tpu.memory_space<vmem>>, vector<1x16xf32>,
      %swap3A_462 = vector.shape_cast %swap3A_461 : vector<1x16xf32> to vector<16xf32>
      %swap3A_463 = vector.shape_cast %broadcast_in_dim3A_5 : vector<16xf32> to vector<1x16xf32>
      tpu.vector_store %arg34[%swap3A_459, %swap3A_460], %swap3A_463 {strides = array<i32>} : memref<16x128xf32, #tpu.memory_space<vmem>>, vector<1x16xf32>,
      %swap3A_464 = arith.index_cast %scan3A_108 : i32 to index
      %swap3A_465 = arith.constant 112 : index
      %swap3A_466 = tpu.vector_load %arg35[%swap3A_464, %swap3A_465] {strides = array<i32>} : memref<16x128xf32, #tpu.memory_space<vmem>>, vector<1x16xf32>,
      %swap3A_467 = vector.shape_cast %swap3A_466 : vector<1x16xf32> to vector<16xf32>
      %swap3A_468 = vector.shape_cast %broadcast_in_dim3A_5 : vector<16xf32> to vector<1x16xf32>
      tpu.vector_store %arg35[%swap3A_464, %swap3A_465], %swap3A_468 {strides = array<i32>} : memref<16x128xf32, #tpu.memory_space<vmem>>, vector<1x16xf32>,
    }
    %scan3A_30 = arith.constant 16 : i32
    %swap3A = arith.constant 0 : i32
    %swap3A_31 = arith.index_cast %swap3A : i32 to index
    %swap3A_32 = arith.constant 0 : index
    %swap3A_33 = tpu.vector_load %arg27[%swap3A_31, %swap3A_32] {strides = array<i32>} : memref<16x128xf32, #tpu.memory_space<vmem>>, vector<1x16xf32>,
    %swap3A_34 = vector.shape_cast %swap3A_33 : vector<1x16xf32> to vector<16xf32>
    %swap3A_35 = vector.shape_cast %broadcast_in_dim3A_7 : vector<16xf32> to vector<1x16xf32>
    tpu.vector_store %arg27[%swap3A_31, %swap3A_32], %swap3A_35 {strides = array<i32>} : memref<16x128xf32, #tpu.memory_space<vmem>>, vector<1x16xf32>,
    %swap3A_36 = arith.constant 0 : i32
    %swap3A_37 = arith.index_cast %swap3A_36 : i32 to index
    %swap3A_38 = arith.constant 16 : index
    %swap3A_39 = tpu.vector_load %arg27[%swap3A_37, %swap3A_38] {strides = array<i32>} : memref<16x128xf32, #tpu.memory_space<vmem>>, vector<1x16xf32>,
    %swap3A_40 = vector.shape_cast %swap3A_39 : vector<1x16xf32> to vector<16xf32>
    %swap3A_41 = vector.shape_cast %broadcast_in_dim3A_7 : vector<16xf32> to vector<1x16xf32>
    tpu.vector_store %arg27[%swap3A_37, %swap3A_38], %swap3A_41 {strides = array<i32>} : memref<16x128xf32, #tpu.memory_space<vmem>>, vector<1x16xf32>,
    %swap3A_42 = arith.constant 0 : i32
    %swap3A_43 = arith.index_cast %swap3A_42 : i32 to index
    %swap3A_44 = arith.constant 32 : index
    %swap3A_45 = tpu.vector_load %arg27[%swap3A_43, %swap3A_44] {strides = array<i32>} : memref<16x128xf32, #tpu.memory_space<vmem>>, vector<1x16xf32>,
    %swap3A_46 = vector.shape_cast %swap3A_45 : vector<1x16xf32> to vector<16xf32>
    %swap3A_47 = vector.shape_cast %broadcast_in_dim3A_7 : vector<16xf32> to vector<1x16xf32>
    tpu.vector_store %arg27[%swap3A_43, %swap3A_44], %swap3A_47 {strides = array<i32>} : memref<16x128xf32, #tpu.memory_space<vmem>>, vector<1x16xf32>,
    %swap3A_48 = arith.constant 0 : i32
    %swap3A_49 = arith.index_cast %swap3A_48 : i32 to index
    %swap3A_50 = arith.constant 48 : index
    %swap3A_51 = tpu.vector_load %arg27[%swap3A_49, %swap3A_50] {strides = array<i32>} : memref<16x128xf32, #tpu.memory_space<vmem>>, vector<1x16xf32>,
    %swap3A_52 = vector.shape_cast %swap3A_51 : vector<1x16xf32> to vector<16xf32>
    %swap3A_53 = vector.shape_cast %broadcast_in_dim3A_7 : vector<16xf32> to vector<1x16xf32>
    tpu.vector_store %arg27[%swap3A_49, %swap3A_50], %swap3A_53 {strides = array<i32>} : memref<16x128xf32, #tpu.memory_space<vmem>>, vector<1x16xf32>,
    %swap3A_54 = arith.constant 0 : i32
    %swap3A_55 = arith.index_cast %swap3A_54 : i32 to index
    %swap3A_56 = arith.constant 64 : index
    %swap3A_57 = tpu.vector_load %arg27[%swap3A_55, %swap3A_56] {strides = array<i32>} : memref<16x128xf32, #tpu.memory_space<vmem>>, vector<1x16xf32>,
    %swap3A_58 = vector.shape_cast %swap3A_57 : vector<1x16xf32> to vector<16xf32>
    %swap3A_59 = vector.shape_cast %broadcast_in_dim3A_7 : vector<16xf32> to vector<1x16xf32>
    tpu.vector_store %arg27[%swap3A_55, %swap3A_56], %swap3A_59 {strides = array<i32>} : memref<16x128xf32, #tpu.memory_space<vmem>>, vector<1x16xf32>,
    %swap3A_60 = arith.constant 0 : i32
    %swap3A_61 = arith.index_cast %swap3A_60 : i32 to index
    %swap3A_62 = arith.constant 80 : index
    %swap3A_63 = tpu.vector_load %arg27[%swap3A_61, %swap3A_62] {strides = array<i32>} : memref<16x128xf32, #tpu.memory_space<vmem>>, vector<1x16xf32>,
    %swap3A_64 = vector.shape_cast %swap3A_63 : vector<1x16xf32> to vector<16xf32>
    %swap3A_65 = vector.shape_cast %broadcast_in_dim3A_7 : vector<16xf32> to vector<1x16xf32>
    tpu.vector_store %arg27[%swap3A_61, %swap3A_62], %swap3A_65 {strides = array<i32>} : memref<16x128xf32, #tpu.memory_space<vmem>>, vector<1x16xf32>,
    %swap3A_66 = arith.constant 0 : i32
    %swap3A_67 = arith.index_cast %swap3A_66 : i32 to index
    %swap3A_68 = arith.constant 96 : index
    %swap3A_69 = tpu.vector_load %arg27[%swap3A_67, %swap3A_68] {strides = array<i32>} : memref<16x128xf32, #tpu.memory_space<vmem>>, vector<1x16xf32>,
    %swap3A_70 = vector.shape_cast %swap3A_69 : vector<1x16xf32> to vector<16xf32>
    %swap3A_71 = vector.shape_cast %broadcast_in_dim3A_7 : vector<16xf32> to vector<1x16xf32>
    tpu.vector_store %arg27[%swap3A_67, %swap3A_68], %swap3A_71 {strides = array<i32>} : memref<16x128xf32, #tpu.memory_space<vmem>>, vector<1x16xf32>,
    %swap3A_72 = arith.constant 0 : i32
    %swap3A_73 = arith.index_cast %swap3A_72 : i32 to index
    %swap3A_74 = arith.constant 112 : index
    %swap3A_75 = tpu.vector_load %arg27[%swap3A_73, %swap3A_74] {strides = array<i32>} : memref<16x128xf32, #tpu.memory_space<vmem>>, vector<1x16xf32>,
    %swap3A_76 = vector.shape_cast %swap3A_75 : vector<1x16xf32> to vector<16xf32>
    %swap3A_77 = vector.shape_cast %broadcast_in_dim3A_7 : vector<16xf32> to vector<1x16xf32>
    tpu.vector_store %arg27[%swap3A_73, %swap3A_74], %swap3A_77 {strides = array<i32>} : memref<16x128xf32, #tpu.memory_space<vmem>>, vector<1x16xf32>,
    "tpu.region"() ({
      %run_scoped3A = tpu.sem_alloc : memref<!tpu.dma_semaphore, #tpu.memory_space<semaphore_mem>>
      %dma_start3A_108 = arith.constant 0 : i32
      %dma_start3A_109 = tpu.memref_slice %arg38[%mul3A_2, %dma_start3A_108] : memref<512x128xf32, #tpu.memory_space<vmem_shared>> -> memref<32x128xf32, #tpu.memory_space<vmem_shared>>
      %dma_start3A_110 = arith.constant 0 : i32
      %dma_start3A_111 = tpu.memref_slice %arg38[%mul3A_2, %dma_start3A_110] : memref<512x128xf32, #tpu.memory_space<vmem_shared>> -> memref<32x128xf32, #tpu.memory_space<vmem_shared>>
      tpu.enqueue_dma source(%arg26 : memref<32x128xf32, #tpu.memory_space<vmem>>) target(%dma_start3A_111 : memref<32x128xf32, #tpu.memory_space<vmem_shared>>) target_semaphore(%run_scoped3A : memref<!tpu.dma_semaphore, #tpu.memory_space<semaphore_mem>>)
      %dma_wait3A = arith.constant 0 : i32
      %dma_wait3A_112 = tpu.memref_slice %arg38[%mul3A_2, %dma_wait3A] : memref<512x128xf32, #tpu.memory_space<vmem_shared>> -> memref<32x128xf32, #tpu.memory_space<vmem_shared>>
      %dma_wait3A_113 = arith.constant 0 : i32
      %dma_wait3A_114 = tpu.memref_slice %arg38[%mul3A_2, %dma_wait3A_113] : memref<512x128xf32, #tpu.memory_space<vmem_shared>> -> memref<32x128xf32, #tpu.memory_space<vmem_shared>>
      tpu.wait_dma2 semaphore(%run_scoped3A : memref<!tpu.dma_semaphore, #tpu.memory_space<semaphore_mem>>) src(%arg26 : memref<32x128xf32, #tpu.memory_space<vmem>>) dst(%dma_wait3A_114 : memref<32x128xf32, #tpu.memory_space<vmem_shared>>)
      tpu.yield
    }) : () -> ()
    "tpu.region"() ({
      %run_scoped3A = tpu.sem_alloc : memref<!tpu.dma_semaphore, #tpu.memory_space<semaphore_mem>>
      %dma_start3A_108 = arith.constant 0 : i32
      %dma_start3A_109 = tpu.memref_slice %arg39[%mul3A_2, %dma_start3A_108] : memref<512x128xf32, #tpu.memory_space<vmem_shared>> -> memref<32x128xf32, #tpu.memory_space<vmem_shared>>
      %dma_start3A_110 = arith.constant 0 : i32
      %dma_start3A_111 = tpu.memref_slice %arg39[%mul3A_2, %dma_start3A_110] : memref<512x128xf32, #tpu.memory_space<vmem_shared>> -> memref<32x128xf32, #tpu.memory_space<vmem_shared>>
      tpu.enqueue_dma source(%arg26 : memref<32x128xf32, #tpu.memory_space<vmem>>) target(%dma_start3A_111 : memref<32x128xf32, #tpu.memory_space<vmem_shared>>) target_semaphore(%run_scoped3A : memref<!tpu.dma_semaphore, #tpu.memory_space<semaphore_mem>>)
      %dma_wait3A = arith.constant 0 : i32
      %dma_wait3A_112 = tpu.memref_slice %arg39[%mul3A_2, %dma_wait3A] : memref<512x128xf32, #tpu.memory_space<vmem_shared>> -> memref<32x128xf32, #tpu.memory_space<vmem_shared>>
      %dma_wait3A_113 = arith.constant 0 : i32
      %dma_wait3A_114 = tpu.memref_slice %arg39[%mul3A_2, %dma_wait3A_113] : memref<512x128xf32, #tpu.memory_space<vmem_shared>> -> memref<32x128xf32, #tpu.memory_space<vmem_shared>>
      tpu.wait_dma2 semaphore(%run_scoped3A : memref<!tpu.dma_semaphore, #tpu.memory_space<semaphore_mem>>) src(%arg26 : memref<32x128xf32, #tpu.memory_space<vmem>>) dst(%dma_wait3A_114 : memref<32x128xf32, #tpu.memory_space<vmem_shared>>)
      tpu.yield
    }) : () -> ()
    "tpu.region"() ({
      %run_scoped3A = tpu.sem_alloc : memref<!tpu.dma_semaphore, #tpu.memory_space<semaphore_mem>>
      %dma_start3A_108 = arith.constant 0 : i32
      %dma_start3A_109 = tpu.memref_slice %arg40[%mul3A_2, %dma_start3A_108] : memref<512x128xf32, #tpu.memory_space<vmem_shared>> -> memref<32x128xf32, #tpu.memory_space<vmem_shared>>
      %dma_start3A_110 = arith.constant 0 : i32
      %dma_start3A_111 = tpu.memref_slice %arg40[%mul3A_2, %dma_start3A_110] : memref<512x128xf32, #tpu.memory_space<vmem_shared>> -> memref<32x128xf32, #tpu.memory_space<vmem_shared>>
      tpu.enqueue_dma source(%arg26 : memref<32x128xf32, #tpu.memory_space<vmem>>) target(%dma_start3A_111 : memref<32x128xf32, #tpu.memory_space<vmem_shared>>) target_semaphore(%run_scoped3A : memref<!tpu.dma_semaphore, #tpu.memory_space<semaphore_mem>>)
      %dma_wait3A = arith.constant 0 : i32
      %dma_wait3A_112 = tpu.memref_slice %arg40[%mul3A_2, %dma_wait3A] : memref<512x128xf32, #tpu.memory_space<vmem_shared>> -> memref<32x128xf32, #tpu.memory_space<vmem_shared>>
      %dma_wait3A_113 = arith.constant 0 : i32
      %dma_wait3A_114 = tpu.memref_slice %arg40[%mul3A_2, %dma_wait3A_113] : memref<512x128xf32, #tpu.memory_space<vmem_shared>> -> memref<32x128xf32, #tpu.memory_space<vmem_shared>>
      tpu.wait_dma2 semaphore(%run_scoped3A : memref<!tpu.dma_semaphore, #tpu.memory_space<semaphore_mem>>) src(%arg26 : memref<32x128xf32, #tpu.memory_space<vmem>>) dst(%dma_wait3A_114 : memref<32x128xf32, #tpu.memory_space<vmem_shared>>)
      tpu.yield
    }) : () -> ()
    "tpu.region"() ({
      %run_scoped3A = tpu.sem_alloc : memref<!tpu.dma_semaphore, #tpu.memory_space<semaphore_mem>>
      %dma_start3A_108 = arith.constant 0 : i32
      %dma_start3A_109 = tpu.memref_slice %arg41[%mul3A_2, %dma_start3A_108] : memref<512x128xf32, #tpu.memory_space<vmem_shared>> -> memref<32x128xf32, #tpu.memory_space<vmem_shared>>
      %dma_start3A_110 = arith.constant 0 : i32
      %dma_start3A_111 = tpu.memref_slice %arg41[%mul3A_2, %dma_start3A_110] : memref<512x128xf32, #tpu.memory_space<vmem_shared>> -> memref<32x128xf32, #tpu.memory_space<vmem_shared>>
      tpu.enqueue_dma source(%arg26 : memref<32x128xf32, #tpu.memory_space<vmem>>) target(%dma_start3A_111 : memref<32x128xf32, #tpu.memory_space<vmem_shared>>) target_semaphore(%run_scoped3A : memref<!tpu.dma_semaphore, #tpu.memory_space<semaphore_mem>>)
      %dma_wait3A = arith.constant 0 : i32
      %dma_wait3A_112 = tpu.memref_slice %arg41[%mul3A_2, %dma_wait3A] : memref<512x128xf32, #tpu.memory_space<vmem_shared>> -> memref<32x128xf32, #tpu.memory_space<vmem_shared>>
      %dma_wait3A_113 = arith.constant 0 : i32
      %dma_wait3A_114 = tpu.memref_slice %arg41[%mul3A_2, %dma_wait3A_113] : memref<512x128xf32, #tpu.memory_space<vmem_shared>> -> memref<32x128xf32, #tpu.memory_space<vmem_shared>>
      tpu.wait_dma2 semaphore(%run_scoped3A : memref<!tpu.dma_semaphore, #tpu.memory_space<semaphore_mem>>) src(%arg26 : memref<32x128xf32, #tpu.memory_space<vmem>>) dst(%dma_wait3A_114 : memref<32x128xf32, #tpu.memory_space<vmem_shared>>)
      tpu.yield
    }) : () -> ()
    "tpu.region"() ({
      %run_scoped3A = tpu.sem_alloc : memref<!tpu.dma_semaphore, #tpu.memory_space<semaphore_mem>>
      %dma_start3A_108 = arith.constant 0 : i32
      %dma_start3A_109 = tpu.memref_slice %arg42[%mul3A_2, %dma_start3A_108] : memref<512x128xf32, #tpu.memory_space<vmem_shared>> -> memref<32x128xf32, #tpu.memory_space<vmem_shared>>
      %dma_start3A_110 = arith.constant 0 : i32
      %dma_start3A_111 = tpu.memref_slice %arg42[%mul3A_2, %dma_start3A_110] : memref<512x128xf32, #tpu.memory_space<vmem_shared>> -> memref<32x128xf32, #tpu.memory_space<vmem_shared>>
      tpu.enqueue_dma source(%arg26 : memref<32x128xf32, #tpu.memory_space<vmem>>) target(%dma_start3A_111 : memref<32x128xf32, #tpu.memory_space<vmem_shared>>) target_semaphore(%run_scoped3A : memref<!tpu.dma_semaphore, #tpu.memory_space<semaphore_mem>>)
      %dma_wait3A = arith.constant 0 : i32
      %dma_wait3A_112 = tpu.memref_slice %arg42[%mul3A_2, %dma_wait3A] : memref<512x128xf32, #tpu.memory_space<vmem_shared>> -> memref<32x128xf32, #tpu.memory_space<vmem_shared>>
      %dma_wait3A_113 = arith.constant 0 : i32
      %dma_wait3A_114 = tpu.memref_slice %arg42[%mul3A_2, %dma_wait3A_113] : memref<512x128xf32, #tpu.memory_space<vmem_shared>> -> memref<32x128xf32, #tpu.memory_space<vmem_shared>>
      tpu.wait_dma2 semaphore(%run_scoped3A : memref<!tpu.dma_semaphore, #tpu.memory_space<semaphore_mem>>) src(%arg26 : memref<32x128xf32, #tpu.memory_space<vmem>>) dst(%dma_wait3A_114 : memref<32x128xf32, #tpu.memory_space<vmem_shared>>)
      tpu.yield
    }) : () -> ()
    %barrier3A = arith.constant 0 : index
    tpu.barrier barrier_id(%barrier3A)
    %add3A_78 = arith.constant 0 : i32
    %add3A_79 = arith.addi %add3A_78, %add3A : i32
    %mul3A_80 = arith.constant 64 : i32
    %mul3A_81 = arith.muli %add3A_79, %mul3A_80 : i32
    %multiple_of3A = tpu.assume_multiple %mul3A_81, 64 : i32
    %dma_start3A = tpu.memref_slice %arg6[%multiple_of3A] : memref<100000xi32, #tpu.memory_space<hbm>> -> memref<64xi32, #tpu.memory_space<hbm>>
    %dma_start3A_82 = tpu.memref_slice %arg6[%multiple_of3A] : memref<100000xi32, #tpu.memory_space<hbm>> -> memref<64xi32, #tpu.memory_space<hbm>>
    tpu.enqueue_dma source(%dma_start3A_82 : memref<64xi32, #tpu.memory_space<hbm>>) target(%arg20 : memref<64xi32, #tpu.memory_space<vmem>>) target_semaphore(%arg51 : memref<!tpu.dma_semaphore, #tpu.memory_space<semaphore_mem>>)
    %dma_start3A_83 = arith.constant 0 : i32
    %dma_start3A_84 = tpu.memref_slice %arg2[%multiple_of3A, %dma_start3A_83] : memref<100000x128xf32, #tpu.memory_space<hbm>> -> memref<64x128xf32, #tpu.memory_space<hbm>>
    %dma_start3A_85 = arith.constant 0 : i32
    %dma_start3A_86 = tpu.memref_slice %arg2[%multiple_of3A, %dma_start3A_85] : memref<100000x128xf32, #tpu.memory_space<hbm>> -> memref<64x128xf32, #tpu.memory_space<hbm>>
    tpu.enqueue_dma source(%dma_start3A_86 : memref<64x128xf32, #tpu.memory_space<hbm>>) target(%arg12 : memref<64x128xf32, #tpu.memory_space<vmem>>) target_semaphore(%arg43 : memref<!tpu.dma_semaphore, #tpu.memory_space<semaphore_mem>>)
    %dma_start3A_87 = arith.constant 0 : i32
    %dma_start3A_88 = tpu.memref_slice %arg3[%multiple_of3A, %dma_start3A_87] : memref<100000x128xf32, #tpu.memory_space<hbm>> -> memref<64x128xf32, #tpu.memory_space<hbm>>
    %dma_start3A_89 = arith.constant 0 : i32
    %dma_start3A_90 = tpu.memref_slice %arg3[%multiple_of3A, %dma_start3A_89] : memref<100000x128xf32, #tpu.memory_space<hbm>> -> memref<64x128xf32, #tpu.memory_space<hbm>>
    tpu.enqueue_dma source(%dma_start3A_90 : memref<64x128xf32, #tpu.memory_space<hbm>>) target(%arg14 : memref<64x128xf32, #tpu.memory_space<vmem>>) target_semaphore(%arg45 : memref<!tpu.dma_semaphore, #tpu.memory_space<semaphore_mem>>)
    %dma_start3A_91 = arith.constant 0 : i32
    %dma_start3A_92 = tpu.memref_slice %arg4[%multiple_of3A, %dma_start3A_91] : memref<100000x128xf32, #tpu.memory_space<hbm>> -> memref<64x128xf32, #tpu.memory_space<hbm>>
    %dma_start3A_93 = arith.constant 0 : i32
    %dma_start3A_94 = tpu.memref_slice %arg4[%multiple_of3A, %dma_start3A_93] : memref<100000x128xf32, #tpu.memory_space<hbm>> -> memref<64x128xf32, #tpu.memory_space<hbm>>
    tpu.enqueue_dma source(%dma_start3A_94 : memref<64x128xf32, #tpu.memory_space<hbm>>) target(%arg16 : memref<64x128xf32, #tpu.memory_space<vmem>>) target_semaphore(%arg47 : memref<!tpu.dma_semaphore, #tpu.memory_space<semaphore_mem>>)
    %dma_start3A_95 = arith.constant 0 : i32
    %dma_start3A_96 = tpu.memref_slice %arg5[%multiple_of3A, %dma_start3A_95] : memref<100000x128xf32, #tpu.memory_space<hbm>> -> memref<64x128xf32, #tpu.memory_space<hbm>>
    %dma_start3A_97 = arith.constant 0 : i32
    %dma_start3A_98 = tpu.memref_slice %arg5[%multiple_of3A, %dma_start3A_97] : memref<100000x128xf32, #tpu.memory_space<hbm>> -> memref<64x128xf32, #tpu.memory_space<hbm>>
    tpu.enqueue_dma source(%dma_start3A_98 : memref<64x128xf32, #tpu.memory_space<hbm>>) target(%arg18 : memref<64x128xf32, #tpu.memory_space<vmem>>) target_semaphore(%arg49 : memref<!tpu.dma_semaphore, #tpu.memory_space<semaphore_mem>>)
    %scan3A_99 = arith.constant 0 : i32
    %scan3A_100 = arith.constant 0 : i32
    %scan3A_101 = arith.constant 25 : i32
    %scan3A_102 = arith.addi %scan3A_100, %scan3A_101 : i32
    %scan3A_103 = arith.constant 1 : i32
    scf.for %scan3A_108 = %scan3A_100 to %scan3A_102 step %scan3A_103  : i32 {
      %mul3A_109 = arith.constant 2 : i32
      %mul3A_110 = arith.muli %mul3A_109, %scan3A_108 : i32
      %mul3A_111 = arith.constant 32 : i32
      %mul3A_112 = arith.muli %mul3A_110, %mul3A_111 : i32
      %add3A_113 = arith.addi %mul3A_112, %add3A : i32
      %mul3A_114 = arith.constant 64 : i32
      %mul3A_115 = arith.muli %add3A_113, %mul3A_114 : i32
      %multiple_of3A_116 = tpu.assume_multiple %mul3A_115, 64 : i32
      %lt3A = arith.constant 1562 : i32
      %lt3A_117 = arith.cmpi slt, %add3A_113, %lt3A : i32
      %convert_element_type3A_118 = arith.extui %lt3A_117 : i1 to i32
      %cond3A_119 = arith.constant 0 : i32
      %cond3A_120 = arith.cmpi ne, %convert_element_type3A_118, %cond3A_119 : i32
      scf.if %cond3A_120 {
        %add3A_136 = arith.constant 32 : i32
        %add3A_137 = arith.addi %add3A_113, %add3A_136 : i32
        %lt3A_138 = arith.constant 1562 : i32
        %lt3A_139 = arith.cmpi slt, %add3A_137, %lt3A_138 : i32
        %convert_element_type3A_140 = arith.extui %lt3A_139 : i1 to i32
        %cond3A_141 = arith.constant 0 : i32
        %cond3A_142 = arith.cmpi ne, %convert_element_type3A_140, %cond3A_141 : i32
        scf.if %cond3A_142 {
          %add3A_181 = arith.constant 1 : i32
          %add3A_182 = arith.addi %mul3A_110, %add3A_181 : i32
          %mul3A_183 = arith.constant 32 : i32
          %mul3A_184 = arith.muli %add3A_182, %mul3A_183 : i32
          %add3A_185 = arith.addi %mul3A_184, %add3A : i32
          %mul3A_186 = arith.constant 64 : i32
          %mul3A_187 = arith.muli %add3A_185, %mul3A_186 : i32
          %multiple_of3A_188 = tpu.assume_multiple %mul3A_187, 64 : i32
          %dma_start3A_189 = tpu.memref_slice %arg6[%multiple_of3A_188] : memref<100000xi32, #tpu.memory_space<hbm>> -> memref<64xi32, #tpu.memory_space<hbm>>
          %dma_start3A_190 = tpu.memref_slice %arg6[%multiple_of3A_188] : memref<100000xi32, #tpu.memory_space<hbm>> -> memref<64xi32, #tpu.memory_space<hbm>>
          tpu.enqueue_dma source(%dma_start3A_190 : memref<64xi32, #tpu.memory_space<hbm>>) target(%arg21 : memref<64xi32, #tpu.memory_space<vmem>>) target_semaphore(%arg52 : memref<!tpu.dma_semaphore, #tpu.memory_space<semaphore_mem>>)
          %dma_start3A_191 = arith.constant 0 : i32
          %dma_start3A_192 = tpu.memref_slice %arg2[%multiple_of3A_188, %dma_start3A_191] : memref<100000x128xf32, #tpu.memory_space<hbm>> -> memref<64x128xf32, #tpu.memory_space<hbm>>
          %dma_start3A_193 = arith.constant 0 : i32
          %dma_start3A_194 = tpu.memref_slice %arg2[%multiple_of3A_188, %dma_start3A_193] : memref<100000x128xf32, #tpu.memory_space<hbm>> -> memref<64x128xf32, #tpu.memory_space<hbm>>
          tpu.enqueue_dma source(%dma_start3A_194 : memref<64x128xf32, #tpu.memory_space<hbm>>) target(%arg13 : memref<64x128xf32, #tpu.memory_space<vmem>>) target_semaphore(%arg44 : memref<!tpu.dma_semaphore, #tpu.memory_space<semaphore_mem>>)
          %dma_start3A_195 = arith.constant 0 : i32
          %dma_start3A_196 = tpu.memref_slice %arg3[%multiple_of3A_188, %dma_start3A_195] : memref<100000x128xf32, #tpu.memory_space<hbm>> -> memref<64x128xf32, #tpu.memory_space<hbm>>
          %dma_start3A_197 = arith.constant 0 : i32
          %dma_start3A_198 = tpu.memref_slice %arg3[%multiple_of3A_188, %dma_start3A_197] : memref<100000x128xf32, #tpu.memory_space<hbm>> -> memref<64x128xf32, #tpu.memory_space<hbm>>
          tpu.enqueue_dma source(%dma_start3A_198 : memref<64x128xf32, #tpu.memory_space<hbm>>) target(%arg15 : memref<64x128xf32, #tpu.memory_space<vmem>>) target_semaphore(%arg46 : memref<!tpu.dma_semaphore, #tpu.memory_space<semaphore_mem>>)
          %dma_start3A_199 = arith.constant 0 : i32
          %dma_start3A_200 = tpu.memref_slice %arg4[%multiple_of3A_188, %dma_start3A_199] : memref<100000x128xf32, #tpu.memory_space<hbm>> -> memref<64x128xf32, #tpu.memory_space<hbm>>
          %dma_start3A_201 = arith.constant 0 : i32
          %dma_start3A_202 = tpu.memref_slice %arg4[%multiple_of3A_188, %dma_start3A_201] : memref<100000x128xf32, #tpu.memory_space<hbm>> -> memref<64x128xf32, #tpu.memory_space<hbm>>
          tpu.enqueue_dma source(%dma_start3A_202 : memref<64x128xf32, #tpu.memory_space<hbm>>) target(%arg17 : memref<64x128xf32, #tpu.memory_space<vmem>>) target_semaphore(%arg48 : memref<!tpu.dma_semaphore, #tpu.memory_space<semaphore_mem>>)
          %dma_start3A_203 = arith.constant 0 : i32
          %dma_start3A_204 = tpu.memref_slice %arg5[%multiple_of3A_188, %dma_start3A_203] : memref<100000x128xf32, #tpu.memory_space<hbm>> -> memref<64x128xf32, #tpu.memory_space<hbm>>
          %dma_start3A_205 = arith.constant 0 : i32
          %dma_start3A_206 = tpu.memref_slice %arg5[%multiple_of3A_188, %dma_start3A_205] : memref<100000x128xf32, #tpu.memory_space<hbm>> -> memref<64x128xf32, #tpu.memory_space<hbm>>
          tpu.enqueue_dma source(%dma_start3A_206 : memref<64x128xf32, #tpu.memory_space<hbm>>) target(%arg19 : memref<64x128xf32, #tpu.memory_space<vmem>>) target_semaphore(%arg50 : memref<!tpu.dma_semaphore, #tpu.memory_space<semaphore_mem>>)
        } else {
        }
        %dma_wait3A = tpu.memref_slice %arg6[%multiple_of3A_116] : memref<100000xi32, #tpu.memory_space<hbm>> -> memref<64xi32, #tpu.memory_space<hbm>>
        %dma_wait3A_143 = tpu.memref_slice %arg6[%multiple_of3A_116] : memref<100000xi32, #tpu.memory_space<hbm>> -> memref<64xi32, #tpu.memory_space<hbm>>
        tpu.wait_dma2 semaphore(%arg51 : memref<!tpu.dma_semaphore, #tpu.memory_space<semaphore_mem>>) src(%dma_wait3A_143 : memref<64xi32, #tpu.memory_space<hbm>>) dst(%arg20 : memref<64xi32, #tpu.memory_space<vmem>>)
        %dma_wait3A_144 = arith.constant 0 : i32
        %dma_wait3A_145 = tpu.memref_slice %arg2[%multiple_of3A_116, %dma_wait3A_144] : memref<100000x128xf32, #tpu.memory_space<hbm>> -> memref<64x128xf32, #tpu.memory_space<hbm>>
        %dma_wait3A_146 = arith.constant 0 : i32
        %dma_wait3A_147 = tpu.memref_slice %arg2[%multiple_of3A_116, %dma_wait3A_146] : memref<100000x128xf32, #tpu.memory_space<hbm>> -> memref<64x128xf32, #tpu.memory_space<hbm>>
        tpu.wait_dma2 semaphore(%arg43 : memref<!tpu.dma_semaphore, #tpu.memory_space<semaphore_mem>>) src(%dma_wait3A_147 : memref<64x128xf32, #tpu.memory_space<hbm>>) dst(%arg12 : memref<64x128xf32, #tpu.memory_space<vmem>>)
        %dma_wait3A_148 = arith.constant 0 : i32
        %dma_wait3A_149 = tpu.memref_slice %arg3[%multiple_of3A_116, %dma_wait3A_148] : memref<100000x128xf32, #tpu.memory_space<hbm>> -> memref<64x128xf32, #tpu.memory_space<hbm>>
        %dma_wait3A_150 = arith.constant 0 : i32
        %dma_wait3A_151 = tpu.memref_slice %arg3[%multiple_of3A_116, %dma_wait3A_150] : memref<100000x128xf32, #tpu.memory_space<hbm>> -> memref<64x128xf32, #tpu.memory_space<hbm>>
        tpu.wait_dma2 semaphore(%arg45 : memref<!tpu.dma_semaphore, #tpu.memory_space<semaphore_mem>>) src(%dma_wait3A_151 : memref<64x128xf32, #tpu.memory_space<hbm>>) dst(%arg14 : memref<64x128xf32, #tpu.memory_space<vmem>>)
        %dma_wait3A_152 = arith.constant 0 : i32
        %dma_wait3A_153 = tpu.memref_slice %arg4[%multiple_of3A_116, %dma_wait3A_152] : memref<100000x128xf32, #tpu.memory_space<hbm>> -> memref<64x128xf32, #tpu.memory_space<hbm>>
        %dma_wait3A_154 = arith.constant 0 : i32
        %dma_wait3A_155 = tpu.memref_slice %arg4[%multiple_of3A_116, %dma_wait3A_154] : memref<100000x128xf32, #tpu.memory_space<hbm>> -> memref<64x128xf32, #tpu.memory_space<hbm>>
        tpu.wait_dma2 semaphore(%arg47 : memref<!tpu.dma_semaphore, #tpu.memory_space<semaphore_mem>>) src(%dma_wait3A_155 : memref<64x128xf32, #tpu.memory_space<hbm>>) dst(%arg16 : memref<64x128xf32, #tpu.memory_space<vmem>>)
        %dma_wait3A_156 = arith.constant 0 : i32
        %dma_wait3A_157 = tpu.memref_slice %arg5[%multiple_of3A_116, %dma_wait3A_156] : memref<100000x128xf32, #tpu.memory_space<hbm>> -> memref<64x128xf32, #tpu.memory_space<hbm>>
        %dma_wait3A_158 = arith.constant 0 : i32
        %dma_wait3A_159 = tpu.memref_slice %arg5[%multiple_of3A_116, %dma_wait3A_158] : memref<100000x128xf32, #tpu.memory_space<hbm>> -> memref<64x128xf32, #tpu.memory_space<hbm>>
        tpu.wait_dma2 semaphore(%arg49 : memref<!tpu.dma_semaphore, #tpu.memory_space<semaphore_mem>>) src(%dma_wait3A_159 : memref<64x128xf32, #tpu.memory_space<hbm>>) dst(%arg18 : memref<64x128xf32, #tpu.memory_space<vmem>>)
        %get3A = arith.constant 0 : index
        %get3A_160 = tpu.vector_load %arg20[%get3A] {strides = array<i32>} : memref<64xi32, #tpu.memory_space<vmem>>, vector<16xi32>,
        %get3A_161 = vector.shape_cast %get3A_160 : vector<16xi32> to vector<16xi32>
        %get3A_162 = arith.constant 16 : index
        %get3A_163 = tpu.vector_load %arg20[%get3A_162] {strides = array<i32>} : memref<64xi32, #tpu.memory_space<vmem>>, vector<16xi32>,
        %get3A_164 = vector.shape_cast %get3A_163 : vector<16xi32> to vector<16xi32>
        %get3A_165 = arith.constant 32 : index
        %get3A_166 = tpu.vector_load %arg20[%get3A_165] {strides = array<i32>} : memref<64xi32, #tpu.memory_space<vmem>>, vector<16xi32>,
        %get3A_167 = vector.shape_cast %get3A_166 : vector<16xi32> to vector<16xi32>
        %get3A_168 = arith.constant 48 : index
        %get3A_169 = tpu.vector_load %arg20[%get3A_168] {strides = array<i32>} : memref<64xi32, #tpu.memory_space<vmem>>, vector<16xi32>,
        %get3A_170 = vector.shape_cast %get3A_169 : vector<16xi32> to vector<16xi32>
        %slice3A = vector.extract_strided_slice %get3A_161 {offsets = [0], sizes = [1], strides = [1]} : vector<16xi32> to vector<1xi32>
        %squeeze3A = vector.extract %slice3A[0] : i32 from vector<1xi32>
        %slice3A_171 = vector.extract_strided_slice %get3A_170 {offsets = [15], sizes = [1], strides = [1]} : vector<16xi32> to vector<1xi32>
        %squeeze3A_172 = vector.extract %slice3A_171[0] : i32 from vector<1xi32>
        %eq3A_173 = arith.cmpi eq, %squeeze3A, %squeeze3A_172 : i32
        %convert_element_type3A_174 = arith.extui %eq3A_173 : i1 to i32
        %cond3A_175 = arith.constant 0 : i32
        %cond3A_176 = arith.cmpi ne, %convert_element_type3A_174, %cond3A_175 : i32
        scf.if %cond3A_176 {
          %swap3A_181 = arith.constant 0 : index
          %swap3A_182 = tpu.vector_load %arg36[%swap3A_181] {strides = array<i32>} : memref<16xi32, #tpu.memory_space<vmem>>, vector<16xi32>,
          %swap3A_183 = vector.shape_cast %swap3A_182 : vector<16xi32> to vector<16xi32>
          %swap3A_184 = vector.shape_cast %get3A_161 : vector<16xi32> to vector<16xi32>
          tpu.vector_store %arg36[%swap3A_181], %swap3A_184 {strides = array<i32>} : memref<16xi32, #tpu.memory_space<vmem>>, vector<16xi32>,
          %broadcast_in_dim3A_185 = arith.constant 0.000000e+00 : f32
          %broadcast_in_dim3A_186 = vector.broadcast %broadcast_in_dim3A_185 : f32 to vector<16xf32>
          %broadcast_in_dim3A_187 = arith.constant 0.000000e+00 : f32
          %broadcast_in_dim3A_188 = vector.broadcast %broadcast_in_dim3A_187 : f32 to vector<16xf32>
          %broadcast_in_dim3A_189 = arith.constant 0.000000e+00 : f32
          %broadcast_in_dim3A_190 = vector.broadcast %broadcast_in_dim3A_189 : f32 to vector<16xf32>
          %broadcast_in_dim3A_191 = arith.constant 0.000000e+00 : f32
          %broadcast_in_dim3A_192 = vector.broadcast %broadcast_in_dim3A_191 : f32 to vector<16xf32>
          %broadcast_in_dim3A_193 = arith.constant 0.000000e+00 : f32
          %broadcast_in_dim3A_194 = vector.broadcast %broadcast_in_dim3A_193 : f32 to vector<16xf32>
          %broadcast_in_dim3A_195 = arith.constant 0.000000e+00 : f32
          %broadcast_in_dim3A_196 = vector.broadcast %broadcast_in_dim3A_195 : f32 to vector<16xf32>
          %broadcast_in_dim3A_197 = arith.constant 0.000000e+00 : f32
          %broadcast_in_dim3A_198 = vector.broadcast %broadcast_in_dim3A_197 : f32 to vector<16xf32>
          %broadcast_in_dim3A_199 = arith.constant 0.000000e+00 : f32
          %broadcast_in_dim3A_200 = vector.broadcast %broadcast_in_dim3A_199 : f32 to vector<16xf32>
          %scan3A_201 = arith.constant 0 : i32
          %scan3A_202 = arith.constant 32 : i32
          %scan3A_203 = arith.addi %scan3A_201, %scan3A_202 : i32
          %scan3A_204 = arith.constant 1 : i32
          %scan3A_205:8 = scf.for %scan3A_489 = %scan3A_201 to %scan3A_203 step %scan3A_204 iter_args(%scan3A_490 = %broadcast_in_dim3A_186, %scan3A_491 = %broadcast_in_dim3A_188, %scan3A_492 = %broadcast_in_dim3A_190, %scan3A_493 = %broadcast_in_dim3A_192, %scan3A_494 = %broadcast_in_dim3A_194, %scan3A_495 = %broadcast_in_dim3A_196, %scan3A_496 = %broadcast_in_dim3A_198, %scan3A_497 = %broadcast_in_dim3A_200) -> (vector<16xf32>, vector<16xf32>, vector<16xf32>, vector<16xf32>, vector<16xf32>, vector<16xf32>, vector<16xf32>, vector<16xf32>)  : i32 {
            %mul3A_498 = arith.constant 2 : i32
            %mul3A_499 = arith.muli %mul3A_498, %scan3A_489 : i32
            %get3A_500 = arith.index_cast %mul3A_499 : i32 to index
            %get3A_501 = arith.constant 0 : index
            %get3A_502 = tpu.vector_load %arg12[%get3A_500, %get3A_501] {strides = array<i32>} : memref<64x128xf32, #tpu.memory_space<vmem>>, vector<1x16xf32>,
            %get3A_503 = vector.shape_cast %get3A_502 : vector<1x16xf32> to vector<16xf32>
            %add3A_504 = arith.addf %scan3A_490, %get3A_503 : vector<16xf32>
            %mul3A_505 = arith.constant 2 : i32
            %mul3A_506 = arith.muli %mul3A_505, %scan3A_489 : i32
            %add3A_507 = arith.constant 1 : i32
            %add3A_508 = arith.addi %mul3A_506, %add3A_507 : i32
            %get3A_509 = arith.index_cast %add3A_508 : i32 to index
            %get3A_510 = arith.constant 0 : index
            %get3A_511 = tpu.vector_load %arg12[%get3A_509, %get3A_510] {strides = array<i32>} : memref<64x128xf32, #tpu.memory_space<vmem>>, vector<1x16xf32>,
            %get3A_512 = vector.shape_cast %get3A_511 : vector<1x16xf32> to vector<16xf32>
            %add3A_513 = arith.addf %add3A_504, %get3A_512 : vector<16xf32>
            %mul3A_514 = arith.constant 2 : i32
            %mul3A_515 = arith.muli %mul3A_514, %scan3A_489 : i32
            %get3A_516 = arith.index_cast %mul3A_515 : i32 to index
            %get3A_517 = arith.constant 16 : index
            %get3A_518 = tpu.vector_load %arg12[%get3A_516, %get3A_517] {strides = array<i32>} : memref<64x128xf32, #tpu.memory_space<vmem>>, vector<1x16xf32>,
            %get3A_519 = vector.shape_cast %get3A_518 : vector<1x16xf32> to vector<16xf32>
            %add3A_520 = arith.addf %scan3A_491, %get3A_519 : vector<16xf32>
            %mul3A_521 = arith.constant 2 : i32
            %mul3A_522 = arith.muli %mul3A_521, %scan3A_489 : i32
            %add3A_523 = arith.constant 1 : i32
            %add3A_524 = arith.addi %mul3A_522, %add3A_523 : i32
            %get3A_525 = arith.index_cast %add3A_524 : i32 to index
            %get3A_526 = arith.constant 16 : index
            %get3A_527 = tpu.vector_load %arg12[%get3A_525, %get3A_526] {strides = array<i32>} : memref<64x128xf32, #tpu.memory_space<vmem>>, vector<1x16xf32>,
            %get3A_528 = vector.shape_cast %get3A_527 : vector<1x16xf32> to vector<16xf32>
            %add3A_529 = arith.addf %add3A_520, %get3A_528 : vector<16xf32>
            %mul3A_530 = arith.constant 2 : i32
            %mul3A_531 = arith.muli %mul3A_530, %scan3A_489 : i32
            %get3A_532 = arith.index_cast %mul3A_531 : i32 to index
            %get3A_533 = arith.constant 32 : index
            %get3A_534 = tpu.vector_load %arg12[%get3A_532, %get3A_533] {strides = array<i32>} : memref<64x128xf32, #tpu.memory_space<vmem>>, vector<1x16xf32>,
            %get3A_535 = vector.shape_cast %get3A_534 : vector<1x16xf32> to vector<16xf32>
            %add3A_536 = arith.addf %scan3A_492, %get3A_535 : vector<16xf32>
            %mul3A_537 = arith.constant 2 : i32
            %mul3A_538 = arith.muli %mul3A_537, %scan3A_489 : i32
            %add3A_539 = arith.constant 1 : i32
            %add3A_540 = arith.addi %mul3A_538, %add3A_539 : i32
            %get3A_541 = arith.index_cast %add3A_540 : i32 to index
            %get3A_542 = arith.constant 32 : index
            %get3A_543 = tpu.vector_load %arg12[%get3A_541, %get3A_542] {strides = array<i32>} : memref<64x128xf32, #tpu.memory_space<vmem>>, vector<1x16xf32>,
            %get3A_544 = vector.shape_cast %get3A_543 : vector<1x16xf32> to vector<16xf32>
            %add3A_545 = arith.addf %add3A_536, %get3A_544 : vector<16xf32>
            %mul3A_546 = arith.constant 2 : i32
            %mul3A_547 = arith.muli %mul3A_546, %scan3A_489 : i32
            %get3A_548 = arith.index_cast %mul3A_547 : i32 to index
            %get3A_549 = arith.constant 48 : index
            %get3A_550 = tpu.vector_load %arg12[%get3A_548, %get3A_549] {strides = array<i32>} : memref<64x128xf32, #tpu.memory_space<vmem>>, vector<1x16xf32>,
            %get3A_551 = vector.shape_cast %get3A_550 : vector<1x16xf32> to vector<16xf32>
            %add3A_552 = arith.addf %scan3A_493, %get3A_551 : vector<16xf32>
            %mul3A_553 = arith.constant 2 : i32
            %mul3A_554 = arith.muli %mul3A_553, %scan3A_489 : i32
            %add3A_555 = arith.constant 1 : i32
            %add3A_556 = arith.addi %mul3A_554, %add3A_555 : i32
            %get3A_557 = arith.index_cast %add3A_556 : i32 to index
            %get3A_558 = arith.constant 48 : index
            %get3A_559 = tpu.vector_load %arg12[%get3A_557, %get3A_558] {strides = array<i32>} : memref<64x128xf32, #tpu.memory_space<vmem>>, vector<1x16xf32>,
            %get3A_560 = vector.shape_cast %get3A_559 : vector<1x16xf32> to vector<16xf32>
            %add3A_561 = arith.addf %add3A_552, %get3A_560 : vector<16xf32>
            %mul3A_562 = arith.constant 2 : i32
            %mul3A_563 = arith.muli %mul3A_562, %scan3A_489 : i32
            %get3A_564 = arith.index_cast %mul3A_563 : i32 to index
            %get3A_565 = arith.constant 64 : index
            %get3A_566 = tpu.vector_load %arg12[%get3A_564, %get3A_565] {strides = array<i32>} : memref<64x128xf32, #tpu.memory_space<vmem>>, vector<1x16xf32>,
            %get3A_567 = vector.shape_cast %get3A_566 : vector<1x16xf32> to vector<16xf32>
            %add3A_568 = arith.addf %scan3A_494, %get3A_567 : vector<16xf32>
            %mul3A_569 = arith.constant 2 : i32
            %mul3A_570 = arith.muli %mul3A_569, %scan3A_489 : i32
            %add3A_571 = arith.constant 1 : i32
            %add3A_572 = arith.addi %mul3A_570, %add3A_571 : i32
            %get3A_573 = arith.index_cast %add3A_572 : i32 to index
            %get3A_574 = arith.constant 64 : index
            %get3A_575 = tpu.vector_load %arg12[%get3A_573, %get3A_574] {strides = array<i32>} : memref<64x128xf32, #tpu.memory_space<vmem>>, vector<1x16xf32>,
            %get3A_576 = vector.shape_cast %get3A_575 : vector<1x16xf32> to vector<16xf32>
            %add3A_577 = arith.addf %add3A_568, %get3A_576 : vector<16xf32>
            %mul3A_578 = arith.constant 2 : i32
            %mul3A_579 = arith.muli %mul3A_578, %scan3A_489 : i32
            %get3A_580 = arith.index_cast %mul3A_579 : i32 to index
            %get3A_581 = arith.constant 80 : index
            %get3A_582 = tpu.vector_load %arg12[%get3A_580, %get3A_581] {strides = array<i32>} : memref<64x128xf32, #tpu.memory_space<vmem>>, vector<1x16xf32>,
            %get3A_583 = vector.shape_cast %get3A_582 : vector<1x16xf32> to vector<16xf32>
            %add3A_584 = arith.addf %scan3A_495, %get3A_583 : vector<16xf32>
            %mul3A_585 = arith.constant 2 : i32
            %mul3A_586 = arith.muli %mul3A_585, %scan3A_489 : i32
            %add3A_587 = arith.constant 1 : i32
            %add3A_588 = arith.addi %mul3A_586, %add3A_587 : i32
            %get3A_589 = arith.index_cast %add3A_588 : i32 to index
            %get3A_590 = arith.constant 80 : index
            %get3A_591 = tpu.vector_load %arg12[%get3A_589, %get3A_590] {strides = array<i32>} : memref<64x128xf32, #tpu.memory_space<vmem>>, vector<1x16xf32>,
            %get3A_592 = vector.shape_cast %get3A_591 : vector<1x16xf32> to vector<16xf32>
            %add3A_593 = arith.addf %add3A_584, %get3A_592 : vector<16xf32>
            %mul3A_594 = arith.constant 2 : i32
            %mul3A_595 = arith.muli %mul3A_594, %scan3A_489 : i32
            %get3A_596 = arith.index_cast %mul3A_595 : i32 to index
            %get3A_597 = arith.constant 96 : index
            %get3A_598 = tpu.vector_load %arg12[%get3A_596, %get3A_597] {strides = array<i32>} : memref<64x128xf32, #tpu.memory_space<vmem>>, vector<1x16xf32>,
            %get3A_599 = vector.shape_cast %get3A_598 : vector<1x16xf32> to vector<16xf32>
            %add3A_600 = arith.addf %scan3A_496, %get3A_599 : vector<16xf32>
            %mul3A_601 = arith.constant 2 : i32
            %mul3A_602 = arith.muli %mul3A_601, %scan3A_489 : i32
            %add3A_603 = arith.constant 1 : i32
            %add3A_604 = arith.addi %mul3A_602, %add3A_603 : i32
            %get3A_605 = arith.index_cast %add3A_604 : i32 to index
            %get3A_606 = arith.constant 96 : index
            %get3A_607 = tpu.vector_load %arg12[%get3A_605, %get3A_606] {strides = array<i32>} : memref<64x128xf32, #tpu.memory_space<vmem>>, vector<1x16xf32>,
            %get3A_608 = vector.shape_cast %get3A_607 : vector<1x16xf32> to vector<16xf32>
            %add3A_609 = arith.addf %add3A_600, %get3A_608 : vector<16xf32>
            %mul3A_610 = arith.constant 2 : i32
            %mul3A_611 = arith.muli %mul3A_610, %scan3A_489 : i32
            %get3A_612 = arith.index_cast %mul3A_611 : i32 to index
            %get3A_613 = arith.constant 112 : index
            %get3A_614 = tpu.vector_load %arg12[%get3A_612, %get3A_613] {strides = array<i32>} : memref<64x128xf32, #tpu.memory_space<vmem>>, vector<1x16xf32>,
            %get3A_615 = vector.shape_cast %get3A_614 : vector<1x16xf32> to vector<16xf32>
            %add3A_616 = arith.addf %scan3A_497, %get3A_615 : vector<16xf32>
            %mul3A_617 = arith.constant 2 : i32
            %mul3A_618 = arith.muli %mul3A_617, %scan3A_489 : i32
            %add3A_619 = arith.constant 1 : i32
            %add3A_620 = arith.addi %mul3A_618, %add3A_619 : i32
            %get3A_621 = arith.index_cast %add3A_620 : i32 to index
            %get3A_622 = arith.constant 112 : index
            %get3A_623 = tpu.vector_load %arg12[%get3A_621, %get3A_622] {strides = array<i32>} : memref<64x128xf32, #tpu.memory_space<vmem>>, vector<1x16xf32>,
            %get3A_624 = vector.shape_cast %get3A_623 : vector<1x16xf32> to vector<16xf32>
            %add3A_625 = arith.addf %add3A_616, %get3A_624 : vector<16xf32>
            scf.yield %add3A_513, %add3A_529, %add3A_545, %add3A_561, %add3A_577, %add3A_593, %add3A_609, %add3A_625 : vector<16xf32>, vector<16xf32>, vector<16xf32>, vector<16xf32>, vector<16xf32>, vector<16xf32>, vector<16xf32>, vector<16xf32>
          }
          %scan3A_206 = arith.constant 32 : i32
          %swap3A_207 = arith.constant 0 : i32
          %swap3A_208 = arith.index_cast %swap3A_207 : i32 to index
          %swap3A_209 = arith.constant 0 : index
          %swap3A_210 = tpu.vector_load %arg28[%swap3A_208, %swap3A_209] {strides = array<i32>} : memref<16x128xf32, #tpu.memory_space<vmem>>, vector<1x16xf32>,
          %swap3A_211 = vector.shape_cast %swap3A_210 : vector<1x16xf32> to vector<16xf32>
          %swap3A_212 = vector.shape_cast %scan3A_205#0 : vector<16xf32> to vector<1x16xf32>
          tpu.vector_store %arg28[%swap3A_208, %swap3A_209], %swap3A_212 {strides = array<i32>} : memref<16x128xf32, #tpu.memory_space<vmem>>, vector<1x16xf32>,
          %swap3A_213 = arith.constant 0 : i32
          %swap3A_214 = arith.index_cast %swap3A_213 : i32 to index
          %swap3A_215 = arith.constant 16 : index
          %swap3A_216 = tpu.vector_load %arg28[%swap3A_214, %swap3A_215] {strides = array<i32>} : memref<16x128xf32, #tpu.memory_space<vmem>>, vector<1x16xf32>,
          %swap3A_217 = vector.shape_cast %swap3A_216 : vector<1x16xf32> to vector<16xf32>
          %swap3A_218 = vector.shape_cast %scan3A_205#1 : vector<16xf32> to vector<1x16xf32>
          tpu.vector_store %arg28[%swap3A_214, %swap3A_215], %swap3A_218 {strides = array<i32>} : memref<16x128xf32, #tpu.memory_space<vmem>>, vector<1x16xf32>,
          %swap3A_219 = arith.constant 0 : i32
          %swap3A_220 = arith.index_cast %swap3A_219 : i32 to index
          %swap3A_221 = arith.constant 32 : index
          %swap3A_222 = tpu.vector_load %arg28[%swap3A_220, %swap3A_221] {strides = array<i32>} : memref<16x128xf32, #tpu.memory_space<vmem>>, vector<1x16xf32>,
          %swap3A_223 = vector.shape_cast %swap3A_222 : vector<1x16xf32> to vector<16xf32>
          %swap3A_224 = vector.shape_cast %scan3A_205#2 : vector<16xf32> to vector<1x16xf32>
          tpu.vector_store %arg28[%swap3A_220, %swap3A_221], %swap3A_224 {strides = array<i32>} : memref<16x128xf32, #tpu.memory_space<vmem>>, vector<1x16xf32>,
          %swap3A_225 = arith.constant 0 : i32
          %swap3A_226 = arith.index_cast %swap3A_225 : i32 to index
          %swap3A_227 = arith.constant 48 : index
          %swap3A_228 = tpu.vector_load %arg28[%swap3A_226, %swap3A_227] {strides = array<i32>} : memref<16x128xf32, #tpu.memory_space<vmem>>, vector<1x16xf32>,
          %swap3A_229 = vector.shape_cast %swap3A_228 : vector<1x16xf32> to vector<16xf32>
          %swap3A_230 = vector.shape_cast %scan3A_205#3 : vector<16xf32> to vector<1x16xf32>
          tpu.vector_store %arg28[%swap3A_226, %swap3A_227], %swap3A_230 {strides = array<i32>} : memref<16x128xf32, #tpu.memory_space<vmem>>, vector<1x16xf32>,
          %swap3A_231 = arith.constant 0 : i32
          %swap3A_232 = arith.index_cast %swap3A_231 : i32 to index
          %swap3A_233 = arith.constant 64 : index
          %swap3A_234 = tpu.vector_load %arg28[%swap3A_232, %swap3A_233] {strides = array<i32>} : memref<16x128xf32, #tpu.memory_space<vmem>>, vector<1x16xf32>,
          %swap3A_235 = vector.shape_cast %swap3A_234 : vector<1x16xf32> to vector<16xf32>
          %swap3A_236 = vector.shape_cast %scan3A_205#4 : vector<16xf32> to vector<1x16xf32>
          tpu.vector_store %arg28[%swap3A_232, %swap3A_233], %swap3A_236 {strides = array<i32>} : memref<16x128xf32, #tpu.memory_space<vmem>>, vector<1x16xf32>,
          %swap3A_237 = arith.constant 0 : i32
          %swap3A_238 = arith.index_cast %swap3A_237 : i32 to index
          %swap3A_239 = arith.constant 80 : index
          %swap3A_240 = tpu.vector_load %arg28[%swap3A_238, %swap3A_239] {strides = array<i32>} : memref<16x128xf32, #tpu.memory_space<vmem>>, vector<1x16xf32>,
          %swap3A_241 = vector.shape_cast %swap3A_240 : vector<1x16xf32> to vector<16xf32>
          %swap3A_242 = vector.shape_cast %scan3A_205#5 : vector<16xf32> to vector<1x16xf32>
          tpu.vector_store %arg28[%swap3A_238, %swap3A_239], %swap3A_242 {strides = array<i32>} : memref<16x128xf32, #tpu.memory_space<vmem>>, vector<1x16xf32>,
          %swap3A_243 = arith.constant 0 : i32
          %swap3A_244 = arith.index_cast %swap3A_243 : i32 to index
          %swap3A_245 = arith.constant 96 : index
          %swap3A_246 = tpu.vector_load %arg28[%swap3A_244, %swap3A_245] {strides = array<i32>} : memref<16x128xf32, #tpu.memory_space<vmem>>, vector<1x16xf32>,
          %swap3A_247 = vector.shape_cast %swap3A_246 : vector<1x16xf32> to vector<16xf32>
          %swap3A_248 = vector.shape_cast %scan3A_205#6 : vector<16xf32> to vector<1x16xf32>
          tpu.vector_store %arg28[%swap3A_244, %swap3A_245], %swap3A_248 {strides = array<i32>} : memref<16x128xf32, #tpu.memory_space<vmem>>, vector<1x16xf32>,
          %swap3A_249 = arith.constant 0 : i32
          %swap3A_250 = arith.index_cast %swap3A_249 : i32 to index
          %swap3A_251 = arith.constant 112 : index
          %swap3A_252 = tpu.vector_load %arg28[%swap3A_250, %swap3A_251] {strides = array<i32>} : memref<16x128xf32, #tpu.memory_space<vmem>>, vector<1x16xf32>,
          %swap3A_253 = vector.shape_cast %swap3A_252 : vector<1x16xf32> to vector<16xf32>
          %swap3A_254 = vector.shape_cast %scan3A_205#7 : vector<16xf32> to vector<1x16xf32>
          tpu.vector_store %arg28[%swap3A_250, %swap3A_251], %swap3A_254 {strides = array<i32>} : memref<16x128xf32, #tpu.memory_space<vmem>>, vector<1x16xf32>,
          %dma_start3A_255 = arith.constant 0 : i32
          %dma_start3A_256 = arith.constant 0 : i32
          %dma_start3A_257 = tpu.memref_slice %arg38[%dma_start3A_255, %dma_start3A_256] : memref<512x128xf32, #tpu.memory_space<vmem_shared>> -> memref<512x128xf32, #tpu.memory_space<vmem_shared>>
          tpu.enqueue_indirect_dma source(%arg28 : memref<16x128xf32, #tpu.memory_space<vmem>>) target(%dma_start3A_257 : memref<512x128xf32, #tpu.memory_space<vmem_shared>>) offsets(%arg36 : memref<16xi32, #tpu.memory_space<vmem>>) semaphore(%arg53 : memref<!tpu.dma_semaphore, #tpu.memory_space<semaphore_mem>>) {add = true}
          %broadcast_in_dim3A_258 = arith.constant 0.000000e+00 : f32
          %broadcast_in_dim3A_259 = vector.broadcast %broadcast_in_dim3A_258 : f32 to vector<16xf32>
          %broadcast_in_dim3A_260 = arith.constant 0.000000e+00 : f32
          %broadcast_in_dim3A_261 = vector.broadcast %broadcast_in_dim3A_260 : f32 to vector<16xf32>
          %broadcast_in_dim3A_262 = arith.constant 0.000000e+00 : f32
          %broadcast_in_dim3A_263 = vector.broadcast %broadcast_in_dim3A_262 : f32 to vector<16xf32>
          %broadcast_in_dim3A_264 = arith.constant 0.000000e+00 : f32
          %broadcast_in_dim3A_265 = vector.broadcast %broadcast_in_dim3A_264 : f32 to vector<16xf32>
          %broadcast_in_dim3A_266 = arith.constant 0.000000e+00 : f32
          %broadcast_in_dim3A_267 = vector.broadcast %broadcast_in_dim3A_266 : f32 to vector<16xf32>
          %broadcast_in_dim3A_268 = arith.constant 0.000000e+00 : f32
          %broadcast_in_dim3A_269 = vector.broadcast %broadcast_in_dim3A_268 : f32 to vector<16xf32>
          %broadcast_in_dim3A_270 = arith.constant 0.000000e+00 : f32
          %broadcast_in_dim3A_271 = vector.broadcast %broadcast_in_dim3A_270 : f32 to vector<16xf32>
          %broadcast_in_dim3A_272 = arith.constant 0.000000e+00 : f32
          %broadcast_in_dim3A_273 = vector.broadcast %broadcast_in_dim3A_272 : f32 to vector<16xf32>
          %scan3A_274 = arith.constant 0 : i32
          %scan3A_275 = arith.constant 32 : i32
          %scan3A_276 = arith.addi %scan3A_274, %scan3A_275 : i32
          %scan3A_277 = arith.constant 1 : i32
          %scan3A_278:8 = scf.for %scan3A_489 = %scan3A_274 to %scan3A_276 step %scan3A_277 iter_args(%scan3A_490 = %broadcast_in_dim3A_259, %scan3A_491 = %broadcast_in_dim3A_261, %scan3A_492 = %broadcast_in_dim3A_263, %scan3A_493 = %broadcast_in_dim3A_265, %scan3A_494 = %broadcast_in_dim3A_267, %scan3A_495 = %broadcast_in_dim3A_269, %scan3A_496 = %broadcast_in_dim3A_271, %scan3A_497 = %broadcast_in_dim3A_273) -> (vector<16xf32>, vector<16xf32>, vector<16xf32>, vector<16xf32>, vector<16xf32>, vector<16xf32>, vector<16xf32>, vector<16xf32>)  : i32 {
            %mul3A_498 = arith.constant 2 : i32
            %mul3A_499 = arith.muli %mul3A_498, %scan3A_489 : i32
            %get3A_500 = arith.index_cast %mul3A_499 : i32 to index
            %get3A_501 = arith.constant 0 : index
            %get3A_502 = tpu.vector_load %arg14[%get3A_500, %get3A_501] {strides = array<i32>} : memref<64x128xf32, #tpu.memory_space<vmem>>, vector<1x16xf32>,
            %get3A_503 = vector.shape_cast %get3A_502 : vector<1x16xf32> to vector<16xf32>
            %add3A_504 = arith.addf %scan3A_490, %get3A_503 : vector<16xf32>
            %mul3A_505 = arith.constant 2 : i32
            %mul3A_506 = arith.muli %mul3A_505, %scan3A_489 : i32
            %add3A_507 = arith.constant 1 : i32
            %add3A_508 = arith.addi %mul3A_506, %add3A_507 : i32
            %get3A_509 = arith.index_cast %add3A_508 : i32 to index
            %get3A_510 = arith.constant 0 : index
            %get3A_511 = tpu.vector_load %arg14[%get3A_509, %get3A_510] {strides = array<i32>} : memref<64x128xf32, #tpu.memory_space<vmem>>, vector<1x16xf32>,
            %get3A_512 = vector.shape_cast %get3A_511 : vector<1x16xf32> to vector<16xf32>
            %add3A_513 = arith.addf %add3A_504, %get3A_512 : vector<16xf32>
            %mul3A_514 = arith.constant 2 : i32
            %mul3A_515 = arith.muli %mul3A_514, %scan3A_489 : i32
            %get3A_516 = arith.index_cast %mul3A_515 : i32 to index
            %get3A_517 = arith.constant 16 : index
            %get3A_518 = tpu.vector_load %arg14[%get3A_516, %get3A_517] {strides = array<i32>} : memref<64x128xf32, #tpu.memory_space<vmem>>, vector<1x16xf32>,
            %get3A_519 = vector.shape_cast %get3A_518 : vector<1x16xf32> to vector<16xf32>
            %add3A_520 = arith.addf %scan3A_491, %get3A_519 : vector<16xf32>
            %mul3A_521 = arith.constant 2 : i32
            %mul3A_522 = arith.muli %mul3A_521, %scan3A_489 : i32
            %add3A_523 = arith.constant 1 : i32
            %add3A_524 = arith.addi %mul3A_522, %add3A_523 : i32
            %get3A_525 = arith.index_cast %add3A_524 : i32 to index
            %get3A_526 = arith.constant 16 : index
            %get3A_527 = tpu.vector_load %arg14[%get3A_525, %get3A_526] {strides = array<i32>} : memref<64x128xf32, #tpu.memory_space<vmem>>, vector<1x16xf32>,
            %get3A_528 = vector.shape_cast %get3A_527 : vector<1x16xf32> to vector<16xf32>
            %add3A_529 = arith.addf %add3A_520, %get3A_528 : vector<16xf32>
            %mul3A_530 = arith.constant 2 : i32
            %mul3A_531 = arith.muli %mul3A_530, %scan3A_489 : i32
            %get3A_532 = arith.index_cast %mul3A_531 : i32 to index
            %get3A_533 = arith.constant 32 : index
            %get3A_534 = tpu.vector_load %arg14[%get3A_532, %get3A_533] {strides = array<i32>} : memref<64x128xf32, #tpu.memory_space<vmem>>, vector<1x16xf32>,
            %get3A_535 = vector.shape_cast %get3A_534 : vector<1x16xf32> to vector<16xf32>
            %add3A_536 = arith.addf %scan3A_492, %get3A_535 : vector<16xf32>
            %mul3A_537 = arith.constant 2 : i32
            %mul3A_538 = arith.muli %mul3A_537, %scan3A_489 : i32
            %add3A_539 = arith.constant 1 : i32
            %add3A_540 = arith.addi %mul3A_538, %add3A_539 : i32
            %get3A_541 = arith.index_cast %add3A_540 : i32 to index
            %get3A_542 = arith.constant 32 : index
            %get3A_543 = tpu.vector_load %arg14[%get3A_541, %get3A_542] {strides = array<i32>} : memref<64x128xf32, #tpu.memory_space<vmem>>, vector<1x16xf32>,
            %get3A_544 = vector.shape_cast %get3A_543 : vector<1x16xf32> to vector<16xf32>
            %add3A_545 = arith.addf %add3A_536, %get3A_544 : vector<16xf32>
            %mul3A_546 = arith.constant 2 : i32
            %mul3A_547 = arith.muli %mul3A_546, %scan3A_489 : i32
            %get3A_548 = arith.index_cast %mul3A_547 : i32 to index
            %get3A_549 = arith.constant 48 : index
            %get3A_550 = tpu.vector_load %arg14[%get3A_548, %get3A_549] {strides = array<i32>} : memref<64x128xf32, #tpu.memory_space<vmem>>, vector<1x16xf32>,
            %get3A_551 = vector.shape_cast %get3A_550 : vector<1x16xf32> to vector<16xf32>
            %add3A_552 = arith.addf %scan3A_493, %get3A_551 : vector<16xf32>
            %mul3A_553 = arith.constant 2 : i32
            %mul3A_554 = arith.muli %mul3A_553, %scan3A_489 : i32
            %add3A_555 = arith.constant 1 : i32
            %add3A_556 = arith.addi %mul3A_554, %add3A_555 : i32
            %get3A_557 = arith.index_cast %add3A_556 : i32 to index
            %get3A_558 = arith.constant 48 : index
            %get3A_559 = tpu.vector_load %arg14[%get3A_557, %get3A_558] {strides = array<i32>} : memref<64x128xf32, #tpu.memory_space<vmem>>, vector<1x16xf32>,
            %get3A_560 = vector.shape_cast %get3A_559 : vector<1x16xf32> to vector<16xf32>
            %add3A_561 = arith.addf %add3A_552, %get3A_560 : vector<16xf32>
            %mul3A_562 = arith.constant 2 : i32
            %mul3A_563 = arith.muli %mul3A_562, %scan3A_489 : i32
            %get3A_564 = arith.index_cast %mul3A_563 : i32 to index
            %get3A_565 = arith.constant 64 : index
            %get3A_566 = tpu.vector_load %arg14[%get3A_564, %get3A_565] {strides = array<i32>} : memref<64x128xf32, #tpu.memory_space<vmem>>, vector<1x16xf32>,
            %get3A_567 = vector.shape_cast %get3A_566 : vector<1x16xf32> to vector<16xf32>
            %add3A_568 = arith.addf %scan3A_494, %get3A_567 : vector<16xf32>
            %mul3A_569 = arith.constant 2 : i32
            %mul3A_570 = arith.muli %mul3A_569, %scan3A_489 : i32
            %add3A_571 = arith.constant 1 : i32
            %add3A_572 = arith.addi %mul3A_570, %add3A_571 : i32
            %get3A_573 = arith.index_cast %add3A_572 : i32 to index
            %get3A_574 = arith.constant 64 : index
            %get3A_575 = tpu.vector_load %arg14[%get3A_573, %get3A_574] {strides = array<i32>} : memref<64x128xf32, #tpu.memory_space<vmem>>, vector<1x16xf32>,
            %get3A_576 = vector.shape_cast %get3A_575 : vector<1x16xf32> to vector<16xf32>
            %add3A_577 = arith.addf %add3A_568, %get3A_576 : vector<16xf32>
            %mul3A_578 = arith.constant 2 : i32
            %mul3A_579 = arith.muli %mul3A_578, %scan3A_489 : i32
            %get3A_580 = arith.index_cast %mul3A_579 : i32 to index
            %get3A_581 = arith.constant 80 : index
            %get3A_582 = tpu.vector_load %arg14[%get3A_580, %get3A_581] {strides = array<i32>} : memref<64x128xf32, #tpu.memory_space<vmem>>, vector<1x16xf32>,
            %get3A_583 = vector.shape_cast %get3A_582 : vector<1x16xf32> to vector<16xf32>
            %add3A_584 = arith.addf %scan3A_495, %get3A_583 : vector<16xf32>
            %mul3A_585 = arith.constant 2 : i32
            %mul3A_586 = arith.muli %mul3A_585, %scan3A_489 : i32
            %add3A_587 = arith.constant 1 : i32
            %add3A_588 = arith.addi %mul3A_586, %add3A_587 : i32
            %get3A_589 = arith.index_cast %add3A_588 : i32 to index
            %get3A_590 = arith.constant 80 : index
            %get3A_591 = tpu.vector_load %arg14[%get3A_589, %get3A_590] {strides = array<i32>} : memref<64x128xf32, #tpu.memory_space<vmem>>, vector<1x16xf32>,
            %get3A_592 = vector.shape_cast %get3A_591 : vector<1x16xf32> to vector<16xf32>
            %add3A_593 = arith.addf %add3A_584, %get3A_592 : vector<16xf32>
            %mul3A_594 = arith.constant 2 : i32
            %mul3A_595 = arith.muli %mul3A_594, %scan3A_489 : i32
            %get3A_596 = arith.index_cast %mul3A_595 : i32 to index
            %get3A_597 = arith.constant 96 : index
            %get3A_598 = tpu.vector_load %arg14[%get3A_596, %get3A_597] {strides = array<i32>} : memref<64x128xf32, #tpu.memory_space<vmem>>, vector<1x16xf32>,
            %get3A_599 = vector.shape_cast %get3A_598 : vector<1x16xf32> to vector<16xf32>
            %add3A_600 = arith.addf %scan3A_496, %get3A_599 : vector<16xf32>
            %mul3A_601 = arith.constant 2 : i32
            %mul3A_602 = arith.muli %mul3A_601, %scan3A_489 : i32
            %add3A_603 = arith.constant 1 : i32
            %add3A_604 = arith.addi %mul3A_602, %add3A_603 : i32
            %get3A_605 = arith.index_cast %add3A_604 : i32 to index
            %get3A_606 = arith.constant 96 : index
            %get3A_607 = tpu.vector_load %arg14[%get3A_605, %get3A_606] {strides = array<i32>} : memref<64x128xf32, #tpu.memory_space<vmem>>, vector<1x16xf32>,
            %get3A_608 = vector.shape_cast %get3A_607 : vector<1x16xf32> to vector<16xf32>
            %add3A_609 = arith.addf %add3A_600, %get3A_608 : vector<16xf32>
            %mul3A_610 = arith.constant 2 : i32
            %mul3A_611 = arith.muli %mul3A_610, %scan3A_489 : i32
            %get3A_612 = arith.index_cast %mul3A_611 : i32 to index
            %get3A_613 = arith.constant 112 : index
            %get3A_614 = tpu.vector_load %arg14[%get3A_612, %get3A_613] {strides = array<i32>} : memref<64x128xf32, #tpu.memory_space<vmem>>, vector<1x16xf32>,
            %get3A_615 = vector.shape_cast %get3A_614 : vector<1x16xf32> to vector<16xf32>
            %add3A_616 = arith.addf %scan3A_497, %get3A_615 : vector<16xf32>
            %mul3A_617 = arith.constant 2 : i32
            %mul3A_618 = arith.muli %mul3A_617, %scan3A_489 : i32
            %add3A_619 = arith.constant 1 : i32
            %add3A_620 = arith.addi %mul3A_618, %add3A_619 : i32
            %get3A_621 = arith.index_cast %add3A_620 : i32 to index
            %get3A_622 = arith.constant 112 : index
            %get3A_623 = tpu.vector_load %arg14[%get3A_621, %get3A_622] {strides = array<i32>} : memref<64x128xf32, #tpu.memory_space<vmem>>, vector<1x16xf32>,
            %get3A_624 = vector.shape_cast %get3A_623 : vector<1x16xf32> to vector<16xf32>
            %add3A_625 = arith.addf %add3A_616, %get3A_624 : vector<16xf32>
            scf.yield %add3A_513, %add3A_529, %add3A_545, %add3A_561, %add3A_577, %add3A_593, %add3A_609, %add3A_625 : vector<16xf32>, vector<16xf32>, vector<16xf32>, vector<16xf32>, vector<16xf32>, vector<16xf32>, vector<16xf32>, vector<16xf32>
          }
          %scan3A_279 = arith.constant 32 : i32
          %swap3A_280 = arith.constant 0 : i32
          %swap3A_281 = arith.index_cast %swap3A_280 : i32 to index
          %swap3A_282 = arith.constant 0 : index
          %swap3A_283 = tpu.vector_load %arg30[%swap3A_281, %swap3A_282] {strides = array<i32>} : memref<16x128xf32, #tpu.memory_space<vmem>>, vector<1x16xf32>,
          %swap3A_284 = vector.shape_cast %swap3A_283 : vector<1x16xf32> to vector<16xf32>
          %swap3A_285 = vector.shape_cast %scan3A_278#0 : vector<16xf32> to vector<1x16xf32>
          tpu.vector_store %arg30[%swap3A_281, %swap3A_282], %swap3A_285 {strides = array<i32>} : memref<16x128xf32, #tpu.memory_space<vmem>>, vector<1x16xf32>,
          %swap3A_286 = arith.constant 0 : i32
          %swap3A_287 = arith.index_cast %swap3A_286 : i32 to index
          %swap3A_288 = arith.constant 16 : index
          %swap3A_289 = tpu.vector_load %arg30[%swap3A_287, %swap3A_288] {strides = array<i32>} : memref<16x128xf32, #tpu.memory_space<vmem>>, vector<1x16xf32>,
          %swap3A_290 = vector.shape_cast %swap3A_289 : vector<1x16xf32> to vector<16xf32>
          %swap3A_291 = vector.shape_cast %scan3A_278#1 : vector<16xf32> to vector<1x16xf32>
          tpu.vector_store %arg30[%swap3A_287, %swap3A_288], %swap3A_291 {strides = array<i32>} : memref<16x128xf32, #tpu.memory_space<vmem>>, vector<1x16xf32>,
          %swap3A_292 = arith.constant 0 : i32
          %swap3A_293 = arith.index_cast %swap3A_292 : i32 to index
          %swap3A_294 = arith.constant 32 : index
          %swap3A_295 = tpu.vector_load %arg30[%swap3A_293, %swap3A_294] {strides = array<i32>} : memref<16x128xf32, #tpu.memory_space<vmem>>, vector<1x16xf32>,
          %swap3A_296 = vector.shape_cast %swap3A_295 : vector<1x16xf32> to vector<16xf32>
          %swap3A_297 = vector.shape_cast %scan3A_278#2 : vector<16xf32> to vector<1x16xf32>
          tpu.vector_store %arg30[%swap3A_293, %swap3A_294], %swap3A_297 {strides = array<i32>} : memref<16x128xf32, #tpu.memory_space<vmem>>, vector<1x16xf32>,
          %swap3A_298 = arith.constant 0 : i32
          %swap3A_299 = arith.index_cast %swap3A_298 : i32 to index
          %swap3A_300 = arith.constant 48 : index
          %swap3A_301 = tpu.vector_load %arg30[%swap3A_299, %swap3A_300] {strides = array<i32>} : memref<16x128xf32, #tpu.memory_space<vmem>>, vector<1x16xf32>,
          %swap3A_302 = vector.shape_cast %swap3A_301 : vector<1x16xf32> to vector<16xf32>
          %swap3A_303 = vector.shape_cast %scan3A_278#3 : vector<16xf32> to vector<1x16xf32>
          tpu.vector_store %arg30[%swap3A_299, %swap3A_300], %swap3A_303 {strides = array<i32>} : memref<16x128xf32, #tpu.memory_space<vmem>>, vector<1x16xf32>,
          %swap3A_304 = arith.constant 0 : i32
          %swap3A_305 = arith.index_cast %swap3A_304 : i32 to index
          %swap3A_306 = arith.constant 64 : index
          %swap3A_307 = tpu.vector_load %arg30[%swap3A_305, %swap3A_306] {strides = array<i32>} : memref<16x128xf32, #tpu.memory_space<vmem>>, vector<1x16xf32>,
          %swap3A_308 = vector.shape_cast %swap3A_307 : vector<1x16xf32> to vector<16xf32>
          %swap3A_309 = vector.shape_cast %scan3A_278#4 : vector<16xf32> to vector<1x16xf32>
          tpu.vector_store %arg30[%swap3A_305, %swap3A_306], %swap3A_309 {strides = array<i32>} : memref<16x128xf32, #tpu.memory_space<vmem>>, vector<1x16xf32>,
          %swap3A_310 = arith.constant 0 : i32
          %swap3A_311 = arith.index_cast %swap3A_310 : i32 to index
          %swap3A_312 = arith.constant 80 : index
          %swap3A_313 = tpu.vector_load %arg30[%swap3A_311, %swap3A_312] {strides = array<i32>} : memref<16x128xf32, #tpu.memory_space<vmem>>, vector<1x16xf32>,
          %swap3A_314 = vector.shape_cast %swap3A_313 : vector<1x16xf32> to vector<16xf32>
          %swap3A_315 = vector.shape_cast %scan3A_278#5 : vector<16xf32> to vector<1x16xf32>
          tpu.vector_store %arg30[%swap3A_311, %swap3A_312], %swap3A_315 {strides = array<i32>} : memref<16x128xf32, #tpu.memory_space<vmem>>, vector<1x16xf32>,
          %swap3A_316 = arith.constant 0 : i32
          %swap3A_317 = arith.index_cast %swap3A_316 : i32 to index
          %swap3A_318 = arith.constant 96 : index
          %swap3A_319 = tpu.vector_load %arg30[%swap3A_317, %swap3A_318] {strides = array<i32>} : memref<16x128xf32, #tpu.memory_space<vmem>>, vector<1x16xf32>,
          %swap3A_320 = vector.shape_cast %swap3A_319 : vector<1x16xf32> to vector<16xf32>
          %swap3A_321 = vector.shape_cast %scan3A_278#6 : vector<16xf32> to vector<1x16xf32>
          tpu.vector_store %arg30[%swap3A_317, %swap3A_318], %swap3A_321 {strides = array<i32>} : memref<16x128xf32, #tpu.memory_space<vmem>>, vector<1x16xf32>,
          %swap3A_322 = arith.constant 0 : i32
          %swap3A_323 = arith.index_cast %swap3A_322 : i32 to index
          %swap3A_324 = arith.constant 112 : index
          %swap3A_325 = tpu.vector_load %arg30[%swap3A_323, %swap3A_324] {strides = array<i32>} : memref<16x128xf32, #tpu.memory_space<vmem>>, vector<1x16xf32>,
          %swap3A_326 = vector.shape_cast %swap3A_325 : vector<1x16xf32> to vector<16xf32>
          %swap3A_327 = vector.shape_cast %scan3A_278#7 : vector<16xf32> to vector<1x16xf32>
          tpu.vector_store %arg30[%swap3A_323, %swap3A_324], %swap3A_327 {strides = array<i32>} : memref<16x128xf32, #tpu.memory_space<vmem>>, vector<1x16xf32>,
          %dma_start3A_328 = arith.constant 0 : i32
          %dma_start3A_329 = arith.constant 0 : i32
          %dma_start3A_330 = tpu.memref_slice %arg39[%dma_start3A_328, %dma_start3A_329] : memref<512x128xf32, #tpu.memory_space<vmem_shared>> -> memref<512x128xf32, #tpu.memory_space<vmem_shared>>
          tpu.enqueue_indirect_dma source(%arg30 : memref<16x128xf32, #tpu.memory_space<vmem>>) target(%dma_start3A_330 : memref<512x128xf32, #tpu.memory_space<vmem_shared>>) offsets(%arg36 : memref<16xi32, #tpu.memory_space<vmem>>) semaphore(%arg54 : memref<!tpu.dma_semaphore, #tpu.memory_space<semaphore_mem>>) {add = true}
          %broadcast_in_dim3A_331 = arith.constant 0.000000e+00 : f32
          %broadcast_in_dim3A_332 = vector.broadcast %broadcast_in_dim3A_331 : f32 to vector<16xf32>
          %broadcast_in_dim3A_333 = arith.constant 0.000000e+00 : f32
          %broadcast_in_dim3A_334 = vector.broadcast %broadcast_in_dim3A_333 : f32 to vector<16xf32>
          %broadcast_in_dim3A_335 = arith.constant 0.000000e+00 : f32
          %broadcast_in_dim3A_336 = vector.broadcast %broadcast_in_dim3A_335 : f32 to vector<16xf32>
          %broadcast_in_dim3A_337 = arith.constant 0.000000e+00 : f32
          %broadcast_in_dim3A_338 = vector.broadcast %broadcast_in_dim3A_337 : f32 to vector<16xf32>
          %broadcast_in_dim3A_339 = arith.constant 0.000000e+00 : f32
          %broadcast_in_dim3A_340 = vector.broadcast %broadcast_in_dim3A_339 : f32 to vector<16xf32>
          %broadcast_in_dim3A_341 = arith.constant 0.000000e+00 : f32
          %broadcast_in_dim3A_342 = vector.broadcast %broadcast_in_dim3A_341 : f32 to vector<16xf32>
          %broadcast_in_dim3A_343 = arith.constant 0.000000e+00 : f32
          %broadcast_in_dim3A_344 = vector.broadcast %broadcast_in_dim3A_343 : f32 to vector<16xf32>
          %broadcast_in_dim3A_345 = arith.constant 0.000000e+00 : f32
          %broadcast_in_dim3A_346 = vector.broadcast %broadcast_in_dim3A_345 : f32 to vector<16xf32>
          %scan3A_347 = arith.constant 0 : i32
          %scan3A_348 = arith.constant 32 : i32
          %scan3A_349 = arith.addi %scan3A_347, %scan3A_348 : i32
          %scan3A_350 = arith.constant 1 : i32
          %scan3A_351:8 = scf.for %scan3A_489 = %scan3A_347 to %scan3A_349 step %scan3A_350 iter_args(%scan3A_490 = %broadcast_in_dim3A_332, %scan3A_491 = %broadcast_in_dim3A_334, %scan3A_492 = %broadcast_in_dim3A_336, %scan3A_493 = %broadcast_in_dim3A_338, %scan3A_494 = %broadcast_in_dim3A_340, %scan3A_495 = %broadcast_in_dim3A_342, %scan3A_496 = %broadcast_in_dim3A_344, %scan3A_497 = %broadcast_in_dim3A_346) -> (vector<16xf32>, vector<16xf32>, vector<16xf32>, vector<16xf32>, vector<16xf32>, vector<16xf32>, vector<16xf32>, vector<16xf32>)  : i32 {
            %mul3A_498 = arith.constant 2 : i32
            %mul3A_499 = arith.muli %mul3A_498, %scan3A_489 : i32
            %get3A_500 = arith.index_cast %mul3A_499 : i32 to index
            %get3A_501 = arith.constant 0 : index
            %get3A_502 = tpu.vector_load %arg16[%get3A_500, %get3A_501] {strides = array<i32>} : memref<64x128xf32, #tpu.memory_space<vmem>>, vector<1x16xf32>,
            %get3A_503 = vector.shape_cast %get3A_502 : vector<1x16xf32> to vector<16xf32>
            %add3A_504 = arith.addf %scan3A_490, %get3A_503 : vector<16xf32>
            %mul3A_505 = arith.constant 2 : i32
            %mul3A_506 = arith.muli %mul3A_505, %scan3A_489 : i32
            %add3A_507 = arith.constant 1 : i32
            %add3A_508 = arith.addi %mul3A_506, %add3A_507 : i32
            %get3A_509 = arith.index_cast %add3A_508 : i32 to index
            %get3A_510 = arith.constant 0 : index
            %get3A_511 = tpu.vector_load %arg16[%get3A_509, %get3A_510] {strides = array<i32>} : memref<64x128xf32, #tpu.memory_space<vmem>>, vector<1x16xf32>,
            %get3A_512 = vector.shape_cast %get3A_511 : vector<1x16xf32> to vector<16xf32>
            %add3A_513 = arith.addf %add3A_504, %get3A_512 : vector<16xf32>
            %mul3A_514 = arith.constant 2 : i32
            %mul3A_515 = arith.muli %mul3A_514, %scan3A_489 : i32
            %get3A_516 = arith.index_cast %mul3A_515 : i32 to index
            %get3A_517 = arith.constant 16 : index
            %get3A_518 = tpu.vector_load %arg16[%get3A_516, %get3A_517] {strides = array<i32>} : memref<64x128xf32, #tpu.memory_space<vmem>>, vector<1x16xf32>,
            %get3A_519 = vector.shape_cast %get3A_518 : vector<1x16xf32> to vector<16xf32>
            %add3A_520 = arith.addf %scan3A_491, %get3A_519 : vector<16xf32>
            %mul3A_521 = arith.constant 2 : i32
            %mul3A_522 = arith.muli %mul3A_521, %scan3A_489 : i32
            %add3A_523 = arith.constant 1 : i32
            %add3A_524 = arith.addi %mul3A_522, %add3A_523 : i32
            %get3A_525 = arith.index_cast %add3A_524 : i32 to index
            %get3A_526 = arith.constant 16 : index
            %get3A_527 = tpu.vector_load %arg16[%get3A_525, %get3A_526] {strides = array<i32>} : memref<64x128xf32, #tpu.memory_space<vmem>>, vector<1x16xf32>,
            %get3A_528 = vector.shape_cast %get3A_527 : vector<1x16xf32> to vector<16xf32>
            %add3A_529 = arith.addf %add3A_520, %get3A_528 : vector<16xf32>
            %mul3A_530 = arith.constant 2 : i32
            %mul3A_531 = arith.muli %mul3A_530, %scan3A_489 : i32
            %get3A_532 = arith.index_cast %mul3A_531 : i32 to index
            %get3A_533 = arith.constant 32 : index
            %get3A_534 = tpu.vector_load %arg16[%get3A_532, %get3A_533] {strides = array<i32>} : memref<64x128xf32, #tpu.memory_space<vmem>>, vector<1x16xf32>,
            %get3A_535 = vector.shape_cast %get3A_534 : vector<1x16xf32> to vector<16xf32>
            %add3A_536 = arith.addf %scan3A_492, %get3A_535 : vector<16xf32>
            %mul3A_537 = arith.constant 2 : i32
            %mul3A_538 = arith.muli %mul3A_537, %scan3A_489 : i32
            %add3A_539 = arith.constant 1 : i32
            %add3A_540 = arith.addi %mul3A_538, %add3A_539 : i32
            %get3A_541 = arith.index_cast %add3A_540 : i32 to index
            %get3A_542 = arith.constant 32 : index
            %get3A_543 = tpu.vector_load %arg16[%get3A_541, %get3A_542] {strides = array<i32>} : memref<64x128xf32, #tpu.memory_space<vmem>>, vector<1x16xf32>,
            %get3A_544 = vector.shape_cast %get3A_543 : vector<1x16xf32> to vector<16xf32>
            %add3A_545 = arith.addf %add3A_536, %get3A_544 : vector<16xf32>
            %mul3A_546 = arith.constant 2 : i32
            %mul3A_547 = arith.muli %mul3A_546, %scan3A_489 : i32
            %get3A_548 = arith.index_cast %mul3A_547 : i32 to index
            %get3A_549 = arith.constant 48 : index
            %get3A_550 = tpu.vector_load %arg16[%get3A_548, %get3A_549] {strides = array<i32>} : memref<64x128xf32, #tpu.memory_space<vmem>>, vector<1x16xf32>,
            %get3A_551 = vector.shape_cast %get3A_550 : vector<1x16xf32> to vector<16xf32>
            %add3A_552 = arith.addf %scan3A_493, %get3A_551 : vector<16xf32>
            %mul3A_553 = arith.constant 2 : i32
            %mul3A_554 = arith.muli %mul3A_553, %scan3A_489 : i32
            %add3A_555 = arith.constant 1 : i32
            %add3A_556 = arith.addi %mul3A_554, %add3A_555 : i32
            %get3A_557 = arith.index_cast %add3A_556 : i32 to index
            %get3A_558 = arith.constant 48 : index
            %get3A_559 = tpu.vector_load %arg16[%get3A_557, %get3A_558] {strides = array<i32>} : memref<64x128xf32, #tpu.memory_space<vmem>>, vector<1x16xf32>,
            %get3A_560 = vector.shape_cast %get3A_559 : vector<1x16xf32> to vector<16xf32>
            %add3A_561 = arith.addf %add3A_552, %get3A_560 : vector<16xf32>
            %mul3A_562 = arith.constant 2 : i32
            %mul3A_563 = arith.muli %mul3A_562, %scan3A_489 : i32
            %get3A_564 = arith.index_cast %mul3A_563 : i32 to index
            %get3A_565 = arith.constant 64 : index
            %get3A_566 = tpu.vector_load %arg16[%get3A_564, %get3A_565] {strides = array<i32>} : memref<64x128xf32, #tpu.memory_space<vmem>>, vector<1x16xf32>,
            %get3A_567 = vector.shape_cast %get3A_566 : vector<1x16xf32> to vector<16xf32>
            %add3A_568 = arith.addf %scan3A_494, %get3A_567 : vector<16xf32>
            %mul3A_569 = arith.constant 2 : i32
            %mul3A_570 = arith.muli %mul3A_569, %scan3A_489 : i32
            %add3A_571 = arith.constant 1 : i32
            %add3A_572 = arith.addi %mul3A_570, %add3A_571 : i32
            %get3A_573 = arith.index_cast %add3A_572 : i32 to index
            %get3A_574 = arith.constant 64 : index
            %get3A_575 = tpu.vector_load %arg16[%get3A_573, %get3A_574] {strides = array<i32>} : memref<64x128xf32, #tpu.memory_space<vmem>>, vector<1x16xf32>,
            %get3A_576 = vector.shape_cast %get3A_575 : vector<1x16xf32> to vector<16xf32>
            %add3A_577 = arith.addf %add3A_568, %get3A_576 : vector<16xf32>
            %mul3A_578 = arith.constant 2 : i32
            %mul3A_579 = arith.muli %mul3A_578, %scan3A_489 : i32
            %get3A_580 = arith.index_cast %mul3A_579 : i32 to index
            %get3A_581 = arith.constant 80 : index
            %get3A_582 = tpu.vector_load %arg16[%get3A_580, %get3A_581] {strides = array<i32>} : memref<64x128xf32, #tpu.memory_space<vmem>>, vector<1x16xf32>,
            %get3A_583 = vector.shape_cast %get3A_582 : vector<1x16xf32> to vector<16xf32>
            %add3A_584 = arith.addf %scan3A_495, %get3A_583 : vector<16xf32>
            %mul3A_585 = arith.constant 2 : i32
            %mul3A_586 = arith.muli %mul3A_585, %scan3A_489 : i32
            %add3A_587 = arith.constant 1 : i32
            %add3A_588 = arith.addi %mul3A_586, %add3A_587 : i32
            %get3A_589 = arith.index_cast %add3A_588 : i32 to index
            %get3A_590 = arith.constant 80 : index
            %get3A_591 = tpu.vector_load %arg16[%get3A_589, %get3A_590] {strides = array<i32>} : memref<64x128xf32, #tpu.memory_space<vmem>>, vector<1x16xf32>,
            %get3A_592 = vector.shape_cast %get3A_591 : vector<1x16xf32> to vector<16xf32>
            %add3A_593 = arith.addf %add3A_584, %get3A_592 : vector<16xf32>
            %mul3A_594 = arith.constant 2 : i32
            %mul3A_595 = arith.muli %mul3A_594, %scan3A_489 : i32
            %get3A_596 = arith.index_cast %mul3A_595 : i32 to index
            %get3A_597 = arith.constant 96 : index
            %get3A_598 = tpu.vector_load %arg16[%get3A_596, %get3A_597] {strides = array<i32>} : memref<64x128xf32, #tpu.memory_space<vmem>>, vector<1x16xf32>,
            %get3A_599 = vector.shape_cast %get3A_598 : vector<1x16xf32> to vector<16xf32>
            %add3A_600 = arith.addf %scan3A_496, %get3A_599 : vector<16xf32>
            %mul3A_601 = arith.constant 2 : i32
            %mul3A_602 = arith.muli %mul3A_601, %scan3A_489 : i32
            %add3A_603 = arith.constant 1 : i32
            %add3A_604 = arith.addi %mul3A_602, %add3A_603 : i32
            %get3A_605 = arith.index_cast %add3A_604 : i32 to index
            %get3A_606 = arith.constant 96 : index
            %get3A_607 = tpu.vector_load %arg16[%get3A_605, %get3A_606] {strides = array<i32>} : memref<64x128xf32, #tpu.memory_space<vmem>>, vector<1x16xf32>,
            %get3A_608 = vector.shape_cast %get3A_607 : vector<1x16xf32> to vector<16xf32>
            %add3A_609 = arith.addf %add3A_600, %get3A_608 : vector<16xf32>
            %mul3A_610 = arith.constant 2 : i32
            %mul3A_611 = arith.muli %mul3A_610, %scan3A_489 : i32
            %get3A_612 = arith.index_cast %mul3A_611 : i32 to index
            %get3A_613 = arith.constant 112 : index
            %get3A_614 = tpu.vector_load %arg16[%get3A_612, %get3A_613] {strides = array<i32>} : memref<64x128xf32, #tpu.memory_space<vmem>>, vector<1x16xf32>,
            %get3A_615 = vector.shape_cast %get3A_614 : vector<1x16xf32> to vector<16xf32>
            %add3A_616 = arith.addf %scan3A_497, %get3A_615 : vector<16xf32>
            %mul3A_617 = arith.constant 2 : i32
            %mul3A_618 = arith.muli %mul3A_617, %scan3A_489 : i32
            %add3A_619 = arith.constant 1 : i32
            %add3A_620 = arith.addi %mul3A_618, %add3A_619 : i32
            %get3A_621 = arith.index_cast %add3A_620 : i32 to index
            %get3A_622 = arith.constant 112 : index
            %get3A_623 = tpu.vector_load %arg16[%get3A_621, %get3A_622] {strides = array<i32>} : memref<64x128xf32, #tpu.memory_space<vmem>>, vector<1x16xf32>,
            %get3A_624 = vector.shape_cast %get3A_623 : vector<1x16xf32> to vector<16xf32>
            %add3A_625 = arith.addf %add3A_616, %get3A_624 : vector<16xf32>
            scf.yield %add3A_513, %add3A_529, %add3A_545, %add3A_561, %add3A_577, %add3A_593, %add3A_609, %add3A_625 : vector<16xf32>, vector<16xf32>, vector<16xf32>, vector<16xf32>, vector<16xf32>, vector<16xf32>, vector<16xf32>, vector<16xf32>
          }
          %scan3A_352 = arith.constant 32 : i32
          %swap3A_353 = arith.constant 0 : i32
          %swap3A_354 = arith.index_cast %swap3A_353 : i32 to index
          %swap3A_355 = arith.constant 0 : index
          %swap3A_356 = tpu.vector_load %arg32[%swap3A_354, %swap3A_355] {strides = array<i32>} : memref<16x128xf32, #tpu.memory_space<vmem>>, vector<1x16xf32>,
          %swap3A_357 = vector.shape_cast %swap3A_356 : vector<1x16xf32> to vector<16xf32>
          %swap3A_358 = vector.shape_cast %scan3A_351#0 : vector<16xf32> to vector<1x16xf32>
          tpu.vector_store %arg32[%swap3A_354, %swap3A_355], %swap3A_358 {strides = array<i32>} : memref<16x128xf32, #tpu.memory_space<vmem>>, vector<1x16xf32>,
          %swap3A_359 = arith.constant 0 : i32
          %swap3A_360 = arith.index_cast %swap3A_359 : i32 to index
          %swap3A_361 = arith.constant 16 : index
          %swap3A_362 = tpu.vector_load %arg32[%swap3A_360, %swap3A_361] {strides = array<i32>} : memref<16x128xf32, #tpu.memory_space<vmem>>, vector<1x16xf32>,
          %swap3A_363 = vector.shape_cast %swap3A_362 : vector<1x16xf32> to vector<16xf32>
          %swap3A_364 = vector.shape_cast %scan3A_351#1 : vector<16xf32> to vector<1x16xf32>
          tpu.vector_store %arg32[%swap3A_360, %swap3A_361], %swap3A_364 {strides = array<i32>} : memref<16x128xf32, #tpu.memory_space<vmem>>, vector<1x16xf32>,
          %swap3A_365 = arith.constant 0 : i32
          %swap3A_366 = arith.index_cast %swap3A_365 : i32 to index
          %swap3A_367 = arith.constant 32 : index
          %swap3A_368 = tpu.vector_load %arg32[%swap3A_366, %swap3A_367] {strides = array<i32>} : memref<16x128xf32, #tpu.memory_space<vmem>>, vector<1x16xf32>,
          %swap3A_369 = vector.shape_cast %swap3A_368 : vector<1x16xf32> to vector<16xf32>
          %swap3A_370 = vector.shape_cast %scan3A_351#2 : vector<16xf32> to vector<1x16xf32>
          tpu.vector_store %arg32[%swap3A_366, %swap3A_367], %swap3A_370 {strides = array<i32>} : memref<16x128xf32, #tpu.memory_space<vmem>>, vector<1x16xf32>,
          %swap3A_371 = arith.constant 0 : i32
          %swap3A_372 = arith.index_cast %swap3A_371 : i32 to index
          %swap3A_373 = arith.constant 48 : index
          %swap3A_374 = tpu.vector_load %arg32[%swap3A_372, %swap3A_373] {strides = array<i32>} : memref<16x128xf32, #tpu.memory_space<vmem>>, vector<1x16xf32>,
          %swap3A_375 = vector.shape_cast %swap3A_374 : vector<1x16xf32> to vector<16xf32>
          %swap3A_376 = vector.shape_cast %scan3A_351#3 : vector<16xf32> to vector<1x16xf32>
          tpu.vector_store %arg32[%swap3A_372, %swap3A_373], %swap3A_376 {strides = array<i32>} : memref<16x128xf32, #tpu.memory_space<vmem>>, vector<1x16xf32>,
          %swap3A_377 = arith.constant 0 : i32
          %swap3A_378 = arith.index_cast %swap3A_377 : i32 to index
          %swap3A_379 = arith.constant 64 : index
          %swap3A_380 = tpu.vector_load %arg32[%swap3A_378, %swap3A_379] {strides = array<i32>} : memref<16x128xf32, #tpu.memory_space<vmem>>, vector<1x16xf32>,
          %swap3A_381 = vector.shape_cast %swap3A_380 : vector<1x16xf32> to vector<16xf32>
          %swap3A_382 = vector.shape_cast %scan3A_351#4 : vector<16xf32> to vector<1x16xf32>
          tpu.vector_store %arg32[%swap3A_378, %swap3A_379], %swap3A_382 {strides = array<i32>} : memref<16x128xf32, #tpu.memory_space<vmem>>, vector<1x16xf32>,
          %swap3A_383 = arith.constant 0 : i32
          %swap3A_384 = arith.index_cast %swap3A_383 : i32 to index
          %swap3A_385 = arith.constant 80 : index
          %swap3A_386 = tpu.vector_load %arg32[%swap3A_384, %swap3A_385] {strides = array<i32>} : memref<16x128xf32, #tpu.memory_space<vmem>>, vector<1x16xf32>,
          %swap3A_387 = vector.shape_cast %swap3A_386 : vector<1x16xf32> to vector<16xf32>
          %swap3A_388 = vector.shape_cast %scan3A_351#5 : vector<16xf32> to vector<1x16xf32>
          tpu.vector_store %arg32[%swap3A_384, %swap3A_385], %swap3A_388 {strides = array<i32>} : memref<16x128xf32, #tpu.memory_space<vmem>>, vector<1x16xf32>,
          %swap3A_389 = arith.constant 0 : i32
          %swap3A_390 = arith.index_cast %swap3A_389 : i32 to index
          %swap3A_391 = arith.constant 96 : index
          %swap3A_392 = tpu.vector_load %arg32[%swap3A_390, %swap3A_391] {strides = array<i32>} : memref<16x128xf32, #tpu.memory_space<vmem>>, vector<1x16xf32>,
          %swap3A_393 = vector.shape_cast %swap3A_392 : vector<1x16xf32> to vector<16xf32>
          %swap3A_394 = vector.shape_cast %scan3A_351#6 : vector<16xf32> to vector<1x16xf32>
          tpu.vector_store %arg32[%swap3A_390, %swap3A_391], %swap3A_394 {strides = array<i32>} : memref<16x128xf32, #tpu.memory_space<vmem>>, vector<1x16xf32>,
          %swap3A_395 = arith.constant 0 : i32
          %swap3A_396 = arith.index_cast %swap3A_395 : i32 to index
          %swap3A_397 = arith.constant 112 : index
          %swap3A_398 = tpu.vector_load %arg32[%swap3A_396, %swap3A_397] {strides = array<i32>} : memref<16x128xf32, #tpu.memory_space<vmem>>, vector<1x16xf32>,
          %swap3A_399 = vector.shape_cast %swap3A_398 : vector<1x16xf32> to vector<16xf32>
          %swap3A_400 = vector.shape_cast %scan3A_351#7 : vector<16xf32> to vector<1x16xf32>
          tpu.vector_store %arg32[%swap3A_396, %swap3A_397], %swap3A_400 {strides = array<i32>} : memref<16x128xf32, #tpu.memory_space<vmem>>, vector<1x16xf32>,
          %dma_start3A_401 = arith.constant 0 : i32
          %dma_start3A_402 = arith.constant 0 : i32
          %dma_start3A_403 = tpu.memref_slice %arg40[%dma_start3A_401, %dma_start3A_402] : memref<512x128xf32, #tpu.memory_space<vmem_shared>> -> memref<512x128xf32, #tpu.memory_space<vmem_shared>>
          tpu.enqueue_indirect_dma source(%arg32 : memref<16x128xf32, #tpu.memory_space<vmem>>) target(%dma_start3A_403 : memref<512x128xf32, #tpu.memory_space<vmem_shared>>) offsets(%arg36 : memref<16xi32, #tpu.memory_space<vmem>>) semaphore(%arg55 : memref<!tpu.dma_semaphore, #tpu.memory_space<semaphore_mem>>) {add = true}
          %broadcast_in_dim3A_404 = arith.constant 0.000000e+00 : f32
          %broadcast_in_dim3A_405 = vector.broadcast %broadcast_in_dim3A_404 : f32 to vector<16xf32>
          %broadcast_in_dim3A_406 = arith.constant 0.000000e+00 : f32
          %broadcast_in_dim3A_407 = vector.broadcast %broadcast_in_dim3A_406 : f32 to vector<16xf32>
          %broadcast_in_dim3A_408 = arith.constant 0.000000e+00 : f32
          %broadcast_in_dim3A_409 = vector.broadcast %broadcast_in_dim3A_408 : f32 to vector<16xf32>
          %broadcast_in_dim3A_410 = arith.constant 0.000000e+00 : f32
          %broadcast_in_dim3A_411 = vector.broadcast %broadcast_in_dim3A_410 : f32 to vector<16xf32>
          %broadcast_in_dim3A_412 = arith.constant 0.000000e+00 : f32
          %broadcast_in_dim3A_413 = vector.broadcast %broadcast_in_dim3A_412 : f32 to vector<16xf32>
          %broadcast_in_dim3A_414 = arith.constant 0.000000e+00 : f32
          %broadcast_in_dim3A_415 = vector.broadcast %broadcast_in_dim3A_414 : f32 to vector<16xf32>
          %broadcast_in_dim3A_416 = arith.constant 0.000000e+00 : f32
          %broadcast_in_dim3A_417 = vector.broadcast %broadcast_in_dim3A_416 : f32 to vector<16xf32>
          %broadcast_in_dim3A_418 = arith.constant 0.000000e+00 : f32
          %broadcast_in_dim3A_419 = vector.broadcast %broadcast_in_dim3A_418 : f32 to vector<16xf32>
          %scan3A_420 = arith.constant 0 : i32
          %scan3A_421 = arith.constant 32 : i32
          %scan3A_422 = arith.addi %scan3A_420, %scan3A_421 : i32
          %scan3A_423 = arith.constant 1 : i32
          %scan3A_424:8 = scf.for %scan3A_489 = %scan3A_420 to %scan3A_422 step %scan3A_423 iter_args(%scan3A_490 = %broadcast_in_dim3A_405, %scan3A_491 = %broadcast_in_dim3A_407, %scan3A_492 = %broadcast_in_dim3A_409, %scan3A_493 = %broadcast_in_dim3A_411, %scan3A_494 = %broadcast_in_dim3A_413, %scan3A_495 = %broadcast_in_dim3A_415, %scan3A_496 = %broadcast_in_dim3A_417, %scan3A_497 = %broadcast_in_dim3A_419) -> (vector<16xf32>, vector<16xf32>, vector<16xf32>, vector<16xf32>, vector<16xf32>, vector<16xf32>, vector<16xf32>, vector<16xf32>)  : i32 {
            %mul3A_498 = arith.constant 2 : i32
            %mul3A_499 = arith.muli %mul3A_498, %scan3A_489 : i32
            %get3A_500 = arith.index_cast %mul3A_499 : i32 to index
            %get3A_501 = arith.constant 0 : index
            %get3A_502 = tpu.vector_load %arg18[%get3A_500, %get3A_501] {strides = array<i32>} : memref<64x128xf32, #tpu.memory_space<vmem>>, vector<1x16xf32>,
            %get3A_503 = vector.shape_cast %get3A_502 : vector<1x16xf32> to vector<16xf32>
            %add3A_504 = arith.addf %scan3A_490, %get3A_503 : vector<16xf32>
            %mul3A_505 = arith.constant 2 : i32
            %mul3A_506 = arith.muli %mul3A_505, %scan3A_489 : i32
            %add3A_507 = arith.constant 1 : i32
            %add3A_508 = arith.addi %mul3A_506, %add3A_507 : i32
            %get3A_509 = arith.index_cast %add3A_508 : i32 to index
            %get3A_510 = arith.constant 0 : index
            %get3A_511 = tpu.vector_load %arg18[%get3A_509, %get3A_510] {strides = array<i32>} : memref<64x128xf32, #tpu.memory_space<vmem>>, vector<1x16xf32>,
            %get3A_512 = vector.shape_cast %get3A_511 : vector<1x16xf32> to vector<16xf32>
            %add3A_513 = arith.addf %add3A_504, %get3A_512 : vector<16xf32>
            %mul3A_514 = arith.constant 2 : i32
            %mul3A_515 = arith.muli %mul3A_514, %scan3A_489 : i32
            %get3A_516 = arith.index_cast %mul3A_515 : i32 to index
            %get3A_517 = arith.constant 16 : index
            %get3A_518 = tpu.vector_load %arg18[%get3A_516, %get3A_517] {strides = array<i32>} : memref<64x128xf32, #tpu.memory_space<vmem>>, vector<1x16xf32>,
            %get3A_519 = vector.shape_cast %get3A_518 : vector<1x16xf32> to vector<16xf32>
            %add3A_520 = arith.addf %scan3A_491, %get3A_519 : vector<16xf32>
            %mul3A_521 = arith.constant 2 : i32
            %mul3A_522 = arith.muli %mul3A_521, %scan3A_489 : i32
            %add3A_523 = arith.constant 1 : i32
            %add3A_524 = arith.addi %mul3A_522, %add3A_523 : i32
            %get3A_525 = arith.index_cast %add3A_524 : i32 to index
            %get3A_526 = arith.constant 16 : index
            %get3A_527 = tpu.vector_load %arg18[%get3A_525, %get3A_526] {strides = array<i32>} : memref<64x128xf32, #tpu.memory_space<vmem>>, vector<1x16xf32>,
            %get3A_528 = vector.shape_cast %get3A_527 : vector<1x16xf32> to vector<16xf32>
            %add3A_529 = arith.addf %add3A_520, %get3A_528 : vector<16xf32>
            %mul3A_530 = arith.constant 2 : i32
            %mul3A_531 = arith.muli %mul3A_530, %scan3A_489 : i32
            %get3A_532 = arith.index_cast %mul3A_531 : i32 to index
            %get3A_533 = arith.constant 32 : index
            %get3A_534 = tpu.vector_load %arg18[%get3A_532, %get3A_533] {strides = array<i32>} : memref<64x128xf32, #tpu.memory_space<vmem>>, vector<1x16xf32>,
            %get3A_535 = vector.shape_cast %get3A_534 : vector<1x16xf32> to vector<16xf32>
            %add3A_536 = arith.addf %scan3A_492, %get3A_535 : vector<16xf32>
            %mul3A_537 = arith.constant 2 : i32
            %mul3A_538 = arith.muli %mul3A_537, %scan3A_489 : i32
            %add3A_539 = arith.constant 1 : i32
            %add3A_540 = arith.addi %mul3A_538, %add3A_539 : i32
            %get3A_541 = arith.index_cast %add3A_540 : i32 to index
            %get3A_542 = arith.constant 32 : index
            %get3A_543 = tpu.vector_load %arg18[%get3A_541, %get3A_542] {strides = array<i32>} : memref<64x128xf32, #tpu.memory_space<vmem>>, vector<1x16xf32>,
            %get3A_544 = vector.shape_cast %get3A_543 : vector<1x16xf32> to vector<16xf32>
            %add3A_545 = arith.addf %add3A_536, %get3A_544 : vector<16xf32>
            %mul3A_546 = arith.constant 2 : i32
            %mul3A_547 = arith.muli %mul3A_546, %scan3A_489 : i32
            %get3A_548 = arith.index_cast %mul3A_547 : i32 to index
            %get3A_549 = arith.constant 48 : index
            %get3A_550 = tpu.vector_load %arg18[%get3A_548, %get3A_549] {strides = array<i32>} : memref<64x128xf32, #tpu.memory_space<vmem>>, vector<1x16xf32>,
            %get3A_551 = vector.shape_cast %get3A_550 : vector<1x16xf32> to vector<16xf32>
            %add3A_552 = arith.addf %scan3A_493, %get3A_551 : vector<16xf32>
            %mul3A_553 = arith.constant 2 : i32
            %mul3A_554 = arith.muli %mul3A_553, %scan3A_489 : i32
            %add3A_555 = arith.constant 1 : i32
            %add3A_556 = arith.addi %mul3A_554, %add3A_555 : i32
            %get3A_557 = arith.index_cast %add3A_556 : i32 to index
            %get3A_558 = arith.constant 48 : index
            %get3A_559 = tpu.vector_load %arg18[%get3A_557, %get3A_558] {strides = array<i32>} : memref<64x128xf32, #tpu.memory_space<vmem>>, vector<1x16xf32>,
            %get3A_560 = vector.shape_cast %get3A_559 : vector<1x16xf32> to vector<16xf32>
            %add3A_561 = arith.addf %add3A_552, %get3A_560 : vector<16xf32>
            %mul3A_562 = arith.constant 2 : i32
            %mul3A_563 = arith.muli %mul3A_562, %scan3A_489 : i32
            %get3A_564 = arith.index_cast %mul3A_563 : i32 to index
            %get3A_565 = arith.constant 64 : index
            %get3A_566 = tpu.vector_load %arg18[%get3A_564, %get3A_565] {strides = array<i32>} : memref<64x128xf32, #tpu.memory_space<vmem>>, vector<1x16xf32>,
            %get3A_567 = vector.shape_cast %get3A_566 : vector<1x16xf32> to vector<16xf32>
            %add3A_568 = arith.addf %scan3A_494, %get3A_567 : vector<16xf32>
            %mul3A_569 = arith.constant 2 : i32
            %mul3A_570 = arith.muli %mul3A_569, %scan3A_489 : i32
            %add3A_571 = arith.constant 1 : i32
            %add3A_572 = arith.addi %mul3A_570, %add3A_571 : i32
            %get3A_573 = arith.index_cast %add3A_572 : i32 to index
            %get3A_574 = arith.constant 64 : index
            %get3A_575 = tpu.vector_load %arg18[%get3A_573, %get3A_574] {strides = array<i32>} : memref<64x128xf32, #tpu.memory_space<vmem>>, vector<1x16xf32>,
            %get3A_576 = vector.shape_cast %get3A_575 : vector<1x16xf32> to vector<16xf32>
            %add3A_577 = arith.addf %add3A_568, %get3A_576 : vector<16xf32>
            %mul3A_578 = arith.constant 2 : i32
            %mul3A_579 = arith.muli %mul3A_578, %scan3A_489 : i32
            %get3A_580 = arith.index_cast %mul3A_579 : i32 to index
            %get3A_581 = arith.constant 80 : index
            %get3A_582 = tpu.vector_load %arg18[%get3A_580, %get3A_581] {strides = array<i32>} : memref<64x128xf32, #tpu.memory_space<vmem>>, vector<1x16xf32>,
            %get3A_583 = vector.shape_cast %get3A_582 : vector<1x16xf32> to vector<16xf32>
            %add3A_584 = arith.addf %scan3A_495, %get3A_583 : vector<16xf32>
            %mul3A_585 = arith.constant 2 : i32
            %mul3A_586 = arith.muli %mul3A_585, %scan3A_489 : i32
            %add3A_587 = arith.constant 1 : i32
            %add3A_588 = arith.addi %mul3A_586, %add3A_587 : i32
            %get3A_589 = arith.index_cast %add3A_588 : i32 to index
            %get3A_590 = arith.constant 80 : index
            %get3A_591 = tpu.vector_load %arg18[%get3A_589, %get3A_590] {strides = array<i32>} : memref<64x128xf32, #tpu.memory_space<vmem>>, vector<1x16xf32>,
            %get3A_592 = vector.shape_cast %get3A_591 : vector<1x16xf32> to vector<16xf32>
            %add3A_593 = arith.addf %add3A_584, %get3A_592 : vector<16xf32>
            %mul3A_594 = arith.constant 2 : i32
            %mul3A_595 = arith.muli %mul3A_594, %scan3A_489 : i32
            %get3A_596 = arith.index_cast %mul3A_595 : i32 to index
            %get3A_597 = arith.constant 96 : index
            %get3A_598 = tpu.vector_load %arg18[%get3A_596, %get3A_597] {strides = array<i32>} : memref<64x128xf32, #tpu.memory_space<vmem>>, vector<1x16xf32>,
            %get3A_599 = vector.shape_cast %get3A_598 : vector<1x16xf32> to vector<16xf32>
            %add3A_600 = arith.addf %scan3A_496, %get3A_599 : vector<16xf32>
            %mul3A_601 = arith.constant 2 : i32
            %mul3A_602 = arith.muli %mul3A_601, %scan3A_489 : i32
            %add3A_603 = arith.constant 1 : i32
            %add3A_604 = arith.addi %mul3A_602, %add3A_603 : i32
            %get3A_605 = arith.index_cast %add3A_604 : i32 to index
            %get3A_606 = arith.constant 96 : index
            %get3A_607 = tpu.vector_load %arg18[%get3A_605, %get3A_606] {strides = array<i32>} : memref<64x128xf32, #tpu.memory_space<vmem>>, vector<1x16xf32>,
            %get3A_608 = vector.shape_cast %get3A_607 : vector<1x16xf32> to vector<16xf32>
            %add3A_609 = arith.addf %add3A_600, %get3A_608 : vector<16xf32>
            %mul3A_610 = arith.constant 2 : i32
            %mul3A_611 = arith.muli %mul3A_610, %scan3A_489 : i32
            %get3A_612 = arith.index_cast %mul3A_611 : i32 to index
            %get3A_613 = arith.constant 112 : index
            %get3A_614 = tpu.vector_load %arg18[%get3A_612, %get3A_613] {strides = array<i32>} : memref<64x128xf32, #tpu.memory_space<vmem>>, vector<1x16xf32>,
            %get3A_615 = vector.shape_cast %get3A_614 : vector<1x16xf32> to vector<16xf32>
            %add3A_616 = arith.addf %scan3A_497, %get3A_615 : vector<16xf32>
            %mul3A_617 = arith.constant 2 : i32
            %mul3A_618 = arith.muli %mul3A_617, %scan3A_489 : i32
            %add3A_619 = arith.constant 1 : i32
            %add3A_620 = arith.addi %mul3A_618, %add3A_619 : i32
            %get3A_621 = arith.index_cast %add3A_620 : i32 to index
            %get3A_622 = arith.constant 112 : index
            %get3A_623 = tpu.vector_load %arg18[%get3A_621, %get3A_622] {strides = array<i32>} : memref<64x128xf32, #tpu.memory_space<vmem>>, vector<1x16xf32>,
            %get3A_624 = vector.shape_cast %get3A_623 : vector<1x16xf32> to vector<16xf32>
            %add3A_625 = arith.addf %add3A_616, %get3A_624 : vector<16xf32>
            scf.yield %add3A_513, %add3A_529, %add3A_545, %add3A_561, %add3A_577, %add3A_593, %add3A_609, %add3A_625 : vector<16xf32>, vector<16xf32>, vector<16xf32>, vector<16xf32>, vector<16xf32>, vector<16xf32>, vector<16xf32>, vector<16xf32>
          }
          %scan3A_425 = arith.constant 32 : i32
          %swap3A_426 = arith.constant 0 : i32
          %swap3A_427 = arith.index_cast %swap3A_426 : i32 to index
          %swap3A_428 = arith.constant 0 : index
          %swap3A_429 = tpu.vector_load %arg34[%swap3A_427, %swap3A_428] {strides = array<i32>} : memref<16x128xf32, #tpu.memory_space<vmem>>, vector<1x16xf32>,
          %swap3A_430 = vector.shape_cast %swap3A_429 : vector<1x16xf32> to vector<16xf32>
          %swap3A_431 = vector.shape_cast %scan3A_424#0 : vector<16xf32> to vector<1x16xf32>
          tpu.vector_store %arg34[%swap3A_427, %swap3A_428], %swap3A_431 {strides = array<i32>} : memref<16x128xf32, #tpu.memory_space<vmem>>, vector<1x16xf32>,
          %swap3A_432 = arith.constant 0 : i32
          %swap3A_433 = arith.index_cast %swap3A_432 : i32 to index
          %swap3A_434 = arith.constant 16 : index
          %swap3A_435 = tpu.vector_load %arg34[%swap3A_433, %swap3A_434] {strides = array<i32>} : memref<16x128xf32, #tpu.memory_space<vmem>>, vector<1x16xf32>,
          %swap3A_436 = vector.shape_cast %swap3A_435 : vector<1x16xf32> to vector<16xf32>
          %swap3A_437 = vector.shape_cast %scan3A_424#1 : vector<16xf32> to vector<1x16xf32>
          tpu.vector_store %arg34[%swap3A_433, %swap3A_434], %swap3A_437 {strides = array<i32>} : memref<16x128xf32, #tpu.memory_space<vmem>>, vector<1x16xf32>,
          %swap3A_438 = arith.constant 0 : i32
          %swap3A_439 = arith.index_cast %swap3A_438 : i32 to index
          %swap3A_440 = arith.constant 32 : index
          %swap3A_441 = tpu.vector_load %arg34[%swap3A_439, %swap3A_440] {strides = array<i32>} : memref<16x128xf32, #tpu.memory_space<vmem>>, vector<1x16xf32>,
          %swap3A_442 = vector.shape_cast %swap3A_441 : vector<1x16xf32> to vector<16xf32>
          %swap3A_443 = vector.shape_cast %scan3A_424#2 : vector<16xf32> to vector<1x16xf32>
          tpu.vector_store %arg34[%swap3A_439, %swap3A_440], %swap3A_443 {strides = array<i32>} : memref<16x128xf32, #tpu.memory_space<vmem>>, vector<1x16xf32>,
          %swap3A_444 = arith.constant 0 : i32
          %swap3A_445 = arith.index_cast %swap3A_444 : i32 to index
          %swap3A_446 = arith.constant 48 : index
          %swap3A_447 = tpu.vector_load %arg34[%swap3A_445, %swap3A_446] {strides = array<i32>} : memref<16x128xf32, #tpu.memory_space<vmem>>, vector<1x16xf32>,
          %swap3A_448 = vector.shape_cast %swap3A_447 : vector<1x16xf32> to vector<16xf32>
          %swap3A_449 = vector.shape_cast %scan3A_424#3 : vector<16xf32> to vector<1x16xf32>
          tpu.vector_store %arg34[%swap3A_445, %swap3A_446], %swap3A_449 {strides = array<i32>} : memref<16x128xf32, #tpu.memory_space<vmem>>, vector<1x16xf32>,
          %swap3A_450 = arith.constant 0 : i32
          %swap3A_451 = arith.index_cast %swap3A_450 : i32 to index
          %swap3A_452 = arith.constant 64 : index
          %swap3A_453 = tpu.vector_load %arg34[%swap3A_451, %swap3A_452] {strides = array<i32>} : memref<16x128xf32, #tpu.memory_space<vmem>>, vector<1x16xf32>,
          %swap3A_454 = vector.shape_cast %swap3A_453 : vector<1x16xf32> to vector<16xf32>
          %swap3A_455 = vector.shape_cast %scan3A_424#4 : vector<16xf32> to vector<1x16xf32>
          tpu.vector_store %arg34[%swap3A_451, %swap3A_452], %swap3A_455 {strides = array<i32>} : memref<16x128xf32, #tpu.memory_space<vmem>>, vector<1x16xf32>,
          %swap3A_456 = arith.constant 0 : i32
          %swap3A_457 = arith.index_cast %swap3A_456 : i32 to index
          %swap3A_458 = arith.constant 80 : index
          %swap3A_459 = tpu.vector_load %arg34[%swap3A_457, %swap3A_458] {strides = array<i32>} : memref<16x128xf32, #tpu.memory_space<vmem>>, vector<1x16xf32>,
          %swap3A_460 = vector.shape_cast %swap3A_459 : vector<1x16xf32> to vector<16xf32>
          %swap3A_461 = vector.shape_cast %scan3A_424#5 : vector<16xf32> to vector<1x16xf32>
          tpu.vector_store %arg34[%swap3A_457, %swap3A_458], %swap3A_461 {strides = array<i32>} : memref<16x128xf32, #tpu.memory_space<vmem>>, vector<1x16xf32>,
          %swap3A_462 = arith.constant 0 : i32
          %swap3A_463 = arith.index_cast %swap3A_462 : i32 to index
          %swap3A_464 = arith.constant 96 : index
          %swap3A_465 = tpu.vector_load %arg34[%swap3A_463, %swap3A_464] {strides = array<i32>} : memref<16x128xf32, #tpu.memory_space<vmem>>, vector<1x16xf32>,
          %swap3A_466 = vector.shape_cast %swap3A_465 : vector<1x16xf32> to vector<16xf32>
          %swap3A_467 = vector.shape_cast %scan3A_424#6 : vector<16xf32> to vector<1x16xf32>
          tpu.vector_store %arg34[%swap3A_463, %swap3A_464], %swap3A_467 {strides = array<i32>} : memref<16x128xf32, #tpu.memory_space<vmem>>, vector<1x16xf32>,
          %swap3A_468 = arith.constant 0 : i32
          %swap3A_469 = arith.index_cast %swap3A_468 : i32 to index
          %swap3A_470 = arith.constant 112 : index
          %swap3A_471 = tpu.vector_load %arg34[%swap3A_469, %swap3A_470] {strides = array<i32>} : memref<16x128xf32, #tpu.memory_space<vmem>>, vector<1x16xf32>,
          %swap3A_472 = vector.shape_cast %swap3A_471 : vector<1x16xf32> to vector<16xf32>
          %swap3A_473 = vector.shape_cast %scan3A_424#7 : vector<16xf32> to vector<1x16xf32>
          tpu.vector_store %arg34[%swap3A_469, %swap3A_470], %swap3A_473 {strides = array<i32>} : memref<16x128xf32, #tpu.memory_space<vmem>>, vector<1x16xf32>,
          %dma_start3A_474 = arith.constant 0 : i32
          %dma_start3A_475 = arith.constant 0 : i32
          %dma_start3A_476 = tpu.memref_slice %arg41[%dma_start3A_474, %dma_start3A_475] : memref<512x128xf32, #tpu.memory_space<vmem_shared>> -> memref<512x128xf32, #tpu.memory_space<vmem_shared>>
          tpu.enqueue_indirect_dma source(%arg34 : memref<16x128xf32, #tpu.memory_space<vmem>>) target(%dma_start3A_476 : memref<512x128xf32, #tpu.memory_space<vmem_shared>>) offsets(%arg36 : memref<16xi32, #tpu.memory_space<vmem>>) semaphore(%arg56 : memref<!tpu.dma_semaphore, #tpu.memory_space<semaphore_mem>>) {add = true}
          "tpu.region"() ({
            %run_scoped3A = tpu.sem_alloc : memref<!tpu.dma_semaphore, #tpu.memory_space<semaphore_mem>>
            %dma_start3A_489 = arith.constant 0 : i32
            %dma_start3A_490 = arith.constant 0 : i32
            %dma_start3A_491 = tpu.memref_slice %arg42[%dma_start3A_489, %dma_start3A_490] : memref<512x128xf32, #tpu.memory_space<vmem_shared>> -> memref<512x128xf32, #tpu.memory_space<vmem_shared>>
            tpu.enqueue_indirect_dma source(%arg27 : memref<16x128xf32, #tpu.memory_space<vmem>>) target(%dma_start3A_491 : memref<512x128xf32, #tpu.memory_space<vmem_shared>>) offsets(%arg36 : memref<16xi32, #tpu.memory_space<vmem>>) semaphore(%run_scoped3A : memref<!tpu.dma_semaphore, #tpu.memory_space<semaphore_mem>>) {add = true}
            %dma_wait3A_492 = arith.constant 0 : i32
            %dma_wait3A_493 = arith.constant 0 : i32
            %dma_wait3A_494 = tpu.memref_slice %arg42[%dma_wait3A_492, %dma_wait3A_493] : memref<512x128xf32, #tpu.memory_space<vmem_shared>> -> memref<512x128xf32, #tpu.memory_space<vmem_shared>>
            tpu.wait_indirect_dma semaphore(%run_scoped3A : memref<!tpu.dma_semaphore, #tpu.memory_space<semaphore_mem>>) src(%arg27 : memref<16x128xf32, #tpu.memory_space<vmem>>) dst(%dma_wait3A_494 : memref<512x128xf32, #tpu.memory_space<vmem_shared>>)
            tpu.yield
          }) : () -> ()
          %dma_wait3A_477 = arith.constant 0 : i32
          %dma_wait3A_478 = arith.constant 0 : i32
          %dma_wait3A_479 = tpu.memref_slice %arg38[%dma_wait3A_477, %dma_wait3A_478] : memref<512x128xf32, #tpu.memory_space<vmem_shared>> -> memref<512x128xf32, #tpu.memory_space<vmem_shared>>
          tpu.wait_indirect_dma semaphore(%arg53 : memref<!tpu.dma_semaphore, #tpu.memory_space<semaphore_mem>>) src(%arg28 : memref<16x128xf32, #tpu.memory_space<vmem>>) dst(%dma_wait3A_479 : memref<512x128xf32, #tpu.memory_space<vmem_shared>>)
          %dma_wait3A_480 = arith.constant 0 : i32
          %dma_wait3A_481 = arith.constant 0 : i32
          %dma_wait3A_482 = tpu.memref_slice %arg39[%dma_wait3A_480, %dma_wait3A_481] : memref<512x128xf32, #tpu.memory_space<vmem_shared>> -> memref<512x128xf32, #tpu.memory_space<vmem_shared>>
          tpu.wait_indirect_dma semaphore(%arg54 : memref<!tpu.dma_semaphore, #tpu.memory_space<semaphore_mem>>) src(%arg30 : memref<16x128xf32, #tpu.memory_space<vmem>>) dst(%dma_wait3A_482 : memref<512x128xf32, #tpu.memory_space<vmem_shared>>)
          %dma_wait3A_483 = arith.constant 0 : i32
          %dma_wait3A_484 = arith.constant 0 : i32
          %dma_wait3A_485 = tpu.memref_slice %arg40[%dma_wait3A_483, %dma_wait3A_484] : memref<512x128xf32, #tpu.memory_space<vmem_shared>> -> memref<512x128xf32, #tpu.memory_space<vmem_shared>>
          tpu.wait_indirect_dma semaphore(%arg55 : memref<!tpu.dma_semaphore, #tpu.memory_space<semaphore_mem>>) src(%arg32 : memref<16x128xf32, #tpu.memory_space<vmem>>) dst(%dma_wait3A_485 : memref<512x128xf32, #tpu.memory_space<vmem_shared>>)
          %dma_wait3A_486 = arith.constant 0 : i32
          %dma_wait3A_487 = arith.constant 0 : i32
          %dma_wait3A_488 = tpu.memref_slice %arg41[%dma_wait3A_486, %dma_wait3A_487] : memref<512x128xf32, #tpu.memory_space<vmem_shared>> -> memref<512x128xf32, #tpu.memory_space<vmem_shared>>
          tpu.wait_indirect_dma semaphore(%arg56 : memref<!tpu.dma_semaphore, #tpu.memory_space<semaphore_mem>>) src(%arg34 : memref<16x128xf32, #tpu.memory_space<vmem>>) dst(%dma_wait3A_488 : memref<512x128xf32, #tpu.memory_space<vmem_shared>>)
        } else {
        }
        %not3A = arith.constant true
        %not3A_177 = arith.xori %eq3A_173, %not3A : i1
        %convert_element_type3A_178 = arith.extui %not3A_177 : i1 to i32
        %cond3A_179 = arith.constant 0 : i32
        %cond3A_180 = arith.cmpi ne, %convert_element_type3A_178, %cond3A_179 : i32
        scf.if %cond3A_180 {
          %dma_start3A_181 = arith.constant 0 : i32
          %dma_start3A_182 = arith.constant 0 : i32
          %dma_start3A_183 = tpu.memref_slice %arg38[%dma_start3A_181, %dma_start3A_182] : memref<512x128xf32, #tpu.memory_space<vmem_shared>> -> memref<512x128xf32, #tpu.memory_space<vmem_shared>>
          tpu.enqueue_indirect_dma source(%arg12 : memref<64x128xf32, #tpu.memory_space<vmem>>) target(%dma_start3A_183 : memref<512x128xf32, #tpu.memory_space<vmem_shared>>) offsets(%arg20 : memref<64xi32, #tpu.memory_space<vmem>>) semaphore(%arg53 : memref<!tpu.dma_semaphore, #tpu.memory_space<semaphore_mem>>) {add = true}
          %dma_start3A_184 = arith.constant 0 : i32
          %dma_start3A_185 = arith.constant 0 : i32
          %dma_start3A_186 = tpu.memref_slice %arg39[%dma_start3A_184, %dma_start3A_185] : memref<512x128xf32, #tpu.memory_space<vmem_shared>> -> memref<512x128xf32, #tpu.memory_space<vmem_shared>>
          tpu.enqueue_indirect_dma source(%arg14 : memref<64x128xf32, #tpu.memory_space<vmem>>) target(%dma_start3A_186 : memref<512x128xf32, #tpu.memory_space<vmem_shared>>) offsets(%arg20 : memref<64xi32, #tpu.memory_space<vmem>>) semaphore(%arg54 : memref<!tpu.dma_semaphore, #tpu.memory_space<semaphore_mem>>) {add = true}
          %dma_start3A_187 = arith.constant 0 : i32
          %dma_start3A_188 = arith.constant 0 : i32
          %dma_start3A_189 = tpu.memref_slice %arg40[%dma_start3A_187, %dma_start3A_188] : memref<512x128xf32, #tpu.memory_space<vmem_shared>> -> memref<512x128xf32, #tpu.memory_space<vmem_shared>>
          tpu.enqueue_indirect_dma source(%arg16 : memref<64x128xf32, #tpu.memory_space<vmem>>) target(%dma_start3A_189 : memref<512x128xf32, #tpu.memory_space<vmem_shared>>) offsets(%arg20 : memref<64xi32, #tpu.memory_space<vmem>>) semaphore(%arg55 : memref<!tpu.dma_semaphore, #tpu.memory_space<semaphore_mem>>) {add = true}
          %dma_start3A_190 = arith.constant 0 : i32
          %dma_start3A_191 = arith.constant 0 : i32
          %dma_start3A_192 = tpu.memref_slice %arg41[%dma_start3A_190, %dma_start3A_191] : memref<512x128xf32, #tpu.memory_space<vmem_shared>> -> memref<512x128xf32, #tpu.memory_space<vmem_shared>>
          tpu.enqueue_indirect_dma source(%arg18 : memref<64x128xf32, #tpu.memory_space<vmem>>) target(%dma_start3A_192 : memref<512x128xf32, #tpu.memory_space<vmem_shared>>) offsets(%arg20 : memref<64xi32, #tpu.memory_space<vmem>>) semaphore(%arg56 : memref<!tpu.dma_semaphore, #tpu.memory_space<semaphore_mem>>) {add = true}
          "tpu.region"() ({
            %run_scoped3A = tpu.sem_alloc : memref<!tpu.dma_semaphore, #tpu.memory_space<semaphore_mem>>
            %dma_start3A_205 = arith.constant 0 : i32
            %dma_start3A_206 = arith.constant 0 : i32
            %dma_start3A_207 = tpu.memref_slice %arg42[%dma_start3A_205, %dma_start3A_206] : memref<512x128xf32, #tpu.memory_space<vmem_shared>> -> memref<512x128xf32, #tpu.memory_space<vmem_shared>>
            tpu.enqueue_indirect_dma source(%arg22 : memref<64x128xf32, #tpu.memory_space<vmem>>) target(%dma_start3A_207 : memref<512x128xf32, #tpu.memory_space<vmem_shared>>) offsets(%arg20 : memref<64xi32, #tpu.memory_space<vmem>>) semaphore(%run_scoped3A : memref<!tpu.dma_semaphore, #tpu.memory_space<semaphore_mem>>) {add = true}
            %dma_wait3A_208 = arith.constant 0 : i32
            %dma_wait3A_209 = arith.constant 0 : i32
            %dma_wait3A_210 = tpu.memref_slice %arg42[%dma_wait3A_208, %dma_wait3A_209] : memref<512x128xf32, #tpu.memory_space<vmem_shared>> -> memref<512x128xf32, #tpu.memory_space<vmem_shared>>
            tpu.wait_indirect_dma semaphore(%run_scoped3A : memref<!tpu.dma_semaphore, #tpu.memory_space<semaphore_mem>>) src(%arg22 : memref<64x128xf32, #tpu.memory_space<vmem>>) dst(%dma_wait3A_210 : memref<512x128xf32, #tpu.memory_space<vmem_shared>>)
            tpu.yield
          }) : () -> ()
          %dma_wait3A_193 = arith.constant 0 : i32
          %dma_wait3A_194 = arith.constant 0 : i32
          %dma_wait3A_195 = tpu.memref_slice %arg38[%dma_wait3A_193, %dma_wait3A_194] : memref<512x128xf32, #tpu.memory_space<vmem_shared>> -> memref<512x128xf32, #tpu.memory_space<vmem_shared>>
          tpu.wait_indirect_dma semaphore(%arg53 : memref<!tpu.dma_semaphore, #tpu.memory_space<semaphore_mem>>) src(%arg12 : memref<64x128xf32, #tpu.memory_space<vmem>>) dst(%dma_wait3A_195 : memref<512x128xf32, #tpu.memory_space<vmem_shared>>)
          %dma_wait3A_196 = arith.constant 0 : i32
          %dma_wait3A_197 = arith.constant 0 : i32
          %dma_wait3A_198 = tpu.memref_slice %arg39[%dma_wait3A_196, %dma_wait3A_197] : memref<512x128xf32, #tpu.memory_space<vmem_shared>> -> memref<512x128xf32, #tpu.memory_space<vmem_shared>>
          tpu.wait_indirect_dma semaphore(%arg54 : memref<!tpu.dma_semaphore, #tpu.memory_space<semaphore_mem>>) src(%arg14 : memref<64x128xf32, #tpu.memory_space<vmem>>) dst(%dma_wait3A_198 : memref<512x128xf32, #tpu.memory_space<vmem_shared>>)
          %dma_wait3A_199 = arith.constant 0 : i32
          %dma_wait3A_200 = arith.constant 0 : i32
          %dma_wait3A_201 = tpu.memref_slice %arg40[%dma_wait3A_199, %dma_wait3A_200] : memref<512x128xf32, #tpu.memory_space<vmem_shared>> -> memref<512x128xf32, #tpu.memory_space<vmem_shared>>
          tpu.wait_indirect_dma semaphore(%arg55 : memref<!tpu.dma_semaphore, #tpu.memory_space<semaphore_mem>>) src(%arg16 : memref<64x128xf32, #tpu.memory_space<vmem>>) dst(%dma_wait3A_201 : memref<512x128xf32, #tpu.memory_space<vmem_shared>>)
          %dma_wait3A_202 = arith.constant 0 : i32
          %dma_wait3A_203 = arith.constant 0 : i32
          %dma_wait3A_204 = tpu.memref_slice %arg41[%dma_wait3A_202, %dma_wait3A_203] : memref<512x128xf32, #tpu.memory_space<vmem_shared>> -> memref<512x128xf32, #tpu.memory_space<vmem_shared>>
          tpu.wait_indirect_dma semaphore(%arg56 : memref<!tpu.dma_semaphore, #tpu.memory_space<semaphore_mem>>) src(%arg18 : memref<64x128xf32, #tpu.memory_space<vmem>>) dst(%dma_wait3A_204 : memref<512x128xf32, #tpu.memory_space<vmem_shared>>)
        } else {
        }
      } else {
      }
      %mul3A_121 = arith.constant 2 : i32
      %mul3A_122 = arith.muli %mul3A_121, %scan3A_108 : i32
      %add3A_123 = arith.constant 1 : i32
      %add3A_124 = arith.addi %mul3A_122, %add3A_123 : i32
      %mul3A_125 = arith.constant 32 : i32
      %mul3A_126 = arith.muli %add3A_124, %mul3A_125 : i32
      %add3A_127 = arith.addi %mul3A_126, %add3A : i32
      %mul3A_128 = arith.constant 64 : i32
      %mul3A_129 = arith.muli %add3A_127, %mul3A_128 : i32
      %multiple_of3A_130 = tpu.assume_multiple %mul3A_129, 64 : i32
      %lt3A_131 = arith.constant 1562 : i32
      %lt3A_132 = arith.cmpi slt, %add3A_127, %lt3A_131 : i32
      %convert_element_type3A_133 = arith.extui %lt3A_132 : i1 to i32
      %cond3A_134 = arith.constant 0 : i32
      %cond3A_135 = arith.cmpi ne, %convert_element_type3A_133, %cond3A_134 : i32
      scf.if %cond3A_135 {
        %add3A_136 = arith.constant 32 : i32
        %add3A_137 = arith.addi %add3A_127, %add3A_136 : i32
        %lt3A_138 = arith.constant 1562 : i32
        %lt3A_139 = arith.cmpi slt, %add3A_137, %lt3A_138 : i32
        %convert_element_type3A_140 = arith.extui %lt3A_139 : i1 to i32
        %cond3A_141 = arith.constant 0 : i32
        %cond3A_142 = arith.cmpi ne, %convert_element_type3A_140, %cond3A_141 : i32
        scf.if %cond3A_142 {
          %add3A_181 = arith.constant 1 : i32
          %add3A_182 = arith.addi %add3A_124, %add3A_181 : i32
          %mul3A_183 = arith.constant 32 : i32
          %mul3A_184 = arith.muli %add3A_182, %mul3A_183 : i32
          %add3A_185 = arith.addi %mul3A_184, %add3A : i32
          %mul3A_186 = arith.constant 64 : i32
          %mul3A_187 = arith.muli %add3A_185, %mul3A_186 : i32
          %multiple_of3A_188 = tpu.assume_multiple %mul3A_187, 64 : i32
          %dma_start3A_189 = tpu.memref_slice %arg6[%multiple_of3A_188] : memref<100000xi32, #tpu.memory_space<hbm>> -> memref<64xi32, #tpu.memory_space<hbm>>
          %dma_start3A_190 = tpu.memref_slice %arg6[%multiple_of3A_188] : memref<100000xi32, #tpu.memory_space<hbm>> -> memref<64xi32, #tpu.memory_space<hbm>>
          tpu.enqueue_dma source(%dma_start3A_190 : memref<64xi32, #tpu.memory_space<hbm>>) target(%arg20 : memref<64xi32, #tpu.memory_space<vmem>>) target_semaphore(%arg51 : memref<!tpu.dma_semaphore, #tpu.memory_space<semaphore_mem>>)
          %dma_start3A_191 = arith.constant 0 : i32
          %dma_start3A_192 = tpu.memref_slice %arg2[%multiple_of3A_188, %dma_start3A_191] : memref<100000x128xf32, #tpu.memory_space<hbm>> -> memref<64x128xf32, #tpu.memory_space<hbm>>
          %dma_start3A_193 = arith.constant 0 : i32
          %dma_start3A_194 = tpu.memref_slice %arg2[%multiple_of3A_188, %dma_start3A_193] : memref<100000x128xf32, #tpu.memory_space<hbm>> -> memref<64x128xf32, #tpu.memory_space<hbm>>
          tpu.enqueue_dma source(%dma_start3A_194 : memref<64x128xf32, #tpu.memory_space<hbm>>) target(%arg12 : memref<64x128xf32, #tpu.memory_space<vmem>>) target_semaphore(%arg43 : memref<!tpu.dma_semaphore, #tpu.memory_space<semaphore_mem>>)
          %dma_start3A_195 = arith.constant 0 : i32
          %dma_start3A_196 = tpu.memref_slice %arg3[%multiple_of3A_188, %dma_start3A_195] : memref<100000x128xf32, #tpu.memory_space<hbm>> -> memref<64x128xf32, #tpu.memory_space<hbm>>
          %dma_start3A_197 = arith.constant 0 : i32
          %dma_start3A_198 = tpu.memref_slice %arg3[%multiple_of3A_188, %dma_start3A_197] : memref<100000x128xf32, #tpu.memory_space<hbm>> -> memref<64x128xf32, #tpu.memory_space<hbm>>
          tpu.enqueue_dma source(%dma_start3A_198 : memref<64x128xf32, #tpu.memory_space<hbm>>) target(%arg14 : memref<64x128xf32, #tpu.memory_space<vmem>>) target_semaphore(%arg45 : memref<!tpu.dma_semaphore, #tpu.memory_space<semaphore_mem>>)
          %dma_start3A_199 = arith.constant 0 : i32
          %dma_start3A_200 = tpu.memref_slice %arg4[%multiple_of3A_188, %dma_start3A_199] : memref<100000x128xf32, #tpu.memory_space<hbm>> -> memref<64x128xf32, #tpu.memory_space<hbm>>
          %dma_start3A_201 = arith.constant 0 : i32
          %dma_start3A_202 = tpu.memref_slice %arg4[%multiple_of3A_188, %dma_start3A_201] : memref<100000x128xf32, #tpu.memory_space<hbm>> -> memref<64x128xf32, #tpu.memory_space<hbm>>
          tpu.enqueue_dma source(%dma_start3A_202 : memref<64x128xf32, #tpu.memory_space<hbm>>) target(%arg16 : memref<64x128xf32, #tpu.memory_space<vmem>>) target_semaphore(%arg47 : memref<!tpu.dma_semaphore, #tpu.memory_space<semaphore_mem>>)
          %dma_start3A_203 = arith.constant 0 : i32
          %dma_start3A_204 = tpu.memref_slice %arg5[%multiple_of3A_188, %dma_start3A_203] : memref<100000x128xf32, #tpu.memory_space<hbm>> -> memref<64x128xf32, #tpu.memory_space<hbm>>
          %dma_start3A_205 = arith.constant 0 : i32
          %dma_start3A_206 = tpu.memref_slice %arg5[%multiple_of3A_188, %dma_start3A_205] : memref<100000x128xf32, #tpu.memory_space<hbm>> -> memref<64x128xf32, #tpu.memory_space<hbm>>
          tpu.enqueue_dma source(%dma_start3A_206 : memref<64x128xf32, #tpu.memory_space<hbm>>) target(%arg18 : memref<64x128xf32, #tpu.memory_space<vmem>>) target_semaphore(%arg49 : memref<!tpu.dma_semaphore, #tpu.memory_space<semaphore_mem>>)
        } else {
        }
        %dma_wait3A = tpu.memref_slice %arg6[%multiple_of3A_130] : memref<100000xi32, #tpu.memory_space<hbm>> -> memref<64xi32, #tpu.memory_space<hbm>>
        %dma_wait3A_143 = tpu.memref_slice %arg6[%multiple_of3A_130] : memref<100000xi32, #tpu.memory_space<hbm>> -> memref<64xi32, #tpu.memory_space<hbm>>
        tpu.wait_dma2 semaphore(%arg52 : memref<!tpu.dma_semaphore, #tpu.memory_space<semaphore_mem>>) src(%dma_wait3A_143 : memref<64xi32, #tpu.memory_space<hbm>>) dst(%arg21 : memref<64xi32, #tpu.memory_space<vmem>>)
        %dma_wait3A_144 = arith.constant 0 : i32
        %dma_wait3A_145 = tpu.memref_slice %arg2[%multiple_of3A_130, %dma_wait3A_144] : memref<100000x128xf32, #tpu.memory_space<hbm>> -> memref<64x128xf32, #tpu.memory_space<hbm>>
        %dma_wait3A_146 = arith.constant 0 : i32
        %dma_wait3A_147 = tpu.memref_slice %arg2[%multiple_of3A_130, %dma_wait3A_146] : memref<100000x128xf32, #tpu.memory_space<hbm>> -> memref<64x128xf32, #tpu.memory_space<hbm>>
        tpu.wait_dma2 semaphore(%arg44 : memref<!tpu.dma_semaphore, #tpu.memory_space<semaphore_mem>>) src(%dma_wait3A_147 : memref<64x128xf32, #tpu.memory_space<hbm>>) dst(%arg13 : memref<64x128xf32, #tpu.memory_space<vmem>>)
        %dma_wait3A_148 = arith.constant 0 : i32
        %dma_wait3A_149 = tpu.memref_slice %arg3[%multiple_of3A_130, %dma_wait3A_148] : memref<100000x128xf32, #tpu.memory_space<hbm>> -> memref<64x128xf32, #tpu.memory_space<hbm>>
        %dma_wait3A_150 = arith.constant 0 : i32
        %dma_wait3A_151 = tpu.memref_slice %arg3[%multiple_of3A_130, %dma_wait3A_150] : memref<100000x128xf32, #tpu.memory_space<hbm>> -> memref<64x128xf32, #tpu.memory_space<hbm>>
        tpu.wait_dma2 semaphore(%arg46 : memref<!tpu.dma_semaphore, #tpu.memory_space<semaphore_mem>>) src(%dma_wait3A_151 : memref<64x128xf32, #tpu.memory_space<hbm>>) dst(%arg15 : memref<64x128xf32, #tpu.memory_space<vmem>>)
        %dma_wait3A_152 = arith.constant 0 : i32
        %dma_wait3A_153 = tpu.memref_slice %arg4[%multiple_of3A_130, %dma_wait3A_152] : memref<100000x128xf32, #tpu.memory_space<hbm>> -> memref<64x128xf32, #tpu.memory_space<hbm>>
        %dma_wait3A_154 = arith.constant 0 : i32
        %dma_wait3A_155 = tpu.memref_slice %arg4[%multiple_of3A_130, %dma_wait3A_154] : memref<100000x128xf32, #tpu.memory_space<hbm>> -> memref<64x128xf32, #tpu.memory_space<hbm>>
        tpu.wait_dma2 semaphore(%arg48 : memref<!tpu.dma_semaphore, #tpu.memory_space<semaphore_mem>>) src(%dma_wait3A_155 : memref<64x128xf32, #tpu.memory_space<hbm>>) dst(%arg17 : memref<64x128xf32, #tpu.memory_space<vmem>>)
        %dma_wait3A_156 = arith.constant 0 : i32
        %dma_wait3A_157 = tpu.memref_slice %arg5[%multiple_of3A_130, %dma_wait3A_156] : memref<100000x128xf32, #tpu.memory_space<hbm>> -> memref<64x128xf32, #tpu.memory_space<hbm>>
        %dma_wait3A_158 = arith.constant 0 : i32
        %dma_wait3A_159 = tpu.memref_slice %arg5[%multiple_of3A_130, %dma_wait3A_158] : memref<100000x128xf32, #tpu.memory_space<hbm>> -> memref<64x128xf32, #tpu.memory_space<hbm>>
        tpu.wait_dma2 semaphore(%arg50 : memref<!tpu.dma_semaphore, #tpu.memory_space<semaphore_mem>>) src(%dma_wait3A_159 : memref<64x128xf32, #tpu.memory_space<hbm>>) dst(%arg19 : memref<64x128xf32, #tpu.memory_space<vmem>>)
        %get3A = arith.constant 0 : index
        %get3A_160 = tpu.vector_load %arg21[%get3A] {strides = array<i32>} : memref<64xi32, #tpu.memory_space<vmem>>, vector<16xi32>,
        %get3A_161 = vector.shape_cast %get3A_160 : vector<16xi32> to vector<16xi32>
        %get3A_162 = arith.constant 16 : index
        %get3A_163 = tpu.vector_load %arg21[%get3A_162] {strides = array<i32>} : memref<64xi32, #tpu.memory_space<vmem>>, vector<16xi32>,
        %get3A_164 = vector.shape_cast %get3A_163 : vector<16xi32> to vector<16xi32>
        %get3A_165 = arith.constant 32 : index
        %get3A_166 = tpu.vector_load %arg21[%get3A_165] {strides = array<i32>} : memref<64xi32, #tpu.memory_space<vmem>>, vector<16xi32>,
        %get3A_167 = vector.shape_cast %get3A_166 : vector<16xi32> to vector<16xi32>
        %get3A_168 = arith.constant 48 : index
        %get3A_169 = tpu.vector_load %arg21[%get3A_168] {strides = array<i32>} : memref<64xi32, #tpu.memory_space<vmem>>, vector<16xi32>,
        %get3A_170 = vector.shape_cast %get3A_169 : vector<16xi32> to vector<16xi32>
        %slice3A = vector.extract_strided_slice %get3A_161 {offsets = [0], sizes = [1], strides = [1]} : vector<16xi32> to vector<1xi32>
        %squeeze3A = vector.extract %slice3A[0] : i32 from vector<1xi32>
        %slice3A_171 = vector.extract_strided_slice %get3A_170 {offsets = [15], sizes = [1], strides = [1]} : vector<16xi32> to vector<1xi32>
        %squeeze3A_172 = vector.extract %slice3A_171[0] : i32 from vector<1xi32>
        %eq3A_173 = arith.cmpi eq, %squeeze3A, %squeeze3A_172 : i32
        %convert_element_type3A_174 = arith.extui %eq3A_173 : i1 to i32
        %cond3A_175 = arith.constant 0 : i32
        %cond3A_176 = arith.cmpi ne, %convert_element_type3A_174, %cond3A_175 : i32
        scf.if %cond3A_176 {
          %swap3A_181 = arith.constant 0 : index
          %swap3A_182 = tpu.vector_load %arg37[%swap3A_181] {strides = array<i32>} : memref<16xi32, #tpu.memory_space<vmem>>, vector<16xi32>,
          %swap3A_183 = vector.shape_cast %swap3A_182 : vector<16xi32> to vector<16xi32>
          %swap3A_184 = vector.shape_cast %get3A_161 : vector<16xi32> to vector<16xi32>
          tpu.vector_store %arg37[%swap3A_181], %swap3A_184 {strides = array<i32>} : memref<16xi32, #tpu.memory_space<vmem>>, vector<16xi32>,
          %broadcast_in_dim3A_185 = arith.constant 0.000000e+00 : f32
          %broadcast_in_dim3A_186 = vector.broadcast %broadcast_in_dim3A_185 : f32 to vector<16xf32>
          %broadcast_in_dim3A_187 = arith.constant 0.000000e+00 : f32
          %broadcast_in_dim3A_188 = vector.broadcast %broadcast_in_dim3A_187 : f32 to vector<16xf32>
          %broadcast_in_dim3A_189 = arith.constant 0.000000e+00 : f32
          %broadcast_in_dim3A_190 = vector.broadcast %broadcast_in_dim3A_189 : f32 to vector<16xf32>
          %broadcast_in_dim3A_191 = arith.constant 0.000000e+00 : f32
          %broadcast_in_dim3A_192 = vector.broadcast %broadcast_in_dim3A_191 : f32 to vector<16xf32>
          %broadcast_in_dim3A_193 = arith.constant 0.000000e+00 : f32
          %broadcast_in_dim3A_194 = vector.broadcast %broadcast_in_dim3A_193 : f32 to vector<16xf32>
          %broadcast_in_dim3A_195 = arith.constant 0.000000e+00 : f32
          %broadcast_in_dim3A_196 = vector.broadcast %broadcast_in_dim3A_195 : f32 to vector<16xf32>
          %broadcast_in_dim3A_197 = arith.constant 0.000000e+00 : f32
          %broadcast_in_dim3A_198 = vector.broadcast %broadcast_in_dim3A_197 : f32 to vector<16xf32>
          %broadcast_in_dim3A_199 = arith.constant 0.000000e+00 : f32
          %broadcast_in_dim3A_200 = vector.broadcast %broadcast_in_dim3A_199 : f32 to vector<16xf32>
          %scan3A_201 = arith.constant 0 : i32
          %scan3A_202 = arith.constant 32 : i32
          %scan3A_203 = arith.addi %scan3A_201, %scan3A_202 : i32
          %scan3A_204 = arith.constant 1 : i32
          %scan3A_205:8 = scf.for %scan3A_489 = %scan3A_201 to %scan3A_203 step %scan3A_204 iter_args(%scan3A_490 = %broadcast_in_dim3A_186, %scan3A_491 = %broadcast_in_dim3A_188, %scan3A_492 = %broadcast_in_dim3A_190, %scan3A_493 = %broadcast_in_dim3A_192, %scan3A_494 = %broadcast_in_dim3A_194, %scan3A_495 = %broadcast_in_dim3A_196, %scan3A_496 = %broadcast_in_dim3A_198, %scan3A_497 = %broadcast_in_dim3A_200) -> (vector<16xf32>, vector<16xf32>, vector<16xf32>, vector<16xf32>, vector<16xf32>, vector<16xf32>, vector<16xf32>, vector<16xf32>)  : i32 {
            %mul3A_498 = arith.constant 2 : i32
            %mul3A_499 = arith.muli %mul3A_498, %scan3A_489 : i32
            %get3A_500 = arith.index_cast %mul3A_499 : i32 to index
            %get3A_501 = arith.constant 0 : index
            %get3A_502 = tpu.vector_load %arg13[%get3A_500, %get3A_501] {strides = array<i32>} : memref<64x128xf32, #tpu.memory_space<vmem>>, vector<1x16xf32>,
            %get3A_503 = vector.shape_cast %get3A_502 : vector<1x16xf32> to vector<16xf32>
            %add3A_504 = arith.addf %scan3A_490, %get3A_503 : vector<16xf32>
            %mul3A_505 = arith.constant 2 : i32
            %mul3A_506 = arith.muli %mul3A_505, %scan3A_489 : i32
            %add3A_507 = arith.constant 1 : i32
            %add3A_508 = arith.addi %mul3A_506, %add3A_507 : i32
            %get3A_509 = arith.index_cast %add3A_508 : i32 to index
            %get3A_510 = arith.constant 0 : index
            %get3A_511 = tpu.vector_load %arg13[%get3A_509, %get3A_510] {strides = array<i32>} : memref<64x128xf32, #tpu.memory_space<vmem>>, vector<1x16xf32>,
            %get3A_512 = vector.shape_cast %get3A_511 : vector<1x16xf32> to vector<16xf32>
            %add3A_513 = arith.addf %add3A_504, %get3A_512 : vector<16xf32>
            %mul3A_514 = arith.constant 2 : i32
            %mul3A_515 = arith.muli %mul3A_514, %scan3A_489 : i32
            %get3A_516 = arith.index_cast %mul3A_515 : i32 to index
            %get3A_517 = arith.constant 16 : index
            %get3A_518 = tpu.vector_load %arg13[%get3A_516, %get3A_517] {strides = array<i32>} : memref<64x128xf32, #tpu.memory_space<vmem>>, vector<1x16xf32>,
            %get3A_519 = vector.shape_cast %get3A_518 : vector<1x16xf32> to vector<16xf32>
            %add3A_520 = arith.addf %scan3A_491, %get3A_519 : vector<16xf32>
            %mul3A_521 = arith.constant 2 : i32
            %mul3A_522 = arith.muli %mul3A_521, %scan3A_489 : i32
            %add3A_523 = arith.constant 1 : i32
            %add3A_524 = arith.addi %mul3A_522, %add3A_523 : i32
            %get3A_525 = arith.index_cast %add3A_524 : i32 to index
            %get3A_526 = arith.constant 16 : index
            %get3A_527 = tpu.vector_load %arg13[%get3A_525, %get3A_526] {strides = array<i32>} : memref<64x128xf32, #tpu.memory_space<vmem>>, vector<1x16xf32>,
            %get3A_528 = vector.shape_cast %get3A_527 : vector<1x16xf32> to vector<16xf32>
            %add3A_529 = arith.addf %add3A_520, %get3A_528 : vector<16xf32>
            %mul3A_530 = arith.constant 2 : i32
            %mul3A_531 = arith.muli %mul3A_530, %scan3A_489 : i32
            %get3A_532 = arith.index_cast %mul3A_531 : i32 to index
            %get3A_533 = arith.constant 32 : index
            %get3A_534 = tpu.vector_load %arg13[%get3A_532, %get3A_533] {strides = array<i32>} : memref<64x128xf32, #tpu.memory_space<vmem>>, vector<1x16xf32>,
            %get3A_535 = vector.shape_cast %get3A_534 : vector<1x16xf32> to vector<16xf32>
            %add3A_536 = arith.addf %scan3A_492, %get3A_535 : vector<16xf32>
            %mul3A_537 = arith.constant 2 : i32
            %mul3A_538 = arith.muli %mul3A_537, %scan3A_489 : i32
            %add3A_539 = arith.constant 1 : i32
            %add3A_540 = arith.addi %mul3A_538, %add3A_539 : i32
            %get3A_541 = arith.index_cast %add3A_540 : i32 to index
            %get3A_542 = arith.constant 32 : index
            %get3A_543 = tpu.vector_load %arg13[%get3A_541, %get3A_542] {strides = array<i32>} : memref<64x128xf32, #tpu.memory_space<vmem>>, vector<1x16xf32>,
            %get3A_544 = vector.shape_cast %get3A_543 : vector<1x16xf32> to vector<16xf32>
            %add3A_545 = arith.addf %add3A_536, %get3A_544 : vector<16xf32>
            %mul3A_546 = arith.constant 2 : i32
            %mul3A_547 = arith.muli %mul3A_546, %scan3A_489 : i32
            %get3A_548 = arith.index_cast %mul3A_547 : i32 to index
            %get3A_549 = arith.constant 48 : index
            %get3A_550 = tpu.vector_load %arg13[%get3A_548, %get3A_549] {strides = array<i32>} : memref<64x128xf32, #tpu.memory_space<vmem>>, vector<1x16xf32>,
            %get3A_551 = vector.shape_cast %get3A_550 : vector<1x16xf32> to vector<16xf32>
            %add3A_552 = arith.addf %scan3A_493, %get3A_551 : vector<16xf32>
            %mul3A_553 = arith.constant 2 : i32
            %mul3A_554 = arith.muli %mul3A_553, %scan3A_489 : i32
            %add3A_555 = arith.constant 1 : i32
            %add3A_556 = arith.addi %mul3A_554, %add3A_555 : i32
            %get3A_557 = arith.index_cast %add3A_556 : i32 to index
            %get3A_558 = arith.constant 48 : index
            %get3A_559 = tpu.vector_load %arg13[%get3A_557, %get3A_558] {strides = array<i32>} : memref<64x128xf32, #tpu.memory_space<vmem>>, vector<1x16xf32>,
            %get3A_560 = vector.shape_cast %get3A_559 : vector<1x16xf32> to vector<16xf32>
            %add3A_561 = arith.addf %add3A_552, %get3A_560 : vector<16xf32>
            %mul3A_562 = arith.constant 2 : i32
            %mul3A_563 = arith.muli %mul3A_562, %scan3A_489 : i32
            %get3A_564 = arith.index_cast %mul3A_563 : i32 to index
            %get3A_565 = arith.constant 64 : index
            %get3A_566 = tpu.vector_load %arg13[%get3A_564, %get3A_565] {strides = array<i32>} : memref<64x128xf32, #tpu.memory_space<vmem>>, vector<1x16xf32>,
            %get3A_567 = vector.shape_cast %get3A_566 : vector<1x16xf32> to vector<16xf32>
            %add3A_568 = arith.addf %scan3A_494, %get3A_567 : vector<16xf32>
            %mul3A_569 = arith.constant 2 : i32
            %mul3A_570 = arith.muli %mul3A_569, %scan3A_489 : i32
            %add3A_571 = arith.constant 1 : i32
            %add3A_572 = arith.addi %mul3A_570, %add3A_571 : i32
            %get3A_573 = arith.index_cast %add3A_572 : i32 to index
            %get3A_574 = arith.constant 64 : index
            %get3A_575 = tpu.vector_load %arg13[%get3A_573, %get3A_574] {strides = array<i32>} : memref<64x128xf32, #tpu.memory_space<vmem>>, vector<1x16xf32>,
            %get3A_576 = vector.shape_cast %get3A_575 : vector<1x16xf32> to vector<16xf32>
            %add3A_577 = arith.addf %add3A_568, %get3A_576 : vector<16xf32>
            %mul3A_578 = arith.constant 2 : i32
            %mul3A_579 = arith.muli %mul3A_578, %scan3A_489 : i32
            %get3A_580 = arith.index_cast %mul3A_579 : i32 to index
            %get3A_581 = arith.constant 80 : index
            %get3A_582 = tpu.vector_load %arg13[%get3A_580, %get3A_581] {strides = array<i32>} : memref<64x128xf32, #tpu.memory_space<vmem>>, vector<1x16xf32>,
            %get3A_583 = vector.shape_cast %get3A_582 : vector<1x16xf32> to vector<16xf32>
            %add3A_584 = arith.addf %scan3A_495, %get3A_583 : vector<16xf32>
            %mul3A_585 = arith.constant 2 : i32
            %mul3A_586 = arith.muli %mul3A_585, %scan3A_489 : i32
            %add3A_587 = arith.constant 1 : i32
            %add3A_588 = arith.addi %mul3A_586, %add3A_587 : i32
            %get3A_589 = arith.index_cast %add3A_588 : i32 to index
            %get3A_590 = arith.constant 80 : index
            %get3A_591 = tpu.vector_load %arg13[%get3A_589, %get3A_590] {strides = array<i32>} : memref<64x128xf32, #tpu.memory_space<vmem>>, vector<1x16xf32>,
            %get3A_592 = vector.shape_cast %get3A_591 : vector<1x16xf32> to vector<16xf32>
            %add3A_593 = arith.addf %add3A_584, %get3A_592 : vector<16xf32>
            %mul3A_594 = arith.constant 2 : i32
            %mul3A_595 = arith.muli %mul3A_594, %scan3A_489 : i32
            %get3A_596 = arith.index_cast %mul3A_595 : i32 to index
            %get3A_597 = arith.constant 96 : index
            %get3A_598 = tpu.vector_load %arg13[%get3A_596, %get3A_597] {strides = array<i32>} : memref<64x128xf32, #tpu.memory_space<vmem>>, vector<1x16xf32>,
            %get3A_599 = vector.shape_cast %get3A_598 : vector<1x16xf32> to vector<16xf32>
            %add3A_600 = arith.addf %scan3A_496, %get3A_599 : vector<16xf32>
            %mul3A_601 = arith.constant 2 : i32
            %mul3A_602 = arith.muli %mul3A_601, %scan3A_489 : i32
            %add3A_603 = arith.constant 1 : i32
            %add3A_604 = arith.addi %mul3A_602, %add3A_603 : i32
            %get3A_605 = arith.index_cast %add3A_604 : i32 to index
            %get3A_606 = arith.constant 96 : index
            %get3A_607 = tpu.vector_load %arg13[%get3A_605, %get3A_606] {strides = array<i32>} : memref<64x128xf32, #tpu.memory_space<vmem>>, vector<1x16xf32>,
            %get3A_608 = vector.shape_cast %get3A_607 : vector<1x16xf32> to vector<16xf32>
            %add3A_609 = arith.addf %add3A_600, %get3A_608 : vector<16xf32>
            %mul3A_610 = arith.constant 2 : i32
            %mul3A_611 = arith.muli %mul3A_610, %scan3A_489 : i32
            %get3A_612 = arith.index_cast %mul3A_611 : i32 to index
            %get3A_613 = arith.constant 112 : index
            %get3A_614 = tpu.vector_load %arg13[%get3A_612, %get3A_613] {strides = array<i32>} : memref<64x128xf32, #tpu.memory_space<vmem>>, vector<1x16xf32>,
            %get3A_615 = vector.shape_cast %get3A_614 : vector<1x16xf32> to vector<16xf32>
            %add3A_616 = arith.addf %scan3A_497, %get3A_615 : vector<16xf32>
            %mul3A_617 = arith.constant 2 : i32
            %mul3A_618 = arith.muli %mul3A_617, %scan3A_489 : i32
            %add3A_619 = arith.constant 1 : i32
            %add3A_620 = arith.addi %mul3A_618, %add3A_619 : i32
            %get3A_621 = arith.index_cast %add3A_620 : i32 to index
            %get3A_622 = arith.constant 112 : index
            %get3A_623 = tpu.vector_load %arg13[%get3A_621, %get3A_622] {strides = array<i32>} : memref<64x128xf32, #tpu.memory_space<vmem>>, vector<1x16xf32>,
            %get3A_624 = vector.shape_cast %get3A_623 : vector<1x16xf32> to vector<16xf32>
            %add3A_625 = arith.addf %add3A_616, %get3A_624 : vector<16xf32>
            scf.yield %add3A_513, %add3A_529, %add3A_545, %add3A_561, %add3A_577, %add3A_593, %add3A_609, %add3A_625 : vector<16xf32>, vector<16xf32>, vector<16xf32>, vector<16xf32>, vector<16xf32>, vector<16xf32>, vector<16xf32>, vector<16xf32>
          }
          %scan3A_206 = arith.constant 32 : i32
          %swap3A_207 = arith.constant 0 : i32
          %swap3A_208 = arith.index_cast %swap3A_207 : i32 to index
          %swap3A_209 = arith.constant 0 : index
          %swap3A_210 = tpu.vector_load %arg29[%swap3A_208, %swap3A_209] {strides = array<i32>} : memref<16x128xf32, #tpu.memory_space<vmem>>, vector<1x16xf32>,
          %swap3A_211 = vector.shape_cast %swap3A_210 : vector<1x16xf32> to vector<16xf32>
          %swap3A_212 = vector.shape_cast %scan3A_205#0 : vector<16xf32> to vector<1x16xf32>
          tpu.vector_store %arg29[%swap3A_208, %swap3A_209], %swap3A_212 {strides = array<i32>} : memref<16x128xf32, #tpu.memory_space<vmem>>, vector<1x16xf32>,
          %swap3A_213 = arith.constant 0 : i32
          %swap3A_214 = arith.index_cast %swap3A_213 : i32 to index
          %swap3A_215 = arith.constant 16 : index
          %swap3A_216 = tpu.vector_load %arg29[%swap3A_214, %swap3A_215] {strides = array<i32>} : memref<16x128xf32, #tpu.memory_space<vmem>>, vector<1x16xf32>,
          %swap3A_217 = vector.shape_cast %swap3A_216 : vector<1x16xf32> to vector<16xf32>
          %swap3A_218 = vector.shape_cast %scan3A_205#1 : vector<16xf32> to vector<1x16xf32>
          tpu.vector_store %arg29[%swap3A_214, %swap3A_215], %swap3A_218 {strides = array<i32>} : memref<16x128xf32, #tpu.memory_space<vmem>>, vector<1x16xf32>,
          %swap3A_219 = arith.constant 0 : i32
          %swap3A_220 = arith.index_cast %swap3A_219 : i32 to index
          %swap3A_221 = arith.constant 32 : index
          %swap3A_222 = tpu.vector_load %arg29[%swap3A_220, %swap3A_221] {strides = array<i32>} : memref<16x128xf32, #tpu.memory_space<vmem>>, vector<1x16xf32>,
          %swap3A_223 = vector.shape_cast %swap3A_222 : vector<1x16xf32> to vector<16xf32>
          %swap3A_224 = vector.shape_cast %scan3A_205#2 : vector<16xf32> to vector<1x16xf32>
          tpu.vector_store %arg29[%swap3A_220, %swap3A_221], %swap3A_224 {strides = array<i32>} : memref<16x128xf32, #tpu.memory_space<vmem>>, vector<1x16xf32>,
          %swap3A_225 = arith.constant 0 : i32
          %swap3A_226 = arith.index_cast %swap3A_225 : i32 to index
          %swap3A_227 = arith.constant 48 : index
          %swap3A_228 = tpu.vector_load %arg29[%swap3A_226, %swap3A_227] {strides = array<i32>} : memref<16x128xf32, #tpu.memory_space<vmem>>, vector<1x16xf32>,
          %swap3A_229 = vector.shape_cast %swap3A_228 : vector<1x16xf32> to vector<16xf32>
          %swap3A_230 = vector.shape_cast %scan3A_205#3 : vector<16xf32> to vector<1x16xf32>
          tpu.vector_store %arg29[%swap3A_226, %swap3A_227], %swap3A_230 {strides = array<i32>} : memref<16x128xf32, #tpu.memory_space<vmem>>, vector<1x16xf32>,
          %swap3A_231 = arith.constant 0 : i32
          %swap3A_232 = arith.index_cast %swap3A_231 : i32 to index
          %swap3A_233 = arith.constant 64 : index
          %swap3A_234 = tpu.vector_load %arg29[%swap3A_232, %swap3A_233] {strides = array<i32>} : memref<16x128xf32, #tpu.memory_space<vmem>>, vector<1x16xf32>,
          %swap3A_235 = vector.shape_cast %swap3A_234 : vector<1x16xf32> to vector<16xf32>
          %swap3A_236 = vector.shape_cast %scan3A_205#4 : vector<16xf32> to vector<1x16xf32>
          tpu.vector_store %arg29[%swap3A_232, %swap3A_233], %swap3A_236 {strides = array<i32>} : memref<16x128xf32, #tpu.memory_space<vmem>>, vector<1x16xf32>,
          %swap3A_237 = arith.constant 0 : i32
          %swap3A_238 = arith.index_cast %swap3A_237 : i32 to index
          %swap3A_239 = arith.constant 80 : index
          %swap3A_240 = tpu.vector_load %arg29[%swap3A_238, %swap3A_239] {strides = array<i32>} : memref<16x128xf32, #tpu.memory_space<vmem>>, vector<1x16xf32>,
          %swap3A_241 = vector.shape_cast %swap3A_240 : vector<1x16xf32> to vector<16xf32>
          %swap3A_242 = vector.shape_cast %scan3A_205#5 : vector<16xf32> to vector<1x16xf32>
          tpu.vector_store %arg29[%swap3A_238, %swap3A_239], %swap3A_242 {strides = array<i32>} : memref<16x128xf32, #tpu.memory_space<vmem>>, vector<1x16xf32>,
          %swap3A_243 = arith.constant 0 : i32
          %swap3A_244 = arith.index_cast %swap3A_243 : i32 to index
          %swap3A_245 = arith.constant 96 : index
          %swap3A_246 = tpu.vector_load %arg29[%swap3A_244, %swap3A_245] {strides = array<i32>} : memref<16x128xf32, #tpu.memory_space<vmem>>, vector<1x16xf32>,
          %swap3A_247 = vector.shape_cast %swap3A_246 : vector<1x16xf32> to vector<16xf32>
          %swap3A_248 = vector.shape_cast %scan3A_205#6 : vector<16xf32> to vector<1x16xf32>
          tpu.vector_store %arg29[%swap3A_244, %swap3A_245], %swap3A_248 {strides = array<i32>} : memref<16x128xf32, #tpu.memory_space<vmem>>, vector<1x16xf32>,
          %swap3A_249 = arith.constant 0 : i32
          %swap3A_250 = arith.index_cast %swap3A_249 : i32 to index
          %swap3A_251 = arith.constant 112 : index
          %swap3A_252 = tpu.vector_load %arg29[%swap3A_250, %swap3A_251] {strides = array<i32>} : memref<16x128xf32, #tpu.memory_space<vmem>>, vector<1x16xf32>,
          %swap3A_253 = vector.shape_cast %swap3A_252 : vector<1x16xf32> to vector<16xf32>
          %swap3A_254 = vector.shape_cast %scan3A_205#7 : vector<16xf32> to vector<1x16xf32>
          tpu.vector_store %arg29[%swap3A_250, %swap3A_251], %swap3A_254 {strides = array<i32>} : memref<16x128xf32, #tpu.memory_space<vmem>>, vector<1x16xf32>,
          %dma_start3A_255 = arith.constant 0 : i32
          %dma_start3A_256 = arith.constant 0 : i32
          %dma_start3A_257 = tpu.memref_slice %arg38[%dma_start3A_255, %dma_start3A_256] : memref<512x128xf32, #tpu.memory_space<vmem_shared>> -> memref<512x128xf32, #tpu.memory_space<vmem_shared>>
          tpu.enqueue_indirect_dma source(%arg29 : memref<16x128xf32, #tpu.memory_space<vmem>>) target(%dma_start3A_257 : memref<512x128xf32, #tpu.memory_space<vmem_shared>>) offsets(%arg37 : memref<16xi32, #tpu.memory_space<vmem>>) semaphore(%arg53 : memref<!tpu.dma_semaphore, #tpu.memory_space<semaphore_mem>>) {add = true}
          %broadcast_in_dim3A_258 = arith.constant 0.000000e+00 : f32
          %broadcast_in_dim3A_259 = vector.broadcast %broadcast_in_dim3A_258 : f32 to vector<16xf32>
          %broadcast_in_dim3A_260 = arith.constant 0.000000e+00 : f32
          %broadcast_in_dim3A_261 = vector.broadcast %broadcast_in_dim3A_260 : f32 to vector<16xf32>
          %broadcast_in_dim3A_262 = arith.constant 0.000000e+00 : f32
          %broadcast_in_dim3A_263 = vector.broadcast %broadcast_in_dim3A_262 : f32 to vector<16xf32>
          %broadcast_in_dim3A_264 = arith.constant 0.000000e+00 : f32
          %broadcast_in_dim3A_265 = vector.broadcast %broadcast_in_dim3A_264 : f32 to vector<16xf32>
          %broadcast_in_dim3A_266 = arith.constant 0.000000e+00 : f32
          %broadcast_in_dim3A_267 = vector.broadcast %broadcast_in_dim3A_266 : f32 to vector<16xf32>
          %broadcast_in_dim3A_268 = arith.constant 0.000000e+00 : f32
          %broadcast_in_dim3A_269 = vector.broadcast %broadcast_in_dim3A_268 : f32 to vector<16xf32>
          %broadcast_in_dim3A_270 = arith.constant 0.000000e+00 : f32
          %broadcast_in_dim3A_271 = vector.broadcast %broadcast_in_dim3A_270 : f32 to vector<16xf32>
          %broadcast_in_dim3A_272 = arith.constant 0.000000e+00 : f32
          %broadcast_in_dim3A_273 = vector.broadcast %broadcast_in_dim3A_272 : f32 to vector<16xf32>
          %scan3A_274 = arith.constant 0 : i32
          %scan3A_275 = arith.constant 32 : i32
          %scan3A_276 = arith.addi %scan3A_274, %scan3A_275 : i32
          %scan3A_277 = arith.constant 1 : i32
          %scan3A_278:8 = scf.for %scan3A_489 = %scan3A_274 to %scan3A_276 step %scan3A_277 iter_args(%scan3A_490 = %broadcast_in_dim3A_259, %scan3A_491 = %broadcast_in_dim3A_261, %scan3A_492 = %broadcast_in_dim3A_263, %scan3A_493 = %broadcast_in_dim3A_265, %scan3A_494 = %broadcast_in_dim3A_267, %scan3A_495 = %broadcast_in_dim3A_269, %scan3A_496 = %broadcast_in_dim3A_271, %scan3A_497 = %broadcast_in_dim3A_273) -> (vector<16xf32>, vector<16xf32>, vector<16xf32>, vector<16xf32>, vector<16xf32>, vector<16xf32>, vector<16xf32>, vector<16xf32>)  : i32 {
            %mul3A_498 = arith.constant 2 : i32
            %mul3A_499 = arith.muli %mul3A_498, %scan3A_489 : i32
            %get3A_500 = arith.index_cast %mul3A_499 : i32 to index
            %get3A_501 = arith.constant 0 : index
            %get3A_502 = tpu.vector_load %arg15[%get3A_500, %get3A_501] {strides = array<i32>} : memref<64x128xf32, #tpu.memory_space<vmem>>, vector<1x16xf32>,
            %get3A_503 = vector.shape_cast %get3A_502 : vector<1x16xf32> to vector<16xf32>
            %add3A_504 = arith.addf %scan3A_490, %get3A_503 : vector<16xf32>
            %mul3A_505 = arith.constant 2 : i32
            %mul3A_506 = arith.muli %mul3A_505, %scan3A_489 : i32
            %add3A_507 = arith.constant 1 : i32
            %add3A_508 = arith.addi %mul3A_506, %add3A_507 : i32
            %get3A_509 = arith.index_cast %add3A_508 : i32 to index
            %get3A_510 = arith.constant 0 : index
            %get3A_511 = tpu.vector_load %arg15[%get3A_509, %get3A_510] {strides = array<i32>} : memref<64x128xf32, #tpu.memory_space<vmem>>, vector<1x16xf32>,
            %get3A_512 = vector.shape_cast %get3A_511 : vector<1x16xf32> to vector<16xf32>
            %add3A_513 = arith.addf %add3A_504, %get3A_512 : vector<16xf32>
            %mul3A_514 = arith.constant 2 : i32
            %mul3A_515 = arith.muli %mul3A_514, %scan3A_489 : i32
            %get3A_516 = arith.index_cast %mul3A_515 : i32 to index
            %get3A_517 = arith.constant 16 : index
            %get3A_518 = tpu.vector_load %arg15[%get3A_516, %get3A_517] {strides = array<i32>} : memref<64x128xf32, #tpu.memory_space<vmem>>, vector<1x16xf32>,
            %get3A_519 = vector.shape_cast %get3A_518 : vector<1x16xf32> to vector<16xf32>
            %add3A_520 = arith.addf %scan3A_491, %get3A_519 : vector<16xf32>
            %mul3A_521 = arith.constant 2 : i32
            %mul3A_522 = arith.muli %mul3A_521, %scan3A_489 : i32
            %add3A_523 = arith.constant 1 : i32
            %add3A_524 = arith.addi %mul3A_522, %add3A_523 : i32
            %get3A_525 = arith.index_cast %add3A_524 : i32 to index
            %get3A_526 = arith.constant 16 : index
            %get3A_527 = tpu.vector_load %arg15[%get3A_525, %get3A_526] {strides = array<i32>} : memref<64x128xf32, #tpu.memory_space<vmem>>, vector<1x16xf32>,
            %get3A_528 = vector.shape_cast %get3A_527 : vector<1x16xf32> to vector<16xf32>
            %add3A_529 = arith.addf %add3A_520, %get3A_528 : vector<16xf32>
            %mul3A_530 = arith.constant 2 : i32
            %mul3A_531 = arith.muli %mul3A_530, %scan3A_489 : i32
            %get3A_532 = arith.index_cast %mul3A_531 : i32 to index
            %get3A_533 = arith.constant 32 : index
            %get3A_534 = tpu.vector_load %arg15[%get3A_532, %get3A_533] {strides = array<i32>} : memref<64x128xf32, #tpu.memory_space<vmem>>, vector<1x16xf32>,
            %get3A_535 = vector.shape_cast %get3A_534 : vector<1x16xf32> to vector<16xf32>
            %add3A_536 = arith.addf %scan3A_492, %get3A_535 : vector<16xf32>
            %mul3A_537 = arith.constant 2 : i32
            %mul3A_538 = arith.muli %mul3A_537, %scan3A_489 : i32
            %add3A_539 = arith.constant 1 : i32
            %add3A_540 = arith.addi %mul3A_538, %add3A_539 : i32
            %get3A_541 = arith.index_cast %add3A_540 : i32 to index
            %get3A_542 = arith.constant 32 : index
            %get3A_543 = tpu.vector_load %arg15[%get3A_541, %get3A_542] {strides = array<i32>} : memref<64x128xf32, #tpu.memory_space<vmem>>, vector<1x16xf32>,
            %get3A_544 = vector.shape_cast %get3A_543 : vector<1x16xf32> to vector<16xf32>
            %add3A_545 = arith.addf %add3A_536, %get3A_544 : vector<16xf32>
            %mul3A_546 = arith.constant 2 : i32
            %mul3A_547 = arith.muli %mul3A_546, %scan3A_489 : i32
            %get3A_548 = arith.index_cast %mul3A_547 : i32 to index
            %get3A_549 = arith.constant 48 : index
            %get3A_550 = tpu.vector_load %arg15[%get3A_548, %get3A_549] {strides = array<i32>} : memref<64x128xf32, #tpu.memory_space<vmem>>, vector<1x16xf32>,
            %get3A_551 = vector.shape_cast %get3A_550 : vector<1x16xf32> to vector<16xf32>
            %add3A_552 = arith.addf %scan3A_493, %get3A_551 : vector<16xf32>
            %mul3A_553 = arith.constant 2 : i32
            %mul3A_554 = arith.muli %mul3A_553, %scan3A_489 : i32
            %add3A_555 = arith.constant 1 : i32
            %add3A_556 = arith.addi %mul3A_554, %add3A_555 : i32
            %get3A_557 = arith.index_cast %add3A_556 : i32 to index
            %get3A_558 = arith.constant 48 : index
            %get3A_559 = tpu.vector_load %arg15[%get3A_557, %get3A_558] {strides = array<i32>} : memref<64x128xf32, #tpu.memory_space<vmem>>, vector<1x16xf32>,
            %get3A_560 = vector.shape_cast %get3A_559 : vector<1x16xf32> to vector<16xf32>
            %add3A_561 = arith.addf %add3A_552, %get3A_560 : vector<16xf32>
            %mul3A_562 = arith.constant 2 : i32
            %mul3A_563 = arith.muli %mul3A_562, %scan3A_489 : i32
            %get3A_564 = arith.index_cast %mul3A_563 : i32 to index
            %get3A_565 = arith.constant 64 : index
            %get3A_566 = tpu.vector_load %arg15[%get3A_564, %get3A_565] {strides = array<i32>} : memref<64x128xf32, #tpu.memory_space<vmem>>, vector<1x16xf32>,
            %get3A_567 = vector.shape_cast %get3A_566 : vector<1x16xf32> to vector<16xf32>
            %add3A_568 = arith.addf %scan3A_494, %get3A_567 : vector<16xf32>
            %mul3A_569 = arith.constant 2 : i32
            %mul3A_570 = arith.muli %mul3A_569, %scan3A_489 : i32
            %add3A_571 = arith.constant 1 : i32
            %add3A_572 = arith.addi %mul3A_570, %add3A_571 : i32
            %get3A_573 = arith.index_cast %add3A_572 : i32 to index
            %get3A_574 = arith.constant 64 : index
            %get3A_575 = tpu.vector_load %arg15[%get3A_573, %get3A_574] {strides = array<i32>} : memref<64x128xf32, #tpu.memory_space<vmem>>, vector<1x16xf32>,
            %get3A_576 = vector.shape_cast %get3A_575 : vector<1x16xf32> to vector<16xf32>
            %add3A_577 = arith.addf %add3A_568, %get3A_576 : vector<16xf32>
            %mul3A_578 = arith.constant 2 : i32
            %mul3A_579 = arith.muli %mul3A_578, %scan3A_489 : i32
            %get3A_580 = arith.index_cast %mul3A_579 : i32 to index
            %get3A_581 = arith.constant 80 : index
            %get3A_582 = tpu.vector_load %arg15[%get3A_580, %get3A_581] {strides = array<i32>} : memref<64x128xf32, #tpu.memory_space<vmem>>, vector<1x16xf32>,
            %get3A_583 = vector.shape_cast %get3A_582 : vector<1x16xf32> to vector<16xf32>
            %add3A_584 = arith.addf %scan3A_495, %get3A_583 : vector<16xf32>
            %mul3A_585 = arith.constant 2 : i32
            %mul3A_586 = arith.muli %mul3A_585, %scan3A_489 : i32
            %add3A_587 = arith.constant 1 : i32
            %add3A_588 = arith.addi %mul3A_586, %add3A_587 : i32
            %get3A_589 = arith.index_cast %add3A_588 : i32 to index
            %get3A_590 = arith.constant 80 : index
            %get3A_591 = tpu.vector_load %arg15[%get3A_589, %get3A_590] {strides = array<i32>} : memref<64x128xf32, #tpu.memory_space<vmem>>, vector<1x16xf32>,
            %get3A_592 = vector.shape_cast %get3A_591 : vector<1x16xf32> to vector<16xf32>
            %add3A_593 = arith.addf %add3A_584, %get3A_592 : vector<16xf32>
            %mul3A_594 = arith.constant 2 : i32
            %mul3A_595 = arith.muli %mul3A_594, %scan3A_489 : i32
            %get3A_596 = arith.index_cast %mul3A_595 : i32 to index
            %get3A_597 = arith.constant 96 : index
            %get3A_598 = tpu.vector_load %arg15[%get3A_596, %get3A_597] {strides = array<i32>} : memref<64x128xf32, #tpu.memory_space<vmem>>, vector<1x16xf32>,
            %get3A_599 = vector.shape_cast %get3A_598 : vector<1x16xf32> to vector<16xf32>
            %add3A_600 = arith.addf %scan3A_496, %get3A_599 : vector<16xf32>
            %mul3A_601 = arith.constant 2 : i32
            %mul3A_602 = arith.muli %mul3A_601, %scan3A_489 : i32
            %add3A_603 = arith.constant 1 : i32
            %add3A_604 = arith.addi %mul3A_602, %add3A_603 : i32
            %get3A_605 = arith.index_cast %add3A_604 : i32 to index
            %get3A_606 = arith.constant 96 : index
            %get3A_607 = tpu.vector_load %arg15[%get3A_605, %get3A_606] {strides = array<i32>} : memref<64x128xf32, #tpu.memory_space<vmem>>, vector<1x16xf32>,
            %get3A_608 = vector.shape_cast %get3A_607 : vector<1x16xf32> to vector<16xf32>
            %add3A_609 = arith.addf %add3A_600, %get3A_608 : vector<16xf32>
            %mul3A_610 = arith.constant 2 : i32
            %mul3A_611 = arith.muli %mul3A_610, %scan3A_489 : i32
            %get3A_612 = arith.index_cast %mul3A_611 : i32 to index
            %get3A_613 = arith.constant 112 : index
            %get3A_614 = tpu.vector_load %arg15[%get3A_612, %get3A_613] {strides = array<i32>} : memref<64x128xf32, #tpu.memory_space<vmem>>, vector<1x16xf32>,
            %get3A_615 = vector.shape_cast %get3A_614 : vector<1x16xf32> to vector<16xf32>
            %add3A_616 = arith.addf %scan3A_497, %get3A_615 : vector<16xf32>
            %mul3A_617 = arith.constant 2 : i32
            %mul3A_618 = arith.muli %mul3A_617, %scan3A_489 : i32
            %add3A_619 = arith.constant 1 : i32
            %add3A_620 = arith.addi %mul3A_618, %add3A_619 : i32
            %get3A_621 = arith.index_cast %add3A_620 : i32 to index
            %get3A_622 = arith.constant 112 : index
            %get3A_623 = tpu.vector_load %arg15[%get3A_621, %get3A_622] {strides = array<i32>} : memref<64x128xf32, #tpu.memory_space<vmem>>, vector<1x16xf32>,
            %get3A_624 = vector.shape_cast %get3A_623 : vector<1x16xf32> to vector<16xf32>
            %add3A_625 = arith.addf %add3A_616, %get3A_624 : vector<16xf32>
            scf.yield %add3A_513, %add3A_529, %add3A_545, %add3A_561, %add3A_577, %add3A_593, %add3A_609, %add3A_625 : vector<16xf32>, vector<16xf32>, vector<16xf32>, vector<16xf32>, vector<16xf32>, vector<16xf32>, vector<16xf32>, vector<16xf32>
          }
          %scan3A_279 = arith.constant 32 : i32
          %swap3A_280 = arith.constant 0 : i32
          %swap3A_281 = arith.index_cast %swap3A_280 : i32 to index
          %swap3A_282 = arith.constant 0 : index
          %swap3A_283 = tpu.vector_load %arg31[%swap3A_281, %swap3A_282] {strides = array<i32>} : memref<16x128xf32, #tpu.memory_space<vmem>>, vector<1x16xf32>,
          %swap3A_284 = vector.shape_cast %swap3A_283 : vector<1x16xf32> to vector<16xf32>
          %swap3A_285 = vector.shape_cast %scan3A_278#0 : vector<16xf32> to vector<1x16xf32>
          tpu.vector_store %arg31[%swap3A_281, %swap3A_282], %swap3A_285 {strides = array<i32>} : memref<16x128xf32, #tpu.memory_space<vmem>>, vector<1x16xf32>,
          %swap3A_286 = arith.constant 0 : i32
          %swap3A_287 = arith.index_cast %swap3A_286 : i32 to index
          %swap3A_288 = arith.constant 16 : index
          %swap3A_289 = tpu.vector_load %arg31[%swap3A_287, %swap3A_288] {strides = array<i32>} : memref<16x128xf32, #tpu.memory_space<vmem>>, vector<1x16xf32>,
          %swap3A_290 = vector.shape_cast %swap3A_289 : vector<1x16xf32> to vector<16xf32>
          %swap3A_291 = vector.shape_cast %scan3A_278#1 : vector<16xf32> to vector<1x16xf32>
          tpu.vector_store %arg31[%swap3A_287, %swap3A_288], %swap3A_291 {strides = array<i32>} : memref<16x128xf32, #tpu.memory_space<vmem>>, vector<1x16xf32>,
          %swap3A_292 = arith.constant 0 : i32
          %swap3A_293 = arith.index_cast %swap3A_292 : i32 to index
          %swap3A_294 = arith.constant 32 : index
          %swap3A_295 = tpu.vector_load %arg31[%swap3A_293, %swap3A_294] {strides = array<i32>} : memref<16x128xf32, #tpu.memory_space<vmem>>, vector<1x16xf32>,
          %swap3A_296 = vector.shape_cast %swap3A_295 : vector<1x16xf32> to vector<16xf32>
          %swap3A_297 = vector.shape_cast %scan3A_278#2 : vector<16xf32> to vector<1x16xf32>
          tpu.vector_store %arg31[%swap3A_293, %swap3A_294], %swap3A_297 {strides = array<i32>} : memref<16x128xf32, #tpu.memory_space<vmem>>, vector<1x16xf32>,
          %swap3A_298 = arith.constant 0 : i32
          %swap3A_299 = arith.index_cast %swap3A_298 : i32 to index
          %swap3A_300 = arith.constant 48 : index
          %swap3A_301 = tpu.vector_load %arg31[%swap3A_299, %swap3A_300] {strides = array<i32>} : memref<16x128xf32, #tpu.memory_space<vmem>>, vector<1x16xf32>,
          %swap3A_302 = vector.shape_cast %swap3A_301 : vector<1x16xf32> to vector<16xf32>
          %swap3A_303 = vector.shape_cast %scan3A_278#3 : vector<16xf32> to vector<1x16xf32>
          tpu.vector_store %arg31[%swap3A_299, %swap3A_300], %swap3A_303 {strides = array<i32>} : memref<16x128xf32, #tpu.memory_space<vmem>>, vector<1x16xf32>,
          %swap3A_304 = arith.constant 0 : i32
          %swap3A_305 = arith.index_cast %swap3A_304 : i32 to index
          %swap3A_306 = arith.constant 64 : index
          %swap3A_307 = tpu.vector_load %arg31[%swap3A_305, %swap3A_306] {strides = array<i32>} : memref<16x128xf32, #tpu.memory_space<vmem>>, vector<1x16xf32>,
          %swap3A_308 = vector.shape_cast %swap3A_307 : vector<1x16xf32> to vector<16xf32>
          %swap3A_309 = vector.shape_cast %scan3A_278#4 : vector<16xf32> to vector<1x16xf32>
          tpu.vector_store %arg31[%swap3A_305, %swap3A_306], %swap3A_309 {strides = array<i32>} : memref<16x128xf32, #tpu.memory_space<vmem>>, vector<1x16xf32>,
          %swap3A_310 = arith.constant 0 : i32
          %swap3A_311 = arith.index_cast %swap3A_310 : i32 to index
          %swap3A_312 = arith.constant 80 : index
          %swap3A_313 = tpu.vector_load %arg31[%swap3A_311, %swap3A_312] {strides = array<i32>} : memref<16x128xf32, #tpu.memory_space<vmem>>, vector<1x16xf32>,
          %swap3A_314 = vector.shape_cast %swap3A_313 : vector<1x16xf32> to vector<16xf32>
          %swap3A_315 = vector.shape_cast %scan3A_278#5 : vector<16xf32> to vector<1x16xf32>
          tpu.vector_store %arg31[%swap3A_311, %swap3A_312], %swap3A_315 {strides = array<i32>} : memref<16x128xf32, #tpu.memory_space<vmem>>, vector<1x16xf32>,
          %swap3A_316 = arith.constant 0 : i32
          %swap3A_317 = arith.index_cast %swap3A_316 : i32 to index
          %swap3A_318 = arith.constant 96 : index
          %swap3A_319 = tpu.vector_load %arg31[%swap3A_317, %swap3A_318] {strides = array<i32>} : memref<16x128xf32, #tpu.memory_space<vmem>>, vector<1x16xf32>,
          %swap3A_320 = vector.shape_cast %swap3A_319 : vector<1x16xf32> to vector<16xf32>
          %swap3A_321 = vector.shape_cast %scan3A_278#6 : vector<16xf32> to vector<1x16xf32>
          tpu.vector_store %arg31[%swap3A_317, %swap3A_318], %swap3A_321 {strides = array<i32>} : memref<16x128xf32, #tpu.memory_space<vmem>>, vector<1x16xf32>,
          %swap3A_322 = arith.constant 0 : i32
          %swap3A_323 = arith.index_cast %swap3A_322 : i32 to index
          %swap3A_324 = arith.constant 112 : index
          %swap3A_325 = tpu.vector_load %arg31[%swap3A_323, %swap3A_324] {strides = array<i32>} : memref<16x128xf32, #tpu.memory_space<vmem>>, vector<1x16xf32>,
          %swap3A_326 = vector.shape_cast %swap3A_325 : vector<1x16xf32> to vector<16xf32>
          %swap3A_327 = vector.shape_cast %scan3A_278#7 : vector<16xf32> to vector<1x16xf32>
          tpu.vector_store %arg31[%swap3A_323, %swap3A_324], %swap3A_327 {strides = array<i32>} : memref<16x128xf32, #tpu.memory_space<vmem>>, vector<1x16xf32>,
          %dma_start3A_328 = arith.constant 0 : i32
          %dma_start3A_329 = arith.constant 0 : i32
          %dma_start3A_330 = tpu.memref_slice %arg39[%dma_start3A_328, %dma_start3A_329] : memref<512x128xf32, #tpu.memory_space<vmem_shared>> -> memref<512x128xf32, #tpu.memory_space<vmem_shared>>
          tpu.enqueue_indirect_dma source(%arg31 : memref<16x128xf32, #tpu.memory_space<vmem>>) target(%dma_start3A_330 : memref<512x128xf32, #tpu.memory_space<vmem_shared>>) offsets(%arg37 : memref<16xi32, #tpu.memory_space<vmem>>) semaphore(%arg54 : memref<!tpu.dma_semaphore, #tpu.memory_space<semaphore_mem>>) {add = true}
          %broadcast_in_dim3A_331 = arith.constant 0.000000e+00 : f32
          %broadcast_in_dim3A_332 = vector.broadcast %broadcast_in_dim3A_331 : f32 to vector<16xf32>
          %broadcast_in_dim3A_333 = arith.constant 0.000000e+00 : f32
          %broadcast_in_dim3A_334 = vector.broadcast %broadcast_in_dim3A_333 : f32 to vector<16xf32>
          %broadcast_in_dim3A_335 = arith.constant 0.000000e+00 : f32
          %broadcast_in_dim3A_336 = vector.broadcast %broadcast_in_dim3A_335 : f32 to vector<16xf32>
          %broadcast_in_dim3A_337 = arith.constant 0.000000e+00 : f32
          %broadcast_in_dim3A_338 = vector.broadcast %broadcast_in_dim3A_337 : f32 to vector<16xf32>
          %broadcast_in_dim3A_339 = arith.constant 0.000000e+00 : f32
          %broadcast_in_dim3A_340 = vector.broadcast %broadcast_in_dim3A_339 : f32 to vector<16xf32>
          %broadcast_in_dim3A_341 = arith.constant 0.000000e+00 : f32
          %broadcast_in_dim3A_342 = vector.broadcast %broadcast_in_dim3A_341 : f32 to vector<16xf32>
          %broadcast_in_dim3A_343 = arith.constant 0.000000e+00 : f32
          %broadcast_in_dim3A_344 = vector.broadcast %broadcast_in_dim3A_343 : f32 to vector<16xf32>
          %broadcast_in_dim3A_345 = arith.constant 0.000000e+00 : f32
          %broadcast_in_dim3A_346 = vector.broadcast %broadcast_in_dim3A_345 : f32 to vector<16xf32>
          %scan3A_347 = arith.constant 0 : i32
          %scan3A_348 = arith.constant 32 : i32
          %scan3A_349 = arith.addi %scan3A_347, %scan3A_348 : i32
          %scan3A_350 = arith.constant 1 : i32
          %scan3A_351:8 = scf.for %scan3A_489 = %scan3A_347 to %scan3A_349 step %scan3A_350 iter_args(%scan3A_490 = %broadcast_in_dim3A_332, %scan3A_491 = %broadcast_in_dim3A_334, %scan3A_492 = %broadcast_in_dim3A_336, %scan3A_493 = %broadcast_in_dim3A_338, %scan3A_494 = %broadcast_in_dim3A_340, %scan3A_495 = %broadcast_in_dim3A_342, %scan3A_496 = %broadcast_in_dim3A_344, %scan3A_497 = %broadcast_in_dim3A_346) -> (vector<16xf32>, vector<16xf32>, vector<16xf32>, vector<16xf32>, vector<16xf32>, vector<16xf32>, vector<16xf32>, vector<16xf32>)  : i32 {
            %mul3A_498 = arith.constant 2 : i32
            %mul3A_499 = arith.muli %mul3A_498, %scan3A_489 : i32
            %get3A_500 = arith.index_cast %mul3A_499 : i32 to index
            %get3A_501 = arith.constant 0 : index
            %get3A_502 = tpu.vector_load %arg17[%get3A_500, %get3A_501] {strides = array<i32>} : memref<64x128xf32, #tpu.memory_space<vmem>>, vector<1x16xf32>,
            %get3A_503 = vector.shape_cast %get3A_502 : vector<1x16xf32> to vector<16xf32>
            %add3A_504 = arith.addf %scan3A_490, %get3A_503 : vector<16xf32>
            %mul3A_505 = arith.constant 2 : i32
            %mul3A_506 = arith.muli %mul3A_505, %scan3A_489 : i32
            %add3A_507 = arith.constant 1 : i32
            %add3A_508 = arith.addi %mul3A_506, %add3A_507 : i32
            %get3A_509 = arith.index_cast %add3A_508 : i32 to index
            %get3A_510 = arith.constant 0 : index
            %get3A_511 = tpu.vector_load %arg17[%get3A_509, %get3A_510] {strides = array<i32>} : memref<64x128xf32, #tpu.memory_space<vmem>>, vector<1x16xf32>,
            %get3A_512 = vector.shape_cast %get3A_511 : vector<1x16xf32> to vector<16xf32>
            %add3A_513 = arith.addf %add3A_504, %get3A_512 : vector<16xf32>
            %mul3A_514 = arith.constant 2 : i32
            %mul3A_515 = arith.muli %mul3A_514, %scan3A_489 : i32
            %get3A_516 = arith.index_cast %mul3A_515 : i32 to index
            %get3A_517 = arith.constant 16 : index
            %get3A_518 = tpu.vector_load %arg17[%get3A_516, %get3A_517] {strides = array<i32>} : memref<64x128xf32, #tpu.memory_space<vmem>>, vector<1x16xf32>,
            %get3A_519 = vector.shape_cast %get3A_518 : vector<1x16xf32> to vector<16xf32>
            %add3A_520 = arith.addf %scan3A_491, %get3A_519 : vector<16xf32>
            %mul3A_521 = arith.constant 2 : i32
            %mul3A_522 = arith.muli %mul3A_521, %scan3A_489 : i32
            %add3A_523 = arith.constant 1 : i32
            %add3A_524 = arith.addi %mul3A_522, %add3A_523 : i32
            %get3A_525 = arith.index_cast %add3A_524 : i32 to index
            %get3A_526 = arith.constant 16 : index
            %get3A_527 = tpu.vector_load %arg17[%get3A_525, %get3A_526] {strides = array<i32>} : memref<64x128xf32, #tpu.memory_space<vmem>>, vector<1x16xf32>,
            %get3A_528 = vector.shape_cast %get3A_527 : vector<1x16xf32> to vector<16xf32>
            %add3A_529 = arith.addf %add3A_520, %get3A_528 : vector<16xf32>
            %mul3A_530 = arith.constant 2 : i32
            %mul3A_531 = arith.muli %mul3A_530, %scan3A_489 : i32
            %get3A_532 = arith.index_cast %mul3A_531 : i32 to index
            %get3A_533 = arith.constant 32 : index
            %get3A_534 = tpu.vector_load %arg17[%get3A_532, %get3A_533] {strides = array<i32>} : memref<64x128xf32, #tpu.memory_space<vmem>>, vector<1x16xf32>,
            %get3A_535 = vector.shape_cast %get3A_534 : vector<1x16xf32> to vector<16xf32>
            %add3A_536 = arith.addf %scan3A_492, %get3A_535 : vector<16xf32>
            %mul3A_537 = arith.constant 2 : i32
            %mul3A_538 = arith.muli %mul3A_537, %scan3A_489 : i32
            %add3A_539 = arith.constant 1 : i32
            %add3A_540 = arith.addi %mul3A_538, %add3A_539 : i32
            %get3A_541 = arith.index_cast %add3A_540 : i32 to index
            %get3A_542 = arith.constant 32 : index
            %get3A_543 = tpu.vector_load %arg17[%get3A_541, %get3A_542] {strides = array<i32>} : memref<64x128xf32, #tpu.memory_space<vmem>>, vector<1x16xf32>,
            %get3A_544 = vector.shape_cast %get3A_543 : vector<1x16xf32> to vector<16xf32>
            %add3A_545 = arith.addf %add3A_536, %get3A_544 : vector<16xf32>
            %mul3A_546 = arith.constant 2 : i32
            %mul3A_547 = arith.muli %mul3A_546, %scan3A_489 : i32
            %get3A_548 = arith.index_cast %mul3A_547 : i32 to index
            %get3A_549 = arith.constant 48 : index
            %get3A_550 = tpu.vector_load %arg17[%get3A_548, %get3A_549] {strides = array<i32>} : memref<64x128xf32, #tpu.memory_space<vmem>>, vector<1x16xf32>,
            %get3A_551 = vector.shape_cast %get3A_550 : vector<1x16xf32> to vector<16xf32>
            %add3A_552 = arith.addf %scan3A_493, %get3A_551 : vector<16xf32>
            %mul3A_553 = arith.constant 2 : i32
            %mul3A_554 = arith.muli %mul3A_553, %scan3A_489 : i32
            %add3A_555 = arith.constant 1 : i32
            %add3A_556 = arith.addi %mul3A_554, %add3A_555 : i32
            %get3A_557 = arith.index_cast %add3A_556 : i32 to index
            %get3A_558 = arith.constant 48 : index
            %get3A_559 = tpu.vector_load %arg17[%get3A_557, %get3A_558] {strides = array<i32>} : memref<64x128xf32, #tpu.memory_space<vmem>>, vector<1x16xf32>,
            %get3A_560 = vector.shape_cast %get3A_559 : vector<1x16xf32> to vector<16xf32>
            %add3A_561 = arith.addf %add3A_552, %get3A_560 : vector<16xf32>
            %mul3A_562 = arith.constant 2 : i32
            %mul3A_563 = arith.muli %mul3A_562, %scan3A_489 : i32
            %get3A_564 = arith.index_cast %mul3A_563 : i32 to index
            %get3A_565 = arith.constant 64 : index
            %get3A_566 = tpu.vector_load %arg17[%get3A_564, %get3A_565] {strides = array<i32>} : memref<64x128xf32, #tpu.memory_space<vmem>>, vector<1x16xf32>,
            %get3A_567 = vector.shape_cast %get3A_566 : vector<1x16xf32> to vector<16xf32>
            %add3A_568 = arith.addf %scan3A_494, %get3A_567 : vector<16xf32>
            %mul3A_569 = arith.constant 2 : i32
            %mul3A_570 = arith.muli %mul3A_569, %scan3A_489 : i32
            %add3A_571 = arith.constant 1 : i32
            %add3A_572 = arith.addi %mul3A_570, %add3A_571 : i32
            %get3A_573 = arith.index_cast %add3A_572 : i32 to index
            %get3A_574 = arith.constant 64 : index
            %get3A_575 = tpu.vector_load %arg17[%get3A_573, %get3A_574] {strides = array<i32>} : memref<64x128xf32, #tpu.memory_space<vmem>>, vector<1x16xf32>,
            %get3A_576 = vector.shape_cast %get3A_575 : vector<1x16xf32> to vector<16xf32>
            %add3A_577 = arith.addf %add3A_568, %get3A_576 : vector<16xf32>
            %mul3A_578 = arith.constant 2 : i32
            %mul3A_579 = arith.muli %mul3A_578, %scan3A_489 : i32
            %get3A_580 = arith.index_cast %mul3A_579 : i32 to index
            %get3A_581 = arith.constant 80 : index
            %get3A_582 = tpu.vector_load %arg17[%get3A_580, %get3A_581] {strides = array<i32>} : memref<64x128xf32, #tpu.memory_space<vmem>>, vector<1x16xf32>,
            %get3A_583 = vector.shape_cast %get3A_582 : vector<1x16xf32> to vector<16xf32>
            %add3A_584 = arith.addf %scan3A_495, %get3A_583 : vector<16xf32>
            %mul3A_585 = arith.constant 2 : i32
            %mul3A_586 = arith.muli %mul3A_585, %scan3A_489 : i32
            %add3A_587 = arith.constant 1 : i32
            %add3A_588 = arith.addi %mul3A_586, %add3A_587 : i32
            %get3A_589 = arith.index_cast %add3A_588 : i32 to index
            %get3A_590 = arith.constant 80 : index
            %get3A_591 = tpu.vector_load %arg17[%get3A_589, %get3A_590] {strides = array<i32>} : memref<64x128xf32, #tpu.memory_space<vmem>>, vector<1x16xf32>,
            %get3A_592 = vector.shape_cast %get3A_591 : vector<1x16xf32> to vector<16xf32>
            %add3A_593 = arith.addf %add3A_584, %get3A_592 : vector<16xf32>
            %mul3A_594 = arith.constant 2 : i32
            %mul3A_595 = arith.muli %mul3A_594, %scan3A_489 : i32
            %get3A_596 = arith.index_cast %mul3A_595 : i32 to index
            %get3A_597 = arith.constant 96 : index
            %get3A_598 = tpu.vector_load %arg17[%get3A_596, %get3A_597] {strides = array<i32>} : memref<64x128xf32, #tpu.memory_space<vmem>>, vector<1x16xf32>,
            %get3A_599 = vector.shape_cast %get3A_598 : vector<1x16xf32> to vector<16xf32>
            %add3A_600 = arith.addf %scan3A_496, %get3A_599 : vector<16xf32>
            %mul3A_601 = arith.constant 2 : i32
            %mul3A_602 = arith.muli %mul3A_601, %scan3A_489 : i32
            %add3A_603 = arith.constant 1 : i32
            %add3A_604 = arith.addi %mul3A_602, %add3A_603 : i32
            %get3A_605 = arith.index_cast %add3A_604 : i32 to index
            %get3A_606 = arith.constant 96 : index
            %get3A_607 = tpu.vector_load %arg17[%get3A_605, %get3A_606] {strides = array<i32>} : memref<64x128xf32, #tpu.memory_space<vmem>>, vector<1x16xf32>,
            %get3A_608 = vector.shape_cast %get3A_607 : vector<1x16xf32> to vector<16xf32>
            %add3A_609 = arith.addf %add3A_600, %get3A_608 : vector<16xf32>
            %mul3A_610 = arith.constant 2 : i32
            %mul3A_611 = arith.muli %mul3A_610, %scan3A_489 : i32
            %get3A_612 = arith.index_cast %mul3A_611 : i32 to index
            %get3A_613 = arith.constant 112 : index
            %get3A_614 = tpu.vector_load %arg17[%get3A_612, %get3A_613] {strides = array<i32>} : memref<64x128xf32, #tpu.memory_space<vmem>>, vector<1x16xf32>,
            %get3A_615 = vector.shape_cast %get3A_614 : vector<1x16xf32> to vector<16xf32>
            %add3A_616 = arith.addf %scan3A_497, %get3A_615 : vector<16xf32>
            %mul3A_617 = arith.constant 2 : i32
            %mul3A_618 = arith.muli %mul3A_617, %scan3A_489 : i32
            %add3A_619 = arith.constant 1 : i32
            %add3A_620 = arith.addi %mul3A_618, %add3A_619 : i32
            %get3A_621 = arith.index_cast %add3A_620 : i32 to index
            %get3A_622 = arith.constant 112 : index
            %get3A_623 = tpu.vector_load %arg17[%get3A_621, %get3A_622] {strides = array<i32>} : memref<64x128xf32, #tpu.memory_space<vmem>>, vector<1x16xf32>,
            %get3A_624 = vector.shape_cast %get3A_623 : vector<1x16xf32> to vector<16xf32>
            %add3A_625 = arith.addf %add3A_616, %get3A_624 : vector<16xf32>
            scf.yield %add3A_513, %add3A_529, %add3A_545, %add3A_561, %add3A_577, %add3A_593, %add3A_609, %add3A_625 : vector<16xf32>, vector<16xf32>, vector<16xf32>, vector<16xf32>, vector<16xf32>, vector<16xf32>, vector<16xf32>, vector<16xf32>
          }
          %scan3A_352 = arith.constant 32 : i32
          %swap3A_353 = arith.constant 0 : i32
          %swap3A_354 = arith.index_cast %swap3A_353 : i32 to index
          %swap3A_355 = arith.constant 0 : index
          %swap3A_356 = tpu.vector_load %arg33[%swap3A_354, %swap3A_355] {strides = array<i32>} : memref<16x128xf32, #tpu.memory_space<vmem>>, vector<1x16xf32>,
          %swap3A_357 = vector.shape_cast %swap3A_356 : vector<1x16xf32> to vector<16xf32>
          %swap3A_358 = vector.shape_cast %scan3A_351#0 : vector<16xf32> to vector<1x16xf32>
          tpu.vector_store %arg33[%swap3A_354, %swap3A_355], %swap3A_358 {strides = array<i32>} : memref<16x128xf32, #tpu.memory_space<vmem>>, vector<1x16xf32>,
          %swap3A_359 = arith.constant 0 : i32
          %swap3A_360 = arith.index_cast %swap3A_359 : i32 to index
          %swap3A_361 = arith.constant 16 : index
          %swap3A_362 = tpu.vector_load %arg33[%swap3A_360, %swap3A_361] {strides = array<i32>} : memref<16x128xf32, #tpu.memory_space<vmem>>, vector<1x16xf32>,
          %swap3A_363 = vector.shape_cast %swap3A_362 : vector<1x16xf32> to vector<16xf32>
          %swap3A_364 = vector.shape_cast %scan3A_351#1 : vector<16xf32> to vector<1x16xf32>
          tpu.vector_store %arg33[%swap3A_360, %swap3A_361], %swap3A_364 {strides = array<i32>} : memref<16x128xf32, #tpu.memory_space<vmem>>, vector<1x16xf32>,
          %swap3A_365 = arith.constant 0 : i32
          %swap3A_366 = arith.index_cast %swap3A_365 : i32 to index
          %swap3A_367 = arith.constant 32 : index
          %swap3A_368 = tpu.vector_load %arg33[%swap3A_366, %swap3A_367] {strides = array<i32>} : memref<16x128xf32, #tpu.memory_space<vmem>>, vector<1x16xf32>,
          %swap3A_369 = vector.shape_cast %swap3A_368 : vector<1x16xf32> to vector<16xf32>
          %swap3A_370 = vector.shape_cast %scan3A_351#2 : vector<16xf32> to vector<1x16xf32>
          tpu.vector_store %arg33[%swap3A_366, %swap3A_367], %swap3A_370 {strides = array<i32>} : memref<16x128xf32, #tpu.memory_space<vmem>>, vector<1x16xf32>,
          %swap3A_371 = arith.constant 0 : i32
          %swap3A_372 = arith.index_cast %swap3A_371 : i32 to index
          %swap3A_373 = arith.constant 48 : index
          %swap3A_374 = tpu.vector_load %arg33[%swap3A_372, %swap3A_373] {strides = array<i32>} : memref<16x128xf32, #tpu.memory_space<vmem>>, vector<1x16xf32>,
          %swap3A_375 = vector.shape_cast %swap3A_374 : vector<1x16xf32> to vector<16xf32>
          %swap3A_376 = vector.shape_cast %scan3A_351#3 : vector<16xf32> to vector<1x16xf32>
          tpu.vector_store %arg33[%swap3A_372, %swap3A_373], %swap3A_376 {strides = array<i32>} : memref<16x128xf32, #tpu.memory_space<vmem>>, vector<1x16xf32>,
          %swap3A_377 = arith.constant 0 : i32
          %swap3A_378 = arith.index_cast %swap3A_377 : i32 to index
          %swap3A_379 = arith.constant 64 : index
          %swap3A_380 = tpu.vector_load %arg33[%swap3A_378, %swap3A_379] {strides = array<i32>} : memref<16x128xf32, #tpu.memory_space<vmem>>, vector<1x16xf32>,
          %swap3A_381 = vector.shape_cast %swap3A_380 : vector<1x16xf32> to vector<16xf32>
          %swap3A_382 = vector.shape_cast %scan3A_351#4 : vector<16xf32> to vector<1x16xf32>
          tpu.vector_store %arg33[%swap3A_378, %swap3A_379], %swap3A_382 {strides = array<i32>} : memref<16x128xf32, #tpu.memory_space<vmem>>, vector<1x16xf32>,
          %swap3A_383 = arith.constant 0 : i32
          %swap3A_384 = arith.index_cast %swap3A_383 : i32 to index
          %swap3A_385 = arith.constant 80 : index
          %swap3A_386 = tpu.vector_load %arg33[%swap3A_384, %swap3A_385] {strides = array<i32>} : memref<16x128xf32, #tpu.memory_space<vmem>>, vector<1x16xf32>,
          %swap3A_387 = vector.shape_cast %swap3A_386 : vector<1x16xf32> to vector<16xf32>
          %swap3A_388 = vector.shape_cast %scan3A_351#5 : vector<16xf32> to vector<1x16xf32>
          tpu.vector_store %arg33[%swap3A_384, %swap3A_385], %swap3A_388 {strides = array<i32>} : memref<16x128xf32, #tpu.memory_space<vmem>>, vector<1x16xf32>,
          %swap3A_389 = arith.constant 0 : i32
          %swap3A_390 = arith.index_cast %swap3A_389 : i32 to index
          %swap3A_391 = arith.constant 96 : index
          %swap3A_392 = tpu.vector_load %arg33[%swap3A_390, %swap3A_391] {strides = array<i32>} : memref<16x128xf32, #tpu.memory_space<vmem>>, vector<1x16xf32>,
          %swap3A_393 = vector.shape_cast %swap3A_392 : vector<1x16xf32> to vector<16xf32>
          %swap3A_394 = vector.shape_cast %scan3A_351#6 : vector<16xf32> to vector<1x16xf32>
          tpu.vector_store %arg33[%swap3A_390, %swap3A_391], %swap3A_394 {strides = array<i32>} : memref<16x128xf32, #tpu.memory_space<vmem>>, vector<1x16xf32>,
          %swap3A_395 = arith.constant 0 : i32
          %swap3A_396 = arith.index_cast %swap3A_395 : i32 to index
          %swap3A_397 = arith.constant 112 : index
          %swap3A_398 = tpu.vector_load %arg33[%swap3A_396, %swap3A_397] {strides = array<i32>} : memref<16x128xf32, #tpu.memory_space<vmem>>, vector<1x16xf32>,
          %swap3A_399 = vector.shape_cast %swap3A_398 : vector<1x16xf32> to vector<16xf32>
          %swap3A_400 = vector.shape_cast %scan3A_351#7 : vector<16xf32> to vector<1x16xf32>
          tpu.vector_store %arg33[%swap3A_396, %swap3A_397], %swap3A_400 {strides = array<i32>} : memref<16x128xf32, #tpu.memory_space<vmem>>, vector<1x16xf32>,
          %dma_start3A_401 = arith.constant 0 : i32
          %dma_start3A_402 = arith.constant 0 : i32
          %dma_start3A_403 = tpu.memref_slice %arg40[%dma_start3A_401, %dma_start3A_402] : memref<512x128xf32, #tpu.memory_space<vmem_shared>> -> memref<512x128xf32, #tpu.memory_space<vmem_shared>>
          tpu.enqueue_indirect_dma source(%arg33 : memref<16x128xf32, #tpu.memory_space<vmem>>) target(%dma_start3A_403 : memref<512x128xf32, #tpu.memory_space<vmem_shared>>) offsets(%arg37 : memref<16xi32, #tpu.memory_space<vmem>>) semaphore(%arg55 : memref<!tpu.dma_semaphore, #tpu.memory_space<semaphore_mem>>) {add = true}
          %broadcast_in_dim3A_404 = arith.constant 0.000000e+00 : f32
          %broadcast_in_dim3A_405 = vector.broadcast %broadcast_in_dim3A_404 : f32 to vector<16xf32>
          %broadcast_in_dim3A_406 = arith.constant 0.000000e+00 : f32
          %broadcast_in_dim3A_407 = vector.broadcast %broadcast_in_dim3A_406 : f32 to vector<16xf32>
          %broadcast_in_dim3A_408 = arith.constant 0.000000e+00 : f32
          %broadcast_in_dim3A_409 = vector.broadcast %broadcast_in_dim3A_408 : f32 to vector<16xf32>
          %broadcast_in_dim3A_410 = arith.constant 0.000000e+00 : f32
          %broadcast_in_dim3A_411 = vector.broadcast %broadcast_in_dim3A_410 : f32 to vector<16xf32>
          %broadcast_in_dim3A_412 = arith.constant 0.000000e+00 : f32
          %broadcast_in_dim3A_413 = vector.broadcast %broadcast_in_dim3A_412 : f32 to vector<16xf32>
          %broadcast_in_dim3A_414 = arith.constant 0.000000e+00 : f32
          %broadcast_in_dim3A_415 = vector.broadcast %broadcast_in_dim3A_414 : f32 to vector<16xf32>
          %broadcast_in_dim3A_416 = arith.constant 0.000000e+00 : f32
          %broadcast_in_dim3A_417 = vector.broadcast %broadcast_in_dim3A_416 : f32 to vector<16xf32>
          %broadcast_in_dim3A_418 = arith.constant 0.000000e+00 : f32
          %broadcast_in_dim3A_419 = vector.broadcast %broadcast_in_dim3A_418 : f32 to vector<16xf32>
          %scan3A_420 = arith.constant 0 : i32
          %scan3A_421 = arith.constant 32 : i32
          %scan3A_422 = arith.addi %scan3A_420, %scan3A_421 : i32
          %scan3A_423 = arith.constant 1 : i32
          %scan3A_424:8 = scf.for %scan3A_489 = %scan3A_420 to %scan3A_422 step %scan3A_423 iter_args(%scan3A_490 = %broadcast_in_dim3A_405, %scan3A_491 = %broadcast_in_dim3A_407, %scan3A_492 = %broadcast_in_dim3A_409, %scan3A_493 = %broadcast_in_dim3A_411, %scan3A_494 = %broadcast_in_dim3A_413, %scan3A_495 = %broadcast_in_dim3A_415, %scan3A_496 = %broadcast_in_dim3A_417, %scan3A_497 = %broadcast_in_dim3A_419) -> (vector<16xf32>, vector<16xf32>, vector<16xf32>, vector<16xf32>, vector<16xf32>, vector<16xf32>, vector<16xf32>, vector<16xf32>)  : i32 {
            %mul3A_498 = arith.constant 2 : i32
            %mul3A_499 = arith.muli %mul3A_498, %scan3A_489 : i32
            %get3A_500 = arith.index_cast %mul3A_499 : i32 to index
            %get3A_501 = arith.constant 0 : index
            %get3A_502 = tpu.vector_load %arg19[%get3A_500, %get3A_501] {strides = array<i32>} : memref<64x128xf32, #tpu.memory_space<vmem>>, vector<1x16xf32>,
            %get3A_503 = vector.shape_cast %get3A_502 : vector<1x16xf32> to vector<16xf32>
            %add3A_504 = arith.addf %scan3A_490, %get3A_503 : vector<16xf32>
            %mul3A_505 = arith.constant 2 : i32
            %mul3A_506 = arith.muli %mul3A_505, %scan3A_489 : i32
            %add3A_507 = arith.constant 1 : i32
            %add3A_508 = arith.addi %mul3A_506, %add3A_507 : i32
            %get3A_509 = arith.index_cast %add3A_508 : i32 to index
            %get3A_510 = arith.constant 0 : index
            %get3A_511 = tpu.vector_load %arg19[%get3A_509, %get3A_510] {strides = array<i32>} : memref<64x128xf32, #tpu.memory_space<vmem>>, vector<1x16xf32>,
            %get3A_512 = vector.shape_cast %get3A_511 : vector<1x16xf32> to vector<16xf32>
            %add3A_513 = arith.addf %add3A_504, %get3A_512 : vector<16xf32>
            %mul3A_514 = arith.constant 2 : i32
            %mul3A_515 = arith.muli %mul3A_514, %scan3A_489 : i32
            %get3A_516 = arith.index_cast %mul3A_515 : i32 to index
            %get3A_517 = arith.constant 16 : index
            %get3A_518 = tpu.vector_load %arg19[%get3A_516, %get3A_517] {strides = array<i32>} : memref<64x128xf32, #tpu.memory_space<vmem>>, vector<1x16xf32>,
            %get3A_519 = vector.shape_cast %get3A_518 : vector<1x16xf32> to vector<16xf32>
            %add3A_520 = arith.addf %scan3A_491, %get3A_519 : vector<16xf32>
            %mul3A_521 = arith.constant 2 : i32
            %mul3A_522 = arith.muli %mul3A_521, %scan3A_489 : i32
            %add3A_523 = arith.constant 1 : i32
            %add3A_524 = arith.addi %mul3A_522, %add3A_523 : i32
            %get3A_525 = arith.index_cast %add3A_524 : i32 to index
            %get3A_526 = arith.constant 16 : index
            %get3A_527 = tpu.vector_load %arg19[%get3A_525, %get3A_526] {strides = array<i32>} : memref<64x128xf32, #tpu.memory_space<vmem>>, vector<1x16xf32>,
            %get3A_528 = vector.shape_cast %get3A_527 : vector<1x16xf32> to vector<16xf32>
            %add3A_529 = arith.addf %add3A_520, %get3A_528 : vector<16xf32>
            %mul3A_530 = arith.constant 2 : i32
            %mul3A_531 = arith.muli %mul3A_530, %scan3A_489 : i32
            %get3A_532 = arith.index_cast %mul3A_531 : i32 to index
            %get3A_533 = arith.constant 32 : index
            %get3A_534 = tpu.vector_load %arg19[%get3A_532, %get3A_533] {strides = array<i32>} : memref<64x128xf32, #tpu.memory_space<vmem>>, vector<1x16xf32>,
            %get3A_535 = vector.shape_cast %get3A_534 : vector<1x16xf32> to vector<16xf32>
            %add3A_536 = arith.addf %scan3A_492, %get3A_535 : vector<16xf32>
            %mul3A_537 = arith.constant 2 : i32
            %mul3A_538 = arith.muli %mul3A_537, %scan3A_489 : i32
            %add3A_539 = arith.constant 1 : i32
            %add3A_540 = arith.addi %mul3A_538, %add3A_539 : i32
            %get3A_541 = arith.index_cast %add3A_540 : i32 to index
            %get3A_542 = arith.constant 32 : index
            %get3A_543 = tpu.vector_load %arg19[%get3A_541, %get3A_542] {strides = array<i32>} : memref<64x128xf32, #tpu.memory_space<vmem>>, vector<1x16xf32>,
            %get3A_544 = vector.shape_cast %get3A_543 : vector<1x16xf32> to vector<16xf32>
            %add3A_545 = arith.addf %add3A_536, %get3A_544 : vector<16xf32>
            %mul3A_546 = arith.constant 2 : i32
            %mul3A_547 = arith.muli %mul3A_546, %scan3A_489 : i32
            %get3A_548 = arith.index_cast %mul3A_547 : i32 to index
            %get3A_549 = arith.constant 48 : index
            %get3A_550 = tpu.vector_load %arg19[%get3A_548, %get3A_549] {strides = array<i32>} : memref<64x128xf32, #tpu.memory_space<vmem>>, vector<1x16xf32>,
            %get3A_551 = vector.shape_cast %get3A_550 : vector<1x16xf32> to vector<16xf32>
            %add3A_552 = arith.addf %scan3A_493, %get3A_551 : vector<16xf32>
            %mul3A_553 = arith.constant 2 : i32
            %mul3A_554 = arith.muli %mul3A_553, %scan3A_489 : i32
            %add3A_555 = arith.constant 1 : i32
            %add3A_556 = arith.addi %mul3A_554, %add3A_555 : i32
            %get3A_557 = arith.index_cast %add3A_556 : i32 to index
            %get3A_558 = arith.constant 48 : index
            %get3A_559 = tpu.vector_load %arg19[%get3A_557, %get3A_558] {strides = array<i32>} : memref<64x128xf32, #tpu.memory_space<vmem>>, vector<1x16xf32>,
            %get3A_560 = vector.shape_cast %get3A_559 : vector<1x16xf32> to vector<16xf32>
            %add3A_561 = arith.addf %add3A_552, %get3A_560 : vector<16xf32>
            %mul3A_562 = arith.constant 2 : i32
            %mul3A_563 = arith.muli %mul3A_562, %scan3A_489 : i32
            %get3A_564 = arith.index_cast %mul3A_563 : i32 to index
            %get3A_565 = arith.constant 64 : index
            %get3A_566 = tpu.vector_load %arg19[%get3A_564, %get3A_565] {strides = array<i32>} : memref<64x128xf32, #tpu.memory_space<vmem>>, vector<1x16xf32>,
            %get3A_567 = vector.shape_cast %get3A_566 : vector<1x16xf32> to vector<16xf32>
            %add3A_568 = arith.addf %scan3A_494, %get3A_567 : vector<16xf32>
            %mul3A_569 = arith.constant 2 : i32
            %mul3A_570 = arith.muli %mul3A_569, %scan3A_489 : i32
            %add3A_571 = arith.constant 1 : i32
            %add3A_572 = arith.addi %mul3A_570, %add3A_571 : i32
            %get3A_573 = arith.index_cast %add3A_572 : i32 to index
            %get3A_574 = arith.constant 64 : index
            %get3A_575 = tpu.vector_load %arg19[%get3A_573, %get3A_574] {strides = array<i32>} : memref<64x128xf32, #tpu.memory_space<vmem>>, vector<1x16xf32>,
            %get3A_576 = vector.shape_cast %get3A_575 : vector<1x16xf32> to vector<16xf32>
            %add3A_577 = arith.addf %add3A_568, %get3A_576 : vector<16xf32>
            %mul3A_578 = arith.constant 2 : i32
            %mul3A_579 = arith.muli %mul3A_578, %scan3A_489 : i32
            %get3A_580 = arith.index_cast %mul3A_579 : i32 to index
            %get3A_581 = arith.constant 80 : index
            %get3A_582 = tpu.vector_load %arg19[%get3A_580, %get3A_581] {strides = array<i32>} : memref<64x128xf32, #tpu.memory_space<vmem>>, vector<1x16xf32>,
            %get3A_583 = vector.shape_cast %get3A_582 : vector<1x16xf32> to vector<16xf32>
            %add3A_584 = arith.addf %scan3A_495, %get3A_583 : vector<16xf32>
            %mul3A_585 = arith.constant 2 : i32
            %mul3A_586 = arith.muli %mul3A_585, %scan3A_489 : i32
            %add3A_587 = arith.constant 1 : i32
            %add3A_588 = arith.addi %mul3A_586, %add3A_587 : i32
            %get3A_589 = arith.index_cast %add3A_588 : i32 to index
            %get3A_590 = arith.constant 80 : index
            %get3A_591 = tpu.vector_load %arg19[%get3A_589, %get3A_590] {strides = array<i32>} : memref<64x128xf32, #tpu.memory_space<vmem>>, vector<1x16xf32>,
            %get3A_592 = vector.shape_cast %get3A_591 : vector<1x16xf32> to vector<16xf32>
            %add3A_593 = arith.addf %add3A_584, %get3A_592 : vector<16xf32>
            %mul3A_594 = arith.constant 2 : i32
            %mul3A_595 = arith.muli %mul3A_594, %scan3A_489 : i32
            %get3A_596 = arith.index_cast %mul3A_595 : i32 to index
            %get3A_597 = arith.constant 96 : index
            %get3A_598 = tpu.vector_load %arg19[%get3A_596, %get3A_597] {strides = array<i32>} : memref<64x128xf32, #tpu.memory_space<vmem>>, vector<1x16xf32>,
            %get3A_599 = vector.shape_cast %get3A_598 : vector<1x16xf32> to vector<16xf32>
            %add3A_600 = arith.addf %scan3A_496, %get3A_599 : vector<16xf32>
            %mul3A_601 = arith.constant 2 : i32
            %mul3A_602 = arith.muli %mul3A_601, %scan3A_489 : i32
            %add3A_603 = arith.constant 1 : i32
            %add3A_604 = arith.addi %mul3A_602, %add3A_603 : i32
            %get3A_605 = arith.index_cast %add3A_604 : i32 to index
            %get3A_606 = arith.constant 96 : index
            %get3A_607 = tpu.vector_load %arg19[%get3A_605, %get3A_606] {strides = array<i32>} : memref<64x128xf32, #tpu.memory_space<vmem>>, vector<1x16xf32>,
            %get3A_608 = vector.shape_cast %get3A_607 : vector<1x16xf32> to vector<16xf32>
            %add3A_609 = arith.addf %add3A_600, %get3A_608 : vector<16xf32>
            %mul3A_610 = arith.constant 2 : i32
            %mul3A_611 = arith.muli %mul3A_610, %scan3A_489 : i32
            %get3A_612 = arith.index_cast %mul3A_611 : i32 to index
            %get3A_613 = arith.constant 112 : index
            %get3A_614 = tpu.vector_load %arg19[%get3A_612, %get3A_613] {strides = array<i32>} : memref<64x128xf32, #tpu.memory_space<vmem>>, vector<1x16xf32>,
            %get3A_615 = vector.shape_cast %get3A_614 : vector<1x16xf32> to vector<16xf32>
            %add3A_616 = arith.addf %scan3A_497, %get3A_615 : vector<16xf32>
            %mul3A_617 = arith.constant 2 : i32
            %mul3A_618 = arith.muli %mul3A_617, %scan3A_489 : i32
            %add3A_619 = arith.constant 1 : i32
            %add3A_620 = arith.addi %mul3A_618, %add3A_619 : i32
            %get3A_621 = arith.index_cast %add3A_620 : i32 to index
            %get3A_622 = arith.constant 112 : index
            %get3A_623 = tpu.vector_load %arg19[%get3A_621, %get3A_622] {strides = array<i32>} : memref<64x128xf32, #tpu.memory_space<vmem>>, vector<1x16xf32>,
            %get3A_624 = vector.shape_cast %get3A_623 : vector<1x16xf32> to vector<16xf32>
            %add3A_625 = arith.addf %add3A_616, %get3A_624 : vector<16xf32>
            scf.yield %add3A_513, %add3A_529, %add3A_545, %add3A_561, %add3A_577, %add3A_593, %add3A_609, %add3A_625 : vector<16xf32>, vector<16xf32>, vector<16xf32>, vector<16xf32>, vector<16xf32>, vector<16xf32>, vector<16xf32>, vector<16xf32>
          }
          %scan3A_425 = arith.constant 32 : i32
          %swap3A_426 = arith.constant 0 : i32
          %swap3A_427 = arith.index_cast %swap3A_426 : i32 to index
          %swap3A_428 = arith.constant 0 : index
          %swap3A_429 = tpu.vector_load %arg35[%swap3A_427, %swap3A_428] {strides = array<i32>} : memref<16x128xf32, #tpu.memory_space<vmem>>, vector<1x16xf32>,
          %swap3A_430 = vector.shape_cast %swap3A_429 : vector<1x16xf32> to vector<16xf32>
          %swap3A_431 = vector.shape_cast %scan3A_424#0 : vector<16xf32> to vector<1x16xf32>
          tpu.vector_store %arg35[%swap3A_427, %swap3A_428], %swap3A_431 {strides = array<i32>} : memref<16x128xf32, #tpu.memory_space<vmem>>, vector<1x16xf32>,
          %swap3A_432 = arith.constant 0 : i32
          %swap3A_433 = arith.index_cast %swap3A_432 : i32 to index
          %swap3A_434 = arith.constant 16 : index
          %swap3A_435 = tpu.vector_load %arg35[%swap3A_433, %swap3A_434] {strides = array<i32>} : memref<16x128xf32, #tpu.memory_space<vmem>>, vector<1x16xf32>,
          %swap3A_436 = vector.shape_cast %swap3A_435 : vector<1x16xf32> to vector<16xf32>
          %swap3A_437 = vector.shape_cast %scan3A_424#1 : vector<16xf32> to vector<1x16xf32>
          tpu.vector_store %arg35[%swap3A_433, %swap3A_434], %swap3A_437 {strides = array<i32>} : memref<16x128xf32, #tpu.memory_space<vmem>>, vector<1x16xf32>,
          %swap3A_438 = arith.constant 0 : i32
          %swap3A_439 = arith.index_cast %swap3A_438 : i32 to index
          %swap3A_440 = arith.constant 32 : index
          %swap3A_441 = tpu.vector_load %arg35[%swap3A_439, %swap3A_440] {strides = array<i32>} : memref<16x128xf32, #tpu.memory_space<vmem>>, vector<1x16xf32>,
          %swap3A_442 = vector.shape_cast %swap3A_441 : vector<1x16xf32> to vector<16xf32>
          %swap3A_443 = vector.shape_cast %scan3A_424#2 : vector<16xf32> to vector<1x16xf32>
          tpu.vector_store %arg35[%swap3A_439, %swap3A_440], %swap3A_443 {strides = array<i32>} : memref<16x128xf32, #tpu.memory_space<vmem>>, vector<1x16xf32>,
          %swap3A_444 = arith.constant 0 : i32
          %swap3A_445 = arith.index_cast %swap3A_444 : i32 to index
          %swap3A_446 = arith.constant 48 : index
          %swap3A_447 = tpu.vector_load %arg35[%swap3A_445, %swap3A_446] {strides = array<i32>} : memref<16x128xf32, #tpu.memory_space<vmem>>, vector<1x16xf32>,
          %swap3A_448 = vector.shape_cast %swap3A_447 : vector<1x16xf32> to vector<16xf32>
          %swap3A_449 = vector.shape_cast %scan3A_424#3 : vector<16xf32> to vector<1x16xf32>
          tpu.vector_store %arg35[%swap3A_445, %swap3A_446], %swap3A_449 {strides = array<i32>} : memref<16x128xf32, #tpu.memory_space<vmem>>, vector<1x16xf32>,
          %swap3A_450 = arith.constant 0 : i32
          %swap3A_451 = arith.index_cast %swap3A_450 : i32 to index
          %swap3A_452 = arith.constant 64 : index
          %swap3A_453 = tpu.vector_load %arg35[%swap3A_451, %swap3A_452] {strides = array<i32>} : memref<16x128xf32, #tpu.memory_space<vmem>>, vector<1x16xf32>,
          %swap3A_454 = vector.shape_cast %swap3A_453 : vector<1x16xf32> to vector<16xf32>
          %swap3A_455 = vector.shape_cast %scan3A_424#4 : vector<16xf32> to vector<1x16xf32>
          tpu.vector_store %arg35[%swap3A_451, %swap3A_452], %swap3A_455 {strides = array<i32>} : memref<16x128xf32, #tpu.memory_space<vmem>>, vector<1x16xf32>,
          %swap3A_456 = arith.constant 0 : i32
          %swap3A_457 = arith.index_cast %swap3A_456 : i32 to index
          %swap3A_458 = arith.constant 80 : index
          %swap3A_459 = tpu.vector_load %arg35[%swap3A_457, %swap3A_458] {strides = array<i32>} : memref<16x128xf32, #tpu.memory_space<vmem>>, vector<1x16xf32>,
          %swap3A_460 = vector.shape_cast %swap3A_459 : vector<1x16xf32> to vector<16xf32>
          %swap3A_461 = vector.shape_cast %scan3A_424#5 : vector<16xf32> to vector<1x16xf32>
          tpu.vector_store %arg35[%swap3A_457, %swap3A_458], %swap3A_461 {strides = array<i32>} : memref<16x128xf32, #tpu.memory_space<vmem>>, vector<1x16xf32>,
          %swap3A_462 = arith.constant 0 : i32
          %swap3A_463 = arith.index_cast %swap3A_462 : i32 to index
          %swap3A_464 = arith.constant 96 : index
          %swap3A_465 = tpu.vector_load %arg35[%swap3A_463, %swap3A_464] {strides = array<i32>} : memref<16x128xf32, #tpu.memory_space<vmem>>, vector<1x16xf32>,
          %swap3A_466 = vector.shape_cast %swap3A_465 : vector<1x16xf32> to vector<16xf32>
          %swap3A_467 = vector.shape_cast %scan3A_424#6 : vector<16xf32> to vector<1x16xf32>
          tpu.vector_store %arg35[%swap3A_463, %swap3A_464], %swap3A_467 {strides = array<i32>} : memref<16x128xf32, #tpu.memory_space<vmem>>, vector<1x16xf32>,
          %swap3A_468 = arith.constant 0 : i32
          %swap3A_469 = arith.index_cast %swap3A_468 : i32 to index
          %swap3A_470 = arith.constant 112 : index
          %swap3A_471 = tpu.vector_load %arg35[%swap3A_469, %swap3A_470] {strides = array<i32>} : memref<16x128xf32, #tpu.memory_space<vmem>>, vector<1x16xf32>,
          %swap3A_472 = vector.shape_cast %swap3A_471 : vector<1x16xf32> to vector<16xf32>
          %swap3A_473 = vector.shape_cast %scan3A_424#7 : vector<16xf32> to vector<1x16xf32>
          tpu.vector_store %arg35[%swap3A_469, %swap3A_470], %swap3A_473 {strides = array<i32>} : memref<16x128xf32, #tpu.memory_space<vmem>>, vector<1x16xf32>,
          %dma_start3A_474 = arith.constant 0 : i32
          %dma_start3A_475 = arith.constant 0 : i32
          %dma_start3A_476 = tpu.memref_slice %arg41[%dma_start3A_474, %dma_start3A_475] : memref<512x128xf32, #tpu.memory_space<vmem_shared>> -> memref<512x128xf32, #tpu.memory_space<vmem_shared>>
          tpu.enqueue_indirect_dma source(%arg35 : memref<16x128xf32, #tpu.memory_space<vmem>>) target(%dma_start3A_476 : memref<512x128xf32, #tpu.memory_space<vmem_shared>>) offsets(%arg37 : memref<16xi32, #tpu.memory_space<vmem>>) semaphore(%arg56 : memref<!tpu.dma_semaphore, #tpu.memory_space<semaphore_mem>>) {add = true}
          "tpu.region"() ({
            %run_scoped3A = tpu.sem_alloc : memref<!tpu.dma_semaphore, #tpu.memory_space<semaphore_mem>>
            %dma_start3A_489 = arith.constant 0 : i32
            %dma_start3A_490 = arith.constant 0 : i32
            %dma_start3A_491 = tpu.memref_slice %arg42[%dma_start3A_489, %dma_start3A_490] : memref<512x128xf32, #tpu.memory_space<vmem_shared>> -> memref<512x128xf32, #tpu.memory_space<vmem_shared>>
            tpu.enqueue_indirect_dma source(%arg27 : memref<16x128xf32, #tpu.memory_space<vmem>>) target(%dma_start3A_491 : memref<512x128xf32, #tpu.memory_space<vmem_shared>>) offsets(%arg37 : memref<16xi32, #tpu.memory_space<vmem>>) semaphore(%run_scoped3A : memref<!tpu.dma_semaphore, #tpu.memory_space<semaphore_mem>>) {add = true}
            %dma_wait3A_492 = arith.constant 0 : i32
            %dma_wait3A_493 = arith.constant 0 : i32
            %dma_wait3A_494 = tpu.memref_slice %arg42[%dma_wait3A_492, %dma_wait3A_493] : memref<512x128xf32, #tpu.memory_space<vmem_shared>> -> memref<512x128xf32, #tpu.memory_space<vmem_shared>>
            tpu.wait_indirect_dma semaphore(%run_scoped3A : memref<!tpu.dma_semaphore, #tpu.memory_space<semaphore_mem>>) src(%arg27 : memref<16x128xf32, #tpu.memory_space<vmem>>) dst(%dma_wait3A_494 : memref<512x128xf32, #tpu.memory_space<vmem_shared>>)
            tpu.yield
          }) : () -> ()
          %dma_wait3A_477 = arith.constant 0 : i32
          %dma_wait3A_478 = arith.constant 0 : i32
          %dma_wait3A_479 = tpu.memref_slice %arg38[%dma_wait3A_477, %dma_wait3A_478] : memref<512x128xf32, #tpu.memory_space<vmem_shared>> -> memref<512x128xf32, #tpu.memory_space<vmem_shared>>
          tpu.wait_indirect_dma semaphore(%arg53 : memref<!tpu.dma_semaphore, #tpu.memory_space<semaphore_mem>>) src(%arg29 : memref<16x128xf32, #tpu.memory_space<vmem>>) dst(%dma_wait3A_479 : memref<512x128xf32, #tpu.memory_space<vmem_shared>>)
          %dma_wait3A_480 = arith.constant 0 : i32
          %dma_wait3A_481 = arith.constant 0 : i32
          %dma_wait3A_482 = tpu.memref_slice %arg39[%dma_wait3A_480, %dma_wait3A_481] : memref<512x128xf32, #tpu.memory_space<vmem_shared>> -> memref<512x128xf32, #tpu.memory_space<vmem_shared>>
          tpu.wait_indirect_dma semaphore(%arg54 : memref<!tpu.dma_semaphore, #tpu.memory_space<semaphore_mem>>) src(%arg31 : memref<16x128xf32, #tpu.memory_space<vmem>>) dst(%dma_wait3A_482 : memref<512x128xf32, #tpu.memory_space<vmem_shared>>)
          %dma_wait3A_483 = arith.constant 0 : i32
          %dma_wait3A_484 = arith.constant 0 : i32
          %dma_wait3A_485 = tpu.memref_slice %arg40[%dma_wait3A_483, %dma_wait3A_484] : memref<512x128xf32, #tpu.memory_space<vmem_shared>> -> memref<512x128xf32, #tpu.memory_space<vmem_shared>>
          tpu.wait_indirect_dma semaphore(%arg55 : memref<!tpu.dma_semaphore, #tpu.memory_space<semaphore_mem>>) src(%arg33 : memref<16x128xf32, #tpu.memory_space<vmem>>) dst(%dma_wait3A_485 : memref<512x128xf32, #tpu.memory_space<vmem_shared>>)
          %dma_wait3A_486 = arith.constant 0 : i32
          %dma_wait3A_487 = arith.constant 0 : i32
          %dma_wait3A_488 = tpu.memref_slice %arg41[%dma_wait3A_486, %dma_wait3A_487] : memref<512x128xf32, #tpu.memory_space<vmem_shared>> -> memref<512x128xf32, #tpu.memory_space<vmem_shared>>
          tpu.wait_indirect_dma semaphore(%arg56 : memref<!tpu.dma_semaphore, #tpu.memory_space<semaphore_mem>>) src(%arg35 : memref<16x128xf32, #tpu.memory_space<vmem>>) dst(%dma_wait3A_488 : memref<512x128xf32, #tpu.memory_space<vmem_shared>>)
        } else {
        }
        %not3A = arith.constant true
        %not3A_177 = arith.xori %eq3A_173, %not3A : i1
        %convert_element_type3A_178 = arith.extui %not3A_177 : i1 to i32
        %cond3A_179 = arith.constant 0 : i32
        %cond3A_180 = arith.cmpi ne, %convert_element_type3A_178, %cond3A_179 : i32
        scf.if %cond3A_180 {
          %dma_start3A_181 = arith.constant 0 : i32
          %dma_start3A_182 = arith.constant 0 : i32
          %dma_start3A_183 = tpu.memref_slice %arg38[%dma_start3A_181, %dma_start3A_182] : memref<512x128xf32, #tpu.memory_space<vmem_shared>> -> memref<512x128xf32, #tpu.memory_space<vmem_shared>>
          tpu.enqueue_indirect_dma source(%arg13 : memref<64x128xf32, #tpu.memory_space<vmem>>) target(%dma_start3A_183 : memref<512x128xf32, #tpu.memory_space<vmem_shared>>) offsets(%arg21 : memref<64xi32, #tpu.memory_space<vmem>>) semaphore(%arg53 : memref<!tpu.dma_semaphore, #tpu.memory_space<semaphore_mem>>) {add = true}
          %dma_start3A_184 = arith.constant 0 : i32
          %dma_start3A_185 = arith.constant 0 : i32
          %dma_start3A_186 = tpu.memref_slice %arg39[%dma_start3A_184, %dma_start3A_185] : memref<512x128xf32, #tpu.memory_space<vmem_shared>> -> memref<512x128xf32, #tpu.memory_space<vmem_shared>>
          tpu.enqueue_indirect_dma source(%arg15 : memref<64x128xf32, #tpu.memory_space<vmem>>) target(%dma_start3A_186 : memref<512x128xf32, #tpu.memory_space<vmem_shared>>) offsets(%arg21 : memref<64xi32, #tpu.memory_space<vmem>>) semaphore(%arg54 : memref<!tpu.dma_semaphore, #tpu.memory_space<semaphore_mem>>) {add = true}
          %dma_start3A_187 = arith.constant 0 : i32
          %dma_start3A_188 = arith.constant 0 : i32
          %dma_start3A_189 = tpu.memref_slice %arg40[%dma_start3A_187, %dma_start3A_188] : memref<512x128xf32, #tpu.memory_space<vmem_shared>> -> memref<512x128xf32, #tpu.memory_space<vmem_shared>>
          tpu.enqueue_indirect_dma source(%arg17 : memref<64x128xf32, #tpu.memory_space<vmem>>) target(%dma_start3A_189 : memref<512x128xf32, #tpu.memory_space<vmem_shared>>) offsets(%arg21 : memref<64xi32, #tpu.memory_space<vmem>>) semaphore(%arg55 : memref<!tpu.dma_semaphore, #tpu.memory_space<semaphore_mem>>) {add = true}
          %dma_start3A_190 = arith.constant 0 : i32
          %dma_start3A_191 = arith.constant 0 : i32
          %dma_start3A_192 = tpu.memref_slice %arg41[%dma_start3A_190, %dma_start3A_191] : memref<512x128xf32, #tpu.memory_space<vmem_shared>> -> memref<512x128xf32, #tpu.memory_space<vmem_shared>>
          tpu.enqueue_indirect_dma source(%arg19 : memref<64x128xf32, #tpu.memory_space<vmem>>) target(%dma_start3A_192 : memref<512x128xf32, #tpu.memory_space<vmem_shared>>) offsets(%arg21 : memref<64xi32, #tpu.memory_space<vmem>>) semaphore(%arg56 : memref<!tpu.dma_semaphore, #tpu.memory_space<semaphore_mem>>) {add = true}
          "tpu.region"() ({
            %run_scoped3A = tpu.sem_alloc : memref<!tpu.dma_semaphore, #tpu.memory_space<semaphore_mem>>
            %dma_start3A_205 = arith.constant 0 : i32
            %dma_start3A_206 = arith.constant 0 : i32
            %dma_start3A_207 = tpu.memref_slice %arg42[%dma_start3A_205, %dma_start3A_206] : memref<512x128xf32, #tpu.memory_space<vmem_shared>> -> memref<512x128xf32, #tpu.memory_space<vmem_shared>>
            tpu.enqueue_indirect_dma source(%arg22 : memref<64x128xf32, #tpu.memory_space<vmem>>) target(%dma_start3A_207 : memref<512x128xf32, #tpu.memory_space<vmem_shared>>) offsets(%arg21 : memref<64xi32, #tpu.memory_space<vmem>>) semaphore(%run_scoped3A : memref<!tpu.dma_semaphore, #tpu.memory_space<semaphore_mem>>) {add = true}
            %dma_wait3A_208 = arith.constant 0 : i32
            %dma_wait3A_209 = arith.constant 0 : i32
            %dma_wait3A_210 = tpu.memref_slice %arg42[%dma_wait3A_208, %dma_wait3A_209] : memref<512x128xf32, #tpu.memory_space<vmem_shared>> -> memref<512x128xf32, #tpu.memory_space<vmem_shared>>
            tpu.wait_indirect_dma semaphore(%run_scoped3A : memref<!tpu.dma_semaphore, #tpu.memory_space<semaphore_mem>>) src(%arg22 : memref<64x128xf32, #tpu.memory_space<vmem>>) dst(%dma_wait3A_210 : memref<512x128xf32, #tpu.memory_space<vmem_shared>>)
            tpu.yield
          }) : () -> ()
          %dma_wait3A_193 = arith.constant 0 : i32
          %dma_wait3A_194 = arith.constant 0 : i32
          %dma_wait3A_195 = tpu.memref_slice %arg38[%dma_wait3A_193, %dma_wait3A_194] : memref<512x128xf32, #tpu.memory_space<vmem_shared>> -> memref<512x128xf32, #tpu.memory_space<vmem_shared>>
          tpu.wait_indirect_dma semaphore(%arg53 : memref<!tpu.dma_semaphore, #tpu.memory_space<semaphore_mem>>) src(%arg13 : memref<64x128xf32, #tpu.memory_space<vmem>>) dst(%dma_wait3A_195 : memref<512x128xf32, #tpu.memory_space<vmem_shared>>)
          %dma_wait3A_196 = arith.constant 0 : i32
          %dma_wait3A_197 = arith.constant 0 : i32
          %dma_wait3A_198 = tpu.memref_slice %arg39[%dma_wait3A_196, %dma_wait3A_197] : memref<512x128xf32, #tpu.memory_space<vmem_shared>> -> memref<512x128xf32, #tpu.memory_space<vmem_shared>>
          tpu.wait_indirect_dma semaphore(%arg54 : memref<!tpu.dma_semaphore, #tpu.memory_space<semaphore_mem>>) src(%arg15 : memref<64x128xf32, #tpu.memory_space<vmem>>) dst(%dma_wait3A_198 : memref<512x128xf32, #tpu.memory_space<vmem_shared>>)
          %dma_wait3A_199 = arith.constant 0 : i32
          %dma_wait3A_200 = arith.constant 0 : i32
          %dma_wait3A_201 = tpu.memref_slice %arg40[%dma_wait3A_199, %dma_wait3A_200] : memref<512x128xf32, #tpu.memory_space<vmem_shared>> -> memref<512x128xf32, #tpu.memory_space<vmem_shared>>
          tpu.wait_indirect_dma semaphore(%arg55 : memref<!tpu.dma_semaphore, #tpu.memory_space<semaphore_mem>>) src(%arg17 : memref<64x128xf32, #tpu.memory_space<vmem>>) dst(%dma_wait3A_201 : memref<512x128xf32, #tpu.memory_space<vmem_shared>>)
          %dma_wait3A_202 = arith.constant 0 : i32
          %dma_wait3A_203 = arith.constant 0 : i32
          %dma_wait3A_204 = tpu.memref_slice %arg41[%dma_wait3A_202, %dma_wait3A_203] : memref<512x128xf32, #tpu.memory_space<vmem_shared>> -> memref<512x128xf32, #tpu.memory_space<vmem_shared>>
          tpu.wait_indirect_dma semaphore(%arg56 : memref<!tpu.dma_semaphore, #tpu.memory_space<semaphore_mem>>) src(%arg19 : memref<64x128xf32, #tpu.memory_space<vmem>>) dst(%dma_wait3A_204 : memref<512x128xf32, #tpu.memory_space<vmem_shared>>)
        } else {
        }
      } else {
      }
    }
    %scan3A_104 = arith.constant 25 : i32
    %eq3A = arith.constant 26 : i32
    %eq3A_105 = arith.cmpi eq, %add3A, %eq3A : i32
    %convert_element_type3A = arith.extui %eq3A_105 : i1 to i32
    %cond3A = arith.constant 0 : i32
    %cond3A_106 = arith.cmpi ne, %convert_element_type3A, %cond3A : i32
    scf.if %cond3A_106 {
      "tpu.region"() ({
        %run_scoped3A = tpu.sem_alloc : memref<!tpu.dma_semaphore, #tpu.memory_space<semaphore_mem>>
        %dma_start3A_108 = arith.constant 99968 : i32
        %dma_start3A_109 = tpu.memref_slice %arg6[%dma_start3A_108] : memref<100000xi32, #tpu.memory_space<hbm>> -> memref<32xi32, #tpu.memory_space<hbm>>
        %dma_start3A_110 = arith.constant 99968 : i32
        %dma_start3A_111 = tpu.memref_slice %arg6[%dma_start3A_110] : memref<100000xi32, #tpu.memory_space<hbm>> -> memref<32xi32, #tpu.memory_space<hbm>>
        tpu.enqueue_dma source(%dma_start3A_111 : memref<32xi32, #tpu.memory_space<hbm>>) target(%arg25 : memref<32xi32, #tpu.memory_space<vmem>>) target_semaphore(%run_scoped3A : memref<!tpu.dma_semaphore, #tpu.memory_space<semaphore_mem>>)
        %dma_wait3A = arith.constant 99968 : i32
        %dma_wait3A_112 = tpu.memref_slice %arg6[%dma_wait3A] : memref<100000xi32, #tpu.memory_space<hbm>> -> memref<32xi32, #tpu.memory_space<hbm>>
        %dma_wait3A_113 = arith.constant 99968 : i32
        %dma_wait3A_114 = tpu.memref_slice %arg6[%dma_wait3A_113] : memref<100000xi32, #tpu.memory_space<hbm>> -> memref<32xi32, #tpu.memory_space<hbm>>
        tpu.wait_dma2 semaphore(%run_scoped3A : memref<!tpu.dma_semaphore, #tpu.memory_space<semaphore_mem>>) src(%dma_wait3A_114 : memref<32xi32, #tpu.memory_space<hbm>>) dst(%arg25 : memref<32xi32, #tpu.memory_space<vmem>>)
        tpu.yield
      }) : () -> ()
      "tpu.region"() ({
        %run_scoped3A = tpu.sem_alloc : memref<!tpu.dma_semaphore, #tpu.memory_space<semaphore_mem>>
        %dma_start3A_108 = arith.constant 99968 : i32
        %dma_start3A_109 = arith.constant 0 : i32
        %dma_start3A_110 = tpu.memref_slice %arg2[%dma_start3A_108, %dma_start3A_109] : memref<100000x128xf32, #tpu.memory_space<hbm>> -> memref<32x128xf32, #tpu.memory_space<hbm>>
        %dma_start3A_111 = arith.constant 99968 : i32
        %dma_start3A_112 = arith.constant 0 : i32
        %dma_start3A_113 = tpu.memref_slice %arg2[%dma_start3A_111, %dma_start3A_112] : memref<100000x128xf32, #tpu.memory_space<hbm>> -> memref<32x128xf32, #tpu.memory_space<hbm>>
        tpu.enqueue_dma source(%dma_start3A_113 : memref<32x128xf32, #tpu.memory_space<hbm>>) target(%arg24 : memref<32x128xf32, #tpu.memory_space<vmem>>) target_semaphore(%run_scoped3A : memref<!tpu.dma_semaphore, #tpu.memory_space<semaphore_mem>>)
        %dma_wait3A = arith.constant 99968 : i32
        %dma_wait3A_114 = arith.constant 0 : i32
        %dma_wait3A_115 = tpu.memref_slice %arg2[%dma_wait3A, %dma_wait3A_114] : memref<100000x128xf32, #tpu.memory_space<hbm>> -> memref<32x128xf32, #tpu.memory_space<hbm>>
        %dma_wait3A_116 = arith.constant 99968 : i32
        %dma_wait3A_117 = arith.constant 0 : i32
        %dma_wait3A_118 = tpu.memref_slice %arg2[%dma_wait3A_116, %dma_wait3A_117] : memref<100000x128xf32, #tpu.memory_space<hbm>> -> memref<32x128xf32, #tpu.memory_space<hbm>>
        tpu.wait_dma2 semaphore(%run_scoped3A : memref<!tpu.dma_semaphore, #tpu.memory_space<semaphore_mem>>) src(%dma_wait3A_118 : memref<32x128xf32, #tpu.memory_space<hbm>>) dst(%arg24 : memref<32x128xf32, #tpu.memory_space<vmem>>)
        tpu.yield
      }) : () -> ()
      "tpu.region"() ({
        %run_scoped3A = tpu.sem_alloc : memref<!tpu.dma_semaphore, #tpu.memory_space<semaphore_mem>>
        %dma_start3A_108 = arith.constant 0 : i32
        %dma_start3A_109 = arith.constant 0 : i32
        %dma_start3A_110 = tpu.memref_slice %arg38[%dma_start3A_108, %dma_start3A_109] : memref<512x128xf32, #tpu.memory_space<vmem_shared>> -> memref<512x128xf32, #tpu.memory_space<vmem_shared>>
        tpu.enqueue_indirect_dma source(%arg24 : memref<32x128xf32, #tpu.memory_space<vmem>>) target(%dma_start3A_110 : memref<512x128xf32, #tpu.memory_space<vmem_shared>>) offsets(%arg25 : memref<32xi32, #tpu.memory_space<vmem>>) semaphore(%run_scoped3A : memref<!tpu.dma_semaphore, #tpu.memory_space<semaphore_mem>>) {add = true}
        %dma_wait3A = arith.constant 0 : i32
        %dma_wait3A_111 = arith.constant 0 : i32
        %dma_wait3A_112 = tpu.memref_slice %arg38[%dma_wait3A, %dma_wait3A_111] : memref<512x128xf32, #tpu.memory_space<vmem_shared>> -> memref<512x128xf32, #tpu.memory_space<vmem_shared>>
        tpu.wait_indirect_dma semaphore(%run_scoped3A : memref<!tpu.dma_semaphore, #tpu.memory_space<semaphore_mem>>) src(%arg24 : memref<32x128xf32, #tpu.memory_space<vmem>>) dst(%dma_wait3A_112 : memref<512x128xf32, #tpu.memory_space<vmem_shared>>)
        tpu.yield
      }) : () -> ()
      "tpu.region"() ({
        %run_scoped3A = tpu.sem_alloc : memref<!tpu.dma_semaphore, #tpu.memory_space<semaphore_mem>>
        %dma_start3A_108 = arith.constant 99968 : i32
        %dma_start3A_109 = arith.constant 0 : i32
        %dma_start3A_110 = tpu.memref_slice %arg3[%dma_start3A_108, %dma_start3A_109] : memref<100000x128xf32, #tpu.memory_space<hbm>> -> memref<32x128xf32, #tpu.memory_space<hbm>>
        %dma_start3A_111 = arith.constant 99968 : i32
        %dma_start3A_112 = arith.constant 0 : i32
        %dma_start3A_113 = tpu.memref_slice %arg3[%dma_start3A_111, %dma_start3A_112] : memref<100000x128xf32, #tpu.memory_space<hbm>> -> memref<32x128xf32, #tpu.memory_space<hbm>>
        tpu.enqueue_dma source(%dma_start3A_113 : memref<32x128xf32, #tpu.memory_space<hbm>>) target(%arg24 : memref<32x128xf32, #tpu.memory_space<vmem>>) target_semaphore(%run_scoped3A : memref<!tpu.dma_semaphore, #tpu.memory_space<semaphore_mem>>)
        %dma_wait3A = arith.constant 99968 : i32
        %dma_wait3A_114 = arith.constant 0 : i32
        %dma_wait3A_115 = tpu.memref_slice %arg3[%dma_wait3A, %dma_wait3A_114] : memref<100000x128xf32, #tpu.memory_space<hbm>> -> memref<32x128xf32, #tpu.memory_space<hbm>>
        %dma_wait3A_116 = arith.constant 99968 : i32
        %dma_wait3A_117 = arith.constant 0 : i32
        %dma_wait3A_118 = tpu.memref_slice %arg3[%dma_wait3A_116, %dma_wait3A_117] : memref<100000x128xf32, #tpu.memory_space<hbm>> -> memref<32x128xf32, #tpu.memory_space<hbm>>
        tpu.wait_dma2 semaphore(%run_scoped3A : memref<!tpu.dma_semaphore, #tpu.memory_space<semaphore_mem>>) src(%dma_wait3A_118 : memref<32x128xf32, #tpu.memory_space<hbm>>) dst(%arg24 : memref<32x128xf32, #tpu.memory_space<vmem>>)
        tpu.yield
      }) : () -> ()
      "tpu.region"() ({
        %run_scoped3A = tpu.sem_alloc : memref<!tpu.dma_semaphore, #tpu.memory_space<semaphore_mem>>
        %dma_start3A_108 = arith.constant 0 : i32
        %dma_start3A_109 = arith.constant 0 : i32
        %dma_start3A_110 = tpu.memref_slice %arg39[%dma_start3A_108, %dma_start3A_109] : memref<512x128xf32, #tpu.memory_space<vmem_shared>> -> memref<512x128xf32, #tpu.memory_space<vmem_shared>>
        tpu.enqueue_indirect_dma source(%arg24 : memref<32x128xf32, #tpu.memory_space<vmem>>) target(%dma_start3A_110 : memref<512x128xf32, #tpu.memory_space<vmem_shared>>) offsets(%arg25 : memref<32xi32, #tpu.memory_space<vmem>>) semaphore(%run_scoped3A : memref<!tpu.dma_semaphore, #tpu.memory_space<semaphore_mem>>) {add = true}
        %dma_wait3A = arith.constant 0 : i32
        %dma_wait3A_111 = arith.constant 0 : i32
        %dma_wait3A_112 = tpu.memref_slice %arg39[%dma_wait3A, %dma_wait3A_111] : memref<512x128xf32, #tpu.memory_space<vmem_shared>> -> memref<512x128xf32, #tpu.memory_space<vmem_shared>>
        tpu.wait_indirect_dma semaphore(%run_scoped3A : memref<!tpu.dma_semaphore, #tpu.memory_space<semaphore_mem>>) src(%arg24 : memref<32x128xf32, #tpu.memory_space<vmem>>) dst(%dma_wait3A_112 : memref<512x128xf32, #tpu.memory_space<vmem_shared>>)
        tpu.yield
      }) : () -> ()
      "tpu.region"() ({
        %run_scoped3A = tpu.sem_alloc : memref<!tpu.dma_semaphore, #tpu.memory_space<semaphore_mem>>
        %dma_start3A_108 = arith.constant 99968 : i32
        %dma_start3A_109 = arith.constant 0 : i32
        %dma_start3A_110 = tpu.memref_slice %arg4[%dma_start3A_108, %dma_start3A_109] : memref<100000x128xf32, #tpu.memory_space<hbm>> -> memref<32x128xf32, #tpu.memory_space<hbm>>
        %dma_start3A_111 = arith.constant 99968 : i32
        %dma_start3A_112 = arith.constant 0 : i32
        %dma_start3A_113 = tpu.memref_slice %arg4[%dma_start3A_111, %dma_start3A_112] : memref<100000x128xf32, #tpu.memory_space<hbm>> -> memref<32x128xf32, #tpu.memory_space<hbm>>
        tpu.enqueue_dma source(%dma_start3A_113 : memref<32x128xf32, #tpu.memory_space<hbm>>) target(%arg24 : memref<32x128xf32, #tpu.memory_space<vmem>>) target_semaphore(%run_scoped3A : memref<!tpu.dma_semaphore, #tpu.memory_space<semaphore_mem>>)
        %dma_wait3A = arith.constant 99968 : i32
        %dma_wait3A_114 = arith.constant 0 : i32
        %dma_wait3A_115 = tpu.memref_slice %arg4[%dma_wait3A, %dma_wait3A_114] : memref<100000x128xf32, #tpu.memory_space<hbm>> -> memref<32x128xf32, #tpu.memory_space<hbm>>
        %dma_wait3A_116 = arith.constant 99968 : i32
        %dma_wait3A_117 = arith.constant 0 : i32
        %dma_wait3A_118 = tpu.memref_slice %arg4[%dma_wait3A_116, %dma_wait3A_117] : memref<100000x128xf32, #tpu.memory_space<hbm>> -> memref<32x128xf32, #tpu.memory_space<hbm>>
        tpu.wait_dma2 semaphore(%run_scoped3A : memref<!tpu.dma_semaphore, #tpu.memory_space<semaphore_mem>>) src(%dma_wait3A_118 : memref<32x128xf32, #tpu.memory_space<hbm>>) dst(%arg24 : memref<32x128xf32, #tpu.memory_space<vmem>>)
        tpu.yield
      }) : () -> ()
      "tpu.region"() ({
        %run_scoped3A = tpu.sem_alloc : memref<!tpu.dma_semaphore, #tpu.memory_space<semaphore_mem>>
        %dma_start3A_108 = arith.constant 0 : i32
        %dma_start3A_109 = arith.constant 0 : i32
        %dma_start3A_110 = tpu.memref_slice %arg40[%dma_start3A_108, %dma_start3A_109] : memref<512x128xf32, #tpu.memory_space<vmem_shared>> -> memref<512x128xf32, #tpu.memory_space<vmem_shared>>
        tpu.enqueue_indirect_dma source(%arg24 : memref<32x128xf32, #tpu.memory_space<vmem>>) target(%dma_start3A_110 : memref<512x128xf32, #tpu.memory_space<vmem_shared>>) offsets(%arg25 : memref<32xi32, #tpu.memory_space<vmem>>) semaphore(%run_scoped3A : memref<!tpu.dma_semaphore, #tpu.memory_space<semaphore_mem>>) {add = true}
        %dma_wait3A = arith.constant 0 : i32
        %dma_wait3A_111 = arith.constant 0 : i32
        %dma_wait3A_112 = tpu.memref_slice %arg40[%dma_wait3A, %dma_wait3A_111] : memref<512x128xf32, #tpu.memory_space<vmem_shared>> -> memref<512x128xf32, #tpu.memory_space<vmem_shared>>
        tpu.wait_indirect_dma semaphore(%run_scoped3A : memref<!tpu.dma_semaphore, #tpu.memory_space<semaphore_mem>>) src(%arg24 : memref<32x128xf32, #tpu.memory_space<vmem>>) dst(%dma_wait3A_112 : memref<512x128xf32, #tpu.memory_space<vmem_shared>>)
        tpu.yield
      }) : () -> ()
      "tpu.region"() ({
        %run_scoped3A = tpu.sem_alloc : memref<!tpu.dma_semaphore, #tpu.memory_space<semaphore_mem>>
        %dma_start3A_108 = arith.constant 99968 : i32
        %dma_start3A_109 = arith.constant 0 : i32
        %dma_start3A_110 = tpu.memref_slice %arg5[%dma_start3A_108, %dma_start3A_109] : memref<100000x128xf32, #tpu.memory_space<hbm>> -> memref<32x128xf32, #tpu.memory_space<hbm>>
        %dma_start3A_111 = arith.constant 99968 : i32
        %dma_start3A_112 = arith.constant 0 : i32
        %dma_start3A_113 = tpu.memref_slice %arg5[%dma_start3A_111, %dma_start3A_112] : memref<100000x128xf32, #tpu.memory_space<hbm>> -> memref<32x128xf32, #tpu.memory_space<hbm>>
        tpu.enqueue_dma source(%dma_start3A_113 : memref<32x128xf32, #tpu.memory_space<hbm>>) target(%arg24 : memref<32x128xf32, #tpu.memory_space<vmem>>) target_semaphore(%run_scoped3A : memref<!tpu.dma_semaphore, #tpu.memory_space<semaphore_mem>>)
        %dma_wait3A = arith.constant 99968 : i32
        %dma_wait3A_114 = arith.constant 0 : i32
        %dma_wait3A_115 = tpu.memref_slice %arg5[%dma_wait3A, %dma_wait3A_114] : memref<100000x128xf32, #tpu.memory_space<hbm>> -> memref<32x128xf32, #tpu.memory_space<hbm>>
        %dma_wait3A_116 = arith.constant 99968 : i32
        %dma_wait3A_117 = arith.constant 0 : i32
        %dma_wait3A_118 = tpu.memref_slice %arg5[%dma_wait3A_116, %dma_wait3A_117] : memref<100000x128xf32, #tpu.memory_space<hbm>> -> memref<32x128xf32, #tpu.memory_space<hbm>>
        tpu.wait_dma2 semaphore(%run_scoped3A : memref<!tpu.dma_semaphore, #tpu.memory_space<semaphore_mem>>) src(%dma_wait3A_118 : memref<32x128xf32, #tpu.memory_space<hbm>>) dst(%arg24 : memref<32x128xf32, #tpu.memory_space<vmem>>)
        tpu.yield
      }) : () -> ()
      "tpu.region"() ({
        %run_scoped3A = tpu.sem_alloc : memref<!tpu.dma_semaphore, #tpu.memory_space<semaphore_mem>>
        %dma_start3A_108 = arith.constant 0 : i32
        %dma_start3A_109 = arith.constant 0 : i32
        %dma_start3A_110 = tpu.memref_slice %arg41[%dma_start3A_108, %dma_start3A_109] : memref<512x128xf32, #tpu.memory_space<vmem_shared>> -> memref<512x128xf32, #tpu.memory_space<vmem_shared>>
        tpu.enqueue_indirect_dma source(%arg24 : memref<32x128xf32, #tpu.memory_space<vmem>>) target(%dma_start3A_110 : memref<512x128xf32, #tpu.memory_space<vmem_shared>>) offsets(%arg25 : memref<32xi32, #tpu.memory_space<vmem>>) semaphore(%run_scoped3A : memref<!tpu.dma_semaphore, #tpu.memory_space<semaphore_mem>>) {add = true}
        %dma_wait3A = arith.constant 0 : i32
        %dma_wait3A_111 = arith.constant 0 : i32
        %dma_wait3A_112 = tpu.memref_slice %arg41[%dma_wait3A, %dma_wait3A_111] : memref<512x128xf32, #tpu.memory_space<vmem_shared>> -> memref<512x128xf32, #tpu.memory_space<vmem_shared>>
        tpu.wait_indirect_dma semaphore(%run_scoped3A : memref<!tpu.dma_semaphore, #tpu.memory_space<semaphore_mem>>) src(%arg24 : memref<32x128xf32, #tpu.memory_space<vmem>>) dst(%dma_wait3A_112 : memref<512x128xf32, #tpu.memory_space<vmem_shared>>)
        tpu.yield
      }) : () -> ()
      "tpu.region"() ({
        %run_scoped3A = tpu.sem_alloc : memref<!tpu.dma_semaphore, #tpu.memory_space<semaphore_mem>>
        %dma_start3A_108 = arith.constant 0 : i32
        %dma_start3A_109 = arith.constant 0 : i32
        %dma_start3A_110 = tpu.memref_slice %arg42[%dma_start3A_108, %dma_start3A_109] : memref<512x128xf32, #tpu.memory_space<vmem_shared>> -> memref<512x128xf32, #tpu.memory_space<vmem_shared>>
        tpu.enqueue_indirect_dma source(%arg23 : memref<32x128xf32, #tpu.memory_space<vmem>>) target(%dma_start3A_110 : memref<512x128xf32, #tpu.memory_space<vmem_shared>>) offsets(%arg25 : memref<32xi32, #tpu.memory_space<vmem>>) semaphore(%run_scoped3A : memref<!tpu.dma_semaphore, #tpu.memory_space<semaphore_mem>>) {add = true}
        %dma_wait3A = arith.constant 0 : i32
        %dma_wait3A_111 = arith.constant 0 : i32
        %dma_wait3A_112 = tpu.memref_slice %arg42[%dma_wait3A, %dma_wait3A_111] : memref<512x128xf32, #tpu.memory_space<vmem_shared>> -> memref<512x128xf32, #tpu.memory_space<vmem_shared>>
        tpu.wait_indirect_dma semaphore(%run_scoped3A : memref<!tpu.dma_semaphore, #tpu.memory_space<semaphore_mem>>) src(%arg23 : memref<32x128xf32, #tpu.memory_space<vmem>>) dst(%dma_wait3A_112 : memref<512x128xf32, #tpu.memory_space<vmem_shared>>)
        tpu.yield
      }) : () -> ()
    } else {
    }
    %barrier3A_107 = arith.constant 0 : index
    tpu.barrier barrier_id(%barrier3A_107)
    "tpu.region"() ({
      %run_scoped3A = tpu.sem_alloc : memref<!tpu.dma_semaphore, #tpu.memory_space<semaphore_mem>>
      %dma_start3A_108 = arith.constant 0 : i32
      %dma_start3A_109 = tpu.memref_slice %arg7[%arg0, %mul3A_2, %dma_start3A_108] : memref<2x512x128xf32, #tpu.memory_space<hbm>> -> memref<1x32x128xf32, #tpu.memory_space<hbm>>
      %dma_start3A_110 = tpu.memref_squeeze %dma_start3A_109 : memref<1x32x128xf32, #tpu.memory_space<hbm>> -> memref<32x128xf32, #tpu.memory_space<hbm>>
      %dma_start3A_111 = arith.constant 0 : i32
      %dma_start3A_112 = tpu.memref_slice %arg38[%mul3A_2, %dma_start3A_111] : memref<512x128xf32, #tpu.memory_space<vmem_shared>> -> memref<32x128xf32, #tpu.memory_space<vmem_shared>>
      tpu.enqueue_dma source(%dma_start3A_112 : memref<32x128xf32, #tpu.memory_space<vmem_shared>>) target(%dma_start3A_110 : memref<32x128xf32, #tpu.memory_space<hbm>>) target_semaphore(%run_scoped3A : memref<!tpu.dma_semaphore, #tpu.memory_space<semaphore_mem>>)
      %dma_wait3A = arith.constant 0 : i32
      %dma_wait3A_113 = tpu.memref_slice %arg7[%arg0, %mul3A_2, %dma_wait3A] : memref<2x512x128xf32, #tpu.memory_space<hbm>> -> memref<1x32x128xf32, #tpu.memory_space<hbm>>
      %dma_wait3A_114 = tpu.memref_squeeze %dma_wait3A_113 : memref<1x32x128xf32, #tpu.memory_space<hbm>> -> memref<32x128xf32, #tpu.memory_space<hbm>>
      %dma_wait3A_115 = arith.constant 0 : i32
      %dma_wait3A_116 = tpu.memref_slice %arg38[%mul3A_2, %dma_wait3A_115] : memref<512x128xf32, #tpu.memory_space<vmem_shared>> -> memref<32x128xf32, #tpu.memory_space<vmem_shared>>
      tpu.wait_dma2 semaphore(%run_scoped3A : memref<!tpu.dma_semaphore, #tpu.memory_space<semaphore_mem>>) src(%dma_wait3A_116 : memref<32x128xf32, #tpu.memory_space<vmem_shared>>) dst(%dma_wait3A_114 : memref<32x128xf32, #tpu.memory_space<hbm>>)
      tpu.yield
    }) : () -> ()
    "tpu.region"() ({
      %run_scoped3A = tpu.sem_alloc : memref<!tpu.dma_semaphore, #tpu.memory_space<semaphore_mem>>
      %dma_start3A_108 = arith.constant 0 : i32
      %dma_start3A_109 = tpu.memref_slice %arg8[%arg0, %mul3A_2, %dma_start3A_108] : memref<2x512x128xf32, #tpu.memory_space<hbm>> -> memref<1x32x128xf32, #tpu.memory_space<hbm>>
      %dma_start3A_110 = tpu.memref_squeeze %dma_start3A_109 : memref<1x32x128xf32, #tpu.memory_space<hbm>> -> memref<32x128xf32, #tpu.memory_space<hbm>>
      %dma_start3A_111 = arith.constant 0 : i32
      %dma_start3A_112 = tpu.memref_slice %arg39[%mul3A_2, %dma_start3A_111] : memref<512x128xf32, #tpu.memory_space<vmem_shared>> -> memref<32x128xf32, #tpu.memory_space<vmem_shared>>
      tpu.enqueue_dma source(%dma_start3A_112 : memref<32x128xf32, #tpu.memory_space<vmem_shared>>) target(%dma_start3A_110 : memref<32x128xf32, #tpu.memory_space<hbm>>) target_semaphore(%run_scoped3A : memref<!tpu.dma_semaphore, #tpu.memory_space<semaphore_mem>>)
      %dma_wait3A = arith.constant 0 : i32
      %dma_wait3A_113 = tpu.memref_slice %arg8[%arg0, %mul3A_2, %dma_wait3A] : memref<2x512x128xf32, #tpu.memory_space<hbm>> -> memref<1x32x128xf32, #tpu.memory_space<hbm>>
      %dma_wait3A_114 = tpu.memref_squeeze %dma_wait3A_113 : memref<1x32x128xf32, #tpu.memory_space<hbm>> -> memref<32x128xf32, #tpu.memory_space<hbm>>
      %dma_wait3A_115 = arith.constant 0 : i32
      %dma_wait3A_116 = tpu.memref_slice %arg39[%mul3A_2, %dma_wait3A_115] : memref<512x128xf32, #tpu.memory_space<vmem_shared>> -> memref<32x128xf32, #tpu.memory_space<vmem_shared>>
      tpu.wait_dma2 semaphore(%run_scoped3A : memref<!tpu.dma_semaphore, #tpu.memory_space<semaphore_mem>>) src(%dma_wait3A_116 : memref<32x128xf32, #tpu.memory_space<vmem_shared>>) dst(%dma_wait3A_114 : memref<32x128xf32, #tpu.memory_space<hbm>>)
      tpu.yield
    }) : () -> ()
    "tpu.region"() ({
      %run_scoped3A = tpu.sem_alloc : memref<!tpu.dma_semaphore, #tpu.memory_space<semaphore_mem>>
      %dma_start3A_108 = arith.constant 0 : i32
      %dma_start3A_109 = tpu.memref_slice %arg9[%arg0, %mul3A_2, %dma_start3A_108] : memref<2x512x128xf32, #tpu.memory_space<hbm>> -> memref<1x32x128xf32, #tpu.memory_space<hbm>>
      %dma_start3A_110 = tpu.memref_squeeze %dma_start3A_109 : memref<1x32x128xf32, #tpu.memory_space<hbm>> -> memref<32x128xf32, #tpu.memory_space<hbm>>
      %dma_start3A_111 = arith.constant 0 : i32
      %dma_start3A_112 = tpu.memref_slice %arg40[%mul3A_2, %dma_start3A_111] : memref<512x128xf32, #tpu.memory_space<vmem_shared>> -> memref<32x128xf32, #tpu.memory_space<vmem_shared>>
      tpu.enqueue_dma source(%dma_start3A_112 : memref<32x128xf32, #tpu.memory_space<vmem_shared>>) target(%dma_start3A_110 : memref<32x128xf32, #tpu.memory_space<hbm>>) target_semaphore(%run_scoped3A : memref<!tpu.dma_semaphore, #tpu.memory_space<semaphore_mem>>)
      %dma_wait3A = arith.constant 0 : i32
      %dma_wait3A_113 = tpu.memref_slice %arg9[%arg0, %mul3A_2, %dma_wait3A] : memref<2x512x128xf32, #tpu.memory_space<hbm>> -> memref<1x32x128xf32, #tpu.memory_space<hbm>>
      %dma_wait3A_114 = tpu.memref_squeeze %dma_wait3A_113 : memref<1x32x128xf32, #tpu.memory_space<hbm>> -> memref<32x128xf32, #tpu.memory_space<hbm>>
      %dma_wait3A_115 = arith.constant 0 : i32
      %dma_wait3A_116 = tpu.memref_slice %arg40[%mul3A_2, %dma_wait3A_115] : memref<512x128xf32, #tpu.memory_space<vmem_shared>> -> memref<32x128xf32, #tpu.memory_space<vmem_shared>>
      tpu.wait_dma2 semaphore(%run_scoped3A : memref<!tpu.dma_semaphore, #tpu.memory_space<semaphore_mem>>) src(%dma_wait3A_116 : memref<32x128xf32, #tpu.memory_space<vmem_shared>>) dst(%dma_wait3A_114 : memref<32x128xf32, #tpu.memory_space<hbm>>)
      tpu.yield
    }) : () -> ()
    "tpu.region"() ({
      %run_scoped3A = tpu.sem_alloc : memref<!tpu.dma_semaphore, #tpu.memory_space<semaphore_mem>>
      %dma_start3A_108 = arith.constant 0 : i32
      %dma_start3A_109 = tpu.memref_slice %arg10[%arg0, %mul3A_2, %dma_start3A_108] : memref<2x512x128xf32, #tpu.memory_space<hbm>> -> memref<1x32x128xf32, #tpu.memory_space<hbm>>
      %dma_start3A_110 = tpu.memref_squeeze %dma_start3A_109 : memref<1x32x128xf32, #tpu.memory_space<hbm>> -> memref<32x128xf32, #tpu.memory_space<hbm>>
      %dma_start3A_111 = arith.constant 0 : i32
      %dma_start3A_112 = tpu.memref_slice %arg41[%mul3A_2, %dma_start3A_111] : memref<512x128xf32, #tpu.memory_space<vmem_shared>> -> memref<32x128xf32, #tpu.memory_space<vmem_shared>>
      tpu.enqueue_dma source(%dma_start3A_112 : memref<32x128xf32, #tpu.memory_space<vmem_shared>>) target(%dma_start3A_110 : memref<32x128xf32, #tpu.memory_space<hbm>>) target_semaphore(%run_scoped3A : memref<!tpu.dma_semaphore, #tpu.memory_space<semaphore_mem>>)
      %dma_wait3A = arith.constant 0 : i32
      %dma_wait3A_113 = tpu.memref_slice %arg10[%arg0, %mul3A_2, %dma_wait3A] : memref<2x512x128xf32, #tpu.memory_space<hbm>> -> memref<1x32x128xf32, #tpu.memory_space<hbm>>
      %dma_wait3A_114 = tpu.memref_squeeze %dma_wait3A_113 : memref<1x32x128xf32, #tpu.memory_space<hbm>> -> memref<32x128xf32, #tpu.memory_space<hbm>>
      %dma_wait3A_115 = arith.constant 0 : i32
      %dma_wait3A_116 = tpu.memref_slice %arg41[%mul3A_2, %dma_wait3A_115] : memref<512x128xf32, #tpu.memory_space<vmem_shared>> -> memref<32x128xf32, #tpu.memory_space<vmem_shared>>
      tpu.wait_dma2 semaphore(%run_scoped3A : memref<!tpu.dma_semaphore, #tpu.memory_space<semaphore_mem>>) src(%dma_wait3A_116 : memref<32x128xf32, #tpu.memory_space<vmem_shared>>) dst(%dma_wait3A_114 : memref<32x128xf32, #tpu.memory_space<hbm>>)
      tpu.yield
    }) : () -> ()
    "tpu.region"() ({
      %run_scoped3A = tpu.sem_alloc : memref<!tpu.dma_semaphore, #tpu.memory_space<semaphore_mem>>
      %dma_start3A_108 = arith.constant 0 : i32
      %dma_start3A_109 = tpu.memref_slice %arg11[%arg0, %mul3A_2, %dma_start3A_108] : memref<2x512x128xf32, #tpu.memory_space<hbm>> -> memref<1x32x128xf32, #tpu.memory_space<hbm>>
      %dma_start3A_110 = tpu.memref_squeeze %dma_start3A_109 : memref<1x32x128xf32, #tpu.memory_space<hbm>> -> memref<32x128xf32, #tpu.memory_space<hbm>>
      %dma_start3A_111 = arith.constant 0 : i32
      %dma_start3A_112 = tpu.memref_slice %arg42[%mul3A_2, %dma_start3A_111] : memref<512x128xf32, #tpu.memory_space<vmem_shared>> -> memref<32x128xf32, #tpu.memory_space<vmem_shared>>
      tpu.enqueue_dma source(%dma_start3A_112 : memref<32x128xf32, #tpu.memory_space<vmem_shared>>) target(%dma_start3A_110 : memref<32x128xf32, #tpu.memory_space<hbm>>) target_semaphore(%run_scoped3A : memref<!tpu.dma_semaphore, #tpu.memory_space<semaphore_mem>>)
      %dma_wait3A = arith.constant 0 : i32
      %dma_wait3A_113 = tpu.memref_slice %arg11[%arg0, %mul3A_2, %dma_wait3A] : memref<2x512x128xf32, #tpu.memory_space<hbm>> -> memref<1x32x128xf32, #tpu.memory_space<hbm>>
      %dma_wait3A_114 = tpu.memref_squeeze %dma_wait3A_113 : memref<1x32x128xf32, #tpu.memory_space<hbm>> -> memref<32x128xf32, #tpu.memory_space<hbm>>
      %dma_wait3A_115 = arith.constant 0 : i32
      %dma_wait3A_116 = tpu.memref_slice %arg42[%mul3A_2, %dma_wait3A_115] : memref<512x128xf32, #tpu.memory_space<vmem_shared>> -> memref<32x128xf32, #tpu.memory_space<vmem_shared>>
      tpu.wait_dma2 semaphore(%run_scoped3A : memref<!tpu.dma_semaphore, #tpu.memory_space<semaphore_mem>>) src(%dma_wait3A_116 : memref<32x128xf32, #tpu.memory_space<vmem_shared>>) dst(%dma_wait3A_114 : memref<32x128xf32, #tpu.memory_space<hbm>>)
      tpu.yield
    }) : () -> ()
    return
  }
}

#map = affine_map<(d0, d1) -> (0, 0, 0)>
#map1 = affine_map<(d0, d1) -> (0, 0)>
module attributes {stable_mosaic.version = 14 : i64} {
  func.func @_sc_combine(%arg0: i32, %arg1: i32, %arg2: memref<2x512x128xf32, #tpu.memory_space<hbm>>, %arg3: memref<2x512x128xf32, #tpu.memory_space<hbm>>, %arg4: memref<2x512x128xf32, #tpu.memory_space<hbm>>, %arg5: memref<2x512x128xf32, #tpu.memory_space<hbm>>, %arg6: memref<2x512x128xf32, #tpu.memory_space<hbm>>, %arg7: memref<512x512xf32, #tpu.memory_space<hbm>>, %arg8: memref<16x128xf32, #tpu.memory_space<vmem>>, %arg9: memref<16x128xf32, #tpu.memory_space<vmem>>, %arg10: memref<16x128xf32, #tpu.memory_space<vmem>>, %arg11: memref<16x128xf32, #tpu.memory_space<vmem>>, %arg12: memref<16x128xf32, #tpu.memory_space<vmem>>, %arg13: memref<16x16xf32, #tpu.memory_space<vmem>>) attributes {dimension_semantics = [#tpu.dimension_semantics<core_parallel>, #tpu.dimension_semantics<subcore_parallel>], iteration_bounds = array<i64: 2, 16>, scalar_prefetch = 0 : i64, scratch_operands = 6 : i64, tpu.core_type = #tpu.core_type<sc_vector_subcore>, window_params = [{transform_indices = #map}, {transform_indices = #map}, {transform_indices = #map}, {transform_indices = #map}, {transform_indices = #map}, {transform_indices = #map1}]} {
    %mul3A = arith.constant 16 : i32
    %mul3A_0 = arith.muli %arg0, %mul3A : i32
    %add3A = arith.addi %mul3A_0, %arg1 : i32
    %mul3A_1 = arith.constant 16 : i32
    %mul3A_2 = arith.muli %add3A, %mul3A_1 : i32
    %run_scoped3A = arith.constant 0 : i32
    "tpu.region"() ({
      %run_scoped3A_41 = tpu.sem_alloc : memref<!tpu.dma_semaphore, #tpu.memory_space<semaphore_mem>>
      %dma_start3A = arith.constant 0 : i32
      %dma_start3A_42 = tpu.memref_slice %arg6[%run_scoped3A, %mul3A_2, %dma_start3A] : memref<2x512x128xf32, #tpu.memory_space<hbm>> -> memref<1x16x128xf32, #tpu.memory_space<hbm>>
      %dma_start3A_43 = tpu.memref_squeeze %dma_start3A_42 : memref<1x16x128xf32, #tpu.memory_space<hbm>> -> memref<16x128xf32, #tpu.memory_space<hbm>>
      %dma_start3A_44 = arith.constant 0 : i32
      %dma_start3A_45 = tpu.memref_slice %arg6[%run_scoped3A, %mul3A_2, %dma_start3A_44] : memref<2x512x128xf32, #tpu.memory_space<hbm>> -> memref<1x16x128xf32, #tpu.memory_space<hbm>>
      %dma_start3A_46 = tpu.memref_squeeze %dma_start3A_45 : memref<1x16x128xf32, #tpu.memory_space<hbm>> -> memref<16x128xf32, #tpu.memory_space<hbm>>
      tpu.enqueue_dma source(%dma_start3A_46 : memref<16x128xf32, #tpu.memory_space<hbm>>) target(%arg11 : memref<16x128xf32, #tpu.memory_space<vmem>>) target_semaphore(%run_scoped3A_41 : memref<!tpu.dma_semaphore, #tpu.memory_space<semaphore_mem>>)
      %dma_wait3A = arith.constant 0 : i32
      %dma_wait3A_47 = tpu.memref_slice %arg6[%run_scoped3A, %mul3A_2, %dma_wait3A] : memref<2x512x128xf32, #tpu.memory_space<hbm>> -> memref<1x16x128xf32, #tpu.memory_space<hbm>>
      %dma_wait3A_48 = tpu.memref_squeeze %dma_wait3A_47 : memref<1x16x128xf32, #tpu.memory_space<hbm>> -> memref<16x128xf32, #tpu.memory_space<hbm>>
      %dma_wait3A_49 = arith.constant 0 : i32
      %dma_wait3A_50 = tpu.memref_slice %arg6[%run_scoped3A, %mul3A_2, %dma_wait3A_49] : memref<2x512x128xf32, #tpu.memory_space<hbm>> -> memref<1x16x128xf32, #tpu.memory_space<hbm>>
      %dma_wait3A_51 = tpu.memref_squeeze %dma_wait3A_50 : memref<1x16x128xf32, #tpu.memory_space<hbm>> -> memref<16x128xf32, #tpu.memory_space<hbm>>
      tpu.wait_dma2 semaphore(%run_scoped3A_41 : memref<!tpu.dma_semaphore, #tpu.memory_space<semaphore_mem>>) src(%dma_wait3A_51 : memref<16x128xf32, #tpu.memory_space<hbm>>) dst(%arg11 : memref<16x128xf32, #tpu.memory_space<vmem>>)
      tpu.yield
    }) : () -> ()
    %run_scoped3A_3 = arith.constant 1 : i32
    "tpu.region"() ({
      %run_scoped3A_41 = tpu.sem_alloc : memref<!tpu.dma_semaphore, #tpu.memory_space<semaphore_mem>>
      %dma_start3A = arith.constant 0 : i32
      %dma_start3A_42 = tpu.memref_slice %arg6[%run_scoped3A_3, %mul3A_2, %dma_start3A] : memref<2x512x128xf32, #tpu.memory_space<hbm>> -> memref<1x16x128xf32, #tpu.memory_space<hbm>>
      %dma_start3A_43 = tpu.memref_squeeze %dma_start3A_42 : memref<1x16x128xf32, #tpu.memory_space<hbm>> -> memref<16x128xf32, #tpu.memory_space<hbm>>
      %dma_start3A_44 = arith.constant 0 : i32
      %dma_start3A_45 = tpu.memref_slice %arg6[%run_scoped3A_3, %mul3A_2, %dma_start3A_44] : memref<2x512x128xf32, #tpu.memory_space<hbm>> -> memref<1x16x128xf32, #tpu.memory_space<hbm>>
      %dma_start3A_46 = tpu.memref_squeeze %dma_start3A_45 : memref<1x16x128xf32, #tpu.memory_space<hbm>> -> memref<16x128xf32, #tpu.memory_space<hbm>>
      tpu.enqueue_dma source(%dma_start3A_46 : memref<16x128xf32, #tpu.memory_space<hbm>>) target(%arg12 : memref<16x128xf32, #tpu.memory_space<vmem>>) target_semaphore(%run_scoped3A_41 : memref<!tpu.dma_semaphore, #tpu.memory_space<semaphore_mem>>)
      %dma_wait3A = arith.constant 0 : i32
      %dma_wait3A_47 = tpu.memref_slice %arg6[%run_scoped3A_3, %mul3A_2, %dma_wait3A] : memref<2x512x128xf32, #tpu.memory_space<hbm>> -> memref<1x16x128xf32, #tpu.memory_space<hbm>>
      %dma_wait3A_48 = tpu.memref_squeeze %dma_wait3A_47 : memref<1x16x128xf32, #tpu.memory_space<hbm>> -> memref<16x128xf32, #tpu.memory_space<hbm>>
      %dma_wait3A_49 = arith.constant 0 : i32
      %dma_wait3A_50 = tpu.memref_slice %arg6[%run_scoped3A_3, %mul3A_2, %dma_wait3A_49] : memref<2x512x128xf32, #tpu.memory_space<hbm>> -> memref<1x16x128xf32, #tpu.memory_space<hbm>>
      %dma_wait3A_51 = tpu.memref_squeeze %dma_wait3A_50 : memref<1x16x128xf32, #tpu.memory_space<hbm>> -> memref<16x128xf32, #tpu.memory_space<hbm>>
      tpu.wait_dma2 semaphore(%run_scoped3A_41 : memref<!tpu.dma_semaphore, #tpu.memory_space<semaphore_mem>>) src(%dma_wait3A_51 : memref<16x128xf32, #tpu.memory_space<hbm>>) dst(%arg12 : memref<16x128xf32, #tpu.memory_space<vmem>>)
      tpu.yield
    }) : () -> ()
    %scan3A = arith.constant 0 : i32
    %scan3A_4 = arith.constant 0 : i32
    %scan3A_5 = arith.constant 16 : i32
    %scan3A_6 = arith.addi %scan3A_4, %scan3A_5 : i32
    %scan3A_7 = arith.constant 1 : i32
    scf.for %scan3A_41 = %scan3A_4 to %scan3A_6 step %scan3A_7  : i32 {
      %get3A = arith.index_cast %scan3A_41 : i32 to index
      %get3A_42 = arith.constant 0 : index
      %get3A_43 = tpu.vector_load %arg11[%get3A, %get3A_42] {strides = array<i32>} : memref<16x128xf32, #tpu.memory_space<vmem>>, vector<1x16xf32>,
      %get3A_44 = vector.shape_cast %get3A_43 : vector<1x16xf32> to vector<16xf32>
      %get3A_45 = arith.index_cast %scan3A_41 : i32 to index
      %get3A_46 = arith.constant 0 : index
      %get3A_47 = tpu.vector_load %arg12[%get3A_45, %get3A_46] {strides = array<i32>} : memref<16x128xf32, #tpu.memory_space<vmem>>, vector<1x16xf32>,
      %get3A_48 = vector.shape_cast %get3A_47 : vector<1x16xf32> to vector<16xf32>
      %add3A_49 = arith.addf %get3A_44, %get3A_48 : vector<16xf32>
      %max3A = arith.constant 1.000000e+00 : f32
      %max3A_50 = vector.broadcast %max3A : f32 to vector<16xf32>
      %max3A_51 = arith.maximumf %add3A_49, %max3A_50 : vector<16xf32>
      %div3A = arith.constant 1.000000e+00 : f32
      %div3A_52 = vector.broadcast %div3A : f32 to vector<16xf32>
      %div3A_53 = arith.divf %div3A_52, %max3A_51 : vector<16xf32>
      %swap3A = arith.index_cast %scan3A_41 : i32 to index
      %swap3A_54 = arith.constant 0 : index
      %swap3A_55 = tpu.vector_load %arg13[%swap3A, %swap3A_54] {strides = array<i32>} : memref<16x16xf32, #tpu.memory_space<vmem>>, vector<1x16xf32>,
      %swap3A_56 = vector.shape_cast %swap3A_55 : vector<1x16xf32> to vector<16xf32>
      %swap3A_57 = vector.shape_cast %div3A_53 : vector<16xf32> to vector<1x16xf32>
      tpu.vector_store %arg13[%swap3A, %swap3A_54], %swap3A_57 {strides = array<i32>} : memref<16x16xf32, #tpu.memory_space<vmem>>, vector<1x16xf32>,
    }
    %scan3A_8 = arith.constant 16 : i32
    %run_scoped3A_9 = arith.constant 0 : i32
    "tpu.region"() ({
      %run_scoped3A_41 = tpu.sem_alloc : memref<!tpu.dma_semaphore, #tpu.memory_space<semaphore_mem>>
      %dma_start3A = arith.constant 0 : i32
      %dma_start3A_42 = tpu.memref_slice %arg2[%run_scoped3A_9, %mul3A_2, %dma_start3A] : memref<2x512x128xf32, #tpu.memory_space<hbm>> -> memref<1x16x128xf32, #tpu.memory_space<hbm>>
      %dma_start3A_43 = tpu.memref_squeeze %dma_start3A_42 : memref<1x16x128xf32, #tpu.memory_space<hbm>> -> memref<16x128xf32, #tpu.memory_space<hbm>>
      %dma_start3A_44 = arith.constant 0 : i32
      %dma_start3A_45 = tpu.memref_slice %arg2[%run_scoped3A_9, %mul3A_2, %dma_start3A_44] : memref<2x512x128xf32, #tpu.memory_space<hbm>> -> memref<1x16x128xf32, #tpu.memory_space<hbm>>
      %dma_start3A_46 = tpu.memref_squeeze %dma_start3A_45 : memref<1x16x128xf32, #tpu.memory_space<hbm>> -> memref<16x128xf32, #tpu.memory_space<hbm>>
      tpu.enqueue_dma source(%dma_start3A_46 : memref<16x128xf32, #tpu.memory_space<hbm>>) target(%arg8 : memref<16x128xf32, #tpu.memory_space<vmem>>) target_semaphore(%run_scoped3A_41 : memref<!tpu.dma_semaphore, #tpu.memory_space<semaphore_mem>>)
      %dma_wait3A = arith.constant 0 : i32
      %dma_wait3A_47 = tpu.memref_slice %arg2[%run_scoped3A_9, %mul3A_2, %dma_wait3A] : memref<2x512x128xf32, #tpu.memory_space<hbm>> -> memref<1x16x128xf32, #tpu.memory_space<hbm>>
      %dma_wait3A_48 = tpu.memref_squeeze %dma_wait3A_47 : memref<1x16x128xf32, #tpu.memory_space<hbm>> -> memref<16x128xf32, #tpu.memory_space<hbm>>
      %dma_wait3A_49 = arith.constant 0 : i32
      %dma_wait3A_50 = tpu.memref_slice %arg2[%run_scoped3A_9, %mul3A_2, %dma_wait3A_49] : memref<2x512x128xf32, #tpu.memory_space<hbm>> -> memref<1x16x128xf32, #tpu.memory_space<hbm>>
      %dma_wait3A_51 = tpu.memref_squeeze %dma_wait3A_50 : memref<1x16x128xf32, #tpu.memory_space<hbm>> -> memref<16x128xf32, #tpu.memory_space<hbm>>
      tpu.wait_dma2 semaphore(%run_scoped3A_41 : memref<!tpu.dma_semaphore, #tpu.memory_space<semaphore_mem>>) src(%dma_wait3A_51 : memref<16x128xf32, #tpu.memory_space<hbm>>) dst(%arg8 : memref<16x128xf32, #tpu.memory_space<vmem>>)
      tpu.yield
    }) : () -> ()
    %run_scoped3A_10 = arith.constant 1 : i32
    "tpu.region"() ({
      %run_scoped3A_41 = tpu.sem_alloc : memref<!tpu.dma_semaphore, #tpu.memory_space<semaphore_mem>>
      %dma_start3A = arith.constant 0 : i32
      %dma_start3A_42 = tpu.memref_slice %arg2[%run_scoped3A_10, %mul3A_2, %dma_start3A] : memref<2x512x128xf32, #tpu.memory_space<hbm>> -> memref<1x16x128xf32, #tpu.memory_space<hbm>>
      %dma_start3A_43 = tpu.memref_squeeze %dma_start3A_42 : memref<1x16x128xf32, #tpu.memory_space<hbm>> -> memref<16x128xf32, #tpu.memory_space<hbm>>
      %dma_start3A_44 = arith.constant 0 : i32
      %dma_start3A_45 = tpu.memref_slice %arg2[%run_scoped3A_10, %mul3A_2, %dma_start3A_44] : memref<2x512x128xf32, #tpu.memory_space<hbm>> -> memref<1x16x128xf32, #tpu.memory_space<hbm>>
      %dma_start3A_46 = tpu.memref_squeeze %dma_start3A_45 : memref<1x16x128xf32, #tpu.memory_space<hbm>> -> memref<16x128xf32, #tpu.memory_space<hbm>>
      tpu.enqueue_dma source(%dma_start3A_46 : memref<16x128xf32, #tpu.memory_space<hbm>>) target(%arg9 : memref<16x128xf32, #tpu.memory_space<vmem>>) target_semaphore(%run_scoped3A_41 : memref<!tpu.dma_semaphore, #tpu.memory_space<semaphore_mem>>)
      %dma_wait3A = arith.constant 0 : i32
      %dma_wait3A_47 = tpu.memref_slice %arg2[%run_scoped3A_10, %mul3A_2, %dma_wait3A] : memref<2x512x128xf32, #tpu.memory_space<hbm>> -> memref<1x16x128xf32, #tpu.memory_space<hbm>>
      %dma_wait3A_48 = tpu.memref_squeeze %dma_wait3A_47 : memref<1x16x128xf32, #tpu.memory_space<hbm>> -> memref<16x128xf32, #tpu.memory_space<hbm>>
      %dma_wait3A_49 = arith.constant 0 : i32
      %dma_wait3A_50 = tpu.memref_slice %arg2[%run_scoped3A_10, %mul3A_2, %dma_wait3A_49] : memref<2x512x128xf32, #tpu.memory_space<hbm>> -> memref<1x16x128xf32, #tpu.memory_space<hbm>>
      %dma_wait3A_51 = tpu.memref_squeeze %dma_wait3A_50 : memref<1x16x128xf32, #tpu.memory_space<hbm>> -> memref<16x128xf32, #tpu.memory_space<hbm>>
      tpu.wait_dma2 semaphore(%run_scoped3A_41 : memref<!tpu.dma_semaphore, #tpu.memory_space<semaphore_mem>>) src(%dma_wait3A_51 : memref<16x128xf32, #tpu.memory_space<hbm>>) dst(%arg9 : memref<16x128xf32, #tpu.memory_space<vmem>>)
      tpu.yield
    }) : () -> ()
    %scan3A_11 = arith.constant 0 : i32
    %scan3A_12 = arith.constant 0 : i32
    %scan3A_13 = arith.constant 16 : i32
    %scan3A_14 = arith.addi %scan3A_12, %scan3A_13 : i32
    %scan3A_15 = arith.constant 1 : i32
    scf.for %scan3A_41 = %scan3A_12 to %scan3A_14 step %scan3A_15  : i32 {
      %get3A = arith.index_cast %scan3A_41 : i32 to index
      %get3A_42 = arith.constant 0 : index
      %get3A_43 = tpu.vector_load %arg13[%get3A, %get3A_42] {strides = array<i32>} : memref<16x16xf32, #tpu.memory_space<vmem>>, vector<1x16xf32>,
      %get3A_44 = vector.shape_cast %get3A_43 : vector<1x16xf32> to vector<16xf32>
      %get3A_45 = arith.index_cast %scan3A_41 : i32 to index
      %get3A_46 = arith.constant 0 : index
      %get3A_47 = tpu.vector_load %arg8[%get3A_45, %get3A_46] {strides = array<i32>} : memref<16x128xf32, #tpu.memory_space<vmem>>, vector<1x16xf32>,
      %get3A_48 = vector.shape_cast %get3A_47 : vector<1x16xf32> to vector<16xf32>
      %get3A_49 = arith.index_cast %scan3A_41 : i32 to index
      %get3A_50 = arith.constant 0 : index
      %get3A_51 = tpu.vector_load %arg9[%get3A_49, %get3A_50] {strides = array<i32>} : memref<16x128xf32, #tpu.memory_space<vmem>>, vector<1x16xf32>,
      %get3A_52 = vector.shape_cast %get3A_51 : vector<1x16xf32> to vector<16xf32>
      %add3A_53 = arith.addf %get3A_48, %get3A_52 : vector<16xf32>
      %mul3A_54 = arith.mulf %add3A_53, %get3A_44 : vector<16xf32>
      %swap3A = arith.index_cast %scan3A_41 : i32 to index
      %swap3A_55 = arith.constant 0 : index
      %swap3A_56 = tpu.vector_load %arg10[%swap3A, %swap3A_55] {strides = array<i32>} : memref<16x128xf32, #tpu.memory_space<vmem>>, vector<1x16xf32>,
      %swap3A_57 = vector.shape_cast %swap3A_56 : vector<1x16xf32> to vector<16xf32>
      %swap3A_58 = vector.shape_cast %mul3A_54 : vector<16xf32> to vector<1x16xf32>
      tpu.vector_store %arg10[%swap3A, %swap3A_55], %swap3A_58 {strides = array<i32>} : memref<16x128xf32, #tpu.memory_space<vmem>>, vector<1x16xf32>,
      %get3A_59 = arith.index_cast %scan3A_41 : i32 to index
      %get3A_60 = arith.constant 16 : index
      %get3A_61 = tpu.vector_load %arg8[%get3A_59, %get3A_60] {strides = array<i32>} : memref<16x128xf32, #tpu.memory_space<vmem>>, vector<1x16xf32>,
      %get3A_62 = vector.shape_cast %get3A_61 : vector<1x16xf32> to vector<16xf32>
      %get3A_63 = arith.index_cast %scan3A_41 : i32 to index
      %get3A_64 = arith.constant 16 : index
      %get3A_65 = tpu.vector_load %arg9[%get3A_63, %get3A_64] {strides = array<i32>} : memref<16x128xf32, #tpu.memory_space<vmem>>, vector<1x16xf32>,
      %get3A_66 = vector.shape_cast %get3A_65 : vector<1x16xf32> to vector<16xf32>
      %add3A_67 = arith.addf %get3A_62, %get3A_66 : vector<16xf32>
      %mul3A_68 = arith.mulf %add3A_67, %get3A_44 : vector<16xf32>
      %swap3A_69 = arith.index_cast %scan3A_41 : i32 to index
      %swap3A_70 = arith.constant 16 : index
      %swap3A_71 = tpu.vector_load %arg10[%swap3A_69, %swap3A_70] {strides = array<i32>} : memref<16x128xf32, #tpu.memory_space<vmem>>, vector<1x16xf32>,
      %swap3A_72 = vector.shape_cast %swap3A_71 : vector<1x16xf32> to vector<16xf32>
      %swap3A_73 = vector.shape_cast %mul3A_68 : vector<16xf32> to vector<1x16xf32>
      tpu.vector_store %arg10[%swap3A_69, %swap3A_70], %swap3A_73 {strides = array<i32>} : memref<16x128xf32, #tpu.memory_space<vmem>>, vector<1x16xf32>,
      %get3A_74 = arith.index_cast %scan3A_41 : i32 to index
      %get3A_75 = arith.constant 32 : index
      %get3A_76 = tpu.vector_load %arg8[%get3A_74, %get3A_75] {strides = array<i32>} : memref<16x128xf32, #tpu.memory_space<vmem>>, vector<1x16xf32>,
      %get3A_77 = vector.shape_cast %get3A_76 : vector<1x16xf32> to vector<16xf32>
      %get3A_78 = arith.index_cast %scan3A_41 : i32 to index
      %get3A_79 = arith.constant 32 : index
      %get3A_80 = tpu.vector_load %arg9[%get3A_78, %get3A_79] {strides = array<i32>} : memref<16x128xf32, #tpu.memory_space<vmem>>, vector<1x16xf32>,
      %get3A_81 = vector.shape_cast %get3A_80 : vector<1x16xf32> to vector<16xf32>
      %add3A_82 = arith.addf %get3A_77, %get3A_81 : vector<16xf32>
      %mul3A_83 = arith.mulf %add3A_82, %get3A_44 : vector<16xf32>
      %swap3A_84 = arith.index_cast %scan3A_41 : i32 to index
      %swap3A_85 = arith.constant 32 : index
      %swap3A_86 = tpu.vector_load %arg10[%swap3A_84, %swap3A_85] {strides = array<i32>} : memref<16x128xf32, #tpu.memory_space<vmem>>, vector<1x16xf32>,
      %swap3A_87 = vector.shape_cast %swap3A_86 : vector<1x16xf32> to vector<16xf32>
      %swap3A_88 = vector.shape_cast %mul3A_83 : vector<16xf32> to vector<1x16xf32>
      tpu.vector_store %arg10[%swap3A_84, %swap3A_85], %swap3A_88 {strides = array<i32>} : memref<16x128xf32, #tpu.memory_space<vmem>>, vector<1x16xf32>,
      %get3A_89 = arith.index_cast %scan3A_41 : i32 to index
      %get3A_90 = arith.constant 48 : index
      %get3A_91 = tpu.vector_load %arg8[%get3A_89, %get3A_90] {strides = array<i32>} : memref<16x128xf32, #tpu.memory_space<vmem>>, vector<1x16xf32>,
      %get3A_92 = vector.shape_cast %get3A_91 : vector<1x16xf32> to vector<16xf32>
      %get3A_93 = arith.index_cast %scan3A_41 : i32 to index
      %get3A_94 = arith.constant 48 : index
      %get3A_95 = tpu.vector_load %arg9[%get3A_93, %get3A_94] {strides = array<i32>} : memref<16x128xf32, #tpu.memory_space<vmem>>, vector<1x16xf32>,
      %get3A_96 = vector.shape_cast %get3A_95 : vector<1x16xf32> to vector<16xf32>
      %add3A_97 = arith.addf %get3A_92, %get3A_96 : vector<16xf32>
      %mul3A_98 = arith.mulf %add3A_97, %get3A_44 : vector<16xf32>
      %swap3A_99 = arith.index_cast %scan3A_41 : i32 to index
      %swap3A_100 = arith.constant 48 : index
      %swap3A_101 = tpu.vector_load %arg10[%swap3A_99, %swap3A_100] {strides = array<i32>} : memref<16x128xf32, #tpu.memory_space<vmem>>, vector<1x16xf32>,
      %swap3A_102 = vector.shape_cast %swap3A_101 : vector<1x16xf32> to vector<16xf32>
      %swap3A_103 = vector.shape_cast %mul3A_98 : vector<16xf32> to vector<1x16xf32>
      tpu.vector_store %arg10[%swap3A_99, %swap3A_100], %swap3A_103 {strides = array<i32>} : memref<16x128xf32, #tpu.memory_space<vmem>>, vector<1x16xf32>,
      %get3A_104 = arith.index_cast %scan3A_41 : i32 to index
      %get3A_105 = arith.constant 64 : index
      %get3A_106 = tpu.vector_load %arg8[%get3A_104, %get3A_105] {strides = array<i32>} : memref<16x128xf32, #tpu.memory_space<vmem>>, vector<1x16xf32>,
      %get3A_107 = vector.shape_cast %get3A_106 : vector<1x16xf32> to vector<16xf32>
      %get3A_108 = arith.index_cast %scan3A_41 : i32 to index
      %get3A_109 = arith.constant 64 : index
      %get3A_110 = tpu.vector_load %arg9[%get3A_108, %get3A_109] {strides = array<i32>} : memref<16x128xf32, #tpu.memory_space<vmem>>, vector<1x16xf32>,
      %get3A_111 = vector.shape_cast %get3A_110 : vector<1x16xf32> to vector<16xf32>
      %add3A_112 = arith.addf %get3A_107, %get3A_111 : vector<16xf32>
      %mul3A_113 = arith.mulf %add3A_112, %get3A_44 : vector<16xf32>
      %swap3A_114 = arith.index_cast %scan3A_41 : i32 to index
      %swap3A_115 = arith.constant 64 : index
      %swap3A_116 = tpu.vector_load %arg10[%swap3A_114, %swap3A_115] {strides = array<i32>} : memref<16x128xf32, #tpu.memory_space<vmem>>, vector<1x16xf32>,
      %swap3A_117 = vector.shape_cast %swap3A_116 : vector<1x16xf32> to vector<16xf32>
      %swap3A_118 = vector.shape_cast %mul3A_113 : vector<16xf32> to vector<1x16xf32>
      tpu.vector_store %arg10[%swap3A_114, %swap3A_115], %swap3A_118 {strides = array<i32>} : memref<16x128xf32, #tpu.memory_space<vmem>>, vector<1x16xf32>,
      %get3A_119 = arith.index_cast %scan3A_41 : i32 to index
      %get3A_120 = arith.constant 80 : index
      %get3A_121 = tpu.vector_load %arg8[%get3A_119, %get3A_120] {strides = array<i32>} : memref<16x128xf32, #tpu.memory_space<vmem>>, vector<1x16xf32>,
      %get3A_122 = vector.shape_cast %get3A_121 : vector<1x16xf32> to vector<16xf32>
      %get3A_123 = arith.index_cast %scan3A_41 : i32 to index
      %get3A_124 = arith.constant 80 : index
      %get3A_125 = tpu.vector_load %arg9[%get3A_123, %get3A_124] {strides = array<i32>} : memref<16x128xf32, #tpu.memory_space<vmem>>, vector<1x16xf32>,
      %get3A_126 = vector.shape_cast %get3A_125 : vector<1x16xf32> to vector<16xf32>
      %add3A_127 = arith.addf %get3A_122, %get3A_126 : vector<16xf32>
      %mul3A_128 = arith.mulf %add3A_127, %get3A_44 : vector<16xf32>
      %swap3A_129 = arith.index_cast %scan3A_41 : i32 to index
      %swap3A_130 = arith.constant 80 : index
      %swap3A_131 = tpu.vector_load %arg10[%swap3A_129, %swap3A_130] {strides = array<i32>} : memref<16x128xf32, #tpu.memory_space<vmem>>, vector<1x16xf32>,
      %swap3A_132 = vector.shape_cast %swap3A_131 : vector<1x16xf32> to vector<16xf32>
      %swap3A_133 = vector.shape_cast %mul3A_128 : vector<16xf32> to vector<1x16xf32>
      tpu.vector_store %arg10[%swap3A_129, %swap3A_130], %swap3A_133 {strides = array<i32>} : memref<16x128xf32, #tpu.memory_space<vmem>>, vector<1x16xf32>,
      %get3A_134 = arith.index_cast %scan3A_41 : i32 to index
      %get3A_135 = arith.constant 96 : index
      %get3A_136 = tpu.vector_load %arg8[%get3A_134, %get3A_135] {strides = array<i32>} : memref<16x128xf32, #tpu.memory_space<vmem>>, vector<1x16xf32>,
      %get3A_137 = vector.shape_cast %get3A_136 : vector<1x16xf32> to vector<16xf32>
      %get3A_138 = arith.index_cast %scan3A_41 : i32 to index
      %get3A_139 = arith.constant 96 : index
      %get3A_140 = tpu.vector_load %arg9[%get3A_138, %get3A_139] {strides = array<i32>} : memref<16x128xf32, #tpu.memory_space<vmem>>, vector<1x16xf32>,
      %get3A_141 = vector.shape_cast %get3A_140 : vector<1x16xf32> to vector<16xf32>
      %add3A_142 = arith.addf %get3A_137, %get3A_141 : vector<16xf32>
      %mul3A_143 = arith.mulf %add3A_142, %get3A_44 : vector<16xf32>
      %swap3A_144 = arith.index_cast %scan3A_41 : i32 to index
      %swap3A_145 = arith.constant 96 : index
      %swap3A_146 = tpu.vector_load %arg10[%swap3A_144, %swap3A_145] {strides = array<i32>} : memref<16x128xf32, #tpu.memory_space<vmem>>, vector<1x16xf32>,
      %swap3A_147 = vector.shape_cast %swap3A_146 : vector<1x16xf32> to vector<16xf32>
      %swap3A_148 = vector.shape_cast %mul3A_143 : vector<16xf32> to vector<1x16xf32>
      tpu.vector_store %arg10[%swap3A_144, %swap3A_145], %swap3A_148 {strides = array<i32>} : memref<16x128xf32, #tpu.memory_space<vmem>>, vector<1x16xf32>,
      %get3A_149 = arith.index_cast %scan3A_41 : i32 to index
      %get3A_150 = arith.constant 112 : index
      %get3A_151 = tpu.vector_load %arg8[%get3A_149, %get3A_150] {strides = array<i32>} : memref<16x128xf32, #tpu.memory_space<vmem>>, vector<1x16xf32>,
      %get3A_152 = vector.shape_cast %get3A_151 : vector<1x16xf32> to vector<16xf32>
      %get3A_153 = arith.index_cast %scan3A_41 : i32 to index
      %get3A_154 = arith.constant 112 : index
      %get3A_155 = tpu.vector_load %arg9[%get3A_153, %get3A_154] {strides = array<i32>} : memref<16x128xf32, #tpu.memory_space<vmem>>, vector<1x16xf32>,
      %get3A_156 = vector.shape_cast %get3A_155 : vector<1x16xf32> to vector<16xf32>
      %add3A_157 = arith.addf %get3A_152, %get3A_156 : vector<16xf32>
      %mul3A_158 = arith.mulf %add3A_157, %get3A_44 : vector<16xf32>
      %swap3A_159 = arith.index_cast %scan3A_41 : i32 to index
      %swap3A_160 = arith.constant 112 : index
      %swap3A_161 = tpu.vector_load %arg10[%swap3A_159, %swap3A_160] {strides = array<i32>} : memref<16x128xf32, #tpu.memory_space<vmem>>, vector<1x16xf32>,
      %swap3A_162 = vector.shape_cast %swap3A_161 : vector<1x16xf32> to vector<16xf32>
      %swap3A_163 = vector.shape_cast %mul3A_158 : vector<16xf32> to vector<1x16xf32>
      tpu.vector_store %arg10[%swap3A_159, %swap3A_160], %swap3A_163 {strides = array<i32>} : memref<16x128xf32, #tpu.memory_space<vmem>>, vector<1x16xf32>,
    }
    %scan3A_16 = arith.constant 16 : i32
    "tpu.region"() ({
      %run_scoped3A_41 = tpu.sem_alloc : memref<!tpu.dma_semaphore, #tpu.memory_space<semaphore_mem>>
      %dma_start3A = arith.constant 0 : i32
      %dma_start3A_42 = tpu.memref_slice %arg7[%mul3A_2, %dma_start3A] : memref<512x512xf32, #tpu.memory_space<hbm>> -> memref<16x128xf32, #tpu.memory_space<hbm>>
      %dma_start3A_43 = arith.constant 0 : i32
      %dma_start3A_44 = tpu.memref_slice %arg7[%mul3A_2, %dma_start3A_43] : memref<512x512xf32, #tpu.memory_space<hbm>> -> memref<16x128xf32, #tpu.memory_space<hbm>>
      tpu.enqueue_dma source(%arg10 : memref<16x128xf32, #tpu.memory_space<vmem>>) target(%dma_start3A_44 : memref<16x128xf32, #tpu.memory_space<hbm>>) target_semaphore(%run_scoped3A_41 : memref<!tpu.dma_semaphore, #tpu.memory_space<semaphore_mem>>)
      %dma_wait3A = arith.constant 0 : i32
      %dma_wait3A_45 = tpu.memref_slice %arg7[%mul3A_2, %dma_wait3A] : memref<512x512xf32, #tpu.memory_space<hbm>> -> memref<16x128xf32, #tpu.memory_space<hbm>>
      %dma_wait3A_46 = arith.constant 0 : i32
      %dma_wait3A_47 = tpu.memref_slice %arg7[%mul3A_2, %dma_wait3A_46] : memref<512x512xf32, #tpu.memory_space<hbm>> -> memref<16x128xf32, #tpu.memory_space<hbm>>
      tpu.wait_dma2 semaphore(%run_scoped3A_41 : memref<!tpu.dma_semaphore, #tpu.memory_space<semaphore_mem>>) src(%arg10 : memref<16x128xf32, #tpu.memory_space<vmem>>) dst(%dma_wait3A_47 : memref<16x128xf32, #tpu.memory_space<hbm>>)
      tpu.yield
    }) : () -> ()
    %run_scoped3A_17 = arith.constant 0 : i32
    "tpu.region"() ({
      %run_scoped3A_41 = tpu.sem_alloc : memref<!tpu.dma_semaphore, #tpu.memory_space<semaphore_mem>>
      %dma_start3A = arith.constant 0 : i32
      %dma_start3A_42 = tpu.memref_slice %arg3[%run_scoped3A_17, %mul3A_2, %dma_start3A] : memref<2x512x128xf32, #tpu.memory_space<hbm>> -> memref<1x16x128xf32, #tpu.memory_space<hbm>>
      %dma_start3A_43 = tpu.memref_squeeze %dma_start3A_42 : memref<1x16x128xf32, #tpu.memory_space<hbm>> -> memref<16x128xf32, #tpu.memory_space<hbm>>
      %dma_start3A_44 = arith.constant 0 : i32
      %dma_start3A_45 = tpu.memref_slice %arg3[%run_scoped3A_17, %mul3A_2, %dma_start3A_44] : memref<2x512x128xf32, #tpu.memory_space<hbm>> -> memref<1x16x128xf32, #tpu.memory_space<hbm>>
      %dma_start3A_46 = tpu.memref_squeeze %dma_start3A_45 : memref<1x16x128xf32, #tpu.memory_space<hbm>> -> memref<16x128xf32, #tpu.memory_space<hbm>>
      tpu.enqueue_dma source(%dma_start3A_46 : memref<16x128xf32, #tpu.memory_space<hbm>>) target(%arg8 : memref<16x128xf32, #tpu.memory_space<vmem>>) target_semaphore(%run_scoped3A_41 : memref<!tpu.dma_semaphore, #tpu.memory_space<semaphore_mem>>)
      %dma_wait3A = arith.constant 0 : i32
      %dma_wait3A_47 = tpu.memref_slice %arg3[%run_scoped3A_17, %mul3A_2, %dma_wait3A] : memref<2x512x128xf32, #tpu.memory_space<hbm>> -> memref<1x16x128xf32, #tpu.memory_space<hbm>>
      %dma_wait3A_48 = tpu.memref_squeeze %dma_wait3A_47 : memref<1x16x128xf32, #tpu.memory_space<hbm>> -> memref<16x128xf32, #tpu.memory_space<hbm>>
      %dma_wait3A_49 = arith.constant 0 : i32
      %dma_wait3A_50 = tpu.memref_slice %arg3[%run_scoped3A_17, %mul3A_2, %dma_wait3A_49] : memref<2x512x128xf32, #tpu.memory_space<hbm>> -> memref<1x16x128xf32, #tpu.memory_space<hbm>>
      %dma_wait3A_51 = tpu.memref_squeeze %dma_wait3A_50 : memref<1x16x128xf32, #tpu.memory_space<hbm>> -> memref<16x128xf32, #tpu.memory_space<hbm>>
      tpu.wait_dma2 semaphore(%run_scoped3A_41 : memref<!tpu.dma_semaphore, #tpu.memory_space<semaphore_mem>>) src(%dma_wait3A_51 : memref<16x128xf32, #tpu.memory_space<hbm>>) dst(%arg8 : memref<16x128xf32, #tpu.memory_space<vmem>>)
      tpu.yield
    }) : () -> ()
    %run_scoped3A_18 = arith.constant 1 : i32
    "tpu.region"() ({
      %run_scoped3A_41 = tpu.sem_alloc : memref<!tpu.dma_semaphore, #tpu.memory_space<semaphore_mem>>
      %dma_start3A = arith.constant 0 : i32
      %dma_start3A_42 = tpu.memref_slice %arg3[%run_scoped3A_18, %mul3A_2, %dma_start3A] : memref<2x512x128xf32, #tpu.memory_space<hbm>> -> memref<1x16x128xf32, #tpu.memory_space<hbm>>
      %dma_start3A_43 = tpu.memref_squeeze %dma_start3A_42 : memref<1x16x128xf32, #tpu.memory_space<hbm>> -> memref<16x128xf32, #tpu.memory_space<hbm>>
      %dma_start3A_44 = arith.constant 0 : i32
      %dma_start3A_45 = tpu.memref_slice %arg3[%run_scoped3A_18, %mul3A_2, %dma_start3A_44] : memref<2x512x128xf32, #tpu.memory_space<hbm>> -> memref<1x16x128xf32, #tpu.memory_space<hbm>>
      %dma_start3A_46 = tpu.memref_squeeze %dma_start3A_45 : memref<1x16x128xf32, #tpu.memory_space<hbm>> -> memref<16x128xf32, #tpu.memory_space<hbm>>
      tpu.enqueue_dma source(%dma_start3A_46 : memref<16x128xf32, #tpu.memory_space<hbm>>) target(%arg9 : memref<16x128xf32, #tpu.memory_space<vmem>>) target_semaphore(%run_scoped3A_41 : memref<!tpu.dma_semaphore, #tpu.memory_space<semaphore_mem>>)
      %dma_wait3A = arith.constant 0 : i32
      %dma_wait3A_47 = tpu.memref_slice %arg3[%run_scoped3A_18, %mul3A_2, %dma_wait3A] : memref<2x512x128xf32, #tpu.memory_space<hbm>> -> memref<1x16x128xf32, #tpu.memory_space<hbm>>
      %dma_wait3A_48 = tpu.memref_squeeze %dma_wait3A_47 : memref<1x16x128xf32, #tpu.memory_space<hbm>> -> memref<16x128xf32, #tpu.memory_space<hbm>>
      %dma_wait3A_49 = arith.constant 0 : i32
      %dma_wait3A_50 = tpu.memref_slice %arg3[%run_scoped3A_18, %mul3A_2, %dma_wait3A_49] : memref<2x512x128xf32, #tpu.memory_space<hbm>> -> memref<1x16x128xf32, #tpu.memory_space<hbm>>
      %dma_wait3A_51 = tpu.memref_squeeze %dma_wait3A_50 : memref<1x16x128xf32, #tpu.memory_space<hbm>> -> memref<16x128xf32, #tpu.memory_space<hbm>>
      tpu.wait_dma2 semaphore(%run_scoped3A_41 : memref<!tpu.dma_semaphore, #tpu.memory_space<semaphore_mem>>) src(%dma_wait3A_51 : memref<16x128xf32, #tpu.memory_space<hbm>>) dst(%arg9 : memref<16x128xf32, #tpu.memory_space<vmem>>)
      tpu.yield
    }) : () -> ()
    %scan3A_19 = arith.constant 0 : i32
    %scan3A_20 = arith.constant 0 : i32
    %scan3A_21 = arith.constant 16 : i32
    %scan3A_22 = arith.addi %scan3A_20, %scan3A_21 : i32
    %scan3A_23 = arith.constant 1 : i32
    scf.for %scan3A_41 = %scan3A_20 to %scan3A_22 step %scan3A_23  : i32 {
      %get3A = arith.index_cast %scan3A_41 : i32 to index
      %get3A_42 = arith.constant 0 : index
      %get3A_43 = tpu.vector_load %arg13[%get3A, %get3A_42] {strides = array<i32>} : memref<16x16xf32, #tpu.memory_space<vmem>>, vector<1x16xf32>,
      %get3A_44 = vector.shape_cast %get3A_43 : vector<1x16xf32> to vector<16xf32>
      %get3A_45 = arith.index_cast %scan3A_41 : i32 to index
      %get3A_46 = arith.constant 0 : index
      %get3A_47 = tpu.vector_load %arg8[%get3A_45, %get3A_46] {strides = array<i32>} : memref<16x128xf32, #tpu.memory_space<vmem>>, vector<1x16xf32>,
      %get3A_48 = vector.shape_cast %get3A_47 : vector<1x16xf32> to vector<16xf32>
      %get3A_49 = arith.index_cast %scan3A_41 : i32 to index
      %get3A_50 = arith.constant 0 : index
      %get3A_51 = tpu.vector_load %arg9[%get3A_49, %get3A_50] {strides = array<i32>} : memref<16x128xf32, #tpu.memory_space<vmem>>, vector<1x16xf32>,
      %get3A_52 = vector.shape_cast %get3A_51 : vector<1x16xf32> to vector<16xf32>
      %add3A_53 = arith.addf %get3A_48, %get3A_52 : vector<16xf32>
      %mul3A_54 = arith.mulf %add3A_53, %get3A_44 : vector<16xf32>
      %swap3A = arith.index_cast %scan3A_41 : i32 to index
      %swap3A_55 = arith.constant 0 : index
      %swap3A_56 = tpu.vector_load %arg10[%swap3A, %swap3A_55] {strides = array<i32>} : memref<16x128xf32, #tpu.memory_space<vmem>>, vector<1x16xf32>,
      %swap3A_57 = vector.shape_cast %swap3A_56 : vector<1x16xf32> to vector<16xf32>
      %swap3A_58 = vector.shape_cast %mul3A_54 : vector<16xf32> to vector<1x16xf32>
      tpu.vector_store %arg10[%swap3A, %swap3A_55], %swap3A_58 {strides = array<i32>} : memref<16x128xf32, #tpu.memory_space<vmem>>, vector<1x16xf32>,
      %get3A_59 = arith.index_cast %scan3A_41 : i32 to index
      %get3A_60 = arith.constant 16 : index
      %get3A_61 = tpu.vector_load %arg8[%get3A_59, %get3A_60] {strides = array<i32>} : memref<16x128xf32, #tpu.memory_space<vmem>>, vector<1x16xf32>,
      %get3A_62 = vector.shape_cast %get3A_61 : vector<1x16xf32> to vector<16xf32>
      %get3A_63 = arith.index_cast %scan3A_41 : i32 to index
      %get3A_64 = arith.constant 16 : index
      %get3A_65 = tpu.vector_load %arg9[%get3A_63, %get3A_64] {strides = array<i32>} : memref<16x128xf32, #tpu.memory_space<vmem>>, vector<1x16xf32>,
      %get3A_66 = vector.shape_cast %get3A_65 : vector<1x16xf32> to vector<16xf32>
      %add3A_67 = arith.addf %get3A_62, %get3A_66 : vector<16xf32>
      %mul3A_68 = arith.mulf %add3A_67, %get3A_44 : vector<16xf32>
      %swap3A_69 = arith.index_cast %scan3A_41 : i32 to index
      %swap3A_70 = arith.constant 16 : index
      %swap3A_71 = tpu.vector_load %arg10[%swap3A_69, %swap3A_70] {strides = array<i32>} : memref<16x128xf32, #tpu.memory_space<vmem>>, vector<1x16xf32>,
      %swap3A_72 = vector.shape_cast %swap3A_71 : vector<1x16xf32> to vector<16xf32>
      %swap3A_73 = vector.shape_cast %mul3A_68 : vector<16xf32> to vector<1x16xf32>
      tpu.vector_store %arg10[%swap3A_69, %swap3A_70], %swap3A_73 {strides = array<i32>} : memref<16x128xf32, #tpu.memory_space<vmem>>, vector<1x16xf32>,
      %get3A_74 = arith.index_cast %scan3A_41 : i32 to index
      %get3A_75 = arith.constant 32 : index
      %get3A_76 = tpu.vector_load %arg8[%get3A_74, %get3A_75] {strides = array<i32>} : memref<16x128xf32, #tpu.memory_space<vmem>>, vector<1x16xf32>,
      %get3A_77 = vector.shape_cast %get3A_76 : vector<1x16xf32> to vector<16xf32>
      %get3A_78 = arith.index_cast %scan3A_41 : i32 to index
      %get3A_79 = arith.constant 32 : index
      %get3A_80 = tpu.vector_load %arg9[%get3A_78, %get3A_79] {strides = array<i32>} : memref<16x128xf32, #tpu.memory_space<vmem>>, vector<1x16xf32>,
      %get3A_81 = vector.shape_cast %get3A_80 : vector<1x16xf32> to vector<16xf32>
      %add3A_82 = arith.addf %get3A_77, %get3A_81 : vector<16xf32>
      %mul3A_83 = arith.mulf %add3A_82, %get3A_44 : vector<16xf32>
      %swap3A_84 = arith.index_cast %scan3A_41 : i32 to index
      %swap3A_85 = arith.constant 32 : index
      %swap3A_86 = tpu.vector_load %arg10[%swap3A_84, %swap3A_85] {strides = array<i32>} : memref<16x128xf32, #tpu.memory_space<vmem>>, vector<1x16xf32>,
      %swap3A_87 = vector.shape_cast %swap3A_86 : vector<1x16xf32> to vector<16xf32>
      %swap3A_88 = vector.shape_cast %mul3A_83 : vector<16xf32> to vector<1x16xf32>
      tpu.vector_store %arg10[%swap3A_84, %swap3A_85], %swap3A_88 {strides = array<i32>} : memref<16x128xf32, #tpu.memory_space<vmem>>, vector<1x16xf32>,
      %get3A_89 = arith.index_cast %scan3A_41 : i32 to index
      %get3A_90 = arith.constant 48 : index
      %get3A_91 = tpu.vector_load %arg8[%get3A_89, %get3A_90] {strides = array<i32>} : memref<16x128xf32, #tpu.memory_space<vmem>>, vector<1x16xf32>,
      %get3A_92 = vector.shape_cast %get3A_91 : vector<1x16xf32> to vector<16xf32>
      %get3A_93 = arith.index_cast %scan3A_41 : i32 to index
      %get3A_94 = arith.constant 48 : index
      %get3A_95 = tpu.vector_load %arg9[%get3A_93, %get3A_94] {strides = array<i32>} : memref<16x128xf32, #tpu.memory_space<vmem>>, vector<1x16xf32>,
      %get3A_96 = vector.shape_cast %get3A_95 : vector<1x16xf32> to vector<16xf32>
      %add3A_97 = arith.addf %get3A_92, %get3A_96 : vector<16xf32>
      %mul3A_98 = arith.mulf %add3A_97, %get3A_44 : vector<16xf32>
      %swap3A_99 = arith.index_cast %scan3A_41 : i32 to index
      %swap3A_100 = arith.constant 48 : index
      %swap3A_101 = tpu.vector_load %arg10[%swap3A_99, %swap3A_100] {strides = array<i32>} : memref<16x128xf32, #tpu.memory_space<vmem>>, vector<1x16xf32>,
      %swap3A_102 = vector.shape_cast %swap3A_101 : vector<1x16xf32> to vector<16xf32>
      %swap3A_103 = vector.shape_cast %mul3A_98 : vector<16xf32> to vector<1x16xf32>
      tpu.vector_store %arg10[%swap3A_99, %swap3A_100], %swap3A_103 {strides = array<i32>} : memref<16x128xf32, #tpu.memory_space<vmem>>, vector<1x16xf32>,
      %get3A_104 = arith.index_cast %scan3A_41 : i32 to index
      %get3A_105 = arith.constant 64 : index
      %get3A_106 = tpu.vector_load %arg8[%get3A_104, %get3A_105] {strides = array<i32>} : memref<16x128xf32, #tpu.memory_space<vmem>>, vector<1x16xf32>,
      %get3A_107 = vector.shape_cast %get3A_106 : vector<1x16xf32> to vector<16xf32>
      %get3A_108 = arith.index_cast %scan3A_41 : i32 to index
      %get3A_109 = arith.constant 64 : index
      %get3A_110 = tpu.vector_load %arg9[%get3A_108, %get3A_109] {strides = array<i32>} : memref<16x128xf32, #tpu.memory_space<vmem>>, vector<1x16xf32>,
      %get3A_111 = vector.shape_cast %get3A_110 : vector<1x16xf32> to vector<16xf32>
      %add3A_112 = arith.addf %get3A_107, %get3A_111 : vector<16xf32>
      %mul3A_113 = arith.mulf %add3A_112, %get3A_44 : vector<16xf32>
      %swap3A_114 = arith.index_cast %scan3A_41 : i32 to index
      %swap3A_115 = arith.constant 64 : index
      %swap3A_116 = tpu.vector_load %arg10[%swap3A_114, %swap3A_115] {strides = array<i32>} : memref<16x128xf32, #tpu.memory_space<vmem>>, vector<1x16xf32>,
      %swap3A_117 = vector.shape_cast %swap3A_116 : vector<1x16xf32> to vector<16xf32>
      %swap3A_118 = vector.shape_cast %mul3A_113 : vector<16xf32> to vector<1x16xf32>
      tpu.vector_store %arg10[%swap3A_114, %swap3A_115], %swap3A_118 {strides = array<i32>} : memref<16x128xf32, #tpu.memory_space<vmem>>, vector<1x16xf32>,
      %get3A_119 = arith.index_cast %scan3A_41 : i32 to index
      %get3A_120 = arith.constant 80 : index
      %get3A_121 = tpu.vector_load %arg8[%get3A_119, %get3A_120] {strides = array<i32>} : memref<16x128xf32, #tpu.memory_space<vmem>>, vector<1x16xf32>,
      %get3A_122 = vector.shape_cast %get3A_121 : vector<1x16xf32> to vector<16xf32>
      %get3A_123 = arith.index_cast %scan3A_41 : i32 to index
      %get3A_124 = arith.constant 80 : index
      %get3A_125 = tpu.vector_load %arg9[%get3A_123, %get3A_124] {strides = array<i32>} : memref<16x128xf32, #tpu.memory_space<vmem>>, vector<1x16xf32>,
      %get3A_126 = vector.shape_cast %get3A_125 : vector<1x16xf32> to vector<16xf32>
      %add3A_127 = arith.addf %get3A_122, %get3A_126 : vector<16xf32>
      %mul3A_128 = arith.mulf %add3A_127, %get3A_44 : vector<16xf32>
      %swap3A_129 = arith.index_cast %scan3A_41 : i32 to index
      %swap3A_130 = arith.constant 80 : index
      %swap3A_131 = tpu.vector_load %arg10[%swap3A_129, %swap3A_130] {strides = array<i32>} : memref<16x128xf32, #tpu.memory_space<vmem>>, vector<1x16xf32>,
      %swap3A_132 = vector.shape_cast %swap3A_131 : vector<1x16xf32> to vector<16xf32>
      %swap3A_133 = vector.shape_cast %mul3A_128 : vector<16xf32> to vector<1x16xf32>
      tpu.vector_store %arg10[%swap3A_129, %swap3A_130], %swap3A_133 {strides = array<i32>} : memref<16x128xf32, #tpu.memory_space<vmem>>, vector<1x16xf32>,
      %get3A_134 = arith.index_cast %scan3A_41 : i32 to index
      %get3A_135 = arith.constant 96 : index
      %get3A_136 = tpu.vector_load %arg8[%get3A_134, %get3A_135] {strides = array<i32>} : memref<16x128xf32, #tpu.memory_space<vmem>>, vector<1x16xf32>,
      %get3A_137 = vector.shape_cast %get3A_136 : vector<1x16xf32> to vector<16xf32>
      %get3A_138 = arith.index_cast %scan3A_41 : i32 to index
      %get3A_139 = arith.constant 96 : index
      %get3A_140 = tpu.vector_load %arg9[%get3A_138, %get3A_139] {strides = array<i32>} : memref<16x128xf32, #tpu.memory_space<vmem>>, vector<1x16xf32>,
      %get3A_141 = vector.shape_cast %get3A_140 : vector<1x16xf32> to vector<16xf32>
      %add3A_142 = arith.addf %get3A_137, %get3A_141 : vector<16xf32>
      %mul3A_143 = arith.mulf %add3A_142, %get3A_44 : vector<16xf32>
      %swap3A_144 = arith.index_cast %scan3A_41 : i32 to index
      %swap3A_145 = arith.constant 96 : index
      %swap3A_146 = tpu.vector_load %arg10[%swap3A_144, %swap3A_145] {strides = array<i32>} : memref<16x128xf32, #tpu.memory_space<vmem>>, vector<1x16xf32>,
      %swap3A_147 = vector.shape_cast %swap3A_146 : vector<1x16xf32> to vector<16xf32>
      %swap3A_148 = vector.shape_cast %mul3A_143 : vector<16xf32> to vector<1x16xf32>
      tpu.vector_store %arg10[%swap3A_144, %swap3A_145], %swap3A_148 {strides = array<i32>} : memref<16x128xf32, #tpu.memory_space<vmem>>, vector<1x16xf32>,
      %get3A_149 = arith.index_cast %scan3A_41 : i32 to index
      %get3A_150 = arith.constant 112 : index
      %get3A_151 = tpu.vector_load %arg8[%get3A_149, %get3A_150] {strides = array<i32>} : memref<16x128xf32, #tpu.memory_space<vmem>>, vector<1x16xf32>,
      %get3A_152 = vector.shape_cast %get3A_151 : vector<1x16xf32> to vector<16xf32>
      %get3A_153 = arith.index_cast %scan3A_41 : i32 to index
      %get3A_154 = arith.constant 112 : index
      %get3A_155 = tpu.vector_load %arg9[%get3A_153, %get3A_154] {strides = array<i32>} : memref<16x128xf32, #tpu.memory_space<vmem>>, vector<1x16xf32>,
      %get3A_156 = vector.shape_cast %get3A_155 : vector<1x16xf32> to vector<16xf32>
      %add3A_157 = arith.addf %get3A_152, %get3A_156 : vector<16xf32>
      %mul3A_158 = arith.mulf %add3A_157, %get3A_44 : vector<16xf32>
      %swap3A_159 = arith.index_cast %scan3A_41 : i32 to index
      %swap3A_160 = arith.constant 112 : index
      %swap3A_161 = tpu.vector_load %arg10[%swap3A_159, %swap3A_160] {strides = array<i32>} : memref<16x128xf32, #tpu.memory_space<vmem>>, vector<1x16xf32>,
      %swap3A_162 = vector.shape_cast %swap3A_161 : vector<1x16xf32> to vector<16xf32>
      %swap3A_163 = vector.shape_cast %mul3A_158 : vector<16xf32> to vector<1x16xf32>
      tpu.vector_store %arg10[%swap3A_159, %swap3A_160], %swap3A_163 {strides = array<i32>} : memref<16x128xf32, #tpu.memory_space<vmem>>, vector<1x16xf32>,
    }
    %scan3A_24 = arith.constant 16 : i32
    "tpu.region"() ({
      %run_scoped3A_41 = tpu.sem_alloc : memref<!tpu.dma_semaphore, #tpu.memory_space<semaphore_mem>>
      %dma_start3A = arith.constant 128 : i32
      %dma_start3A_42 = tpu.memref_slice %arg7[%mul3A_2, %dma_start3A] : memref<512x512xf32, #tpu.memory_space<hbm>> -> memref<16x128xf32, #tpu.memory_space<hbm>>
      %dma_start3A_43 = arith.constant 128 : i32
      %dma_start3A_44 = tpu.memref_slice %arg7[%mul3A_2, %dma_start3A_43] : memref<512x512xf32, #tpu.memory_space<hbm>> -> memref<16x128xf32, #tpu.memory_space<hbm>>
      tpu.enqueue_dma source(%arg10 : memref<16x128xf32, #tpu.memory_space<vmem>>) target(%dma_start3A_44 : memref<16x128xf32, #tpu.memory_space<hbm>>) target_semaphore(%run_scoped3A_41 : memref<!tpu.dma_semaphore, #tpu.memory_space<semaphore_mem>>)
      %dma_wait3A = arith.constant 128 : i32
      %dma_wait3A_45 = tpu.memref_slice %arg7[%mul3A_2, %dma_wait3A] : memref<512x512xf32, #tpu.memory_space<hbm>> -> memref<16x128xf32, #tpu.memory_space<hbm>>
      %dma_wait3A_46 = arith.constant 128 : i32
      %dma_wait3A_47 = tpu.memref_slice %arg7[%mul3A_2, %dma_wait3A_46] : memref<512x512xf32, #tpu.memory_space<hbm>> -> memref<16x128xf32, #tpu.memory_space<hbm>>
      tpu.wait_dma2 semaphore(%run_scoped3A_41 : memref<!tpu.dma_semaphore, #tpu.memory_space<semaphore_mem>>) src(%arg10 : memref<16x128xf32, #tpu.memory_space<vmem>>) dst(%dma_wait3A_47 : memref<16x128xf32, #tpu.memory_space<hbm>>)
      tpu.yield
    }) : () -> ()
    %run_scoped3A_25 = arith.constant 0 : i32
    "tpu.region"() ({
      %run_scoped3A_41 = tpu.sem_alloc : memref<!tpu.dma_semaphore, #tpu.memory_space<semaphore_mem>>
      %dma_start3A = arith.constant 0 : i32
      %dma_start3A_42 = tpu.memref_slice %arg4[%run_scoped3A_25, %mul3A_2, %dma_start3A] : memref<2x512x128xf32, #tpu.memory_space<hbm>> -> memref<1x16x128xf32, #tpu.memory_space<hbm>>
      %dma_start3A_43 = tpu.memref_squeeze %dma_start3A_42 : memref<1x16x128xf32, #tpu.memory_space<hbm>> -> memref<16x128xf32, #tpu.memory_space<hbm>>
      %dma_start3A_44 = arith.constant 0 : i32
      %dma_start3A_45 = tpu.memref_slice %arg4[%run_scoped3A_25, %mul3A_2, %dma_start3A_44] : memref<2x512x128xf32, #tpu.memory_space<hbm>> -> memref<1x16x128xf32, #tpu.memory_space<hbm>>
      %dma_start3A_46 = tpu.memref_squeeze %dma_start3A_45 : memref<1x16x128xf32, #tpu.memory_space<hbm>> -> memref<16x128xf32, #tpu.memory_space<hbm>>
      tpu.enqueue_dma source(%dma_start3A_46 : memref<16x128xf32, #tpu.memory_space<hbm>>) target(%arg8 : memref<16x128xf32, #tpu.memory_space<vmem>>) target_semaphore(%run_scoped3A_41 : memref<!tpu.dma_semaphore, #tpu.memory_space<semaphore_mem>>)
      %dma_wait3A = arith.constant 0 : i32
      %dma_wait3A_47 = tpu.memref_slice %arg4[%run_scoped3A_25, %mul3A_2, %dma_wait3A] : memref<2x512x128xf32, #tpu.memory_space<hbm>> -> memref<1x16x128xf32, #tpu.memory_space<hbm>>
      %dma_wait3A_48 = tpu.memref_squeeze %dma_wait3A_47 : memref<1x16x128xf32, #tpu.memory_space<hbm>> -> memref<16x128xf32, #tpu.memory_space<hbm>>
      %dma_wait3A_49 = arith.constant 0 : i32
      %dma_wait3A_50 = tpu.memref_slice %arg4[%run_scoped3A_25, %mul3A_2, %dma_wait3A_49] : memref<2x512x128xf32, #tpu.memory_space<hbm>> -> memref<1x16x128xf32, #tpu.memory_space<hbm>>
      %dma_wait3A_51 = tpu.memref_squeeze %dma_wait3A_50 : memref<1x16x128xf32, #tpu.memory_space<hbm>> -> memref<16x128xf32, #tpu.memory_space<hbm>>
      tpu.wait_dma2 semaphore(%run_scoped3A_41 : memref<!tpu.dma_semaphore, #tpu.memory_space<semaphore_mem>>) src(%dma_wait3A_51 : memref<16x128xf32, #tpu.memory_space<hbm>>) dst(%arg8 : memref<16x128xf32, #tpu.memory_space<vmem>>)
      tpu.yield
    }) : () -> ()
    %run_scoped3A_26 = arith.constant 1 : i32
    "tpu.region"() ({
      %run_scoped3A_41 = tpu.sem_alloc : memref<!tpu.dma_semaphore, #tpu.memory_space<semaphore_mem>>
      %dma_start3A = arith.constant 0 : i32
      %dma_start3A_42 = tpu.memref_slice %arg4[%run_scoped3A_26, %mul3A_2, %dma_start3A] : memref<2x512x128xf32, #tpu.memory_space<hbm>> -> memref<1x16x128xf32, #tpu.memory_space<hbm>>
      %dma_start3A_43 = tpu.memref_squeeze %dma_start3A_42 : memref<1x16x128xf32, #tpu.memory_space<hbm>> -> memref<16x128xf32, #tpu.memory_space<hbm>>
      %dma_start3A_44 = arith.constant 0 : i32
      %dma_start3A_45 = tpu.memref_slice %arg4[%run_scoped3A_26, %mul3A_2, %dma_start3A_44] : memref<2x512x128xf32, #tpu.memory_space<hbm>> -> memref<1x16x128xf32, #tpu.memory_space<hbm>>
      %dma_start3A_46 = tpu.memref_squeeze %dma_start3A_45 : memref<1x16x128xf32, #tpu.memory_space<hbm>> -> memref<16x128xf32, #tpu.memory_space<hbm>>
      tpu.enqueue_dma source(%dma_start3A_46 : memref<16x128xf32, #tpu.memory_space<hbm>>) target(%arg9 : memref<16x128xf32, #tpu.memory_space<vmem>>) target_semaphore(%run_scoped3A_41 : memref<!tpu.dma_semaphore, #tpu.memory_space<semaphore_mem>>)
      %dma_wait3A = arith.constant 0 : i32
      %dma_wait3A_47 = tpu.memref_slice %arg4[%run_scoped3A_26, %mul3A_2, %dma_wait3A] : memref<2x512x128xf32, #tpu.memory_space<hbm>> -> memref<1x16x128xf32, #tpu.memory_space<hbm>>
      %dma_wait3A_48 = tpu.memref_squeeze %dma_wait3A_47 : memref<1x16x128xf32, #tpu.memory_space<hbm>> -> memref<16x128xf32, #tpu.memory_space<hbm>>
      %dma_wait3A_49 = arith.constant 0 : i32
      %dma_wait3A_50 = tpu.memref_slice %arg4[%run_scoped3A_26, %mul3A_2, %dma_wait3A_49] : memref<2x512x128xf32, #tpu.memory_space<hbm>> -> memref<1x16x128xf32, #tpu.memory_space<hbm>>
      %dma_wait3A_51 = tpu.memref_squeeze %dma_wait3A_50 : memref<1x16x128xf32, #tpu.memory_space<hbm>> -> memref<16x128xf32, #tpu.memory_space<hbm>>
      tpu.wait_dma2 semaphore(%run_scoped3A_41 : memref<!tpu.dma_semaphore, #tpu.memory_space<semaphore_mem>>) src(%dma_wait3A_51 : memref<16x128xf32, #tpu.memory_space<hbm>>) dst(%arg9 : memref<16x128xf32, #tpu.memory_space<vmem>>)
      tpu.yield
    }) : () -> ()
    %scan3A_27 = arith.constant 0 : i32
    %scan3A_28 = arith.constant 0 : i32
    %scan3A_29 = arith.constant 16 : i32
    %scan3A_30 = arith.addi %scan3A_28, %scan3A_29 : i32
    %scan3A_31 = arith.constant 1 : i32
    scf.for %scan3A_41 = %scan3A_28 to %scan3A_30 step %scan3A_31  : i32 {
      %get3A = arith.index_cast %scan3A_41 : i32 to index
      %get3A_42 = arith.constant 0 : index
      %get3A_43 = tpu.vector_load %arg13[%get3A, %get3A_42] {strides = array<i32>} : memref<16x16xf32, #tpu.memory_space<vmem>>, vector<1x16xf32>,
      %get3A_44 = vector.shape_cast %get3A_43 : vector<1x16xf32> to vector<16xf32>
      %get3A_45 = arith.index_cast %scan3A_41 : i32 to index
      %get3A_46 = arith.constant 0 : index
      %get3A_47 = tpu.vector_load %arg8[%get3A_45, %get3A_46] {strides = array<i32>} : memref<16x128xf32, #tpu.memory_space<vmem>>, vector<1x16xf32>,
      %get3A_48 = vector.shape_cast %get3A_47 : vector<1x16xf32> to vector<16xf32>
      %get3A_49 = arith.index_cast %scan3A_41 : i32 to index
      %get3A_50 = arith.constant 0 : index
      %get3A_51 = tpu.vector_load %arg9[%get3A_49, %get3A_50] {strides = array<i32>} : memref<16x128xf32, #tpu.memory_space<vmem>>, vector<1x16xf32>,
      %get3A_52 = vector.shape_cast %get3A_51 : vector<1x16xf32> to vector<16xf32>
      %add3A_53 = arith.addf %get3A_48, %get3A_52 : vector<16xf32>
      %mul3A_54 = arith.mulf %add3A_53, %get3A_44 : vector<16xf32>
      %swap3A = arith.index_cast %scan3A_41 : i32 to index
      %swap3A_55 = arith.constant 0 : index
      %swap3A_56 = tpu.vector_load %arg10[%swap3A, %swap3A_55] {strides = array<i32>} : memref<16x128xf32, #tpu.memory_space<vmem>>, vector<1x16xf32>,
      %swap3A_57 = vector.shape_cast %swap3A_56 : vector<1x16xf32> to vector<16xf32>
      %swap3A_58 = vector.shape_cast %mul3A_54 : vector<16xf32> to vector<1x16xf32>
      tpu.vector_store %arg10[%swap3A, %swap3A_55], %swap3A_58 {strides = array<i32>} : memref<16x128xf32, #tpu.memory_space<vmem>>, vector<1x16xf32>,
      %get3A_59 = arith.index_cast %scan3A_41 : i32 to index
      %get3A_60 = arith.constant 16 : index
      %get3A_61 = tpu.vector_load %arg8[%get3A_59, %get3A_60] {strides = array<i32>} : memref<16x128xf32, #tpu.memory_space<vmem>>, vector<1x16xf32>,
      %get3A_62 = vector.shape_cast %get3A_61 : vector<1x16xf32> to vector<16xf32>
      %get3A_63 = arith.index_cast %scan3A_41 : i32 to index
      %get3A_64 = arith.constant 16 : index
      %get3A_65 = tpu.vector_load %arg9[%get3A_63, %get3A_64] {strides = array<i32>} : memref<16x128xf32, #tpu.memory_space<vmem>>, vector<1x16xf32>,
      %get3A_66 = vector.shape_cast %get3A_65 : vector<1x16xf32> to vector<16xf32>
      %add3A_67 = arith.addf %get3A_62, %get3A_66 : vector<16xf32>
      %mul3A_68 = arith.mulf %add3A_67, %get3A_44 : vector<16xf32>
      %swap3A_69 = arith.index_cast %scan3A_41 : i32 to index
      %swap3A_70 = arith.constant 16 : index
      %swap3A_71 = tpu.vector_load %arg10[%swap3A_69, %swap3A_70] {strides = array<i32>} : memref<16x128xf32, #tpu.memory_space<vmem>>, vector<1x16xf32>,
      %swap3A_72 = vector.shape_cast %swap3A_71 : vector<1x16xf32> to vector<16xf32>
      %swap3A_73 = vector.shape_cast %mul3A_68 : vector<16xf32> to vector<1x16xf32>
      tpu.vector_store %arg10[%swap3A_69, %swap3A_70], %swap3A_73 {strides = array<i32>} : memref<16x128xf32, #tpu.memory_space<vmem>>, vector<1x16xf32>,
      %get3A_74 = arith.index_cast %scan3A_41 : i32 to index
      %get3A_75 = arith.constant 32 : index
      %get3A_76 = tpu.vector_load %arg8[%get3A_74, %get3A_75] {strides = array<i32>} : memref<16x128xf32, #tpu.memory_space<vmem>>, vector<1x16xf32>,
      %get3A_77 = vector.shape_cast %get3A_76 : vector<1x16xf32> to vector<16xf32>
      %get3A_78 = arith.index_cast %scan3A_41 : i32 to index
      %get3A_79 = arith.constant 32 : index
      %get3A_80 = tpu.vector_load %arg9[%get3A_78, %get3A_79] {strides = array<i32>} : memref<16x128xf32, #tpu.memory_space<vmem>>, vector<1x16xf32>,
      %get3A_81 = vector.shape_cast %get3A_80 : vector<1x16xf32> to vector<16xf32>
      %add3A_82 = arith.addf %get3A_77, %get3A_81 : vector<16xf32>
      %mul3A_83 = arith.mulf %add3A_82, %get3A_44 : vector<16xf32>
      %swap3A_84 = arith.index_cast %scan3A_41 : i32 to index
      %swap3A_85 = arith.constant 32 : index
      %swap3A_86 = tpu.vector_load %arg10[%swap3A_84, %swap3A_85] {strides = array<i32>} : memref<16x128xf32, #tpu.memory_space<vmem>>, vector<1x16xf32>,
      %swap3A_87 = vector.shape_cast %swap3A_86 : vector<1x16xf32> to vector<16xf32>
      %swap3A_88 = vector.shape_cast %mul3A_83 : vector<16xf32> to vector<1x16xf32>
      tpu.vector_store %arg10[%swap3A_84, %swap3A_85], %swap3A_88 {strides = array<i32>} : memref<16x128xf32, #tpu.memory_space<vmem>>, vector<1x16xf32>,
      %get3A_89 = arith.index_cast %scan3A_41 : i32 to index
      %get3A_90 = arith.constant 48 : index
      %get3A_91 = tpu.vector_load %arg8[%get3A_89, %get3A_90] {strides = array<i32>} : memref<16x128xf32, #tpu.memory_space<vmem>>, vector<1x16xf32>,
      %get3A_92 = vector.shape_cast %get3A_91 : vector<1x16xf32> to vector<16xf32>
      %get3A_93 = arith.index_cast %scan3A_41 : i32 to index
      %get3A_94 = arith.constant 48 : index
      %get3A_95 = tpu.vector_load %arg9[%get3A_93, %get3A_94] {strides = array<i32>} : memref<16x128xf32, #tpu.memory_space<vmem>>, vector<1x16xf32>,
      %get3A_96 = vector.shape_cast %get3A_95 : vector<1x16xf32> to vector<16xf32>
      %add3A_97 = arith.addf %get3A_92, %get3A_96 : vector<16xf32>
      %mul3A_98 = arith.mulf %add3A_97, %get3A_44 : vector<16xf32>
      %swap3A_99 = arith.index_cast %scan3A_41 : i32 to index
      %swap3A_100 = arith.constant 48 : index
      %swap3A_101 = tpu.vector_load %arg10[%swap3A_99, %swap3A_100] {strides = array<i32>} : memref<16x128xf32, #tpu.memory_space<vmem>>, vector<1x16xf32>,
      %swap3A_102 = vector.shape_cast %swap3A_101 : vector<1x16xf32> to vector<16xf32>
      %swap3A_103 = vector.shape_cast %mul3A_98 : vector<16xf32> to vector<1x16xf32>
      tpu.vector_store %arg10[%swap3A_99, %swap3A_100], %swap3A_103 {strides = array<i32>} : memref<16x128xf32, #tpu.memory_space<vmem>>, vector<1x16xf32>,
      %get3A_104 = arith.index_cast %scan3A_41 : i32 to index
      %get3A_105 = arith.constant 64 : index
      %get3A_106 = tpu.vector_load %arg8[%get3A_104, %get3A_105] {strides = array<i32>} : memref<16x128xf32, #tpu.memory_space<vmem>>, vector<1x16xf32>,
      %get3A_107 = vector.shape_cast %get3A_106 : vector<1x16xf32> to vector<16xf32>
      %get3A_108 = arith.index_cast %scan3A_41 : i32 to index
      %get3A_109 = arith.constant 64 : index
      %get3A_110 = tpu.vector_load %arg9[%get3A_108, %get3A_109] {strides = array<i32>} : memref<16x128xf32, #tpu.memory_space<vmem>>, vector<1x16xf32>,
      %get3A_111 = vector.shape_cast %get3A_110 : vector<1x16xf32> to vector<16xf32>
      %add3A_112 = arith.addf %get3A_107, %get3A_111 : vector<16xf32>
      %mul3A_113 = arith.mulf %add3A_112, %get3A_44 : vector<16xf32>
      %swap3A_114 = arith.index_cast %scan3A_41 : i32 to index
      %swap3A_115 = arith.constant 64 : index
      %swap3A_116 = tpu.vector_load %arg10[%swap3A_114, %swap3A_115] {strides = array<i32>} : memref<16x128xf32, #tpu.memory_space<vmem>>, vector<1x16xf32>,
      %swap3A_117 = vector.shape_cast %swap3A_116 : vector<1x16xf32> to vector<16xf32>
      %swap3A_118 = vector.shape_cast %mul3A_113 : vector<16xf32> to vector<1x16xf32>
      tpu.vector_store %arg10[%swap3A_114, %swap3A_115], %swap3A_118 {strides = array<i32>} : memref<16x128xf32, #tpu.memory_space<vmem>>, vector<1x16xf32>,
      %get3A_119 = arith.index_cast %scan3A_41 : i32 to index
      %get3A_120 = arith.constant 80 : index
      %get3A_121 = tpu.vector_load %arg8[%get3A_119, %get3A_120] {strides = array<i32>} : memref<16x128xf32, #tpu.memory_space<vmem>>, vector<1x16xf32>,
      %get3A_122 = vector.shape_cast %get3A_121 : vector<1x16xf32> to vector<16xf32>
      %get3A_123 = arith.index_cast %scan3A_41 : i32 to index
      %get3A_124 = arith.constant 80 : index
      %get3A_125 = tpu.vector_load %arg9[%get3A_123, %get3A_124] {strides = array<i32>} : memref<16x128xf32, #tpu.memory_space<vmem>>, vector<1x16xf32>,
      %get3A_126 = vector.shape_cast %get3A_125 : vector<1x16xf32> to vector<16xf32>
      %add3A_127 = arith.addf %get3A_122, %get3A_126 : vector<16xf32>
      %mul3A_128 = arith.mulf %add3A_127, %get3A_44 : vector<16xf32>
      %swap3A_129 = arith.index_cast %scan3A_41 : i32 to index
      %swap3A_130 = arith.constant 80 : index
      %swap3A_131 = tpu.vector_load %arg10[%swap3A_129, %swap3A_130] {strides = array<i32>} : memref<16x128xf32, #tpu.memory_space<vmem>>, vector<1x16xf32>,
      %swap3A_132 = vector.shape_cast %swap3A_131 : vector<1x16xf32> to vector<16xf32>
      %swap3A_133 = vector.shape_cast %mul3A_128 : vector<16xf32> to vector<1x16xf32>
      tpu.vector_store %arg10[%swap3A_129, %swap3A_130], %swap3A_133 {strides = array<i32>} : memref<16x128xf32, #tpu.memory_space<vmem>>, vector<1x16xf32>,
      %get3A_134 = arith.index_cast %scan3A_41 : i32 to index
      %get3A_135 = arith.constant 96 : index
      %get3A_136 = tpu.vector_load %arg8[%get3A_134, %get3A_135] {strides = array<i32>} : memref<16x128xf32, #tpu.memory_space<vmem>>, vector<1x16xf32>,
      %get3A_137 = vector.shape_cast %get3A_136 : vector<1x16xf32> to vector<16xf32>
      %get3A_138 = arith.index_cast %scan3A_41 : i32 to index
      %get3A_139 = arith.constant 96 : index
      %get3A_140 = tpu.vector_load %arg9[%get3A_138, %get3A_139] {strides = array<i32>} : memref<16x128xf32, #tpu.memory_space<vmem>>, vector<1x16xf32>,
      %get3A_141 = vector.shape_cast %get3A_140 : vector<1x16xf32> to vector<16xf32>
      %add3A_142 = arith.addf %get3A_137, %get3A_141 : vector<16xf32>
      %mul3A_143 = arith.mulf %add3A_142, %get3A_44 : vector<16xf32>
      %swap3A_144 = arith.index_cast %scan3A_41 : i32 to index
      %swap3A_145 = arith.constant 96 : index
      %swap3A_146 = tpu.vector_load %arg10[%swap3A_144, %swap3A_145] {strides = array<i32>} : memref<16x128xf32, #tpu.memory_space<vmem>>, vector<1x16xf32>,
      %swap3A_147 = vector.shape_cast %swap3A_146 : vector<1x16xf32> to vector<16xf32>
      %swap3A_148 = vector.shape_cast %mul3A_143 : vector<16xf32> to vector<1x16xf32>
      tpu.vector_store %arg10[%swap3A_144, %swap3A_145], %swap3A_148 {strides = array<i32>} : memref<16x128xf32, #tpu.memory_space<vmem>>, vector<1x16xf32>,
      %get3A_149 = arith.index_cast %scan3A_41 : i32 to index
      %get3A_150 = arith.constant 112 : index
      %get3A_151 = tpu.vector_load %arg8[%get3A_149, %get3A_150] {strides = array<i32>} : memref<16x128xf32, #tpu.memory_space<vmem>>, vector<1x16xf32>,
      %get3A_152 = vector.shape_cast %get3A_151 : vector<1x16xf32> to vector<16xf32>
      %get3A_153 = arith.index_cast %scan3A_41 : i32 to index
      %get3A_154 = arith.constant 112 : index
      %get3A_155 = tpu.vector_load %arg9[%get3A_153, %get3A_154] {strides = array<i32>} : memref<16x128xf32, #tpu.memory_space<vmem>>, vector<1x16xf32>,
      %get3A_156 = vector.shape_cast %get3A_155 : vector<1x16xf32> to vector<16xf32>
      %add3A_157 = arith.addf %get3A_152, %get3A_156 : vector<16xf32>
      %mul3A_158 = arith.mulf %add3A_157, %get3A_44 : vector<16xf32>
      %swap3A_159 = arith.index_cast %scan3A_41 : i32 to index
      %swap3A_160 = arith.constant 112 : index
      %swap3A_161 = tpu.vector_load %arg10[%swap3A_159, %swap3A_160] {strides = array<i32>} : memref<16x128xf32, #tpu.memory_space<vmem>>, vector<1x16xf32>,
      %swap3A_162 = vector.shape_cast %swap3A_161 : vector<1x16xf32> to vector<16xf32>
      %swap3A_163 = vector.shape_cast %mul3A_158 : vector<16xf32> to vector<1x16xf32>
      tpu.vector_store %arg10[%swap3A_159, %swap3A_160], %swap3A_163 {strides = array<i32>} : memref<16x128xf32, #tpu.memory_space<vmem>>, vector<1x16xf32>,
    }
    %scan3A_32 = arith.constant 16 : i32
    "tpu.region"() ({
      %run_scoped3A_41 = tpu.sem_alloc : memref<!tpu.dma_semaphore, #tpu.memory_space<semaphore_mem>>
      %dma_start3A = arith.constant 256 : i32
      %dma_start3A_42 = tpu.memref_slice %arg7[%mul3A_2, %dma_start3A] : memref<512x512xf32, #tpu.memory_space<hbm>> -> memref<16x128xf32, #tpu.memory_space<hbm>>
      %dma_start3A_43 = arith.constant 256 : i32
      %dma_start3A_44 = tpu.memref_slice %arg7[%mul3A_2, %dma_start3A_43] : memref<512x512xf32, #tpu.memory_space<hbm>> -> memref<16x128xf32, #tpu.memory_space<hbm>>
      tpu.enqueue_dma source(%arg10 : memref<16x128xf32, #tpu.memory_space<vmem>>) target(%dma_start3A_44 : memref<16x128xf32, #tpu.memory_space<hbm>>) target_semaphore(%run_scoped3A_41 : memref<!tpu.dma_semaphore, #tpu.memory_space<semaphore_mem>>)
      %dma_wait3A = arith.constant 256 : i32
      %dma_wait3A_45 = tpu.memref_slice %arg7[%mul3A_2, %dma_wait3A] : memref<512x512xf32, #tpu.memory_space<hbm>> -> memref<16x128xf32, #tpu.memory_space<hbm>>
      %dma_wait3A_46 = arith.constant 256 : i32
      %dma_wait3A_47 = tpu.memref_slice %arg7[%mul3A_2, %dma_wait3A_46] : memref<512x512xf32, #tpu.memory_space<hbm>> -> memref<16x128xf32, #tpu.memory_space<hbm>>
      tpu.wait_dma2 semaphore(%run_scoped3A_41 : memref<!tpu.dma_semaphore, #tpu.memory_space<semaphore_mem>>) src(%arg10 : memref<16x128xf32, #tpu.memory_space<vmem>>) dst(%dma_wait3A_47 : memref<16x128xf32, #tpu.memory_space<hbm>>)
      tpu.yield
    }) : () -> ()
    %run_scoped3A_33 = arith.constant 0 : i32
    "tpu.region"() ({
      %run_scoped3A_41 = tpu.sem_alloc : memref<!tpu.dma_semaphore, #tpu.memory_space<semaphore_mem>>
      %dma_start3A = arith.constant 0 : i32
      %dma_start3A_42 = tpu.memref_slice %arg5[%run_scoped3A_33, %mul3A_2, %dma_start3A] : memref<2x512x128xf32, #tpu.memory_space<hbm>> -> memref<1x16x128xf32, #tpu.memory_space<hbm>>
      %dma_start3A_43 = tpu.memref_squeeze %dma_start3A_42 : memref<1x16x128xf32, #tpu.memory_space<hbm>> -> memref<16x128xf32, #tpu.memory_space<hbm>>
      %dma_start3A_44 = arith.constant 0 : i32
      %dma_start3A_45 = tpu.memref_slice %arg5[%run_scoped3A_33, %mul3A_2, %dma_start3A_44] : memref<2x512x128xf32, #tpu.memory_space<hbm>> -> memref<1x16x128xf32, #tpu.memory_space<hbm>>
      %dma_start3A_46 = tpu.memref_squeeze %dma_start3A_45 : memref<1x16x128xf32, #tpu.memory_space<hbm>> -> memref<16x128xf32, #tpu.memory_space<hbm>>
      tpu.enqueue_dma source(%dma_start3A_46 : memref<16x128xf32, #tpu.memory_space<hbm>>) target(%arg8 : memref<16x128xf32, #tpu.memory_space<vmem>>) target_semaphore(%run_scoped3A_41 : memref<!tpu.dma_semaphore, #tpu.memory_space<semaphore_mem>>)
      %dma_wait3A = arith.constant 0 : i32
      %dma_wait3A_47 = tpu.memref_slice %arg5[%run_scoped3A_33, %mul3A_2, %dma_wait3A] : memref<2x512x128xf32, #tpu.memory_space<hbm>> -> memref<1x16x128xf32, #tpu.memory_space<hbm>>
      %dma_wait3A_48 = tpu.memref_squeeze %dma_wait3A_47 : memref<1x16x128xf32, #tpu.memory_space<hbm>> -> memref<16x128xf32, #tpu.memory_space<hbm>>
      %dma_wait3A_49 = arith.constant 0 : i32
      %dma_wait3A_50 = tpu.memref_slice %arg5[%run_scoped3A_33, %mul3A_2, %dma_wait3A_49] : memref<2x512x128xf32, #tpu.memory_space<hbm>> -> memref<1x16x128xf32, #tpu.memory_space<hbm>>
      %dma_wait3A_51 = tpu.memref_squeeze %dma_wait3A_50 : memref<1x16x128xf32, #tpu.memory_space<hbm>> -> memref<16x128xf32, #tpu.memory_space<hbm>>
      tpu.wait_dma2 semaphore(%run_scoped3A_41 : memref<!tpu.dma_semaphore, #tpu.memory_space<semaphore_mem>>) src(%dma_wait3A_51 : memref<16x128xf32, #tpu.memory_space<hbm>>) dst(%arg8 : memref<16x128xf32, #tpu.memory_space<vmem>>)
      tpu.yield
    }) : () -> ()
    %run_scoped3A_34 = arith.constant 1 : i32
    "tpu.region"() ({
      %run_scoped3A_41 = tpu.sem_alloc : memref<!tpu.dma_semaphore, #tpu.memory_space<semaphore_mem>>
      %dma_start3A = arith.constant 0 : i32
      %dma_start3A_42 = tpu.memref_slice %arg5[%run_scoped3A_34, %mul3A_2, %dma_start3A] : memref<2x512x128xf32, #tpu.memory_space<hbm>> -> memref<1x16x128xf32, #tpu.memory_space<hbm>>
      %dma_start3A_43 = tpu.memref_squeeze %dma_start3A_42 : memref<1x16x128xf32, #tpu.memory_space<hbm>> -> memref<16x128xf32, #tpu.memory_space<hbm>>
      %dma_start3A_44 = arith.constant 0 : i32
      %dma_start3A_45 = tpu.memref_slice %arg5[%run_scoped3A_34, %mul3A_2, %dma_start3A_44] : memref<2x512x128xf32, #tpu.memory_space<hbm>> -> memref<1x16x128xf32, #tpu.memory_space<hbm>>
      %dma_start3A_46 = tpu.memref_squeeze %dma_start3A_45 : memref<1x16x128xf32, #tpu.memory_space<hbm>> -> memref<16x128xf32, #tpu.memory_space<hbm>>
      tpu.enqueue_dma source(%dma_start3A_46 : memref<16x128xf32, #tpu.memory_space<hbm>>) target(%arg9 : memref<16x128xf32, #tpu.memory_space<vmem>>) target_semaphore(%run_scoped3A_41 : memref<!tpu.dma_semaphore, #tpu.memory_space<semaphore_mem>>)
      %dma_wait3A = arith.constant 0 : i32
      %dma_wait3A_47 = tpu.memref_slice %arg5[%run_scoped3A_34, %mul3A_2, %dma_wait3A] : memref<2x512x128xf32, #tpu.memory_space<hbm>> -> memref<1x16x128xf32, #tpu.memory_space<hbm>>
      %dma_wait3A_48 = tpu.memref_squeeze %dma_wait3A_47 : memref<1x16x128xf32, #tpu.memory_space<hbm>> -> memref<16x128xf32, #tpu.memory_space<hbm>>
      %dma_wait3A_49 = arith.constant 0 : i32
      %dma_wait3A_50 = tpu.memref_slice %arg5[%run_scoped3A_34, %mul3A_2, %dma_wait3A_49] : memref<2x512x128xf32, #tpu.memory_space<hbm>> -> memref<1x16x128xf32, #tpu.memory_space<hbm>>
      %dma_wait3A_51 = tpu.memref_squeeze %dma_wait3A_50 : memref<1x16x128xf32, #tpu.memory_space<hbm>> -> memref<16x128xf32, #tpu.memory_space<hbm>>
      tpu.wait_dma2 semaphore(%run_scoped3A_41 : memref<!tpu.dma_semaphore, #tpu.memory_space<semaphore_mem>>) src(%dma_wait3A_51 : memref<16x128xf32, #tpu.memory_space<hbm>>) dst(%arg9 : memref<16x128xf32, #tpu.memory_space<vmem>>)
      tpu.yield
    }) : () -> ()
    %scan3A_35 = arith.constant 0 : i32
    %scan3A_36 = arith.constant 0 : i32
    %scan3A_37 = arith.constant 16 : i32
    %scan3A_38 = arith.addi %scan3A_36, %scan3A_37 : i32
    %scan3A_39 = arith.constant 1 : i32
    scf.for %scan3A_41 = %scan3A_36 to %scan3A_38 step %scan3A_39  : i32 {
      %get3A = arith.index_cast %scan3A_41 : i32 to index
      %get3A_42 = arith.constant 0 : index
      %get3A_43 = tpu.vector_load %arg13[%get3A, %get3A_42] {strides = array<i32>} : memref<16x16xf32, #tpu.memory_space<vmem>>, vector<1x16xf32>,
      %get3A_44 = vector.shape_cast %get3A_43 : vector<1x16xf32> to vector<16xf32>
      %get3A_45 = arith.index_cast %scan3A_41 : i32 to index
      %get3A_46 = arith.constant 0 : index
      %get3A_47 = tpu.vector_load %arg8[%get3A_45, %get3A_46] {strides = array<i32>} : memref<16x128xf32, #tpu.memory_space<vmem>>, vector<1x16xf32>,
      %get3A_48 = vector.shape_cast %get3A_47 : vector<1x16xf32> to vector<16xf32>
      %get3A_49 = arith.index_cast %scan3A_41 : i32 to index
      %get3A_50 = arith.constant 0 : index
      %get3A_51 = tpu.vector_load %arg9[%get3A_49, %get3A_50] {strides = array<i32>} : memref<16x128xf32, #tpu.memory_space<vmem>>, vector<1x16xf32>,
      %get3A_52 = vector.shape_cast %get3A_51 : vector<1x16xf32> to vector<16xf32>
      %add3A_53 = arith.addf %get3A_48, %get3A_52 : vector<16xf32>
      %mul3A_54 = arith.mulf %add3A_53, %get3A_44 : vector<16xf32>
      %swap3A = arith.index_cast %scan3A_41 : i32 to index
      %swap3A_55 = arith.constant 0 : index
      %swap3A_56 = tpu.vector_load %arg10[%swap3A, %swap3A_55] {strides = array<i32>} : memref<16x128xf32, #tpu.memory_space<vmem>>, vector<1x16xf32>,
      %swap3A_57 = vector.shape_cast %swap3A_56 : vector<1x16xf32> to vector<16xf32>
      %swap3A_58 = vector.shape_cast %mul3A_54 : vector<16xf32> to vector<1x16xf32>
      tpu.vector_store %arg10[%swap3A, %swap3A_55], %swap3A_58 {strides = array<i32>} : memref<16x128xf32, #tpu.memory_space<vmem>>, vector<1x16xf32>,
      %get3A_59 = arith.index_cast %scan3A_41 : i32 to index
      %get3A_60 = arith.constant 16 : index
      %get3A_61 = tpu.vector_load %arg8[%get3A_59, %get3A_60] {strides = array<i32>} : memref<16x128xf32, #tpu.memory_space<vmem>>, vector<1x16xf32>,
      %get3A_62 = vector.shape_cast %get3A_61 : vector<1x16xf32> to vector<16xf32>
      %get3A_63 = arith.index_cast %scan3A_41 : i32 to index
      %get3A_64 = arith.constant 16 : index
      %get3A_65 = tpu.vector_load %arg9[%get3A_63, %get3A_64] {strides = array<i32>} : memref<16x128xf32, #tpu.memory_space<vmem>>, vector<1x16xf32>,
      %get3A_66 = vector.shape_cast %get3A_65 : vector<1x16xf32> to vector<16xf32>
      %add3A_67 = arith.addf %get3A_62, %get3A_66 : vector<16xf32>
      %mul3A_68 = arith.mulf %add3A_67, %get3A_44 : vector<16xf32>
      %swap3A_69 = arith.index_cast %scan3A_41 : i32 to index
      %swap3A_70 = arith.constant 16 : index
      %swap3A_71 = tpu.vector_load %arg10[%swap3A_69, %swap3A_70] {strides = array<i32>} : memref<16x128xf32, #tpu.memory_space<vmem>>, vector<1x16xf32>,
      %swap3A_72 = vector.shape_cast %swap3A_71 : vector<1x16xf32> to vector<16xf32>
      %swap3A_73 = vector.shape_cast %mul3A_68 : vector<16xf32> to vector<1x16xf32>
      tpu.vector_store %arg10[%swap3A_69, %swap3A_70], %swap3A_73 {strides = array<i32>} : memref<16x128xf32, #tpu.memory_space<vmem>>, vector<1x16xf32>,
      %get3A_74 = arith.index_cast %scan3A_41 : i32 to index
      %get3A_75 = arith.constant 32 : index
      %get3A_76 = tpu.vector_load %arg8[%get3A_74, %get3A_75] {strides = array<i32>} : memref<16x128xf32, #tpu.memory_space<vmem>>, vector<1x16xf32>,
      %get3A_77 = vector.shape_cast %get3A_76 : vector<1x16xf32> to vector<16xf32>
      %get3A_78 = arith.index_cast %scan3A_41 : i32 to index
      %get3A_79 = arith.constant 32 : index
      %get3A_80 = tpu.vector_load %arg9[%get3A_78, %get3A_79] {strides = array<i32>} : memref<16x128xf32, #tpu.memory_space<vmem>>, vector<1x16xf32>,
      %get3A_81 = vector.shape_cast %get3A_80 : vector<1x16xf32> to vector<16xf32>
      %add3A_82 = arith.addf %get3A_77, %get3A_81 : vector<16xf32>
      %mul3A_83 = arith.mulf %add3A_82, %get3A_44 : vector<16xf32>
      %swap3A_84 = arith.index_cast %scan3A_41 : i32 to index
      %swap3A_85 = arith.constant 32 : index
      %swap3A_86 = tpu.vector_load %arg10[%swap3A_84, %swap3A_85] {strides = array<i32>} : memref<16x128xf32, #tpu.memory_space<vmem>>, vector<1x16xf32>,
      %swap3A_87 = vector.shape_cast %swap3A_86 : vector<1x16xf32> to vector<16xf32>
      %swap3A_88 = vector.shape_cast %mul3A_83 : vector<16xf32> to vector<1x16xf32>
      tpu.vector_store %arg10[%swap3A_84, %swap3A_85], %swap3A_88 {strides = array<i32>} : memref<16x128xf32, #tpu.memory_space<vmem>>, vector<1x16xf32>,
      %get3A_89 = arith.index_cast %scan3A_41 : i32 to index
      %get3A_90 = arith.constant 48 : index
      %get3A_91 = tpu.vector_load %arg8[%get3A_89, %get3A_90] {strides = array<i32>} : memref<16x128xf32, #tpu.memory_space<vmem>>, vector<1x16xf32>,
      %get3A_92 = vector.shape_cast %get3A_91 : vector<1x16xf32> to vector<16xf32>
      %get3A_93 = arith.index_cast %scan3A_41 : i32 to index
      %get3A_94 = arith.constant 48 : index
      %get3A_95 = tpu.vector_load %arg9[%get3A_93, %get3A_94] {strides = array<i32>} : memref<16x128xf32, #tpu.memory_space<vmem>>, vector<1x16xf32>,
      %get3A_96 = vector.shape_cast %get3A_95 : vector<1x16xf32> to vector<16xf32>
      %add3A_97 = arith.addf %get3A_92, %get3A_96 : vector<16xf32>
      %mul3A_98 = arith.mulf %add3A_97, %get3A_44 : vector<16xf32>
      %swap3A_99 = arith.index_cast %scan3A_41 : i32 to index
      %swap3A_100 = arith.constant 48 : index
      %swap3A_101 = tpu.vector_load %arg10[%swap3A_99, %swap3A_100] {strides = array<i32>} : memref<16x128xf32, #tpu.memory_space<vmem>>, vector<1x16xf32>,
      %swap3A_102 = vector.shape_cast %swap3A_101 : vector<1x16xf32> to vector<16xf32>
      %swap3A_103 = vector.shape_cast %mul3A_98 : vector<16xf32> to vector<1x16xf32>
      tpu.vector_store %arg10[%swap3A_99, %swap3A_100], %swap3A_103 {strides = array<i32>} : memref<16x128xf32, #tpu.memory_space<vmem>>, vector<1x16xf32>,
      %get3A_104 = arith.index_cast %scan3A_41 : i32 to index
      %get3A_105 = arith.constant 64 : index
      %get3A_106 = tpu.vector_load %arg8[%get3A_104, %get3A_105] {strides = array<i32>} : memref<16x128xf32, #tpu.memory_space<vmem>>, vector<1x16xf32>,
      %get3A_107 = vector.shape_cast %get3A_106 : vector<1x16xf32> to vector<16xf32>
      %get3A_108 = arith.index_cast %scan3A_41 : i32 to index
      %get3A_109 = arith.constant 64 : index
      %get3A_110 = tpu.vector_load %arg9[%get3A_108, %get3A_109] {strides = array<i32>} : memref<16x128xf32, #tpu.memory_space<vmem>>, vector<1x16xf32>,
      %get3A_111 = vector.shape_cast %get3A_110 : vector<1x16xf32> to vector<16xf32>
      %add3A_112 = arith.addf %get3A_107, %get3A_111 : vector<16xf32>
      %mul3A_113 = arith.mulf %add3A_112, %get3A_44 : vector<16xf32>
      %swap3A_114 = arith.index_cast %scan3A_41 : i32 to index
      %swap3A_115 = arith.constant 64 : index
      %swap3A_116 = tpu.vector_load %arg10[%swap3A_114, %swap3A_115] {strides = array<i32>} : memref<16x128xf32, #tpu.memory_space<vmem>>, vector<1x16xf32>,
      %swap3A_117 = vector.shape_cast %swap3A_116 : vector<1x16xf32> to vector<16xf32>
      %swap3A_118 = vector.shape_cast %mul3A_113 : vector<16xf32> to vector<1x16xf32>
      tpu.vector_store %arg10[%swap3A_114, %swap3A_115], %swap3A_118 {strides = array<i32>} : memref<16x128xf32, #tpu.memory_space<vmem>>, vector<1x16xf32>,
      %get3A_119 = arith.index_cast %scan3A_41 : i32 to index
      %get3A_120 = arith.constant 80 : index
      %get3A_121 = tpu.vector_load %arg8[%get3A_119, %get3A_120] {strides = array<i32>} : memref<16x128xf32, #tpu.memory_space<vmem>>, vector<1x16xf32>,
      %get3A_122 = vector.shape_cast %get3A_121 : vector<1x16xf32> to vector<16xf32>
      %get3A_123 = arith.index_cast %scan3A_41 : i32 to index
      %get3A_124 = arith.constant 80 : index
      %get3A_125 = tpu.vector_load %arg9[%get3A_123, %get3A_124] {strides = array<i32>} : memref<16x128xf32, #tpu.memory_space<vmem>>, vector<1x16xf32>,
      %get3A_126 = vector.shape_cast %get3A_125 : vector<1x16xf32> to vector<16xf32>
      %add3A_127 = arith.addf %get3A_122, %get3A_126 : vector<16xf32>
      %mul3A_128 = arith.mulf %add3A_127, %get3A_44 : vector<16xf32>
      %swap3A_129 = arith.index_cast %scan3A_41 : i32 to index
      %swap3A_130 = arith.constant 80 : index
      %swap3A_131 = tpu.vector_load %arg10[%swap3A_129, %swap3A_130] {strides = array<i32>} : memref<16x128xf32, #tpu.memory_space<vmem>>, vector<1x16xf32>,
      %swap3A_132 = vector.shape_cast %swap3A_131 : vector<1x16xf32> to vector<16xf32>
      %swap3A_133 = vector.shape_cast %mul3A_128 : vector<16xf32> to vector<1x16xf32>
      tpu.vector_store %arg10[%swap3A_129, %swap3A_130], %swap3A_133 {strides = array<i32>} : memref<16x128xf32, #tpu.memory_space<vmem>>, vector<1x16xf32>,
      %get3A_134 = arith.index_cast %scan3A_41 : i32 to index
      %get3A_135 = arith.constant 96 : index
      %get3A_136 = tpu.vector_load %arg8[%get3A_134, %get3A_135] {strides = array<i32>} : memref<16x128xf32, #tpu.memory_space<vmem>>, vector<1x16xf32>,
      %get3A_137 = vector.shape_cast %get3A_136 : vector<1x16xf32> to vector<16xf32>
      %get3A_138 = arith.index_cast %scan3A_41 : i32 to index
      %get3A_139 = arith.constant 96 : index
      %get3A_140 = tpu.vector_load %arg9[%get3A_138, %get3A_139] {strides = array<i32>} : memref<16x128xf32, #tpu.memory_space<vmem>>, vector<1x16xf32>,
      %get3A_141 = vector.shape_cast %get3A_140 : vector<1x16xf32> to vector<16xf32>
      %add3A_142 = arith.addf %get3A_137, %get3A_141 : vector<16xf32>
      %mul3A_143 = arith.mulf %add3A_142, %get3A_44 : vector<16xf32>
      %swap3A_144 = arith.index_cast %scan3A_41 : i32 to index
      %swap3A_145 = arith.constant 96 : index
      %swap3A_146 = tpu.vector_load %arg10[%swap3A_144, %swap3A_145] {strides = array<i32>} : memref<16x128xf32, #tpu.memory_space<vmem>>, vector<1x16xf32>,
      %swap3A_147 = vector.shape_cast %swap3A_146 : vector<1x16xf32> to vector<16xf32>
      %swap3A_148 = vector.shape_cast %mul3A_143 : vector<16xf32> to vector<1x16xf32>
      tpu.vector_store %arg10[%swap3A_144, %swap3A_145], %swap3A_148 {strides = array<i32>} : memref<16x128xf32, #tpu.memory_space<vmem>>, vector<1x16xf32>,
      %get3A_149 = arith.index_cast %scan3A_41 : i32 to index
      %get3A_150 = arith.constant 112 : index
      %get3A_151 = tpu.vector_load %arg8[%get3A_149, %get3A_150] {strides = array<i32>} : memref<16x128xf32, #tpu.memory_space<vmem>>, vector<1x16xf32>,
      %get3A_152 = vector.shape_cast %get3A_151 : vector<1x16xf32> to vector<16xf32>
      %get3A_153 = arith.index_cast %scan3A_41 : i32 to index
      %get3A_154 = arith.constant 112 : index
      %get3A_155 = tpu.vector_load %arg9[%get3A_153, %get3A_154] {strides = array<i32>} : memref<16x128xf32, #tpu.memory_space<vmem>>, vector<1x16xf32>,
      %get3A_156 = vector.shape_cast %get3A_155 : vector<1x16xf32> to vector<16xf32>
      %add3A_157 = arith.addf %get3A_152, %get3A_156 : vector<16xf32>
      %mul3A_158 = arith.mulf %add3A_157, %get3A_44 : vector<16xf32>
      %swap3A_159 = arith.index_cast %scan3A_41 : i32 to index
      %swap3A_160 = arith.constant 112 : index
      %swap3A_161 = tpu.vector_load %arg10[%swap3A_159, %swap3A_160] {strides = array<i32>} : memref<16x128xf32, #tpu.memory_space<vmem>>, vector<1x16xf32>,
      %swap3A_162 = vector.shape_cast %swap3A_161 : vector<1x16xf32> to vector<16xf32>
      %swap3A_163 = vector.shape_cast %mul3A_158 : vector<16xf32> to vector<1x16xf32>
      tpu.vector_store %arg10[%swap3A_159, %swap3A_160], %swap3A_163 {strides = array<i32>} : memref<16x128xf32, #tpu.memory_space<vmem>>, vector<1x16xf32>,
    }
    %scan3A_40 = arith.constant 16 : i32
    "tpu.region"() ({
      %run_scoped3A_41 = tpu.sem_alloc : memref<!tpu.dma_semaphore, #tpu.memory_space<semaphore_mem>>
      %dma_start3A = arith.constant 384 : i32
      %dma_start3A_42 = tpu.memref_slice %arg7[%mul3A_2, %dma_start3A] : memref<512x512xf32, #tpu.memory_space<hbm>> -> memref<16x128xf32, #tpu.memory_space<hbm>>
      %dma_start3A_43 = arith.constant 384 : i32
      %dma_start3A_44 = tpu.memref_slice %arg7[%mul3A_2, %dma_start3A_43] : memref<512x512xf32, #tpu.memory_space<hbm>> -> memref<16x128xf32, #tpu.memory_space<hbm>>
      tpu.enqueue_dma source(%arg10 : memref<16x128xf32, #tpu.memory_space<vmem>>) target(%dma_start3A_44 : memref<16x128xf32, #tpu.memory_space<hbm>>) target_semaphore(%run_scoped3A_41 : memref<!tpu.dma_semaphore, #tpu.memory_space<semaphore_mem>>)
      %dma_wait3A = arith.constant 384 : i32
      %dma_wait3A_45 = tpu.memref_slice %arg7[%mul3A_2, %dma_wait3A] : memref<512x512xf32, #tpu.memory_space<hbm>> -> memref<16x128xf32, #tpu.memory_space<hbm>>
      %dma_wait3A_46 = arith.constant 384 : i32
      %dma_wait3A_47 = tpu.memref_slice %arg7[%mul3A_2, %dma_wait3A_46] : memref<512x512xf32, #tpu.memory_space<hbm>> -> memref<16x128xf32, #tpu.memory_space<hbm>>
      tpu.wait_dma2 semaphore(%run_scoped3A_41 : memref<!tpu.dma_semaphore, #tpu.memory_space<semaphore_mem>>) src(%arg10 : memref<16x128xf32, #tpu.memory_space<vmem>>) dst(%dma_wait3A_47 : memref<16x128xf32, #tpu.memory_space<hbm>>)
      tpu.yield
    }) : () -> ()
    return
  }
}

</mosaic_0001>

<sc_bundles>
// kernel: kernel.4.cloned.1.call-start
scs
__scs_entry_jumppad:
0x0: {  	(pc) =	sbr.rel $0x88, $3  }
0x1: {  	(tag) =	ssettag $0x0;
	lr =	simm.s32 $0x1  }
0x2: {  	[smem:$0x3F9C] =	sst lr;
	_ =	strace $0xD0000000  }
0x3: {  	_ = 	snop  }
0x4: {  	_ = 	snop  }
0x5: {  	_ = 	snop  }
0x6: {  	_ = 	snop  }
0x7: {  	_ = 	snop  }
__scs_overlays_trampoline_lowered:
0x8: {  	[smem:$0x3FAB] =	sst s0  }
0x9: {  	[smem:$0x3FAC] =	sst s1  }
0xa: {  	[smem:$0x3FAD] =	sst s2  }
0xb: {  	[smem:$0x3FAE] =	sst s3  }
0xc: {  	[smem:$0x3FAF] =	sst s4  }
0xd: {  	[smem:$0x3FB0] =	sst s5  }
0xe: {  	[smem:$0x3FB1] =	sst s6  }
0xf: {  	[smem:$0x3FB2] =	sst s7  }
0x10: {  	[smem:$0x3FB3] =	sst s8  }
0x11: {  	[smem:$0x3FB4] =	sst s9;
	s0 =	simm.s32 @!p0 $0x0  }
0x12: {  	s1 =	sld [smem:$0x3F9A];
	s0 =	simm.s32 @p0 $0x1  }
0x13: {  	[smem:$0x3FB5] =	sst s0;
	s0 =	simm.s32 @!p1 $0x0  }
0x14: {  	s2 =	sld [smem:$0x3F99];
	s0 =	simm.s32 @p1 $0x1  }
0x15: {  	[smem:$0x3FB6] =	sst s0;
	s0 =	simm.s32 @!p2 $0x0  }
0x16: {  	s3 =	sld [smem:$0x3FDB];
	s0 =	simm.s32 @p2 $0x1  }
0x17: {  	s4 =	simm.s32 $0x1BF5;
	[smem:$0x3FB8] =	sst s0  }
0x18: {  	s0 =	sld [smem:$0x3F9B];
	_ =	swait.ge [sflag:s4], $0x0  }
0x19: {  	s7 =	sld [smem:$0x3F9C]  }
0x1a: {  	s8 =	sadd.s32 $0xFFFFE003, lr  }
0x1b: {  	s9 =	sadd.s32 $0xFFFFFEF7, lr;
	s5 =	simm.s32 $0xFFFFFFFF;
	p2 =	slt.u32 s8, $0xFFFFF086  }
0x1c: {  	p1 =	slt.u32 s9, $0xF7A;
	s5 =	simm.s32 @!p2 $0x0  }
0x1d: {  	s5 =	simm.s32 @p1 $0x1;
	p0 =	seq.s32 s7, s2  }
0x1e: {  	s7 =	smul.u32 @!p0 $0xF7A, s2;
	p2 =	seq.s32 @!p0 s5, $0x0  }
0x1f: {  	s9 =	smul.u32 $0xF7A, s1;
	s8 =	simm.s32 @!p0 $0x1BF5;
	p2 =	por !p2, p0  }
0x20: {  	[sflag:s8] =	ssyncset.s32 @!p0 $0xFFFFF086;
	s6 =	sadd.s32 @!p0 s3, s7;
	s7 =	simm.s32 @!p0 $0x108  }
0x21: {  	s3 =	sadd.s32 s3, s9;
	s6 =	sadd.s32 @!p0 $0x88, s6;
	s7 =	simm.s32 @p2 $0x1082  }
0x22: {  	[simem:s7], [sflag:s8] =	dma.local @!p0 [hbm:s6], $0xF7A  }
0x23: {  	s9 =	sor.u32 $0xD0000000, s2;
	s6 =	simm.s32 $0x108;
	_ =	swait.ge @!p0 [sflag:s8], $0x0  }
0x24: {  	s3 =	sadd.s32 $0x88, s3;
	s6 =	simm.s32 @!p1 $0x1082;
	[sflag:s4] =	ssyncset.s32 $0xFFFFF086  }
0x25: {  	[simem:s6], [sflag:s4] =	dma.local [hbm:s3], $0xF7A  }
0x26: {  	[smem:$0x3F9C] =	sst s1;
	(tag) =	ssettag s2;
	_ =	strace s9  }
0x27: {  	s1 =	sld [smem:$0x3FAC]  }
0x28: {  	s2 =	sld [smem:$0x3FAD]  }
0x29: {  	s4 =	sld [smem:$0x3FAF]  }
0x2a: {  	p0 =	seq.s32 s5, $0x0;
	s5 =	sld [smem:$0x3FB0]  }
0x2b: {  	s6 =	sld [smem:$0x3FB1]  }
0x2c: {  	s7 =	sld [smem:$0x3FB2]  }
0x2d: {  	s3 =	simm.s32 $0x108;
	s8 =	sld [smem:$0x3FB3]  }
0x2e: {  	s3 =	simm.s32 @!p0 $0x1082;
	s9 =	sld [smem:$0x3FB4]  }
0x2f: {  	lr =	sadd.s32 s0, s3;
	s0 =	sld [smem:$0x3FAB]  }
0x30: {  	s3 =	sld [smem:$0x3FAE]  }
0x31: {  	[smem:$0x3FB7] =	sst s10  }
0x32: {  	s10 =	sld [smem:$0x3FB5];
	_ =	sdelay $0x3  }
0x33: {  	p0 =	seq.s32 s10, $0x1;
	s10 =	sld [smem:$0x3FB7];
	_ =	sdelay $0x3  }
0x34: {  	[smem:$0x3FB7] =	sst s10  }
0x35: {  	s10 =	sld [smem:$0x3FB6];
	_ =	sdelay $0x3  }
0x36: {  	p1 =	seq.s32 s10, $0x1;
	s10 =	sld [smem:$0x3FB7];
	_ =	sdelay $0x3  }
0x37: {  	[smem:$0x3FB7] =	sst s10  }
0x38: {  	s10 =	sld [smem:$0x3FB8]  }
0x39: {  	_ = 	snop;
	(pc) =	sbr.ind lr, $3  }
0x3a: {  	_ = 	snop  }
0x3b: {  	_ = 	snop  }
0x3c: {  	p2 =	seq.s32 s10, $0x1;
	s10 =	sld [smem:$0x3FB7]  }
0x3d: {  	_ =	shalt  }
0x3e: {  	_ =	shalt  }
0x3f: {  	_ =	shalt  }
0x40: {  	_ =	shalt  }
0x41: {  	_ =	shalt  }
0x42: {  	_ =	shalt  }
0x43: {  	_ =	shalt  }
0x44: {  	_ =	shalt  }
0x45: {  	_ =	shalt  }
0x46: {  	_ =	shalt  }
0x47: {  	_ =	shalt  }
0x48: {  	_ =	shalt  }
0x49: {  	_ =	shalt  }
0x4a: {  	_ =	shalt  }
0x4b: {  	_ =	shalt  }
0x4c: {  	_ =	shalt  }
0x4d: {  	_ =	shalt  }
0x4e: {  	_ =	shalt  }
0x4f: {  	_ =	shalt  }
0x50: {  	_ =	shalt  }
0x51: {  	_ =	shalt  }
0x52: {  	_ =	shalt  }
0x53: {  	_ =	shalt  }
0x54: {  	_ =	shalt  }
0x55: {  	_ =	shalt  }
0x56: {  	_ =	shalt  }
0x57: {  	_ =	shalt  }
0x58: {  	_ =	shalt  }
0x59: {  	_ =	shalt  }
0x5a: {  	_ =	shalt  }
0x5b: {  	_ =	shalt  }
0x5c: {  	_ =	shalt  }
0x5d: {  	_ =	shalt  }
0x5e: {  	_ =	shalt  }
0x5f: {  	_ =	shalt  }
0x60: {  	_ =	shalt  }
0x61: {  	_ =	shalt  }
0x62: {  	_ =	shalt  }
0x63: {  	_ =	shalt  }
0x64: {  	_ =	shalt  }
0x65: {  	_ =	shalt  }
0x66: {  	_ =	shalt  }
0x67: {  	_ =	shalt  }
0x68: {  	_ =	shalt  }
0x69: {  	_ =	shalt  }
0x6a: {  	_ =	shalt  }
0x6b: {  	_ =	shalt  }
0x6c: {  	_ =	shalt  }
0x6d: {  	_ =	shalt  }
0x6e: {  	_ =	shalt  }
0x6f: {  	_ =	shalt  }
0x70: {  	_ =	shalt  }
0x71: {  	_ =	shalt  }
0x72: {  	_ =	shalt  }
0x73: {  	_ =	shalt  }
0x74: {  	_ =	shalt  }
0x75: {  	_ =	shalt  }
0x76: {  	_ =	shalt  }
0x77: {  	_ =	shalt  }
0x78: {  	_ =	shalt  }
0x79: {  	_ =	shalt  }
0x7a: {  	_ =	shalt  }
0x7b: {  	_ =	shalt  }
0x7c: {  	_ =	shalt  }
0x7d: {  	_ =	shalt  }
0x7e: {  	_ =	shalt  }
0x7f: {  	_ =	shalt  }
0x80: {  	_ =	shalt  }
0x81: {  	_ =	shalt  }
0x82: {  	_ =	shalt  }
0x83: {  	_ =	shalt  }
0x84: {  	_ =	shalt  }
0x85: {  	_ =	shalt  }
0x86: {  	_ =	shalt  }
0x87: {  	_ =	shalt  }
.Lfunc_end0:
.L_simem_size_0:
called_computation_lowered:
.L_overlay_start_0:
0x88: {  	s2 =	sld [smem:$0x3FD9]  }
0x89: {  	s3 =	sld [smem:$0x3FFE];
	_ =	sdelay $0x1  }
0x8a: {  	s1 =	srdreg.scid  }
0x8b: {  	s0 =	sand.u32 $0x1, s1  }
0x8c: {  	s17 =	sshll.u32 s0, $0xA;
	s2 =	sadd.s32 s3, s2  }
0x8d: {  	s2 =	sadd.s32 s2, s17  }
0x8e: {  	[smem:$0x3FC3] =	sst s2  }
0x8f: {  	_ = 	snop  }
0x90: {  	s2 =	sld [smem:$0x3FC9]  }
0x91: {  	s18 =	sld [smem:$0x3FC8]  }
0x92: {  	s4 =	sld [smem:$0x3FC7]  }
0x93: {  	s5 =	sld [smem:$0x3FC6]  }
0x94: {  	s6 =	sld [smem:$0x3FC5];
	(tm) =	ssettm $0x1  }
0x95: {  	s7 =	sld [smem:$0x3FFB];
	_ =	sdelay $0x3  }
0x96: {  	_ =	strace s7  }
0x97: {  	s7 =	sld [smem:$0x3FFC];
	_ =	sdelay $0x3  }
0x98: {  	_ =	strace s7  }
0x99: {  	s7 =	sld [smem:$0x3FFD];
	_ =	sdelay $0x3  }
0x9a: {  	_ =	strace s7  }
0x9b: {  	_ =	strace $0x8FFFFFFF  }
0x9c: {  	s19 =	sld [smem:$0x3FDB];
	_ =	sdelay $0x1  }
0x9d: {  	s8 =	simm.s32 $_scs_section_size  }
0x9e: {  	s9 =	simm.s32 $_size__tile_overlayer_lowered;
	s10 =	simm.s32 $_tile_overlayer_lowered  }
0x9f: {  	s22 =	simm.s32 $0x1BFF;
	s21 =	sshll.u32 s10, $0x1;
	s7 =	sadd.s32 s8, s19  }
0xa0: {  	s11 =	simm.s32 $0x0;
	s20 =	sshll.u32 s9, $0x1;
	s9 =	sadd.s32 s21, s7  }
0xa1: {  	[timem:s11], [sflag:s22] =	dma.local [hbm:s9], s20  }
0xa2: {  	_ =	swait.ge [sflag:s22], s20  }
0xa3: {  	s8 =	ssub.s32 $0x0, s20;
	[sflag:s22] =	ssyncset.done $0x0  }
0xa4: {  	[sflag:s22] =	ssyncadd.s32 s8;
	_ =	sdelay $0x1  }
0xa5: {  	s23 =	simm.s32 $0x1B8B  }
0xa6: {  	_ =	swait.ge [sflag:s23], $0x1  }
0xa7: {  	[sflag:s23] =	ssyncset.done $0x0  }
0xa8: {  	s25 =	simm.s32 $0x1B8E;
	s24 =	sld [smem:$0x3FFE];
	[sflag:s23] =	ssyncadd.s32 $0xFFFFFFFF  }
0xa9: {  	s26 =	simm.s32 $execute0_lowered;
	[smem:$0x3FD2] =	sst s25  }
0xaa: {  	s9 =	sshll.u32 s26, $0x1;
	_ =	strace $0x80000046;
	[dreg:$0x1] =	wrdreg $0xFFFFFFFF  }
0xab: {  	s28 =	simm.s32 $_size_execute0_lowered;
	s7 =	sadd.s32 s7, s9;
	[dreg:$0x0] =	wrdreg $0x0  }
0xac: {  	s9 =	sshll.u32 s28, $0x1;
	[dreg:$0x2] =	wrdreg s7  }
0xad: {  	[dreg:$0x3] =	wrdreg s9  }
0xae: {  	[dreg:$0x4] =	wrdreg $0xC0  }
0xaf: {  	_ =	task [dreg:s11], $0x5FFFF  }
0xb0: {  	[dreg:$0x1] =	wrdreg $0xFFFFFFFF  }
0xb1: {  	[dreg:$0x0] =	wrdreg $0x60  }
0xb2: {  	[dreg:$0x2] =	wrdreg s2  }
0xb3: {  	[dreg:$0x3] =	wrdreg s18  }
0xb4: {  	[dreg:$0x4] =	wrdreg s4  }
0xb5: {  	[dreg:$0x5] =	wrdreg s5  }
0xb6: {  	[dreg:$0x6] =	wrdreg s6  }
0xb7: {  	[dreg:$0x7] =	wrdreg s24  }
0xb8: {  	[dreg:$0x8] =	wrdreg $0x19A800  }
0xb9: {  	[dreg:$0x9] =	wrdreg $0x1AA800  }
0xba: {  	[dreg:$0xa] =	wrdreg $0x1BA800  }
0xbb: {  	[dreg:$0xb] =	wrdreg $0x1CA800  }
0xbc: {  	[dreg:$0xc] =	wrdreg $0x1DA800  }
0xbd: {  	[dreg:$0xd] =	wrdreg $0x9  }
0xbe: {  	_ =	task.clear_ibuf [dreg:s11], $0xEFFFF;
	_ =	strace $0x90000046  }
0xbf: {  	s29 =	simm.s32 $0x9;
	_ =	strace $0x80000048  }
0xc0: {  	_ =	swait.ge [sflag:s29], $0x1  }
0xc1: {  	[sflag:s29] =	ssyncadd.s32 $0xFFFFFFFF  }
0xc2: {  	_ =	strace $0x90000048  }
0xc3: {  	_ =	sfence  }
0xc4: {  	s30 =	sld [smem:$0x0];
	_ =	sdelay $0x2  }
0xc5: {  	s31 =	sshll.u32 s1, $0xD;
	s1 =	sshrl.u32 s1, $0x2  }
0xc6: {  	s3 =	sand.u32 $0x4000, s31;
	s1 =	sadd.s32 s1, s30  }
0xc7: {  	s0 =	sor.u32 s3, s0;
	s1 =	sshll.u32 s1, $0x11  }
0xc8: {  	s0 =	sor.u32 s1, s0  }
0xc9: {  	s0 =	sadd.s32 $0x8F2B, s0  }
0xca: {  	[sflag:s0] =	ssyncadd.remote.s32 $0x1  }
0xcb: {  	_ =	sfence.sel $0xFFFF  }
0xcc: {  	[dreg:$0x0] =	wrdreg $0xFFFFFFFF;
	(pc) =	sbr.abs _section_cstart, $3  }
0xcd: {  	[dreg:$0x1] =	wrdreg $0xFFFFFFFF  }
0xce: {  	_ =	task.clear_ibuf [dreg:s11], $0x2FFFF;
	_ =	strace $0x9FFFFFFF  }
0xcf: {  	(tm) =	ssettm $0x7FFFFFFF  }
tec
execute0_lowered:
.L_overlay_start_1:
0x0: {  	(tag) =	ssettag $0x1  }
0x1: {  	s4 =	rddreg [dreg:$0x0]  }
0x2: {  	s6 =	rddreg [dreg:$0x1]  }
0x3: {  	s12 =	rddreg [dreg:$0x2]  }
0x4: {  	s14 =	rddreg [dreg:$0x3]  }
0x5: {  	s15 =	rddreg [dreg:$0x4]  }
0x6: {  	s0 =	rddreg [dreg:$0x5]  }
0x7: {  	s16 =	rddreg [dreg:$0x6]  }
0x8: {  	s17 =	rddreg [dreg:$0x7]  }
0x9: {  	s18 =	rddreg [dreg:$0x8]  }
0xa: {  	s19 =	rddreg [dreg:$0x9]  }
0xb: {  	s11 =	rddreg [dreg:$0xa];
	s1 =	srdreg.scid  }
0xc: {  	s7 =	stileid.u32;
	s5 =	simm.s32 $0x0;
	s29 =	simm.s32 $0x9  }
0xd: {  	s30 =	simm.s32 $0x1;
	s28 =	simm.s32 $0x8;
	s1 =	sand.u32 $0x1, s1  }
0xe: {  	s2 =	sshll.u32 s7, $0xC;
	[smem:$0x7FF] =	sst s5;
	s10 =	smov.u32 s18  }
0xf: {  	s3 =	sshll.u32 s1, $0x10;
	s13 =	ssub.s32 $0x2, s1;
	_ =	strace $0x80000047  }
0x10: {  	s1 =	sshll.u32 s1, $0x4;
	s20 =	sadd.s32 s2, s17;
	s18 =	sadd.s32 s2, s18  }
0x11: {  	s21 =	sadd.s32 s2, s19;
	s3 =	sor.u32 s2, s3;
	[dreg:$0xd] =	wrdreg s20  }
0x12: {  	s9 =	sshrl.u32 s13, $0x1;
	[dreg:$0xf] =	wrdreg s21;
	s3 =	sshrl.u32 s3, $0x3  }
0x13: {  	[dreg:$0xe] =	wrdreg s18;
	s0 =	sadd.s32 s3, s0;
	s3 =	ssub.s32 s13, s9  }
0x14: {  	s13 =	sor.u32 s7, s1;
	s7 =	smov.u32 s16;
	s16 =	sadd.s32 s2, s16  }
0x15: {  	s31 =	simm.s32 $0x40;
	s2 =	sadd.s32 s2, s11;
	[dreg:$0xc] =	wrdreg s16  }
0x16: {  	s8 =	smov.u32 s17;
	s5 =	sadd.s32 $0xC00, s0;
	[dreg:$0x10] =	wrdreg s2  }
0x17: {  	s17 =	smov.u32 s11;
	s9 =	sadd.s32 $0x4C00, s0;
	[dreg:$0x16] =	wrdreg s5  }
0x18: {  	s16 =	smov.u32 s19;
	s11 =	sadd.s32 $0x8C00, s0;
	[dreg:$0x17] =	wrdreg s9  }
0x19: {  	s22 =	sshll.u32 s13, $0x3;
	s19 =	sadd.s32 $0xCC00, s0;
	[dreg:$0x18] =	wrdreg s11  }
0x1a: {  	s23 =	sshll.u32 s13, $0xA;
	s0 =	sadd.s32 $0x10C00, s0;
	[dreg:$0x19] =	wrdreg s19  }
0x1b: {  	s20 =	smax.u32 s3, $0x1;
	p0 =	sne.s32 s13, $0x1A;
	[dreg:$0x1a] =	wrdreg s0  }
0x1c: {  	s21 =	sor.u32 $0x40, s13;
	s1 =	sadd.s32 s15, s22;
	[dreg:$0x1b] =	wrdreg s20  }
0x1d: {  	s24 =	sadd.s32 s4, s23;
	s25 =	sadd.s32 s6, s23;
	[dreg:$0x1c] =	wrdreg s21  }
0x1e: {  	s26 =	sadd.s32 s12, s23;
	s22 =	sadd.s32 $0x30D0, s15;
	[dreg:$0x11] =	wrdreg s1  }
0x1f: {  	s5 =	simm.s32 $0x3;
	s9 =	simm.s32 $0x5;
	[dreg:$0x12] =	wrdreg s24  }
0x20: {  	s19 =	simm.s32 $0x7;
	s20 =	simm.s32 $0x10;
	[dreg:$0x13] =	wrdreg s25  }
0x21: {  	s21 =	simm.s32 $0x19980;
	s15 =	simm.s32 $0xE;
	[dreg:$0x14] =	wrdreg s26  }
0x22: {  	s11 =	simm.s32 $0x19A00;
	s1 =	sadd.s32 s14, s23;
	[dreg:$0x1d] =	wrdreg s22  }
0x23: {  	s23 =	sadd.s32 $0x186800, s4;
	s24 =	sadd.s32 $0x186800, s6;
	[dreg:$0x15] =	wrdreg s1  }
.Ltmp0:
0x24: {  	s25 =	sadd.s32 $0x186800, s12;
	[dreg:$0x1e] =	wrdreg s23;
	(pc) =	sbr.rel .LBB2_1-.Ltmp0, $4  }
0x25: {  	s26 =	sadd.s32 $0x186800, s14;
	s22 =	simm.s32 $0xB;
	[dreg:$0x1f] =	wrdreg s24  }
0x26: {  	s12 =	simm.s32 $0xC;
	s14 =	simm.s32 $0xD;
	[smem:$0x7FC] =	sst s25  }
0x27: {  	[smem:$0x7FD] =	sst s26;
	s23 =	simm.s32 $0xF;
	s24 =	simm.s32 $0x10000  }
0x28: {  	v0 =	vimm.f32 $1.000000000e+00;
	v1 =	vimm.f32 $0.0e+00;
	v2 =	vimm.f32 $6.400000000e+01;
	s25 =	simm.s32 $0x4;
	s26 =	simm.s32 $0x6;
	s1 =	simm.s32 $0x0  }
.LBB2_35:
0x29: {  	s0 =	simm.s32 @!p0 $0x0;
	s1 =	simm.s32 @!p0 $0x14100;
	s2 =	rddreg [dreg:$0x1d]  }
0x2a: {  	[tilespmem:s1], [sflag:$0xF] =	stream.linear.gather @!p0 [hbm4b:s2+s0], $0x20, $0x38;
	[tilespmem:$0x1EA80] =	vst v63  }
0x2b: {  	s2 =	simm.s32 @!p0 $0xF  }
0x2c: {  	_ =	swait.ge @!p0 [sflag:s2], $0x20  }
0x2d: {  	[sflag:s2] =	ssyncset.done @!p0 $0x0  }
0x2e: {  	s3 =	simm.s32 @!p0 $0x13100;
	s4 =	rddreg [dreg:$0x1e];
	[sflag:s2] =	ssyncadd.s32 @!p0 $0xFFFFFFE0  }
0x2f: {  	[tilespmem:s3], [sflag:$0xF] =	stream.linear.gather @!p0 [hbm4b:s4+s0], $0x1000, $0x38;
	[tilespmem:$0x1EA80] =	vst v63  }
0x30: {  	_ =	swait.ge @!p0 [sflag:s2], $0x1000  }
0x31: {  	[sflag:s2] =	ssyncset.done @!p0 $0x0  }
0x32: {  	s4 =	simm.s32 @!p0 $0x20;
	[sflag:s2] =	ssyncadd.s32 @!p0 $0xFFFFF000  }
0x33: {  	[spmem:s7] =	stream.indirect.scatter.add.f32 @!p0 [tilespmem:s3], [sflag:$0xF], $0x80, s1, s4, $0xb8;
	[tilespmem:$0x1EA80] =	vst v63  }
0x34: {  	_ =	swait.ge @!p0 [sflag:s2], $0x1000  }
0x35: {  	[sflag:s2] =	ssyncset.done @!p0 $0x0  }
0x36: {  	s6 =	rddreg [dreg:$0x1f];
	[sflag:s2] =	ssyncadd.s32 @!p0 $0xFFFFF000  }
0x37: {  	[tilespmem:s3], [sflag:$0xF] =	stream.linear.gather @!p0 [hbm4b:s6+s0], $0x1000, $0x38;
	[tilespmem:$0x1EA80] =	vst v63  }
0x38: {  	_ =	swait.ge @!p0 [sflag:s2], $0x1000  }
0x39: {  	[sflag:s2] =	ssyncset.done @!p0 $0x0  }
0x3a: {  	[sflag:s2] =	ssyncadd.s32 @!p0 $0xFFFFF000  }
0x3b: {  	[spmem:s8] =	stream.indirect.scatter.add.f32 @!p0 [tilespmem:s3], [sflag:$0xF], $0x80, s1, s4, $0xb8;
	[tilespmem:$0x1EA80] =	vst v63  }
0x3c: {  	_ =	swait.ge @!p0 [sflag:s2], $0x1000  }
0x3d: {  	s6 =	sld [smem:$0x7FC]  }
0x3e: {  	[sflag:s2] =	ssyncset.done @!p0 $0x0  }
0x3f: {  	[sflag:s2] =	ssyncadd.s32 @!p0 $0xFFFFF000  }
0x40: {  	[tilespmem:s3], [sflag:$0xF] =	stream.linear.gather @!p0 [hbm4b:s6+s0], $0x1000, $0x38;
	[tilespmem:$0x1EA80] =	vst v63  }
0x41: {  	_ =	swait.ge @!p0 [sflag:s2], $0x1000  }
0x42: {  	[sflag:s2] =	ssyncset.done @!p0 $0x0  }
0x43: {  	[sflag:s2] =	ssyncadd.s32 @!p0 $0xFFFFF000  }
0x44: {  	[spmem:s10] =	stream.indirect.scatter.add.f32 @!p0 [tilespmem:s3], [sflag:$0xF], $0x80, s1, s4, $0xb8;
	[tilespmem:$0x1EA80] =	vst v63  }
0x45: {  	_ =	swait.ge @!p0 [sflag:s2], $0x1000  }
0x46: {  	s6 =	sld [smem:$0x7FD]  }
0x47: {  	[sflag:s2] =	ssyncset.done @!p0 $0x0  }
0x48: {  	[sflag:s2] =	ssyncadd.s32 @!p0 $0xFFFFF000  }
0x49: {  	[tilespmem:s3], [sflag:$0xF] =	stream.linear.gather @!p0 [hbm4b:s6+s0], $0x1000, $0x38;
	[tilespmem:$0x1EA80] =	vst v63  }
0x4a: {  	_ =	swait.ge @!p0 [sflag:s2], $0x1000  }
0x4b: {  	[sflag:s2] =	ssyncset.done @!p0 $0x0  }
0x4c: {  	[sflag:s2] =	ssyncadd.s32 @!p0 $0xFFFFF000  }
0x4d: {  	[spmem:s16] =	stream.indirect.scatter.add.f32 @!p0 [tilespmem:s3], [sflag:$0xF], $0x80, s1, s4, $0xb8;
	[tilespmem:$0x1EA80] =	vst v63  }
0x4e: {  	_ =	swait.ge @!p0 [sflag:s2], $0x1000  }
0x4f: {  	[sflag:s2] =	ssyncset.done @!p0 $0x0  }
0x50: {  	s0 =	simm.s32 @!p0 $0x12100;
	[sflag:s2] =	ssyncadd.s32 @!p0 $0xFFFFF000  }
0x51: {  	[spmem:s17] =	stream.indirect.scatter.add.f32 @!p0 [tilespmem:s0], [sflag:$0xF], $0x80, s1, s4, $0xb8;
	[tilespmem:$0x1EA80] =	vst v63  }
0x52: {  	_ =	swait.ge @!p0 [sflag:s2], $0x1000  }
0x53: {  	[sflag:s2] =	ssyncset.done @!p0 $0x0  }
0x54: {  	[sflag:s2] =	ssyncadd.s32 @!p0 $0xFFFFF000  }
0x55: {  	s4 =	stileid.u32;
	[bflag:$0x0] =	sbarrier.arrive $0xFFFF  }
0x56: {  	s0 =	sshll.u32 s4, $0x6;
	s6 =	rddreg [dreg:$0xc]  }
0x57: {  	s0 =	sor.u32 $0x1C0F, s0;
	s18 =	rddreg [dreg:$0x16];
	s1 =	sshrl.u32 s6, $0x3  }
0x58: {  	[hbm:s18], [sflag:s0] =	dma.local [spmem:s1], $0x200  }
0x59: {  	_ =	swait.ge [sflag:s23], $0x200  }
0x5a: {  	[sflag:s23] =	ssyncset.done $0x0;
	s2 =	rddreg [dreg:$0xd]  }
0x5b: {  	s3 =	rddreg [dreg:$0x17];
	[sflag:s23] =	ssyncadd.s32 $0xFFFFFE00;
	s1 =	sshrl.u32 s2, $0x3  }
0x5c: {  	[hbm:s3], [sflag:s0] =	dma.local [spmem:s1], $0x200  }
0x5d: {  	_ =	swait.ge [sflag:s23], $0x200  }
0x5e: {  	[sflag:s23] =	ssyncset.done $0x0;
	s18 =	rddreg [dreg:$0xe]  }
0x5f: {  	s6 =	rddreg [dreg:$0x18];
	[sflag:s23] =	ssyncadd.s32 $0xFFFFFE00;
	s4 =	sshrl.u32 s18, $0x3  }
0x60: {  	[hbm:s6], [sflag:s0] =	dma.local [spmem:s4], $0x200  }
0x61: {  	_ =	swait.ge [sflag:s23], $0x200  }
0x62: {  	[sflag:s23] =	ssyncset.done $0x0;
	s2 =	rddreg [dreg:$0xf]  }
0x63: {  	s3 =	rddreg [dreg:$0x19];
	[sflag:s23] =	ssyncadd.s32 $0xFFFFFE00;
	s1 =	sshrl.u32 s2, $0x3  }
0x64: {  	[hbm:s3], [sflag:s0] =	dma.local [spmem:s1], $0x200  }
0x65: {  	_ =	swait.ge [sflag:s23], $0x200  }
0x66: {  	[sflag:s23] =	ssyncset.done $0x0;
	s2 =	rddreg [dreg:$0x10]  }
0x67: {  	s6 =	rddreg [dreg:$0x1a];
	[sflag:s23] =	ssyncadd.s32 $0xFFFFFE00;
	s4 =	sshrl.u32 s2, $0x3  }
0x68: {  	[hbm:s6], [sflag:s0] =	dma.local [spmem:s4], $0x200  }
0x69: {  	_ =	swait.ge [sflag:s23], $0x200  }
0x6a: {  	s4 =	sld [smem:$0x7FB];
	_ =	sdelay $0x2  }
0x6b: {  	s6 =	rddreg [dreg:$0x1b];
	s1 =	sadd.s32 $0x1, s4  }
0x6c: {  	p1 =	sne.s32 s1, s6  }
.Ltmp1:
0x6d: {  	_ = 	snop;
	(pc) =	sbr.rel @!p1 .LBB2_36-.Ltmp1, $3  }
0x6e: {  	_ =	sdelay $0x1  }
0x6f: {  	[sflag:s23] =	ssyncset.done $0x0  }
0x70: {  	[sflag:s23] =	ssyncadd.s32 $0xFFFFFE00  }
.LBB2_1:
0x71: {  	[smem:$0x7FB] =	sst s1;
	s0 =	simm.s32 $0x0;
	s1 =	simm.s32 $0x200  }
.LBB2_2:
0x72: {  	p1 =	sne.s32 s1, $0x7E00;
	[tilespmem:s0+$0x10170] =	vst v0  }
0x73: {  	[tilespmem:s0+$0x10100] =	vst v0  }
0x74: {  	[tilespmem:s0+$0x10110] =	vst v0  }
.Ltmp2:
0x75: {  	[tilespmem:s0+$0x10120] =	vst v0;
	(pc) =	sbr.rel @p1 .LBB2_2-.Ltmp2, $4  }
0x76: {  	[tilespmem:s0+$0x10130] =	vst v0  }
0x77: {  	[tilespmem:s0+$0x10140] =	vst v0  }
0x78: {  	[tilespmem:s0+$0x10150] =	vst v0  }
0x79: {  	[tilespmem:s0+$0x10160] =	vst v0;
	s0 =	sshra.s32 s1, $0x2;
	s1 =	sadd.s32 $0x200, s1  }
0x7a: {  	[tilespmem:s0+$0x10170] =	vst v0  }
0x7b: {  	[tilespmem:s0+$0x10100] =	vst v0  }
0x7c: {  	[tilespmem:s0+$0x10110] =	vst v0  }
0x7d: {  	[tilespmem:s0+$0x10120] =	vst v0  }
0x7e: {  	[tilespmem:s0+$0x10130] =	vst v0  }
0x7f: {  	[tilespmem:s0+$0x10140] =	vst v0  }
0x80: {  	[tilespmem:s0+$0x10150] =	vst v0  }
0x81: {  	[tilespmem:s0+$0x10160] =	vst v0;
	s0 =	simm.s32 $0x0;
	s1 =	simm.s32 $0x200  }
.LBB2_4:
0x82: {  	p1 =	sne.s32 s1, $0x3E00;
	[tilespmem:s0+$0x12170] =	vst v0  }
0x83: {  	[tilespmem:s0+$0x12100] =	vst v0  }
0x84: {  	[tilespmem:s0+$0x12110] =	vst v0  }
.Ltmp3:
0x85: {  	[tilespmem:s0+$0x12120] =	vst v0;
	(pc) =	sbr.rel @p1 .LBB2_4-.Ltmp3, $4  }
0x86: {  	[tilespmem:s0+$0x12130] =	vst v0  }
0x87: {  	[tilespmem:s0+$0x12140] =	vst v0  }
0x88: {  	[tilespmem:s0+$0x12150] =	vst v0  }
0x89: {  	[tilespmem:s0+$0x12160] =	vst v0;
	s0 =	sshra.s32 s1, $0x2;
	s1 =	sadd.s32 $0x200, s1  }
0x8a: {  	[tilespmem:s0+$0x12170] =	vst v0  }
0x8b: {  	[tilespmem:s0+$0x12100] =	vst v0  }
0x8c: {  	[tilespmem:s0+$0x12110] =	vst v0  }
0x8d: {  	[tilespmem:s0+$0x12120] =	vst v0  }
0x8e: {  	[tilespmem:s0+$0x12130] =	vst v0  }
0x8f: {  	[tilespmem:s0+$0x12140] =	vst v0  }
0x90: {  	[tilespmem:s0+$0x12150] =	vst v0  }
0x91: {  	[tilespmem:s0+$0x12160] =	vst v0;
	s0 =	simm.s32 $0x0;
	s1 =	simm.s32 $0x200  }
.LBB2_6:
0x92: {  	p1 =	sne.s32 s1, $0x3E00;
	[tilespmem:s0+$0x141F0] =	vst v1  }
0x93: {  	[tilespmem:s0+$0x14180] =	vst v1  }
0x94: {  	[tilespmem:s0+$0x14190] =	vst v1  }
.Ltmp4:
0x95: {  	[tilespmem:s0+$0x141A0] =	vst v1;
	(pc) =	sbr.rel @p1 .LBB2_6-.Ltmp4, $4  }
0x96: {  	[tilespmem:s0+$0x141B0] =	vst v1  }
0x97: {  	[tilespmem:s0+$0x141C0] =	vst v1  }
0x98: {  	[tilespmem:s0+$0x141D0] =	vst v1  }
0x99: {  	[tilespmem:s0+$0x141E0] =	vst v1;
	s0 =	sshra.s32 s1, $0x2;
	s1 =	sadd.s32 $0x200, s1  }
0x9a: {  	[tilespmem:s0+$0x141F0] =	vst v1  }
0x9b: {  	[tilespmem:s0+$0x14180] =	vst v1  }
0x9c: {  	[tilespmem:s0+$0x14190] =	vst v1  }
0x9d: {  	[tilespmem:s0+$0x141A0] =	vst v1  }
0x9e: {  	[tilespmem:s0+$0x141B0] =	vst v1  }
0x9f: {  	[tilespmem:s0+$0x141C0] =	vst v1  }
0xa0: {  	[tilespmem:s0+$0x141D0] =	vst v1  }
0xa1: {  	[tilespmem:s0+$0x141E0] =	vst v1;
	s0 =	simm.s32 $0x0;
	s1 =	simm.s32 $0x200  }
.LBB2_8:
0xa2: {  	p1 =	sne.s32 s1, $0x1E00;
	[tilespmem:s0+$0x191F0] =	vst v1  }
0xa3: {  	[tilespmem:s0+$0x15180] =	vst v1  }
0xa4: {  	[tilespmem:s0+$0x15980] =	vst v1  }
0xa5: {  	[tilespmem:s0+$0x16180] =	vst v1  }
0xa6: {  	[tilespmem:s0+$0x16980] =	vst v1  }
0xa7: {  	[tilespmem:s0+$0x17180] =	vst v1  }
0xa8: {  	[tilespmem:s0+$0x17980] =	vst v1  }
0xa9: {  	[tilespmem:s0+$0x18180] =	vst v1  }
0xaa: {  	[tilespmem:s0+$0x18980] =	vst v1  }
0xab: {  	[tilespmem:s0+$0x19180] =	vst v1  }
0xac: {  	[tilespmem:s0+$0x15190] =	vst v1  }
0xad: {  	[tilespmem:s0+$0x15990] =	vst v1  }
0xae: {  	[tilespmem:s0+$0x16190] =	vst v1  }
0xaf: {  	[tilespmem:s0+$0x16990] =	vst v1  }
0xb0: {  	[tilespmem:s0+$0x17190] =	vst v1  }
0xb1: {  	[tilespmem:s0+$0x17990] =	vst v1  }
0xb2: {  	[tilespmem:s0+$0x18190] =	vst v1  }
0xb3: {  	[tilespmem:s0+$0x18990] =	vst v1  }
0xb4: {  	[tilespmem:s0+$0x19190] =	vst v1  }
0xb5: {  	[tilespmem:s0+$0x151A0] =	vst v1  }
0xb6: {  	[tilespmem:s0+$0x159A0] =	vst v1  }
0xb7: {  	[tilespmem:s0+$0x161A0] =	vst v1  }
0xb8: {  	[tilespmem:s0+$0x169A0] =	vst v1  }
0xb9: {  	[tilespmem:s0+$0x171A0] =	vst v1  }
0xba: {  	[tilespmem:s0+$0x179A0] =	vst v1  }
0xbb: {  	[tilespmem:s0+$0x181A0] =	vst v1  }
0xbc: {  	[tilespmem:s0+$0x189A0] =	vst v1  }
0xbd: {  	[tilespmem:s0+$0x191A0] =	vst v1  }
0xbe: {  	[tilespmem:s0+$0x151B0] =	vst v1  }
0xbf: {  	[tilespmem:s0+$0x159B0] =	vst v1  }
0xc0: {  	[tilespmem:s0+$0x161B0] =	vst v1  }
0xc1: {  	[tilespmem:s0+$0x169B0] =	vst v1  }
0xc2: {  	[tilespmem:s0+$0x171B0] =	vst v1  }
0xc3: {  	[tilespmem:s0+$0x179B0] =	vst v1  }
0xc4: {  	[tilespmem:s0+$0x181B0] =	vst v1  }
0xc5: {  	[tilespmem:s0+$0x189B0] =	vst v1  }
0xc6: {  	[tilespmem:s0+$0x191B0] =	vst v1  }
0xc7: {  	[tilespmem:s0+$0x151C0] =	vst v1  }
0xc8: {  	[tilespmem:s0+$0x159C0] =	vst v1  }
0xc9: {  	[tilespmem:s0+$0x161C0] =	vst v1  }
0xca: {  	[tilespmem:s0+$0x169C0] =	vst v1  }
0xcb: {  	[tilespmem:s0+$0x171C0] =	vst v1  }
0xcc: {  	[tilespmem:s0+$0x179C0] =	vst v1  }
0xcd: {  	[tilespmem:s0+$0x181C0] =	vst v1  }
0xce: {  	[tilespmem:s0+$0x189C0] =	vst v1  }
0xcf: {  	[tilespmem:s0+$0x191C0] =	vst v1  }
0xd0: {  	[tilespmem:s0+$0x151D0] =	vst v1  }
0xd1: {  	[tilespmem:s0+$0x159D0] =	vst v1  }
0xd2: {  	[tilespmem:s0+$0x161D0] =	vst v1  }
0xd3: {  	[tilespmem:s0+$0x169D0] =	vst v1  }
0xd4: {  	[tilespmem:s0+$0x171D0] =	vst v1  }
0xd5: {  	[tilespmem:s0+$0x179D0] =	vst v1  }
0xd6: {  	[tilespmem:s0+$0x181D0] =	vst v1  }
0xd7: {  	[tilespmem:s0+$0x189D0] =	vst v1  }
0xd8: {  	[tilespmem:s0+$0x191D0] =	vst v1  }
0xd9: {  	[tilespmem:s0+$0x151E0] =	vst v1  }
0xda: {  	[tilespmem:s0+$0x159E0] =	vst v1  }
0xdb: {  	[tilespmem:s0+$0x161E0] =	vst v1  }
0xdc: {  	[tilespmem:s0+$0x169E0] =	vst v1  }
0xdd: {  	[tilespmem:s0+$0x171E0] =	vst v1  }
0xde: {  	[tilespmem:s0+$0x179E0] =	vst v1  }
0xdf: {  	[tilespmem:s0+$0x181E0] =	vst v1  }
0xe0: {  	[tilespmem:s0+$0x189E0] =	vst v1  }
0xe1: {  	[tilespmem:s0+$0x191E0] =	vst v1  }
0xe2: {  	[tilespmem:s0+$0x151F0] =	vst v1  }
0xe3: {  	[tilespmem:s0+$0x159F0] =	vst v1  }
0xe4: {  	[tilespmem:s0+$0x161F0] =	vst v1  }
.Ltmp5:
0xe5: {  	[tilespmem:s0+$0x169F0] =	vst v1;
	(pc) =	sbr.rel @p1 .LBB2_8-.Ltmp5, $4  }
0xe6: {  	[tilespmem:s0+$0x171F0] =	vst v1  }
0xe7: {  	[tilespmem:s0+$0x179F0] =	vst v1  }
0xe8: {  	[tilespmem:s0+$0x181F0] =	vst v1  }
0xe9: {  	[tilespmem:s0+$0x189F0] =	vst v1;
	s0 =	sshra.s32 s1, $0x2;
	s1 =	sadd.s32 $0x200, s1  }
0xea: {  	[tilespmem:s0+$0x191F0] =	vst v1  }
0xeb: {  	[tilespmem:s0+$0x15180] =	vst v1  }
0xec: {  	[tilespmem:s0+$0x15980] =	vst v1  }
0xed: {  	[tilespmem:s0+$0x16180] =	vst v1  }
0xee: {  	[tilespmem:s0+$0x16980] =	vst v1  }
0xef: {  	[tilespmem:s0+$0x17180] =	vst v1  }
0xf0: {  	[tilespmem:s0+$0x17980] =	vst v1  }
0xf1: {  	[tilespmem:s0+$0x18180] =	vst v1  }
0xf2: {  	[tilespmem:s0+$0x18980] =	vst v1  }
0xf3: {  	[tilespmem:s0+$0x19180] =	vst v1  }
0xf4: {  	[tilespmem:s0+$0x15190] =	vst v1  }
0xf5: {  	[tilespmem:s0+$0x15990] =	vst v1  }
0xf6: {  	[tilespmem:s0+$0x16190] =	vst v1  }
0xf7: {  	[tilespmem:s0+$0x16990] =	vst v1  }
0xf8: {  	[tilespmem:s0+$0x17190] =	vst v1  }
0xf9: {  	[tilespmem:s0+$0x17990] =	vst v1  }
0xfa: {  	[tilespmem:s0+$0x18190] =	vst v1  }
0xfb: {  	[tilespmem:s0+$0x18990] =	vst v1  }
0xfc: {  	[tilespmem:s0+$0x19190] =	vst v1  }
0xfd: {  	[tilespmem:s0+$0x151A0] =	vst v1  }
0xfe: {  	[tilespmem:s0+$0x159A0] =	vst v1  }
0xff: {  	[tilespmem:s0+$0x161A0] =	vst v1  }
0x100: {  	[tilespmem:s0+$0x169A0] =	vst v1  }
0x101: {  	[tilespmem:s0+$0x171A0] =	vst v1  }
0x102: {  	[tilespmem:s0+$0x179A0] =	vst v1  }
0x103: {  	[tilespmem:s0+$0x181A0] =	vst v1  }
0x104: {  	[tilespmem:s0+$0x189A0] =	vst v1  }
0x105: {  	[tilespmem:s0+$0x191A0] =	vst v1  }
0x106: {  	[tilespmem:s0+$0x151B0] =	vst v1  }
0x107: {  	[tilespmem:s0+$0x159B0] =	vst v1  }
0x108: {  	[tilespmem:s0+$0x161B0] =	vst v1  }
0x109: {  	[tilespmem:s0+$0x169B0] =	vst v1  }
0x10a: {  	[tilespmem:s0+$0x171B0] =	vst v1  }
0x10b: {  	[tilespmem:s0+$0x179B0] =	vst v1  }
0x10c: {  	[tilespmem:s0+$0x181B0] =	vst v1  }
0x10d: {  	[tilespmem:s0+$0x189B0] =	vst v1  }
0x10e: {  	[tilespmem:s0+$0x191B0] =	vst v1  }
0x10f: {  	[tilespmem:s0+$0x151C0] =	vst v1  }
0x110: {  	[tilespmem:s0+$0x159C0] =	vst v1  }
0x111: {  	[tilespmem:s0+$0x161C0] =	vst v1  }
0x112: {  	[tilespmem:s0+$0x169C0] =	vst v1  }
0x113: {  	[tilespmem:s0+$0x171C0] =	vst v1  }
0x114: {  	[tilespmem:s0+$0x179C0] =	vst v1  }
0x115: {  	[tilespmem:s0+$0x181C0] =	vst v1  }
0x116: {  	[tilespmem:s0+$0x189C0] =	vst v1  }
0x117: {  	[tilespmem:s0+$0x191C0] =	vst v1  }
0x118: {  	[tilespmem:s0+$0x151D0] =	vst v1  }
0x119: {  	[tilespmem:s0+$0x159D0] =	vst v1  }
0x11a: {  	[tilespmem:s0+$0x161D0] =	vst v1  }
0x11b: {  	[tilespmem:s0+$0x169D0] =	vst v1  }
0x11c: {  	[tilespmem:s0+$0x171D0] =	vst v1  }
0x11d: {  	[tilespmem:s0+$0x179D0] =	vst v1  }
0x11e: {  	[tilespmem:s0+$0x181D0] =	vst v1  }
0x11f: {  	[tilespmem:s0+$0x189D0] =	vst v1  }
0x120: {  	[tilespmem:s0+$0x191D0] =	vst v1  }
0x121: {  	[tilespmem:s0+$0x151E0] =	vst v1  }
0x122: {  	[tilespmem:s0+$0x159E0] =	vst v1  }
0x123: {  	[tilespmem:s0+$0x161E0] =	vst v1  }
0x124: {  	[tilespmem:s0+$0x169E0] =	vst v1  }
0x125: {  	[tilespmem:s0+$0x171E0] =	vst v1  }
0x126: {  	[tilespmem:s0+$0x179E0] =	vst v1  }
0x127: {  	[tilespmem:s0+$0x181E0] =	vst v1  }
0x128: {  	[tilespmem:s0+$0x189E0] =	vst v1  }
0x129: {  	[tilespmem:s0+$0x191E0] =	vst v1  }
0x12a: {  	[tilespmem:s0+$0x151F0] =	vst v1  }
0x12b: {  	[tilespmem:s0+$0x159F0] =	vst v1  }
0x12c: {  	[tilespmem:s0+$0x161F0] =	vst v1  }
0x12d: {  	[tilespmem:s0+$0x169F0] =	vst v1  }
0x12e: {  	[tilespmem:s0+$0x171F0] =	vst v1  }
0x12f: {  	[tilespmem:s0+$0x179F0] =	vst v1  }
0x130: {  	[tilespmem:s0+$0x181F0] =	vst v1  }
0x131: {  	[tilespmem:s0+$0x189F0] =	vst v1  }
0x132: {  	[tilespmem:$0x15180] =	vst v2  }
0x133: {  	[tilespmem:$0x15190] =	vst v2  }
0x134: {  	[tilespmem:$0x151A0] =	vst v2  }
0x135: {  	[tilespmem:$0x151B0] =	vst v2  }
0x136: {  	[tilespmem:$0x151C0] =	vst v2  }
0x137: {  	[tilespmem:$0x151D0] =	vst v2  }
0x138: {  	[tilespmem:$0x151E0] =	vst v2  }
0x139: {  	s4 =	rddreg [dreg:$0xc];
	s1 =	simm.s32 $0x14180;
	[tilespmem:$0x151F0] =	vst v2  }
0x13a: {  	[spmem:s4] =	stream.linear.scatter [tilespmem:s1], [sflag:$0xF], $0x1000, $0x38;
	[tilespmem:$0x1EA80] =	vst v63  }
0x13b: {  	_ =	swait.ge [sflag:s23], $0x1000  }
0x13c: {  	[sflag:s23] =	ssyncset.done $0x0  }
0x13d: {  	s6 =	rddreg [dreg:$0xd];
	[sflag:s23] =	ssyncadd.s32 $0xFFFFF000  }
0x13e: {  	[spmem:s6] =	stream.linear.scatter [tilespmem:s1], [sflag:$0xF], $0x1000, $0x38;
	[tilespmem:$0x1EA80] =	vst v63  }
0x13f: {  	_ =	swait.ge [sflag:s23], $0x1000  }
0x140: {  	[sflag:s23] =	ssyncset.done $0x0  }
0x141: {  	[sflag:s23] =	ssyncadd.s32 $0xFFFFF000  }
0x142: {  	[spmem:s18] =	stream.linear.scatter [tilespmem:s1], [sflag:$0xF], $0x1000, $0x38;
	[tilespmem:$0x1EA80] =	vst v63  }
0x143: {  	_ =	swait.ge [sflag:s23], $0x1000  }
0x144: {  	[sflag:s23] =	ssyncset.done $0x0  }
0x145: {  	s18 =	rddreg [dreg:$0xf];
	[sflag:s23] =	ssyncadd.s32 $0xFFFFF000  }
0x146: {  	[spmem:s18] =	stream.linear.scatter [tilespmem:s1], [sflag:$0xF], $0x1000, $0x38;
	[tilespmem:$0x1EA80] =	vst v63  }
0x147: {  	_ =	swait.ge [sflag:s23], $0x1000  }
0x148: {  	[sflag:s23] =	ssyncset.done $0x0  }
0x149: {  	[sflag:s23] =	ssyncadd.s32 $0xFFFFF000  }
0x14a: {  	[spmem:s2] =	stream.linear.scatter [tilespmem:s1], [sflag:$0xF], $0x1000, $0x38;
	[tilespmem:$0x1EA80] =	vst v63  }
0x14b: {  	_ =	swait.ge [sflag:s23], $0x1000  }
0x14c: {  	[sflag:s23] =	ssyncset.done $0x0  }
0x14d: {  	[sflag:s23] =	ssyncadd.s32 $0xFFFFF000  }
0x14e: {  	[bflag:$0x0] =	sbarrier.arrive $0xFFFF  }
0x14f: {  	s18 =	simm.s32 $0x0;
	s2 =	rddreg [dreg:$0x11]  }
0x150: {  	[tilespmem:s24], [sflag:$0x9] =	stream.linear.gather [hbm4b:s2+s18], $0x40, $0x38;
	[tilespmem:$0x1EA80] =	vst v63  }
0x151: {  	s3 =	rddreg [dreg:$0x12]  }
0x152: {  	[tilespmem:s18], [sflag:$0x1] =	stream.linear.gather [hbm4b:s3+s18], $0x2000, $0x38;
	[tilespmem:$0x1EA80] =	vst v63  }
0x153: {  	s6 =	simm.s32 $0x4000;
	s4 =	rddreg [dreg:$0x13]  }
0x154: {  	[tilespmem:s6], [sflag:$0x3] =	stream.linear.gather [hbm4b:s4+s18], $0x2000, $0x38;
	[tilespmem:$0x1EA80] =	vst v63  }
.Ltmp6:
0x155: {  	_ = 	snop;
	(pc) =	sbr.rel .LBB2_10-.Ltmp6, $4  }
0x156: {  	s2 =	rddreg [dreg:$0x14];
	s3 =	simm.s32 $0x8000  }
0x157: {  	[tilespmem:s3], [sflag:$0x5] =	stream.linear.gather [hbm4b:s2+s18], $0x2000, $0x38;
	[tilespmem:$0x1EA80] =	vst v63  }
0x158: {  	s4 =	rddreg [dreg:$0x15];
	s6 =	simm.s32 $0xC000  }
0x159: {  	[tilespmem:s6], [sflag:$0x7] =	stream.linear.gather [hbm4b:s4+s18], $0x2000, $0x38;
	[tilespmem:$0x1EA80] =	vst v63  }
.LBB2_33:
0x15a: {  	s0 =	simm.s32 $0x10080;
	s1 =	simm.s32 $0x2000  }
0x15b: {  	[spmem:s7] =	stream.indirect.scatter.add.f32 [tilespmem:s1], [sflag:$0xB], $0x80, s0, s31, $0xb8;
	[tilespmem:$0x1EA80] =	vst v63  }
0x15c: {  	s2 =	simm.s32 $0x6000  }
0x15d: {  	[spmem:s8] =	stream.indirect.scatter.add.f32 [tilespmem:s2], [sflag:$0xC], $0x80, s0, s31, $0xb8;
	[tilespmem:$0x1EA80] =	vst v63  }
0x15e: {  	s3 =	simm.s32 $0xA000  }
0x15f: {  	[spmem:s10] =	stream.indirect.scatter.add.f32 [tilespmem:s3], [sflag:$0xD], $0x80, s0, s31, $0xb8;
	[tilespmem:$0x1EA80] =	vst v63  }
0x160: {  	s4 =	simm.s32 $0xE000  }
0x161: {  	[spmem:s16] =	stream.indirect.scatter.add.f32 [tilespmem:s4], [sflag:$0xE], $0x80, s0, s31, $0xb8;
	[tilespmem:$0x1EA80] =	vst v63  }
0x162: {  	s6 =	simm.s32 $0x10100  }
0x163: {  	[spmem:s17] =	stream.indirect.scatter.add.f32 [tilespmem:s6], [sflag:$0xF], $0x80, s0, s31, $0xb8;
	[tilespmem:$0x1EA80] =	vst v63  }
0x164: {  	_ =	swait.ge [sflag:s23], $0x2000  }
0x165: {  	[sflag:s23] =	ssyncset.done $0x0  }
0x166: {  	[sflag:s23] =	ssyncadd.s32 $0xFFFFE000  }
0x167: {  	_ =	swait.ge [sflag:s22], $0x2000  }
0x168: {  	[sflag:s22] =	ssyncset.done $0x0  }
0x169: {  	[sflag:s22] =	ssyncadd.s32 $0xFFFFE000  }
0x16a: {  	_ =	swait.ge [sflag:s12], $0x2000  }
0x16b: {  	[sflag:s12] =	ssyncset.done $0x0  }
0x16c: {  	[sflag:s12] =	ssyncadd.s32 $0xFFFFE000  }
0x16d: {  	_ =	swait.ge [sflag:s14], $0x2000  }
0x16e: {  	[sflag:s14] =	ssyncset.done $0x0  }
0x16f: {  	[sflag:s14] =	ssyncadd.s32 $0xFFFFE000  }
0x170: {  	_ =	swait.ge [sflag:s15], $0x2000  }
0x171: {  	[sflag:s15] =	ssyncset.done $0x0  }
0x172: {  	[sflag:s15] =	ssyncadd.s32 $0xFFFFE000  }
.LBB2_34:
0x173: {  	s18 =	sadd.s32 $0x1, s18  }
0x174: {  	p1 =	sne.s32 s18, $0x19  }
.Ltmp7:
0x175: {  	_ = 	snop;
	(pc) =	sbr.rel @!p1 .LBB2_35-.Ltmp7, $1  }
0x176: {  	_ =	sdelay $0x3  }
.LBB2_10:
0x177: {  	s0 =	sshll.u32 s18, $0x6  }
0x178: {  	s1 =	sor.u32 s13, s0  }
0x179: {  	p1 =	sgt.u32 s1, $0x619  }
.Ltmp8:
0x17a: {  	_ = 	snop;
	(pc) =	sbr.rel @p1 .LBB2_34-.Ltmp8, $1  }
0x17b: {  	_ =	sdelay $0x3  }
0x17c: {  	p1 =	sgt.u32 s1, $0x5F9  }
0x17d: {  	s2 =	sor.u32 @!p1 $0x20, s1  }
0x17e: {  	s4 =	rddreg [dreg:$0x4];
	s3 =	sshll.u32 @!p1 s2, $0x3  }
0x17f: {  	s6 =	simm.s32 @!p1 $0x10080;
	s3 =	sadd.s32 @!p1 s4, s3;
	s4 =	simm.s32 @!p1 $0x0  }
0x180: {  	[tilespmem:s6], [sflag:$0xA] =	stream.linear.gather @!p1 [hbm4b:s3+s4], $0x40, $0x38;
	[tilespmem:$0x1EA80] =	vst v63  }
0x181: {  	s2 =	sshll.u32 @!p1 s2, $0xA;
	s3 =	rddreg [dreg:$0x0]  }
0x182: {  	s6 =	simm.s32 @!p1 $0x2000;
	s3 =	sadd.s32 @!p1 s3, s2  }
0x183: {  	[tilespmem:s6], [sflag:$0x2] =	stream.linear.gather @!p1 [hbm4b:s3+s4], $0x2000, $0x38;
	[tilespmem:$0x1EA80] =	vst v63  }
0x184: {  	s3 =	rddreg [dreg:$0x1]  }
0x185: {  	s6 =	simm.s32 @!p1 $0x6000;
	s3 =	sadd.s32 @!p1 s3, s2  }
0x186: {  	[tilespmem:s6], [sflag:$0x4] =	stream.linear.gather @!p1 [hbm4b:s3+s4], $0x2000, $0x38;
	[tilespmem:$0x1EA80] =	vst v63  }
0x187: {  	s3 =	rddreg [dreg:$0x2]  }
0x188: {  	s6 =	simm.s32 @!p1 $0xA000;
	s3 =	sadd.s32 @!p1 s3, s2  }
0x189: {  	[tilespmem:s6], [sflag:$0x6] =	stream.linear.gather @!p1 [hbm4b:s3+s4], $0x2000, $0x38;
	[tilespmem:$0x1EA80] =	vst v63  }
0x18a: {  	s3 =	rddreg [dreg:$0x3]  }
0x18b: {  	s2 =	sadd.s32 @!p1 s3, s2;
	s3 =	simm.s32 @!p1 $0xE000  }
0x18c: {  	[tilespmem:s3], [sflag:$0x8] =	stream.linear.gather @!p1 [hbm4b:s2+s4], $0x2000, $0x38;
	[tilespmem:$0x1EA80] =	vst v63  }
0x18d: {  	_ =	swait.ge [sflag:s29], $0x40  }
0x18e: {  	[sflag:s29] =	ssyncset.done $0x0  }
0x18f: {  	[sflag:s29] =	ssyncadd.s32 $0xFFFFFFC0  }
0x190: {  	_ =	swait.ge [sflag:s30], $0x2000  }
0x191: {  	[sflag:s30] =	ssyncset.done $0x0  }
0x192: {  	[sflag:s30] =	ssyncadd.s32 $0xFFFFE000  }
0x193: {  	_ =	swait.ge [sflag:s5], $0x2000  }
0x194: {  	[sflag:s5] =	ssyncset.done $0x0  }
0x195: {  	[sflag:s5] =	ssyncadd.s32 $0xFFFFE000  }
0x196: {  	_ =	swait.ge [sflag:s9], $0x2000  }
0x197: {  	[sflag:s9] =	ssyncset.done $0x0  }
0x198: {  	[sflag:s9] =	ssyncadd.s32 $0xFFFFE000  }
0x199: {  	_ =	swait.ge [sflag:s19], $0x2000  }
0x19a: {  	[sflag:s19] =	ssyncset.done $0x0  }
0x19b: {  	[sflag:s19] =	ssyncadd.s32 $0xFFFFE000  }
0x19c: {  	v3 =	vld [tilespmem:$0x10000]  }
0x19d: {  	v4 =	vld [tilespmem:$0x10030];
	_ =	sdelay $0x3  }
0x19e: {  	(v2sf) =	vpush v3, $0x0  }
0x19f: {  	(v2sf) =	vpush v4, $0xF;
	_ =	sdelay $0xd  }
0x1a0: {  	s4 =	spop (v2sf)  }
0x1a1: {  	s6 =	spop (v2sf)  }
0x1a2: {  	p2 =	sne.s32 s4, s6  }
.Ltmp9:
0x1a3: {  	_ = 	snop;
	(pc) =	sbr.rel @p2 .LBB2_21-.Ltmp9, $1  }
0x1a4: {  	_ =	sdelay $0x3  }
0x1a5: {  	[tilespmem:$0x19980] =	vst v3;
	s2 =	simm.s32 $0x0  }
0x1a6: {  	v5 =	vld [tilespmem:s2+$0x80]  }
0x1a7: {  	v8 =	vld [tilespmem:s2+$0x90]  }
0x1a8: {  	v6 =	vld [tilespmem:s2+$0xA0]  }
0x1a9: {  	v7 =	vld [tilespmem:s2+$0xB0]  }
0x1aa: {  	v3 =	vld [tilespmem:s2+$0xC0]  }
0x1ab: {  	v4 =	vld [tilespmem:s2+$0xD0]  }
0x1ac: {  	v22 =	vld [tilespmem:s2+$0x0]  }
0x1ad: {  	v23 =	vld [tilespmem:s2+$0x10]  }
0x1ae: {  	v21 =	vld [tilespmem:s2+$0x20]  }
0x1af: {  	v20 =	vld [tilespmem:s2+$0x30]  }
0x1b0: {  	v13 =	vimm.f32 $0.0e+00;
	v14 =	vimm.f32 $0.0e+00;
	v17 =	vld [tilespmem:s2+$0x40]  }
0x1b1: {  	v16 =	vimm.f32 $0.0e+00;
	v15 =	vimm.f32 $0.0e+00;
	v11 =	vimm.f32 $0.0e+00;
	v18 =	vld [tilespmem:s2+$0x50]  }
0x1b2: {  	s3 =	simm.s32 $0x400;
	v12 =	vimm.f32 $0.0e+00;
	v10 =	vimm.f32 $0.0e+00;
	v9 =	vimm.f32 $0.0e+00;
	v19 =	vld [tilespmem:s2+$0x60]  }
.LBB2_13:
0x1b3: {  	p2 =	sne.s32 s3, $0x7C00;
	v13 =	vadd.f32 v22, v13;
	v14 =	vadd.f32 v23, v14;
	v22 =	vld [tilespmem:s2+$0x70]  }
0x1b4: {  	v16 =	vadd.f32 v21, v16;
	v15 =	vadd.f32 v20, v15;
	v20 =	vld [tilespmem:s2+$0xE0]  }
0x1b5: {  	v13 =	vadd.f32 v5, v13;
	v14 =	vadd.f32 v8, v14;
	v21 =	vld [tilespmem:s2+$0xF0];
	s2 =	sshra.s32 s3, $0x2  }
0x1b6: {  	v16 =	vadd.f32 v6, v16;
	v5 =	vld [tilespmem:s2+$0x80];
	v15 =	vadd.f32 v7, v15  }
0x1b7: {  	v11 =	vadd.f32 v17, v11;
	v12 =	vadd.f32 v18, v12;
	v8 =	vld [tilespmem:s2+$0x90]  }
0x1b8: {  	v10 =	vadd.f32 v19, v10;
	v6 =	vld [tilespmem:s2+$0xA0];
	v9 =	vadd.f32 v22, v9  }
0x1b9: {  	v11 =	vadd.f32 v3, v11;
	v12 =	vadd.f32 v4, v12;
	v7 =	vld [tilespmem:s2+$0xB0]  }
0x1ba: {  	v10 =	vadd.f32 v20, v10;
	v3 =	vld [tilespmem:s2+$0xC0];
	v9 =	vadd.f32 v21, v9  }
0x1bb: {  	v4 =	vld [tilespmem:s2+$0xD0]  }
0x1bc: {  	v22 =	vld [tilespmem:s2+$0x0]  }
0x1bd: {  	v23 =	vld [tilespmem:s2+$0x10]  }
.Ltmp10:
0x1be: {  	v21 =	vld [tilespmem:s2+$0x20];
	(pc) =	sbr.rel @p2 .LBB2_13-.Ltmp10, $4  }
0x1bf: {  	v20 =	vld [tilespmem:s2+$0x30]  }
0x1c0: {  	v17 =	vld [tilespmem:s2+$0x40]  }
0x1c1: {  	v18 =	vld [tilespmem:s2+$0x50]  }
0x1c2: {  	s3 =	sadd.s32 $0x400, s3;
	v19 =	vld [tilespmem:s2+$0x60]  }
0x1c3: {  	v13 =	vadd.f32 v22, v13  }
0x1c4: {  	v14 =	vadd.f32 v23, v14  }
0x1c5: {  	v22 =	vld [tilespmem:s2+$0x70];
	v16 =	vadd.f32 v21, v16;
	v5 =	vadd.f32 v5, v13  }
0x1c6: {  	v21 =	vld [tilespmem:s2+$0xE0];
	v13 =	vadd.f32 v20, v15;
	v8 =	vadd.f32 v8, v14  }
0x1c7: {  	v14 =	vld [tilespmem:s2+$0xF0];
	v6 =	vadd.f32 v6, v16;
	v11 =	vadd.f32 v17, v11;
	[tilespmem:$0x15980] =	vst v5  }
0x1c8: {  	v5 =	vadd.f32 v7, v13;
	v7 =	vadd.f32 v18, v12;
	[tilespmem:$0x15990] =	vst v8  }
0x1c9: {  	v8 =	vadd.f32 v19, v10;
	v3 =	vadd.f32 v3, v11;
	[tilespmem:$0x159A0] =	vst v6  }
0x1ca: {  	v6 =	vadd.f32 v22, v9;
	v4 =	vadd.f32 v4, v7;
	[tilespmem:$0x159B0] =	vst v5  }
0x1cb: {  	v5 =	vadd.f32 v21, v8;
	[tilespmem:$0x159C0] =	vst v3  }
0x1cc: {  	v3 =	vadd.f32 v14, v6;
	[tilespmem:$0x159D0] =	vst v4  }
0x1cd: {  	[tilespmem:$0x159E0] =	vst v5  }
0x1ce: {  	s6 =	simm.s32 $0x15980;
	s2 =	simm.s32 $0x0;
	[tilespmem:$0x159F0] =	vst v3  }
0x1cf: {  	[spmem:s7] =	stream.indirect.scatter.add.f32 [tilespmem:s6], [sflag:$0xB], $0x80, s21, s20, $0xb8;
	[tilespmem:$0x1EA80] =	vst v63  }
0x1d0: {  	v5 =	vld [tilespmem:s2+$0x4080]  }
0x1d1: {  	v8 =	vld [tilespmem:s2+$0x4090]  }
0x1d2: {  	v6 =	vld [tilespmem:s2+$0x40A0]  }
0x1d3: {  	v7 =	vld [tilespmem:s2+$0x40B0]  }
0x1d4: {  	v3 =	vld [tilespmem:s2+$0x40C0]  }
0x1d5: {  	v4 =	vld [tilespmem:s2+$0x40D0]  }
0x1d6: {  	v22 =	vld [tilespmem:s2+$0x4000]  }
0x1d7: {  	v23 =	vld [tilespmem:s2+$0x4010]  }
0x1d8: {  	v21 =	vld [tilespmem:s2+$0x4020]  }
0x1d9: {  	v20 =	vld [tilespmem:s2+$0x4030]  }
0x1da: {  	v16 =	vimm.f32 $0.0e+00;
	v15 =	vimm.f32 $0.0e+00;
	v17 =	vld [tilespmem:s2+$0x4040]  }
0x1db: {  	v13 =	vimm.f32 $0.0e+00;
	v11 =	vimm.f32 $0.0e+00;
	v12 =	vimm.f32 $0.0e+00;
	v18 =	vld [tilespmem:s2+$0x4050]  }
0x1dc: {  	s3 =	simm.s32 $0x400;
	v10 =	vimm.f32 $0.0e+00;
	v9 =	vimm.f32 $0.0e+00;
	v14 =	vimm.f32 $0.0e+00;
	v19 =	vld [tilespmem:s2+$0x4060]  }
.LBB2_15:
0x1dd: {  	p2 =	sne.s32 s3, $0x7C00;
	v13 =	vadd.f32 v22, v13;
	v14 =	vadd.f32 v23, v14;
	v22 =	vld [tilespmem:s2+$0x4070]  }
0x1de: {  	v16 =	vadd.f32 v21, v16;
	v15 =	vadd.f32 v20, v15;
	v20 =	vld [tilespmem:s2+$0x40E0]  }
0x1df: {  	v13 =	vadd.f32 v5, v13;
	v14 =	vadd.f32 v8, v14;
	v21 =	vld [tilespmem:s2+$0x40F0];
	s2 =	sshra.s32 s3, $0x2  }
0x1e0: {  	v16 =	vadd.f32 v6, v16;
	v5 =	vld [tilespmem:s2+$0x4080];
	v15 =	vadd.f32 v7, v15  }
0x1e1: {  	v11 =	vadd.f32 v17, v11;
	v12 =	vadd.f32 v18, v12;
	v8 =	vld [tilespmem:s2+$0x4090]  }
0x1e2: {  	v10 =	vadd.f32 v19, v10;
	v6 =	vld [tilespmem:s2+$0x40A0];
	v9 =	vadd.f32 v22, v9  }
0x1e3: {  	v11 =	vadd.f32 v3, v11;
	v12 =	vadd.f32 v4, v12;
	v7 =	vld [tilespmem:s2+$0x40B0]  }
0x1e4: {  	v10 =	vadd.f32 v20, v10;
	v3 =	vld [tilespmem:s2+$0x40C0];
	v9 =	vadd.f32 v21, v9  }
0x1e5: {  	v4 =	vld [tilespmem:s2+$0x40D0]  }
0x1e6: {  	v22 =	vld [tilespmem:s2+$0x4000]  }
0x1e7: {  	v23 =	vld [tilespmem:s2+$0x4010]  }
.Ltmp11:
0x1e8: {  	v21 =	vld [tilespmem:s2+$0x4020];
	(pc) =	sbr.rel @p2 .LBB2_15-.Ltmp11, $4  }
0x1e9: {  	v20 =	vld [tilespmem:s2+$0x4030]  }
0x1ea: {  	v17 =	vld [tilespmem:s2+$0x4040]  }
0x1eb: {  	v18 =	vld [tilespmem:s2+$0x4050]  }
0x1ec: {  	s3 =	sadd.s32 $0x400, s3;
	v19 =	vld [tilespmem:s2+$0x4060]  }
0x1ed: {  	v13 =	vadd.f32 v22, v13  }
0x1ee: {  	v14 =	vadd.f32 v23, v14  }
0x1ef: {  	v22 =	vld [tilespmem:s2+$0x4070];
	v16 =	vadd.f32 v21, v16;
	v5 =	vadd.f32 v5, v13  }
0x1f0: {  	v21 =	vld [tilespmem:s2+$0x40E0];
	v13 =	vadd.f32 v20, v15;
	v8 =	vadd.f32 v8, v14  }
0x1f1: {  	v14 =	vld [tilespmem:s2+$0x40F0];
	v6 =	vadd.f32 v6, v16;
	v11 =	vadd.f32 v17, v11;
	[tilespmem:$0x16980] =	vst v5  }
0x1f2: {  	v5 =	vadd.f32 v7, v13;
	v7 =	vadd.f32 v18, v12;
	[tilespmem:$0x16990] =	vst v8  }
0x1f3: {  	v8 =	vadd.f32 v19, v10;
	v3 =	vadd.f32 v3, v11;
	[tilespmem:$0x169A0] =	vst v6  }
0x1f4: {  	v6 =	vadd.f32 v22, v9;
	v4 =	vadd.f32 v4, v7;
	[tilespmem:$0x169B0] =	vst v5  }
0x1f5: {  	v5 =	vadd.f32 v21, v8;
	[tilespmem:$0x169C0] =	vst v3  }
0x1f6: {  	v3 =	vadd.f32 v14, v6;
	[tilespmem:$0x169D0] =	vst v4  }
0x1f7: {  	[tilespmem:$0x169E0] =	vst v5  }
0x1f8: {  	s6 =	simm.s32 $0x16980;
	s2 =	simm.s32 $0x0;
	[tilespmem:$0x169F0] =	vst v3  }
0x1f9: {  	[spmem:s8] =	stream.indirect.scatter.add.f32 [tilespmem:s6], [sflag:$0xC], $0x80, s21, s20, $0xb8;
	[tilespmem:$0x1EA80] =	vst v63  }
0x1fa: {  	v5 =	vld [tilespmem:s2+$0x8080]  }
0x1fb: {  	v8 =	vld [tilespmem:s2+$0x8090]  }
0x1fc: {  	v6 =	vld [tilespmem:s2+$0x80A0]  }
0x1fd: {  	v7 =	vld [tilespmem:s2+$0x80B0]  }
0x1fe: {  	v3 =	vld [tilespmem:s2+$0x80C0]  }
0x1ff: {  	v4 =	vld [tilespmem:s2+$0x80D0]  }
0x200: {  	v22 =	vld [tilespmem:s2+$0x8000]  }
0x201: {  	v23 =	vld [tilespmem:s2+$0x8010]  }
0x202: {  	v21 =	vld [tilespmem:s2+$0x8020]  }
0x203: {  	v20 =	vld [tilespmem:s2+$0x8030]  }
0x204: {  	v16 =	vimm.f32 $0.0e+00;
	v15 =	vimm.f32 $0.0e+00;
	v17 =	vld [tilespmem:s2+$0x8040]  }
0x205: {  	v13 =	vimm.f32 $0.0e+00;
	v11 =	vimm.f32 $0.0e+00;
	v12 =	vimm.f32 $0.0e+00;
	v18 =	vld [tilespmem:s2+$0x8050]  }
0x206: {  	s3 =	simm.s32 $0x400;
	v10 =	vimm.f32 $0.0e+00;
	v9 =	vimm.f32 $0.0e+00;
	v14 =	vimm.f32 $0.0e+00;
	v19 =	vld [tilespmem:s2+$0x8060]  }
.LBB2_17:
0x207: {  	p2 =	sne.s32 s3, $0x7C00;
	v13 =	vadd.f32 v22, v13;
	v14 =	vadd.f32 v23, v14;
	v22 =	vld [tilespmem:s2+$0x8070]  }
0x208: {  	v16 =	vadd.f32 v21, v16;
	v15 =	vadd.f32 v20, v15;
	v20 =	vld [tilespmem:s2+$0x80E0]  }
0x209: {  	v13 =	vadd.f32 v5, v13;
	v14 =	vadd.f32 v8, v14;
	v21 =	vld [tilespmem:s2+$0x80F0];
	s2 =	sshra.s32 s3, $0x2  }
0x20a: {  	v16 =	vadd.f32 v6, v16;
	v5 =	vld [tilespmem:s2+$0x8080];
	v15 =	vadd.f32 v7, v15  }
0x20b: {  	v11 =	vadd.f32 v17, v11;
	v12 =	vadd.f32 v18, v12;
	v8 =	vld [tilespmem:s2+$0x8090]  }
0x20c: {  	v10 =	vadd.f32 v19, v10;
	v6 =	vld [tilespmem:s2+$0x80A0];
	v9 =	vadd.f32 v22, v9  }
0x20d: {  	v11 =	vadd.f32 v3, v11;
	v12 =	vadd.f32 v4, v12;
	v7 =	vld [tilespmem:s2+$0x80B0]  }
0x20e: {  	v10 =	vadd.f32 v20, v10;
	v3 =	vld [tilespmem:s2+$0x80C0];
	v9 =	vadd.f32 v21, v9  }
0x20f: {  	v4 =	vld [tilespmem:s2+$0x80D0]  }
0x210: {  	v22 =	vld [tilespmem:s2+$0x8000]  }
0x211: {  	v23 =	vld [tilespmem:s2+$0x8010]  }
.Ltmp12:
0x212: {  	v21 =	vld [tilespmem:s2+$0x8020];
	(pc) =	sbr.rel @p2 .LBB2_17-.Ltmp12, $4  }
0x213: {  	v20 =	vld [tilespmem:s2+$0x8030]  }
0x214: {  	v17 =	vld [tilespmem:s2+$0x8040]  }
0x215: {  	v18 =	vld [tilespmem:s2+$0x8050]  }
0x216: {  	s3 =	sadd.s32 $0x400, s3;
	v19 =	vld [tilespmem:s2+$0x8060]  }
0x217: {  	v13 =	vadd.f32 v22, v13  }
0x218: {  	v14 =	vadd.f32 v23, v14  }
0x219: {  	v22 =	vld [tilespmem:s2+$0x8070];
	v16 =	vadd.f32 v21, v16;
	v5 =	vadd.f32 v5, v13  }
0x21a: {  	v21 =	vld [tilespmem:s2+$0x80E0];
	v13 =	vadd.f32 v20, v15;
	v8 =	vadd.f32 v8, v14  }
0x21b: {  	v14 =	vld [tilespmem:s2+$0x80F0];
	v6 =	vadd.f32 v6, v16;
	v11 =	vadd.f32 v17, v11;
	[tilespmem:$0x17980] =	vst v5  }
0x21c: {  	v5 =	vadd.f32 v7, v13;
	v7 =	vadd.f32 v18, v12;
	[tilespmem:$0x17990] =	vst v8  }
0x21d: {  	v8 =	vadd.f32 v19, v10;
	v3 =	vadd.f32 v3, v11;
	[tilespmem:$0x179A0] =	vst v6  }
0x21e: {  	v6 =	vadd.f32 v22, v9;
	v4 =	vadd.f32 v4, v7;
	[tilespmem:$0x179B0] =	vst v5  }
0x21f: {  	v5 =	vadd.f32 v21, v8;
	[tilespmem:$0x179C0] =	vst v3  }
0x220: {  	v3 =	vadd.f32 v14, v6;
	[tilespmem:$0x179D0] =	vst v4  }
0x221: {  	[tilespmem:$0x179E0] =	vst v5  }
0x222: {  	s6 =	simm.s32 $0x17980;
	s2 =	simm.s32 $0x0;
	[tilespmem:$0x179F0] =	vst v3  }
0x223: {  	[spmem:s10] =	stream.indirect.scatter.add.f32 [tilespmem:s6], [sflag:$0xD], $0x80, s21, s20, $0xb8;
	[tilespmem:$0x1EA80] =	vst v63  }
0x224: {  	v5 =	vld [tilespmem:s2+$0xC080]  }
0x225: {  	v8 =	vld [tilespmem:s2+$0xC090]  }
0x226: {  	v6 =	vld [tilespmem:s2+$0xC0A0]  }
0x227: {  	v7 =	vld [tilespmem:s2+$0xC0B0]  }
0x228: {  	v3 =	vld [tilespmem:s2+$0xC0C0]  }
0x229: {  	v4 =	vld [tilespmem:s2+$0xC0D0]  }
0x22a: {  	v22 =	vld [tilespmem:s2+$0xC000]  }
0x22b: {  	v23 =	vld [tilespmem:s2+$0xC010]  }
0x22c: {  	v21 =	vld [tilespmem:s2+$0xC020]  }
0x22d: {  	v20 =	vld [tilespmem:s2+$0xC030]  }
0x22e: {  	v16 =	vimm.f32 $0.0e+00;
	v15 =	vimm.f32 $0.0e+00;
	v17 =	vld [tilespmem:s2+$0xC040]  }
0x22f: {  	v13 =	vimm.f32 $0.0e+00;
	v11 =	vimm.f32 $0.0e+00;
	v12 =	vimm.f32 $0.0e+00;
	v18 =	vld [tilespmem:s2+$0xC050]  }
0x230: {  	s3 =	simm.s32 $0x400;
	v10 =	vimm.f32 $0.0e+00;
	v9 =	vimm.f32 $0.0e+00;
	v14 =	vimm.f32 $0.0e+00;
	v19 =	vld [tilespmem:s2+$0xC060]  }
.LBB2_19:
0x231: {  	p2 =	sne.s32 s3, $0x7C00;
	v13 =	vadd.f32 v22, v13;
	v14 =	vadd.f32 v23, v14;
	v22 =	vld [tilespmem:s2+$0xC070]  }
0x232: {  	v16 =	vadd.f32 v21, v16;
	v15 =	vadd.f32 v20, v15;
	v20 =	vld [tilespmem:s2+$0xC0E0]  }
0x233: {  	v13 =	vadd.f32 v5, v13;
	v14 =	vadd.f32 v8, v14;
	v21 =	vld [tilespmem:s2+$0xC0F0];
	s2 =	sshra.s32 s3, $0x2  }
0x234: {  	v16 =	vadd.f32 v6, v16;
	v5 =	vld [tilespmem:s2+$0xC080];
	v15 =	vadd.f32 v7, v15  }
0x235: {  	v11 =	vadd.f32 v17, v11;
	v12 =	vadd.f32 v18, v12;
	v8 =	vld [tilespmem:s2+$0xC090]  }
0x236: {  	v10 =	vadd.f32 v19, v10;
	v6 =	vld [tilespmem:s2+$0xC0A0];
	v9 =	vadd.f32 v22, v9  }
0x237: {  	v11 =	vadd.f32 v3, v11;
	v12 =	vadd.f32 v4, v12;
	v7 =	vld [tilespmem:s2+$0xC0B0]  }
0x238: {  	v10 =	vadd.f32 v20, v10;
	v3 =	vld [tilespmem:s2+$0xC0C0];
	v9 =	vadd.f32 v21, v9  }
0x239: {  	v4 =	vld [tilespmem:s2+$0xC0D0]  }
0x23a: {  	v22 =	vld [tilespmem:s2+$0xC000]  }
0x23b: {  	v23 =	vld [tilespmem:s2+$0xC010]  }
.Ltmp13:
0x23c: {  	v21 =	vld [tilespmem:s2+$0xC020];
	(pc) =	sbr.rel @p2 .LBB2_19-.Ltmp13, $4  }
0x23d: {  	v20 =	vld [tilespmem:s2+$0xC030]  }
0x23e: {  	v17 =	vld [tilespmem:s2+$0xC040]  }
0x23f: {  	v18 =	vld [tilespmem:s2+$0xC050]  }
0x240: {  	s3 =	sadd.s32 $0x400, s3;
	v19 =	vld [tilespmem:s2+$0xC060]  }
0x241: {  	v13 =	vadd.f32 v22, v13  }
0x242: {  	v14 =	vadd.f32 v23, v14  }
0x243: {  	v55 =	vld [tilespmem:s2+$0xC070];
	v16 =	vadd.f32 v21, v16;
	v5 =	vadd.f32 v5, v13  }
0x244: {  	v56 =	vld [tilespmem:s2+$0xC0E0];
	v57 =	vadd.f32 v20, v15;
	v8 =	vadd.f32 v8, v14  }
0x245: {  	v58 =	vld [tilespmem:s2+$0xC0F0];
	v6 =	vadd.f32 v6, v16;
	v11 =	vadd.f32 v17, v11;
	[tilespmem:$0x18980] =	vst v5  }
0x246: {  	v59 =	vadd.f32 v7, v57;
	v60 =	vadd.f32 v18, v12;
	[tilespmem:$0x18990] =	vst v8  }
0x247: {  	v61 =	vadd.f32 v19, v10;
	v3 =	vadd.f32 v3, v11;
	[tilespmem:$0x189A0] =	vst v6  }
0x248: {  	v62 =	vadd.f32 v55, v9;
	v4 =	vadd.f32 v4, v60;
	[tilespmem:$0x189B0] =	vst v59  }
0x249: {  	v63 =	vadd.f32 v56, v61;
	[tilespmem:$0x189C0] =	vst v3  }
0x24a: {  	v3 =	vadd.f32 v58, v62;
	[tilespmem:$0x189D0] =	vst v4  }
0x24b: {  	[tilespmem:$0x189E0] =	vst v63  }
0x24c: {  	s4 =	simm.s32 $0x18980;
	[tilespmem:$0x189F0] =	vst v3  }
0x24d: {  	[spmem:s16] =	stream.indirect.scatter.add.f32 [tilespmem:s4], [sflag:$0xE], $0x80, s21, s20, $0xb8;
	[tilespmem:$0x1EA80] =	vst v63  }
0x24e: {  	s6 =	simm.s32 $0x15180  }
0x24f: {  	[spmem:s17] =	stream.indirect.scatter.add.f32 [tilespmem:s6], [sflag:$0xF], $0x80, s21, s20, $0xb8;
	[tilespmem:$0x1EA80] =	vst v63  }
0x250: {  	_ =	swait.ge [sflag:s23], $0x800  }
0x251: {  	[sflag:s23] =	ssyncset.done $0x0  }
0x252: {  	[sflag:s23] =	ssyncadd.s32 $0xFFFFF800  }
0x253: {  	_ =	swait.ge [sflag:s22], $0x800  }
0x254: {  	[sflag:s22] =	ssyncset.done $0x0  }
0x255: {  	[sflag:s22] =	ssyncadd.s32 $0xFFFFF800  }
0x256: {  	_ =	swait.ge [sflag:s12], $0x800  }
0x257: {  	[sflag:s12] =	ssyncset.done $0x0  }
0x258: {  	[sflag:s12] =	ssyncadd.s32 $0xFFFFF800  }
0x259: {  	_ =	swait.ge [sflag:s14], $0x800  }
.Ltmp14:
0x25a: {  	[sflag:s14] =	ssyncset.done $0x0;
	(pc) =	sbr.rel .LBB2_22-.Ltmp14, $4  }
0x25b: {  	[sflag:s14] =	ssyncadd.s32 $0xFFFFF800  }
0x25c: {  	_ =	swait.ge [sflag:s15], $0x800  }
0x25d: {  	[sflag:s15] =	ssyncset.done $0x0  }
0x25e: {  	[sflag:s15] =	ssyncadd.s32 $0xFFFFF800  }
.LBB2_21:
0x25f: {  	s2 =	simm.s32 $0x0  }
0x260: {  	[spmem:s7] =	stream.indirect.scatter.add.f32 [tilespmem:s2], [sflag:$0xB], $0x80, s24, s31, $0xb8;
	[tilespmem:$0x1EA80] =	vst v63  }
0x261: {  	s6 =	simm.s32 $0x4000  }
0x262: {  	[spmem:s8] =	stream.indirect.scatter.add.f32 [tilespmem:s6], [sflag:$0xC], $0x80, s24, s31, $0xb8;
	[tilespmem:$0x1EA80] =	vst v63  }
0x263: {  	s3 =	simm.s32 $0x8000  }
0x264: {  	[spmem:s10] =	stream.indirect.scatter.add.f32 [tilespmem:s3], [sflag:$0xD], $0x80, s24, s31, $0xb8;
	[tilespmem:$0x1EA80] =	vst v63  }
0x265: {  	s4 =	simm.s32 $0xC000  }
0x266: {  	[spmem:s16] =	stream.indirect.scatter.add.f32 [tilespmem:s4], [sflag:$0xE], $0x80, s24, s31, $0xb8;
	[tilespmem:$0x1EA80] =	vst v63  }
0x267: {  	s6 =	simm.s32 $0x10100  }
0x268: {  	[spmem:s17] =	stream.indirect.scatter.add.f32 [tilespmem:s6], [sflag:$0xF], $0x80, s24, s31, $0xb8;
	[tilespmem:$0x1EA80] =	vst v63  }
0x269: {  	_ =	swait.ge [sflag:s23], $0x2000  }
0x26a: {  	[sflag:s23] =	ssyncset.done $0x0  }
0x26b: {  	[sflag:s23] =	ssyncadd.s32 $0xFFFFE000  }
0x26c: {  	_ =	swait.ge [sflag:s22], $0x2000  }
0x26d: {  	[sflag:s22] =	ssyncset.done $0x0  }
0x26e: {  	[sflag:s22] =	ssyncadd.s32 $0xFFFFE000  }
0x26f: {  	_ =	swait.ge [sflag:s12], $0x2000  }
0x270: {  	[sflag:s12] =	ssyncset.done $0x0  }
0x271: {  	[sflag:s12] =	ssyncadd.s32 $0xFFFFE000  }
0x272: {  	_ =	swait.ge [sflag:s14], $0x2000  }
0x273: {  	[sflag:s14] =	ssyncset.done $0x0  }
0x274: {  	[sflag:s14] =	ssyncadd.s32 $0xFFFFE000  }
0x275: {  	_ =	swait.ge [sflag:s15], $0x2000  }
0x276: {  	[sflag:s15] =	ssyncset.done $0x0  }
0x277: {  	[sflag:s15] =	ssyncadd.s32 $0xFFFFE000  }
.LBB2_22:
.Ltmp15:
0x278: {  	(pc) =	sbr.rel @p1 .LBB2_34-.Ltmp15, $1  }
0x279: {  	_ =	sdelay $0x3  }
0x27a: {  	p1 =	sgt.u32 s1, $0x5D9;
	s1 =	rddreg [dreg:$0x1c]  }
0x27b: {  	s0 =	sadd.s32 @!p1 s1, s0  }
0x27c: {  	s2 =	rddreg [dreg:$0x4];
	s1 =	sshll.u32 @!p1 s0, $0x3  }
0x27d: {  	s3 =	simm.s32 @!p1 $0x10000;
	s1 =	sadd.s32 @!p1 s2, s1;
	s2 =	simm.s32 @!p1 $0x0  }
0x27e: {  	[tilespmem:s3], [sflag:$0x9] =	stream.linear.gather @!p1 [hbm4b:s1+s2], $0x40, $0x38;
	[tilespmem:$0x1EA80] =	vst v63  }
0x27f: {  	s0 =	sshll.u32 @!p1 s0, $0xA;
	s1 =	rddreg [dreg:$0x0]  }
0x280: {  	s1 =	sadd.s32 @!p1 s1, s0  }
0x281: {  	[tilespmem:s2], [sflag:$0x1] =	stream.linear.gather @!p1 [hbm4b:s1+s2], $0x2000, $0x38;
	[tilespmem:$0x1EA80] =	vst v63  }
0x282: {  	s1 =	rddreg [dreg:$0x1]  }
0x283: {  	s3 =	simm.s32 @!p1 $0x4000;
	s1 =	sadd.s32 @!p1 s1, s0  }
0x284: {  	[tilespmem:s3], [sflag:$0x3] =	stream.linear.gather @!p1 [hbm4b:s1+s2], $0x2000, $0x38;
	[tilespmem:$0x1EA80] =	vst v63  }
0x285: {  	s1 =	rddreg [dreg:$0x2]  }
0x286: {  	s3 =	simm.s32 @!p1 $0x8000;
	s1 =	sadd.s32 @!p1 s1, s0  }
0x287: {  	[tilespmem:s3], [sflag:$0x5] =	stream.linear.gather @!p1 [hbm4b:s1+s2], $0x2000, $0x38;
	[tilespmem:$0x1EA80] =	vst v63  }
0x288: {  	s1 =	rddreg [dreg:$0x3]  }
0x289: {  	s0 =	sadd.s32 @!p1 s1, s0;
	s1 =	simm.s32 @!p1 $0xC000  }
0x28a: {  	[tilespmem:s1], [sflag:$0x7] =	stream.linear.gather @!p1 [hbm4b:s0+s2], $0x2000, $0x38;
	[tilespmem:$0x1EA80] =	vst v63  }
0x28b: {  	s2 =	simm.s32 $0xA  }
0x28c: {  	_ =	swait.ge [sflag:s2], $0x40  }
0x28d: {  	[sflag:s2] =	ssyncset.done $0x0  }
0x28e: {  	s3 =	simm.s32 $0x2;
	[sflag:s2] =	ssyncadd.s32 $0xFFFFFFC0  }
0x28f: {  	_ =	swait.ge [sflag:s3], $0x2000  }
0x290: {  	[sflag:s3] =	ssyncset.done $0x0  }
0x291: {  	[sflag:s3] =	ssyncadd.s32 $0xFFFFE000  }
0x292: {  	_ =	swait.ge [sflag:s25], $0x2000  }
0x293: {  	[sflag:s25] =	ssyncset.done $0x0  }
0x294: {  	[sflag:s25] =	ssyncadd.s32 $0xFFFFE000  }
0x295: {  	_ =	swait.ge [sflag:s26], $0x2000  }
0x296: {  	[sflag:s26] =	ssyncset.done $0x0  }
0x297: {  	[sflag:s26] =	ssyncadd.s32 $0xFFFFE000  }
0x298: {  	_ =	swait.ge [sflag:s28], $0x2000  }
0x299: {  	[sflag:s28] =	ssyncset.done $0x0  }
0x29a: {  	[sflag:s28] =	ssyncadd.s32 $0xFFFFE000  }
0x29b: {  	v3 =	vld [tilespmem:$0x10080]  }
0x29c: {  	v4 =	vld [tilespmem:$0x100B0];
	_ =	sdelay $0x3  }
0x29d: {  	(v2sf) =	vpush v3, $0x0  }
0x29e: {  	(v2sf) =	vpush v4, $0xF;
	_ =	sdelay $0xd  }
0x29f: {  	s4 =	spop (v2sf)  }
0x2a0: {  	s6 =	spop (v2sf)  }
0x2a1: {  	p1 =	sne.s32 s4, s6  }
.Ltmp16:
0x2a2: {  	_ = 	snop;
	(pc) =	sbr.rel @p1 .LBB2_33-.Ltmp16, $1  }
0x2a3: {  	_ =	sdelay $0x3  }
0x2a4: {  	[tilespmem:$0x19A00] =	vst v3;
	s0 =	simm.s32 $0x0  }
0x2a5: {  	v5 =	vld [tilespmem:s0+$0x2080]  }
0x2a6: {  	v8 =	vld [tilespmem:s0+$0x2090]  }
0x2a7: {  	v6 =	vld [tilespmem:s0+$0x20A0]  }
0x2a8: {  	v7 =	vld [tilespmem:s0+$0x20B0]  }
0x2a9: {  	v3 =	vld [tilespmem:s0+$0x20C0]  }
0x2aa: {  	v4 =	vld [tilespmem:s0+$0x20D0]  }
0x2ab: {  	v22 =	vld [tilespmem:s0+$0x2000]  }
0x2ac: {  	v23 =	vld [tilespmem:s0+$0x2010]  }
0x2ad: {  	v21 =	vld [tilespmem:s0+$0x2020]  }
0x2ae: {  	v20 =	vld [tilespmem:s0+$0x2030]  }
0x2af: {  	v13 =	vimm.f32 $0.0e+00;
	v14 =	vimm.f32 $0.0e+00;
	v17 =	vld [tilespmem:s0+$0x2040]  }
0x2b0: {  	v16 =	vimm.f32 $0.0e+00;
	v15 =	vimm.f32 $0.0e+00;
	v11 =	vimm.f32 $0.0e+00;
	v18 =	vld [tilespmem:s0+$0x2050]  }
0x2b1: {  	s1 =	simm.s32 $0x400;
	v12 =	vimm.f32 $0.0e+00;
	v10 =	vimm.f32 $0.0e+00;
	v9 =	vimm.f32 $0.0e+00;
	v19 =	vld [tilespmem:s0+$0x2060]  }
.LBB2_25:
0x2b2: {  	p1 =	sne.s32 s1, $0x7C00;
	v13 =	vadd.f32 v22, v13;
	v14 =	vadd.f32 v23, v14;
	v22 =	vld [tilespmem:s0+$0x2070]  }
0x2b3: {  	v16 =	vadd.f32 v21, v16;
	v15 =	vadd.f32 v20, v15;
	v20 =	vld [tilespmem:s0+$0x20E0]  }
0x2b4: {  	v13 =	vadd.f32 v5, v13;
	v14 =	vadd.f32 v8, v14;
	v21 =	vld [tilespmem:s0+$0x20F0];
	s0 =	sshra.s32 s1, $0x2  }
0x2b5: {  	v16 =	vadd.f32 v6, v16;
	v5 =	vld [tilespmem:s0+$0x2080];
	v15 =	vadd.f32 v7, v15  }
0x2b6: {  	v11 =	vadd.f32 v17, v11;
	v12 =	vadd.f32 v18, v12;
	v8 =	vld [tilespmem:s0+$0x2090]  }
0x2b7: {  	v10 =	vadd.f32 v19, v10;
	v6 =	vld [tilespmem:s0+$0x20A0];
	v9 =	vadd.f32 v22, v9  }
0x2b8: {  	v11 =	vadd.f32 v3, v11;
	v12 =	vadd.f32 v4, v12;
	v7 =	vld [tilespmem:s0+$0x20B0]  }
0x2b9: {  	v10 =	vadd.f32 v20, v10;
	v3 =	vld [tilespmem:s0+$0x20C0];
	v9 =	vadd.f32 v21, v9  }
0x2ba: {  	v4 =	vld [tilespmem:s0+$0x20D0]  }
0x2bb: {  	v22 =	vld [tilespmem:s0+$0x2000]  }
0x2bc: {  	v23 =	vld [tilespmem:s0+$0x2010]  }
.Ltmp17:
0x2bd: {  	v21 =	vld [tilespmem:s0+$0x2020];
	(pc) =	sbr.rel @p1 .LBB2_25-.Ltmp17, $4  }
0x2be: {  	v20 =	vld [tilespmem:s0+$0x2030]  }
0x2bf: {  	v17 =	vld [tilespmem:s0+$0x2040]  }
0x2c0: {  	v18 =	vld [tilespmem:s0+$0x2050]  }
0x2c1: {  	s1 =	sadd.s32 $0x400, s1;
	v19 =	vld [tilespmem:s0+$0x2060]  }
0x2c2: {  	v13 =	vadd.f32 v22, v13  }
0x2c3: {  	v14 =	vadd.f32 v23, v14  }
0x2c4: {  	v22 =	vld [tilespmem:s0+$0x2070];
	v16 =	vadd.f32 v21, v16;
	v5 =	vadd.f32 v5, v13  }
0x2c5: {  	v21 =	vld [tilespmem:s0+$0x20E0];
	v13 =	vadd.f32 v20, v15;
	v8 =	vadd.f32 v8, v14  }
0x2c6: {  	v14 =	vld [tilespmem:s0+$0x20F0];
	v6 =	vadd.f32 v6, v16;
	v11 =	vadd.f32 v17, v11;
	[tilespmem:$0x16180] =	vst v5  }
0x2c7: {  	v5 =	vadd.f32 v7, v13;
	v7 =	vadd.f32 v18, v12;
	[tilespmem:$0x16190] =	vst v8  }
0x2c8: {  	v8 =	vadd.f32 v19, v10;
	v3 =	vadd.f32 v3, v11;
	[tilespmem:$0x161A0] =	vst v6  }
0x2c9: {  	v6 =	vadd.f32 v22, v9;
	v4 =	vadd.f32 v4, v7;
	[tilespmem:$0x161B0] =	vst v5  }
0x2ca: {  	v5 =	vadd.f32 v21, v8;
	[tilespmem:$0x161C0] =	vst v3  }
0x2cb: {  	v3 =	vadd.f32 v14, v6;
	[tilespmem:$0x161D0] =	vst v4  }
0x2cc: {  	[tilespmem:$0x161E0] =	vst v5  }
0x2cd: {  	s6 =	simm.s32 $0x16180;
	s0 =	simm.s32 $0x0;
	[tilespmem:$0x161F0] =	vst v3  }
0x2ce: {  	[spmem:s7] =	stream.indirect.scatter.add.f32 [tilespmem:s6], [sflag:$0xB], $0x80, s11, s20, $0xb8;
	[tilespmem:$0x1EA80] =	vst v63  }
0x2cf: {  	v5 =	vld [tilespmem:s0+$0x6080]  }
0x2d0: {  	v8 =	vld [tilespmem:s0+$0x6090]  }
0x2d1: {  	v6 =	vld [tilespmem:s0+$0x60A0]  }
0x2d2: {  	v7 =	vld [tilespmem:s0+$0x60B0]  }
0x2d3: {  	v3 =	vld [tilespmem:s0+$0x60C0]  }
0x2d4: {  	v4 =	vld [tilespmem:s0+$0x60D0]  }
0x2d5: {  	v22 =	vld [tilespmem:s0+$0x6000]  }
0x2d6: {  	v23 =	vld [tilespmem:s0+$0x6010]  }
0x2d7: {  	v21 =	vld [tilespmem:s0+$0x6020]  }
0x2d8: {  	v20 =	vld [tilespmem:s0+$0x6030]  }
0x2d9: {  	v16 =	vimm.f32 $0.0e+00;
	v15 =	vimm.f32 $0.0e+00;
	v17 =	vld [tilespmem:s0+$0x6040]  }
0x2da: {  	v13 =	vimm.f32 $0.0e+00;
	v11 =	vimm.f32 $0.0e+00;
	v12 =	vimm.f32 $0.0e+00;
	v18 =	vld [tilespmem:s0+$0x6050]  }
0x2db: {  	s1 =	simm.s32 $0x400;
	v10 =	vimm.f32 $0.0e+00;
	v9 =	vimm.f32 $0.0e+00;
	v14 =	vimm.f32 $0.0e+00;
	v19 =	vld [tilespmem:s0+$0x6060]  }
.LBB2_27:
0x2dc: {  	p1 =	sne.s32 s1, $0x7C00;
	v13 =	vadd.f32 v22, v13;
	v14 =	vadd.f32 v23, v14;
	v22 =	vld [tilespmem:s0+$0x6070]  }
0x2dd: {  	v16 =	vadd.f32 v21, v16;
	v15 =	vadd.f32 v20, v15;
	v20 =	vld [tilespmem:s0+$0x60E0]  }
0x2de: {  	v13 =	vadd.f32 v5, v13;
	v14 =	vadd.f32 v8, v14;
	v21 =	vld [tilespmem:s0+$0x60F0];
	s0 =	sshra.s32 s1, $0x2  }
0x2df: {  	v16 =	vadd.f32 v6, v16;
	v5 =	vld [tilespmem:s0+$0x6080];
	v15 =	vadd.f32 v7, v15  }
0x2e0: {  	v11 =	vadd.f32 v17, v11;
	v12 =	vadd.f32 v18, v12;
	v8 =	vld [tilespmem:s0+$0x6090]  }
0x2e1: {  	v10 =	vadd.f32 v19, v10;
	v6 =	vld [tilespmem:s0+$0x60A0];
	v9 =	vadd.f32 v22, v9  }
0x2e2: {  	v11 =	vadd.f32 v3, v11;
	v12 =	vadd.f32 v4, v12;
	v7 =	vld [tilespmem:s0+$0x60B0]  }
0x2e3: {  	v10 =	vadd.f32 v20, v10;
	v3 =	vld [tilespmem:s0+$0x60C0];
	v9 =	vadd.f32 v21, v9  }
0x2e4: {  	v4 =	vld [tilespmem:s0+$0x60D0]  }
0x2e5: {  	v22 =	vld [tilespmem:s0+$0x6000]  }
0x2e6: {  	v23 =	vld [tilespmem:s0+$0x6010]  }
.Ltmp18:
0x2e7: {  	v21 =	vld [tilespmem:s0+$0x6020];
	(pc) =	sbr.rel @p1 .LBB2_27-.Ltmp18, $4  }
0x2e8: {  	v20 =	vld [tilespmem:s0+$0x6030]  }
0x2e9: {  	v17 =	vld [tilespmem:s0+$0x6040]  }
0x2ea: {  	v18 =	vld [tilespmem:s0+$0x6050]  }
0x2eb: {  	s1 =	sadd.s32 $0x400, s1;
	v19 =	vld [tilespmem:s0+$0x6060]  }
0x2ec: {  	v13 =	vadd.f32 v22, v13  }
0x2ed: {  	v14 =	vadd.f32 v23, v14  }
0x2ee: {  	v22 =	vld [tilespmem:s0+$0x6070];
	v16 =	vadd.f32 v21, v16;
	v5 =	vadd.f32 v5, v13  }
0x2ef: {  	v21 =	vld [tilespmem:s0+$0x60E0];
	v13 =	vadd.f32 v20, v15;
	v8 =	vadd.f32 v8, v14  }
0x2f0: {  	v14 =	vld [tilespmem:s0+$0x60F0];
	v6 =	vadd.f32 v6, v16;
	v11 =	vadd.f32 v17, v11;
	[tilespmem:$0x17180] =	vst v5  }
0x2f1: {  	v5 =	vadd.f32 v7, v13;
	v7 =	vadd.f32 v18, v12;
	[tilespmem:$0x17190] =	vst v8  }
0x2f2: {  	v8 =	vadd.f32 v19, v10;
	v3 =	vadd.f32 v3, v11;
	[tilespmem:$0x171A0] =	vst v6  }
0x2f3: {  	v6 =	vadd.f32 v22, v9;
	v4 =	vadd.f32 v4, v7;
	[tilespmem:$0x171B0] =	vst v5  }
0x2f4: {  	v5 =	vadd.f32 v21, v8;
	[tilespmem:$0x171C0] =	vst v3  }
0x2f5: {  	v3 =	vadd.f32 v14, v6;
	[tilespmem:$0x171D0] =	vst v4  }
0x2f6: {  	[tilespmem:$0x171E0] =	vst v5  }
0x2f7: {  	s6 =	simm.s32 $0x17180;
	s0 =	simm.s32 $0x0;
	[tilespmem:$0x171F0] =	vst v3  }
0x2f8: {  	[spmem:s8] =	stream.indirect.scatter.add.f32 [tilespmem:s6], [sflag:$0xC], $0x80, s11, s20, $0xb8;
	[tilespmem:$0x1EA80] =	vst v63  }
0x2f9: {  	v5 =	vld [tilespmem:s0+$0xA080]  }
0x2fa: {  	v8 =	vld [tilespmem:s0+$0xA090]  }
0x2fb: {  	v6 =	vld [tilespmem:s0+$0xA0A0]  }
0x2fc: {  	v7 =	vld [tilespmem:s0+$0xA0B0]  }
0x2fd: {  	v3 =	vld [tilespmem:s0+$0xA0C0]  }
0x2fe: {  	v4 =	vld [tilespmem:s0+$0xA0D0]  }
0x2ff: {  	v22 =	vld [tilespmem:s0+$0xA000]  }
0x300: {  	v23 =	vld [tilespmem:s0+$0xA010]  }
0x301: {  	v21 =	vld [tilespmem:s0+$0xA020]  }
0x302: {  	v20 =	vld [tilespmem:s0+$0xA030]  }
0x303: {  	v16 =	vimm.f32 $0.0e+00;
	v15 =	vimm.f32 $0.0e+00;
	v17 =	vld [tilespmem:s0+$0xA040]  }
0x304: {  	v13 =	vimm.f32 $0.0e+00;
	v11 =	vimm.f32 $0.0e+00;
	v12 =	vimm.f32 $0.0e+00;
	v18 =	vld [tilespmem:s0+$0xA050]  }
0x305: {  	s1 =	simm.s32 $0x400;
	v10 =	vimm.f32 $0.0e+00;
	v9 =	vimm.f32 $0.0e+00;
	v14 =	vimm.f32 $0.0e+00;
	v19 =	vld [tilespmem:s0+$0xA060]  }
.LBB2_29:
0x306: {  	p1 =	sne.s32 s1, $0x7C00;
	v13 =	vadd.f32 v22, v13;
	v14 =	vadd.f32 v23, v14;
	v22 =	vld [tilespmem:s0+$0xA070]  }
0x307: {  	v16 =	vadd.f32 v21, v16;
	v15 =	vadd.f32 v20, v15;
	v20 =	vld [tilespmem:s0+$0xA0E0]  }
0x308: {  	v13 =	vadd.f32 v5, v13;
	v14 =	vadd.f32 v8, v14;
	v21 =	vld [tilespmem:s0+$0xA0F0];
	s0 =	sshra.s32 s1, $0x2  }
0x309: {  	v16 =	vadd.f32 v6, v16;
	v5 =	vld [tilespmem:s0+$0xA080];
	v15 =	vadd.f32 v7, v15  }
0x30a: {  	v11 =	vadd.f32 v17, v11;
	v12 =	vadd.f32 v18, v12;
	v8 =	vld [tilespmem:s0+$0xA090]  }
0x30b: {  	v10 =	vadd.f32 v19, v10;
	v6 =	vld [tilespmem:s0+$0xA0A0];
	v9 =	vadd.f32 v22, v9  }
0x30c: {  	v11 =	vadd.f32 v3, v11;
	v12 =	vadd.f32 v4, v12;
	v7 =	vld [tilespmem:s0+$0xA0B0]  }
0x30d: {  	v10 =	vadd.f32 v20, v10;
	v3 =	vld [tilespmem:s0+$0xA0C0];
	v9 =	vadd.f32 v21, v9  }
0x30e: {  	v4 =	vld [tilespmem:s0+$0xA0D0]  }
0x30f: {  	v22 =	vld [tilespmem:s0+$0xA000]  }
0x310: {  	v23 =	vld [tilespmem:s0+$0xA010]  }
.Ltmp19:
0x311: {  	v21 =	vld [tilespmem:s0+$0xA020];
	(pc) =	sbr.rel @p1 .LBB2_29-.Ltmp19, $4  }
0x312: {  	v20 =	vld [tilespmem:s0+$0xA030]  }
0x313: {  	v17 =	vld [tilespmem:s0+$0xA040]  }
0x314: {  	v18 =	vld [tilespmem:s0+$0xA050]  }
0x315: {  	s1 =	sadd.s32 $0x400, s1;
	v19 =	vld [tilespmem:s0+$0xA060]  }
0x316: {  	v13 =	vadd.f32 v22, v13  }
0x317: {  	v14 =	vadd.f32 v23, v14  }
0x318: {  	v22 =	vld [tilespmem:s0+$0xA070];
	v16 =	vadd.f32 v21, v16;
	v5 =	vadd.f32 v5, v13  }
0x319: {  	v21 =	vld [tilespmem:s0+$0xA0E0];
	v13 =	vadd.f32 v20, v15;
	v8 =	vadd.f32 v8, v14  }
0x31a: {  	v14 =	vld [tilespmem:s0+$0xA0F0];
	v6 =	vadd.f32 v6, v16;
	v11 =	vadd.f32 v17, v11;
	[tilespmem:$0x18180] =	vst v5  }
0x31b: {  	v5 =	vadd.f32 v7, v13;
	v7 =	vadd.f32 v18, v12;
	[tilespmem:$0x18190] =	vst v8  }
0x31c: {  	v8 =	vadd.f32 v19, v10;
	v3 =	vadd.f32 v3, v11;
	[tilespmem:$0x181A0] =	vst v6  }
0x31d: {  	v6 =	vadd.f32 v22, v9;
	v4 =	vadd.f32 v4, v7;
	[tilespmem:$0x181B0] =	vst v5  }
0x31e: {  	v5 =	vadd.f32 v21, v8;
	[tilespmem:$0x181C0] =	vst v3  }
0x31f: {  	v3 =	vadd.f32 v14, v6;
	[tilespmem:$0x181D0] =	vst v4  }
0x320: {  	[tilespmem:$0x181E0] =	vst v5  }
0x321: {  	s6 =	simm.s32 $0x18180;
	s0 =	simm.s32 $0x0;
	[tilespmem:$0x181F0] =	vst v3  }
0x322: {  	[spmem:s10] =	stream.indirect.scatter.add.f32 [tilespmem:s6], [sflag:$0xD], $0x80, s11, s20, $0xb8;
	[tilespmem:$0x1EA80] =	vst v63  }
0x323: {  	v5 =	vld [tilespmem:s0+$0xE080]  }
0x324: {  	v8 =	vld [tilespmem:s0+$0xE090]  }
0x325: {  	v6 =	vld [tilespmem:s0+$0xE0A0]  }
0x326: {  	v7 =	vld [tilespmem:s0+$0xE0B0]  }
0x327: {  	v3 =	vld [tilespmem:s0+$0xE0C0]  }
0x328: {  	v4 =	vld [tilespmem:s0+$0xE0D0]  }
0x329: {  	v22 =	vld [tilespmem:s0+$0xE000]  }
0x32a: {  	v23 =	vld [tilespmem:s0+$0xE010]  }
0x32b: {  	v21 =	vld [tilespmem:s0+$0xE020]  }
0x32c: {  	v20 =	vld [tilespmem:s0+$0xE030]  }
0x32d: {  	v16 =	vimm.f32 $0.0e+00;
	v15 =	vimm.f32 $0.0e+00;
	v17 =	vld [tilespmem:s0+$0xE040]  }
0x32e: {  	v13 =	vimm.f32 $0.0e+00;
	v11 =	vimm.f32 $0.0e+00;
	v12 =	vimm.f32 $0.0e+00;
	v18 =	vld [tilespmem:s0+$0xE050]  }
0x32f: {  	s1 =	simm.s32 $0x400;
	v10 =	vimm.f32 $0.0e+00;
	v9 =	vimm.f32 $0.0e+00;
	v14 =	vimm.f32 $0.0e+00;
	v19 =	vld [tilespmem:s0+$0xE060]  }
.LBB2_31:
0x330: {  	p1 =	sne.s32 s1, $0x7C00;
	v13 =	vadd.f32 v22, v13;
	v14 =	vadd.f32 v23, v14;
	v22 =	vld [tilespmem:s0+$0xE070]  }
0x331: {  	v16 =	vadd.f32 v21, v16;
	v15 =	vadd.f32 v20, v15;
	v20 =	vld [tilespmem:s0+$0xE0E0]  }
0x332: {  	v13 =	vadd.f32 v5, v13;
	v14 =	vadd.f32 v8, v14;
	v21 =	vld [tilespmem:s0+$0xE0F0];
	s0 =	sshra.s32 s1, $0x2  }
0x333: {  	v16 =	vadd.f32 v6, v16;
	v5 =	vld [tilespmem:s0+$0xE080];
	v15 =	vadd.f32 v7, v15  }
0x334: {  	v11 =	vadd.f32 v17, v11;
	v12 =	vadd.f32 v18, v12;
	v8 =	vld [tilespmem:s0+$0xE090]  }
0x335: {  	v10 =	vadd.f32 v19, v10;
	v6 =	vld [tilespmem:s0+$0xE0A0];
	v9 =	vadd.f32 v22, v9  }
0x336: {  	v11 =	vadd.f32 v3, v11;
	v12 =	vadd.f32 v4, v12;
	v7 =	vld [tilespmem:s0+$0xE0B0]  }
0x337: {  	v10 =	vadd.f32 v20, v10;
	v3 =	vld [tilespmem:s0+$0xE0C0];
	v9 =	vadd.f32 v21, v9  }
0x338: {  	v4 =	vld [tilespmem:s0+$0xE0D0]  }
0x339: {  	v22 =	vld [tilespmem:s0+$0xE000]  }
0x33a: {  	v23 =	vld [tilespmem:s0+$0xE010]  }
.Ltmp20:
0x33b: {  	v21 =	vld [tilespmem:s0+$0xE020];
	(pc) =	sbr.rel @p1 .LBB2_31-.Ltmp20, $4  }
0x33c: {  	v20 =	vld [tilespmem:s0+$0xE030]  }
0x33d: {  	v17 =	vld [tilespmem:s0+$0xE040]  }
0x33e: {  	v18 =	vld [tilespmem:s0+$0xE050]  }
0x33f: {  	s1 =	sadd.s32 $0x400, s1;
	v19 =	vld [tilespmem:s0+$0xE060]  }
0x340: {  	v13 =	vadd.f32 v22, v13  }
0x341: {  	v14 =	vadd.f32 v23, v14  }
0x342: {  	v55 =	vld [tilespmem:s0+$0xE070];
	v16 =	vadd.f32 v21, v16;
	v5 =	vadd.f32 v5, v13  }
0x343: {  	v56 =	vld [tilespmem:s0+$0xE0E0];
	v57 =	vadd.f32 v20, v15;
	v8 =	vadd.f32 v8, v14  }
0x344: {  	v58 =	vld [tilespmem:s0+$0xE0F0];
	v6 =	vadd.f32 v6, v16;
	v11 =	vadd.f32 v17, v11;
	[tilespmem:$0x19180] =	vst v5  }
0x345: {  	v59 =	vadd.f32 v7, v57;
	v60 =	vadd.f32 v18, v12;
	[tilespmem:$0x19190] =	vst v8  }
0x346: {  	v61 =	vadd.f32 v19, v10;
	v3 =	vadd.f32 v3, v11;
	[tilespmem:$0x191A0] =	vst v6  }
0x347: {  	v62 =	vadd.f32 v55, v9;
	v4 =	vadd.f32 v4, v60;
	[tilespmem:$0x191B0] =	vst v59  }
0x348: {  	v63 =	vadd.f32 v56, v61;
	[tilespmem:$0x191C0] =	vst v3  }
0x349: {  	v3 =	vadd.f32 v58, v62;
	[tilespmem:$0x191D0] =	vst v4  }
0x34a: {  	[tilespmem:$0x191E0] =	vst v63  }
0x34b: {  	s1 =	simm.s32 $0x19A00;
	s4 =	simm.s32 $0x19180;
	[tilespmem:$0x191F0] =	vst v3  }
0x34c: {  	[spmem:s16] =	stream.indirect.scatter.add.f32 [tilespmem:s4], [sflag:$0xE], $0x80, s1, s20, $0xb8;
	[tilespmem:$0x1EA80] =	vst v63  }
0x34d: {  	s6 =	simm.s32 $0x15180  }
0x34e: {  	[spmem:s17] =	stream.indirect.scatter.add.f32 [tilespmem:s6], [sflag:$0xF], $0x80, s1, s20, $0xb8;
	[tilespmem:$0x1EA80] =	vst v63  }
0x34f: {  	_ =	swait.ge [sflag:s23], $0x800  }
0x350: {  	[sflag:s23] =	ssyncset.done $0x0  }
0x351: {  	[sflag:s23] =	ssyncadd.s32 $0xFFFFF800  }
0x352: {  	_ =	swait.ge [sflag:s22], $0x800  }
0x353: {  	[sflag:s22] =	ssyncset.done $0x0  }
0x354: {  	[sflag:s22] =	ssyncadd.s32 $0xFFFFF800  }
0x355: {  	_ =	swait.ge [sflag:s12], $0x800  }
0x356: {  	[sflag:s12] =	ssyncset.done $0x0  }
0x357: {  	[sflag:s12] =	ssyncadd.s32 $0xFFFFF800  }
0x358: {  	_ =	swait.ge [sflag:s14], $0x800  }
.Ltmp21:
0x359: {  	[sflag:s14] =	ssyncset.done $0x0;
	(pc) =	sbr.rel .LBB2_34-.Ltmp21, $4  }
0x35a: {  	[sflag:s14] =	ssyncadd.s32 $0xFFFFF800  }
0x35b: {  	_ =	swait.ge [sflag:s15], $0x800  }
0x35c: {  	[sflag:s15] =	ssyncset.done $0x0  }
0x35d: {  	s11 =	simm.s32 $0x19A00;
	[sflag:s15] =	ssyncadd.s32 $0xFFFFF800  }
.LBB2_36:
0x35e: {  	_ =	sfence.sel $0x180000  }
0x35f: {  	[bflag:$0x0] =	sbarrier.arrive $0xFFFF  }
0x360: {  	_ =	strace $0x90000047  }
0x361: {  	s0 =	stileid.u32;
	[bflag:$0x2] =	sbarrier.arrive $0xFFFF  }
0x362: {  	p0 =	sne.s32 s0, $0x0;
	s0 =	rddreg [dreg:$0xb]  }
0x363: {  	s0 =	sadd.s32 @!p0 $0x100000, s0  }
0x364: {  	[sflag:s0] =	ssyncadd.tile.s32 @!p0 $0x1;
	_ =	shalt  }
.Lfunc_end2:
_tile_overlayer_lowered:
.L_overlay_start_2:
0x365: {  	(tag) =	ssettag $0x2  }
0x366: {  	s0 =	rddreg [dreg:$0x0];
	s2 =	stileid.u32  }
0x367: {  	s1 =	rddreg [dreg:$0x1];
	p0 =	sne.s32 s2, $0x0  }
0x368: {  	s3 =	rddreg [dreg:$0x2];
	[bflag:$0x3] =	sbarrier.arrive $0xFFFF;
	s2 =	simm.s32 @!p0 $0x1C0F  }
0x369: {  	[timem:s3], [sflag:s2] =	dma.local @!p0 [hbm:s0], s1  }
0x36a: {  	s0 =	simm.s32 @!p0 $0xF  }
0x36b: {  	_ =	swait.ge @!p0 [sflag:s0], s1  }
0x36c: {  	s1 =	ssub.s32 @!p0 $0x0, s1;
	[sflag:s0] =	ssyncset.done @!p0 $0x0  }
0x36d: {  	[sflag:s0] =	ssyncadd.s32 @!p0 s1  }
0x36e: {  	[bflag:$0x3] =	sbarrier.arrive $0xFFFF  }
0x36f: {  	_ =	shalt  }

// kernel: kernel.7.cloned.1.call-start
scs
__scs_entry_jumppad:
0x0: {  	(pc) =	sbr.rel $0x88, $3  }
0x1: {  	(tag) =	ssettag $0x0;
	lr =	simm.s32 $0x1  }
0x2: {  	[smem:$0x3F9C] =	sst lr;
	_ =	strace $0xD0000000  }
0x3: {  	_ = 	snop  }
0x4: {  	_ = 	snop  }
0x5: {  	_ = 	snop  }
0x6: {  	_ = 	snop  }
0x7: {  	_ = 	snop  }
__scs_overlays_trampoline_lowered:
0x8: {  	[smem:$0x3FAB] =	sst s0  }
0x9: {  	[smem:$0x3FAC] =	sst s1  }
0xa: {  	[smem:$0x3FAD] =	sst s2  }
0xb: {  	[smem:$0x3FAE] =	sst s3  }
0xc: {  	[smem:$0x3FAF] =	sst s4  }
0xd: {  	[smem:$0x3FB0] =	sst s5  }
0xe: {  	[smem:$0x3FB1] =	sst s6  }
0xf: {  	[smem:$0x3FB2] =	sst s7  }
0x10: {  	[smem:$0x3FB3] =	sst s8  }
0x11: {  	[smem:$0x3FB4] =	sst s9;
	s0 =	simm.s32 @!p0 $0x0  }
0x12: {  	s1 =	sld [smem:$0x3F9A];
	s0 =	simm.s32 @p0 $0x1  }
0x13: {  	[smem:$0x3FB5] =	sst s0;
	s0 =	simm.s32 @!p1 $0x0  }
0x14: {  	s2 =	sld [smem:$0x3F99];
	s0 =	simm.s32 @p1 $0x1  }
0x15: {  	[smem:$0x3FB6] =	sst s0;
	s0 =	simm.s32 @!p2 $0x0  }
0x16: {  	s3 =	sld [smem:$0x3FDB];
	s0 =	simm.s32 @p2 $0x1  }
0x17: {  	s4 =	simm.s32 $0x1BF5;
	[smem:$0x3FB8] =	sst s0  }
0x18: {  	s0 =	sld [smem:$0x3F9B];
	_ =	swait.ge [sflag:s4], $0x0  }
0x19: {  	s7 =	sld [smem:$0x3F9C]  }
0x1a: {  	s8 =	sadd.s32 $0xFFFFE003, lr  }
0x1b: {  	s9 =	sadd.s32 $0xFFFFFEF7, lr;
	s5 =	simm.s32 $0xFFFFFFFF;
	p2 =	slt.u32 s8, $0xFFFFF086  }
0x1c: {  	p1 =	slt.u32 s9, $0xF7A;
	s5 =	simm.s32 @!p2 $0x0  }
0x1d: {  	s5 =	simm.s32 @p1 $0x1;
	p0 =	seq.s32 s7, s2  }
0x1e: {  	s7 =	smul.u32 @!p0 $0xF7A, s2;
	p2 =	seq.s32 @!p0 s5, $0x0  }
0x1f: {  	s9 =	smul.u32 $0xF7A, s1;
	s8 =	simm.s32 @!p0 $0x1BF5;
	p2 =	por !p2, p0  }
0x20: {  	[sflag:s8] =	ssyncset.s32 @!p0 $0xFFFFF086;
	s6 =	sadd.s32 @!p0 s3, s7;
	s7 =	simm.s32 @!p0 $0x108  }
0x21: {  	s3 =	sadd.s32 s3, s9;
	s6 =	sadd.s32 @!p0 $0x88, s6;
	s7 =	simm.s32 @p2 $0x1082  }
0x22: {  	[simem:s7], [sflag:s8] =	dma.local @!p0 [hbm:s6], $0xF7A  }
0x23: {  	s9 =	sor.u32 $0xD0000000, s2;
	s6 =	simm.s32 $0x108;
	_ =	swait.ge @!p0 [sflag:s8], $0x0  }
0x24: {  	s3 =	sadd.s32 $0x88, s3;
	s6 =	simm.s32 @!p1 $0x1082;
	[sflag:s4] =	ssyncset.s32 $0xFFFFF086  }
0x25: {  	[simem:s6], [sflag:s4] =	dma.local [hbm:s3], $0xF7A  }
0x26: {  	[smem:$0x3F9C] =	sst s1;
	(tag) =	ssettag s2;
	_ =	strace s9  }
0x27: {  	s1 =	sld [smem:$0x3FAC]  }
0x28: {  	s2 =	sld [smem:$0x3FAD]  }
0x29: {  	s4 =	sld [smem:$0x3FAF]  }
0x2a: {  	p0 =	seq.s32 s5, $0x0;
	s5 =	sld [smem:$0x3FB0]  }
0x2b: {  	s6 =	sld [smem:$0x3FB1]  }
0x2c: {  	s7 =	sld [smem:$0x3FB2]  }
0x2d: {  	s3 =	simm.s32 $0x108;
	s8 =	sld [smem:$0x3FB3]  }
0x2e: {  	s3 =	simm.s32 @!p0 $0x1082;
	s9 =	sld [smem:$0x3FB4]  }
0x2f: {  	lr =	sadd.s32 s0, s3;
	s0 =	sld [smem:$0x3FAB]  }
0x30: {  	s3 =	sld [smem:$0x3FAE]  }
0x31: {  	[smem:$0x3FB7] =	sst s10  }
0x32: {  	s10 =	sld [smem:$0x3FB5];
	_ =	sdelay $0x3  }
0x33: {  	p0 =	seq.s32 s10, $0x1;
	s10 =	sld [smem:$0x3FB7];
	_ =	sdelay $0x3  }
0x34: {  	[smem:$0x3FB7] =	sst s10  }
0x35: {  	s10 =	sld [smem:$0x3FB6];
	_ =	sdelay $0x3  }
0x36: {  	p1 =	seq.s32 s10, $0x1;
	s10 =	sld [smem:$0x3FB7];
	_ =	sdelay $0x3  }
0x37: {  	[smem:$0x3FB7] =	sst s10  }
0x38: {  	s10 =	sld [smem:$0x3FB8]  }
0x39: {  	_ = 	snop;
	(pc) =	sbr.ind lr, $3  }
0x3a: {  	_ = 	snop  }
0x3b: {  	_ = 	snop  }
0x3c: {  	p2 =	seq.s32 s10, $0x1;
	s10 =	sld [smem:$0x3FB7]  }
0x3d: {  	_ =	shalt  }
0x3e: {  	_ =	shalt  }
0x3f: {  	_ =	shalt  }
0x40: {  	_ =	shalt  }
0x41: {  	_ =	shalt  }
0x42: {  	_ =	shalt  }
0x43: {  	_ =	shalt  }
0x44: {  	_ =	shalt  }
0x45: {  	_ =	shalt  }
0x46: {  	_ =	shalt  }
0x47: {  	_ =	shalt  }
0x48: {  	_ =	shalt  }
0x49: {  	_ =	shalt  }
0x4a: {  	_ =	shalt  }
0x4b: {  	_ =	shalt  }
0x4c: {  	_ =	shalt  }
0x4d: {  	_ =	shalt  }
0x4e: {  	_ =	shalt  }
0x4f: {  	_ =	shalt  }
0x50: {  	_ =	shalt  }
0x51: {  	_ =	shalt  }
0x52: {  	_ =	shalt  }
0x53: {  	_ =	shalt  }
0x54: {  	_ =	shalt  }
0x55: {  	_ =	shalt  }
0x56: {  	_ =	shalt  }
0x57: {  	_ =	shalt  }
0x58: {  	_ =	shalt  }
0x59: {  	_ =	shalt  }
0x5a: {  	_ =	shalt  }
0x5b: {  	_ =	shalt  }
0x5c: {  	_ =	shalt  }
0x5d: {  	_ =	shalt  }
0x5e: {  	_ =	shalt  }
0x5f: {  	_ =	shalt  }
0x60: {  	_ =	shalt  }
0x61: {  	_ =	shalt  }
0x62: {  	_ =	shalt  }
0x63: {  	_ =	shalt  }
0x64: {  	_ =	shalt  }
0x65: {  	_ =	shalt  }
0x66: {  	_ =	shalt  }
0x67: {  	_ =	shalt  }
0x68: {  	_ =	shalt  }
0x69: {  	_ =	shalt  }
0x6a: {  	_ =	shalt  }
0x6b: {  	_ =	shalt  }
0x6c: {  	_ =	shalt  }
0x6d: {  	_ =	shalt  }
0x6e: {  	_ =	shalt  }
0x6f: {  	_ =	shalt  }
0x70: {  	_ =	shalt  }
0x71: {  	_ =	shalt  }
0x72: {  	_ =	shalt  }
0x73: {  	_ =	shalt  }
0x74: {  	_ =	shalt  }
0x75: {  	_ =	shalt  }
0x76: {  	_ =	shalt  }
0x77: {  	_ =	shalt  }
0x78: {  	_ =	shalt  }
0x79: {  	_ =	shalt  }
0x7a: {  	_ =	shalt  }
0x7b: {  	_ =	shalt  }
0x7c: {  	_ =	shalt  }
0x7d: {  	_ =	shalt  }
0x7e: {  	_ =	shalt  }
0x7f: {  	_ =	shalt  }
0x80: {  	_ =	shalt  }
0x81: {  	_ =	shalt  }
0x82: {  	_ =	shalt  }
0x83: {  	_ =	shalt  }
0x84: {  	_ =	shalt  }
0x85: {  	_ =	shalt  }
0x86: {  	_ =	shalt  }
0x87: {  	_ =	shalt  }
.Lfunc_end0:
.L_simem_size_0:
called_computation.1_lowered:
.L_overlay_start_0:
0x88: {  	s2 =	sld [smem:$0x3FD9]  }
0x89: {  	s3 =	sld [smem:$0x3FFE];
	_ =	sdelay $0x1  }
0x8a: {  	s1 =	srdreg.scid  }
0x8b: {  	s0 =	sand.u32 $0x1, s1  }
0x8c: {  	s17 =	sshll.u32 s0, $0xA;
	s2 =	sadd.s32 s3, s2  }
0x8d: {  	s2 =	sadd.s32 s2, s17  }
0x8e: {  	[smem:$0x3FC3] =	sst s2  }
0x8f: {  	_ = 	snop  }
0x90: {  	s2 =	sld [smem:$0x3FD0];
	(tm) =	ssettm $0x1  }
0x91: {  	s18 =	sld [smem:$0x3FFB];
	_ =	sdelay $0x3  }
0x92: {  	_ =	strace s18  }
0x93: {  	s3 =	sld [smem:$0x3FFC];
	_ =	sdelay $0x3  }
0x94: {  	_ =	strace s3  }
0x95: {  	s3 =	sld [smem:$0x3FFD];
	_ =	sdelay $0x3  }
0x96: {  	_ =	strace s3  }
0x97: {  	_ =	strace $0x8FFFFFFF  }
0x98: {  	s19 =	sld [smem:$0x3FDB];
	_ =	sdelay $0x1  }
0x99: {  	s4 =	simm.s32 $_scs_section_size  }
0x9a: {  	s5 =	simm.s32 $_size__tile_overlayer_lowered;
	s6 =	simm.s32 $_tile_overlayer_lowered  }
0x9b: {  	s22 =	simm.s32 $0x1BFF;
	s21 =	sshll.u32 s6, $0x1;
	s3 =	sadd.s32 s4, s19  }
0x9c: {  	s7 =	simm.s32 $0x0;
	s20 =	sshll.u32 s5, $0x1;
	s5 =	sadd.s32 s21, s3  }
0x9d: {  	[timem:s7], [sflag:s22] =	dma.local [hbm:s5], s20  }
0x9e: {  	_ =	swait.ge [sflag:s22], s20  }
0x9f: {  	s4 =	ssub.s32 $0x0, s20;
	[sflag:s22] =	ssyncset.done $0x0  }
0xa0: {  	[sflag:s22] =	ssyncadd.s32 s4;
	_ =	sdelay $0x1  }
0xa1: {  	s23 =	simm.s32 $0x1B8B  }
0xa2: {  	_ =	swait.ge [sflag:s23], $0x1  }
0xa3: {  	[sflag:s23] =	ssyncset.done $0x0  }
0xa4: {  	s25 =	simm.s32 $0x1B8E;
	s24 =	sld [smem:$0x3FFE];
	[sflag:s23] =	ssyncadd.s32 $0xFFFFFFFF  }
0xa5: {  	s26 =	simm.s32 $execute0_lowered;
	[smem:$0x3FD2] =	sst s25  }
0xa6: {  	s5 =	sshll.u32 s26, $0x1;
	_ =	strace $0x80000049;
	[dreg:$0x1] =	wrdreg $0xFFFFFFFF  }
0xa7: {  	s28 =	simm.s32 $_size_execute0_lowered;
	s3 =	sadd.s32 s3, s5;
	[dreg:$0x0] =	wrdreg $0x0  }
0xa8: {  	s5 =	sshll.u32 s28, $0x1;
	[dreg:$0x2] =	wrdreg s3  }
0xa9: {  	[dreg:$0x3] =	wrdreg s5  }
0xaa: {  	[dreg:$0x4] =	wrdreg $0xC0  }
0xab: {  	_ =	task [dreg:s7], $0x5FFFF  }
0xac: {  	[dreg:$0x1] =	wrdreg $0xFFFFFFFF  }
0xad: {  	[dreg:$0x0] =	wrdreg $0x60  }
0xae: {  	[dreg:$0x2] =	wrdreg s24  }
0xaf: {  	[dreg:$0x3] =	wrdreg s2  }
0xb0: {  	[dreg:$0x4] =	wrdreg $0x9  }
0xb1: {  	_ =	task.clear_ibuf [dreg:s7], $0x5FFFF;
	_ =	strace $0x90000049  }
0xb2: {  	s29 =	simm.s32 $0x9;
	_ =	strace $0x8000004B  }
0xb3: {  	_ =	swait.ge [sflag:s29], $0x1  }
0xb4: {  	[sflag:s29] =	ssyncadd.s32 $0xFFFFFFFF  }
0xb5: {  	_ =	strace $0x9000004B  }
0xb6: {  	_ =	sfence  }
0xb7: {  	s30 =	sld [smem:$0x0];
	_ =	sdelay $0x2  }
0xb8: {  	s31 =	sshll.u32 s1, $0xD;
	s1 =	sshrl.u32 s1, $0x2  }
0xb9: {  	s3 =	sand.u32 $0x4000, s31;
	s1 =	sadd.s32 s1, s30  }
0xba: {  	s0 =	sor.u32 s3, s0;
	s1 =	sshll.u32 s1, $0x11  }
0xbb: {  	s0 =	sor.u32 s1, s0  }
0xbc: {  	s0 =	sadd.s32 $0x8F2B, s0  }
0xbd: {  	[sflag:s0] =	ssyncadd.remote.s32 $0x1  }
0xbe: {  	_ =	sfence.sel $0xFFFF  }
0xbf: {  	[dreg:$0x0] =	wrdreg $0xFFFFFFFF;
	(pc) =	sbr.abs _section_cstart, $3  }
0xc0: {  	[dreg:$0x1] =	wrdreg $0xFFFFFFFF  }
0xc1: {  	_ =	task.clear_ibuf [dreg:s7], $0x2FFFF;
	_ =	strace $0x9FFFFFFF  }
0xc2: {  	(tm) =	ssettm $0x7FFFFFFF  }
0xc3: {  	_ =	shalt  }
tec
execute0_lowered:
.L_overlay_start_1:
0x0: {  	(tag) =	ssettag $0x1  }
0x1: {  	s3 =	rddreg [dreg:$0x0]  }
0x2: {  	s7 =	rddreg [dreg:$0x1]  }
0x3: {  	s0 =	rddreg [dreg:$0x2]  }
0x4: {  	s2 =	simm.s32 $0x0;
	s4 =	srdreg.scid;
	s1 =	stileid.u32  }
0x5: {  	s18 =	simm.s32 $0x1800;
	s19 =	simm.s32 $0x1;
	s20 =	simm.s32 $0x2000  }
0x6: {  	s21 =	simm.s32 $0x800;
	s22 =	simm.s32 $0x400;
	s23 =	simm.s32 $0x1000  }
0x7: {  	s24 =	simm.s32 $0x0;
	[smem:$0x7FF] =	sst s2;
	s4 =	sand.u32 $0x1, s4  }
0x8: {  	s6 =	sadd.s32 $0xC00, s3;
	s8 =	sshll.u32 s1, $0x4;
	s9 =	sadd.s32 $0x4C00, s3  }
0x9: {  	s12 =	sadd.s32 $0x8C00, s3;
	s15 =	sadd.s32 $0xCC00, s3;
	s5 =	sshll.u32 s4, $0x8  }
0xa: {  	s30 =	sadd.s32 $0x10C00, s3;
	s4 =	ssub.s32 $0x2, s4;
	s8 =	sor.u32 s8, s5  }
0xb: {  	_ =	strace $0x8000004A;
	s31 =	sshrl.u32 s4, $0x1;
	s14 =	sshll.u32 s8, $0x4  }
0xc: {  	s17 =	ssub.s32 s4, s31;
	s8 =	sshll.u32 s8, $0x6;
	s16 =	sor.u32 $0x2000, s14  }
0xd: {  	s3 =	sadd.s32 s30, s14;
	s5 =	sadd.s32 s6, s14;
	s7 =	sadd.s32 s7, s8  }
0xe: {  	s8 =	sadd.s32 s9, s14;
	s11 =	sadd.s32 s12, s14;
	s14 =	sadd.s32 s15, s14  }
0xf: {  	s17 =	smax.u32 s17, $0x1;
	s4 =	sadd.s32 s30, s16;
	s6 =	sadd.s32 s6, s16  }
0x10: {  	s9 =	sadd.s32 s9, s16;
	s10 =	sadd.s32 $0x80, s7;
	s12 =	sadd.s32 s12, s16  }
0x11: {  	s13 =	sadd.s32 $0x100, s7;
	s15 =	sadd.s32 s15, s16;
	s16 =	sadd.s32 $0x180, s7  }
.LBB2_1:
0x12: {  	[tilespmem:s18], [sflag:$0x1] =	stream.linear.gather [hbm4b:s3+s2], $0x800, $0x38;
	[tilespmem:$0x3000] =	vst v63  }
0x13: {  	_ =	swait.ge [sflag:s19], $0x800  }
0x14: {  	[sflag:s19] =	ssyncset.done $0x0  }
0x15: {  	[sflag:s19] =	ssyncadd.s32 $0xFFFFF800  }
0x16: {  	[tilespmem:s20], [sflag:$0x1] =	stream.linear.gather [hbm4b:s4+s2], $0x800, $0x38;
	[tilespmem:$0x3000] =	vst v63  }
0x17: {  	_ =	swait.ge [sflag:s19], $0x800  }
0x18: {  	[sflag:s19] =	ssyncset.done $0x0  }
0x19: {  	s25 =	simm.s32 $0x0;
	[sflag:s19] =	ssyncadd.s32 $0xFFFFF800  }
0x1a: {  	v0 =	vld [tilespmem:s25+$0x1800]  }
0x1b: {  	v1 =	vld [tilespmem:s25+$0x2000]  }
0x1c: {  	s26 =	simm.s32 $0x80  }
0x1d: {  	v2 =	vld [tilespmem:s26+$0x1800]  }
0x1e: {  	v3 =	vld [tilespmem:s26+$0x2000];
	_ =	sdelay $0x1  }
0x1f: {  	v0 =	vadd.f32 v1, v0;
	_ =	sdelay $0x1  }
0x20: {  	v0 =	vmax.f32 v0, $1.000000000e+00  }
0x21: {  	v1 =	vadd.f32 v3, v2;
	(erf) = vrcp.f32 v0;
	_ =	sdelay $0x1  }
0x22: {  	s28 =	simm.s32 $0x100;
	v2 =	vmax.f32 v1, $1.000000000e+00  }
0x23: {  	v1 =	vld [tilespmem:s28+$0x2000];
	(erf) = vrcp.f32 v2  }
0x24: {  	v0 =	vld [tilespmem:s28+$0x1800];
	_ =	sdelay $0x1  }
0x25: {  	s29 =	simm.s32 $0x600  }
.LBB2_2:
0x26: {  	p0 =	sne.s32 s29, $0x1E00  }
.Ltmp0:
0x27: {  	s30 =	sshra.s32 s29, $0x2;
	(pc) =	sbr.rel @p0 .LBB2_2-.Ltmp0, $4  }
0x28: {  	s29 =	sadd.s32 $0x200, s29;
	v3 =	vpop (erf);
	v2 =	vadd.f32 v1, v0;
	v0 =	vld [tilespmem:s30+$0x1800]  }
0x29: {  	v1 =	vld [tilespmem:s30+$0x2000];
	[tilespmem:s25+$0x2800] =	vst v3;
	s25 =	smov.u32 s26;
	s26 =	smov.u32 s28;
	s28 =	smov.u32 s30  }
0x2a: {  	v2 =	vmax.f32 v2, $1.000000000e+00  }
0x2b: {  	(erf) = vrcp.f32 v2  }
0x2c: {  	_ =	sdelay $0x1  }
0x2d: {  	v0 =	vadd.f32 v1, v0;
	_ =	sdelay $0x1  }
0x2e: {  	v0 =	vmax.f32 v0, $1.000000000e+00  }
0x2f: {  	(erf) = vrcp.f32 v0;
	_ =	sdelay $0x6  }
0x30: {  	v0 =	vpop (erf)  }
0x31: {  	[tilespmem:s25+$0x2800] =	vst v0;
	v0 =	vpop (erf)  }
0x32: {  	[tilespmem:s26+$0x2800] =	vst v0;
	v0 =	vpop (erf)  }
0x33: {  	s31 =	simm.s32 $0x0;
	[tilespmem:s28+$0x2800] =	vst v0  }
0x34: {  	[tilespmem:s31], [sflag:$0x1] =	stream.linear.gather [hbm4b:s5+s31], $0x800, $0x38;
	[tilespmem:$0x3000] =	vst v63  }
0x35: {  	_ =	swait.ge [sflag:s19], $0x800  }
0x36: {  	[sflag:s19] =	ssyncset.done $0x0  }
0x37: {  	[sflag:s19] =	ssyncadd.s32 $0xFFFFF800  }
0x38: {  	[tilespmem:s21], [sflag:$0x1] =	stream.linear.gather [hbm4b:s6+s31], $0x800, $0x38;
	[tilespmem:$0x3000] =	vst v63  }
0x39: {  	_ =	swait.ge [sflag:s19], $0x800  }
0x3a: {  	[sflag:s19] =	ssyncset.done $0x0  }
0x3b: {  	s25 =	simm.s32 $0x0;
	[sflag:s19] =	ssyncadd.s32 $0xFFFFF800  }
0x3c: {  	v1 =	vld [tilespmem:s25+$0x70]  }
0x3d: {  	v2 =	vld [tilespmem:s25+$0x870]  }
0x3e: {  	v3 =	vld [tilespmem:s25+$0x0]  }
0x3f: {  	v0 =	vld [tilespmem:s25+$0x2800]  }
0x40: {  	v4 =	vld [tilespmem:s25+$0x800]  }
0x41: {  	v5 =	vld [tilespmem:s25+$0x10]  }
0x42: {  	v6 =	vld [tilespmem:s25+$0x810]  }
0x43: {  	v7 =	vld [tilespmem:s25+$0x820]  }
0x44: {  	v1 =	vadd.f32 v2, v1;
	v2 =	vld [tilespmem:s25+$0x20]  }
0x45: {  	v8 =	vld [tilespmem:s25+$0x30]  }
0x46: {  	v9 =	vld [tilespmem:s25+$0x830];
	v3 =	vadd.f32 v4, v3;
	v1 =	vmul.f32 v1, v0  }
0x47: {  	v10 =	vld [tilespmem:s25+$0x40]  }
0x48: {  	v11 =	vld [tilespmem:s25+$0x840];
	[tilespmem:s25+$0x1070] =	vst v1;
	v1 =	vmul.f32 v3, v0;
	v3 =	vadd.f32 v6, v5  }
0x49: {  	v4 =	vld [tilespmem:s25+$0x850];
	v2 =	vadd.f32 v7, v2  }
0x4a: {  	[tilespmem:s25+$0x1000] =	vst v1;
	v1 =	vmul.f32 v3, v0;
	v3 =	vld [tilespmem:s25+$0x50]  }
0x4b: {  	v5 =	vld [tilespmem:s25+$0x860];
	v7 =	vadd.f32 v9, v8;
	v6 =	vmul.f32 v2, v0  }
0x4c: {  	s26 =	simm.s32 $0x80;
	[tilespmem:s25+$0x1010] =	vst v1;
	v1 =	vld [tilespmem:s25+$0x60]  }
0x4d: {  	s28 =	simm.s32 $0x400;
	v2 =	vld [tilespmem:s26+$0x70];
	[tilespmem:s25+$0x1020] =	vst v6;
	v6 =	vmul.f32 v7, v0;
	v7 =	vadd.f32 v11, v10  }
.LBB2_4:
0x4e: {  	p0 =	sne.s32 s28, $0x1E00;
	v8 =	vld [tilespmem:s26+$0x870]  }
0x4f: {  	v9 =	vld [tilespmem:s26+$0x0];
	[tilespmem:s25+$0x1030] =	vst v6;
	v6 =	vmul.f32 v7, v0;
	v3 =	vadd.f32 v4, v3  }
0x50: {  	v4 =	vld [tilespmem:s26+$0x2800]  }
0x51: {  	v7 =	vld [tilespmem:s26+$0x800];
	[tilespmem:s25+$0x1040] =	vst v6;
	v3 =	vmul.f32 v3, v0;
	v1 =	vadd.f32 v5, v1  }
0x52: {  	v5 =	vld [tilespmem:s26+$0x10]  }
0x53: {  	v6 =	vld [tilespmem:s26+$0x810];
	v2 =	vadd.f32 v8, v2;
	[tilespmem:s25+$0x1050] =	vst v3;
	v8 =	vmul.f32 v1, v0  }
0x54: {  	v1 =	vld [tilespmem:s26+$0x20]  }
0x55: {  	v3 =	vld [tilespmem:s26+$0x820];
	v2 =	vmul.f32 v2, v4;
	[tilespmem:s25+$0x1060] =	vst v8;
	v0 =	vmov v4;
	s25 =	smov.u32 s26  }
0x56: {  	v4 =	vadd.f32 v7, v9;
	v7 =	vld [tilespmem:s25+$0x30]  }
0x57: {  	v8 =	vld [tilespmem:s25+$0x830];
	[tilespmem:s25+$0x1070] =	vst v2  }
0x58: {  	v2 =	vmul.f32 v4, v0;
	v4 =	vadd.f32 v6, v5;
	v9 =	vld [tilespmem:s25+$0x40]  }
0x59: {  	v10 =	vld [tilespmem:s25+$0x840]  }
.Ltmp1:
0x5a: {  	[tilespmem:s25+$0x1000] =	vst v2;
	v2 =	vmul.f32 v4, v0;
	v1 =	vadd.f32 v3, v1;
	v3 =	vld [tilespmem:s25+$0x50];
	(pc) =	sbr.rel @p0 .LBB2_4-.Ltmp1, $4  }
0x5b: {  	v4 =	vld [tilespmem:s25+$0x850]  }
0x5c: {  	[tilespmem:s25+$0x1010] =	vst v2;
	v6 =	vmul.f32 v1, v0;
	v7 =	vadd.f32 v8, v7;
	v1 =	vld [tilespmem:s25+$0x60]  }
0x5d: {  	s26 =	sshra.s32 s28, $0x2;
	v5 =	vld [tilespmem:s25+$0x860]  }
0x5e: {  	s28 =	sadd.s32 $0x200, s28;
	v2 =	vld [tilespmem:s26+$0x70];
	[tilespmem:s25+$0x1020] =	vst v6;
	v6 =	vmul.f32 v7, v0;
	v7 =	vadd.f32 v10, v9  }
0x5f: {  	v8 =	vld [tilespmem:s26+$0x870]  }
0x60: {  	v9 =	vld [tilespmem:s26+$0x0];
	[tilespmem:s25+$0x1030] =	vst v6;
	v6 =	vmul.f32 v7, v0;
	v3 =	vadd.f32 v4, v3  }
0x61: {  	v7 =	vld [tilespmem:s26+$0x2800]  }
0x62: {  	v4 =	vld [tilespmem:s26+$0x800];
	[tilespmem:s25+$0x1040] =	vst v6;
	v3 =	vmul.f32 v3, v0;
	v1 =	vadd.f32 v5, v1  }
0x63: {  	v6 =	vld [tilespmem:s26+$0x10]  }
0x64: {  	v5 =	vld [tilespmem:s26+$0x810];
	[tilespmem:s25+$0x1050] =	vst v3;
	v0 =	vmul.f32 v1, v0  }
0x65: {  	v2 =	vadd.f32 v8, v2;
	v1 =	vld [tilespmem:s26+$0x20]  }
0x66: {  	v3 =	vld [tilespmem:s26+$0x820];
	[tilespmem:s25+$0x1060] =	vst v0  }
0x67: {  	v0 =	vmul.f32 v2, v7;
	v2 =	vld [tilespmem:s26+$0x30]  }
0x68: {  	v4 =	vadd.f32 v4, v9;
	v8 =	vld [tilespmem:s26+$0x830]  }
0x69: {  	v61 =	vld [tilespmem:s26+$0x850]  }
0x6a: {  	v10 =	vld [tilespmem:s26+$0x860];
	[tilespmem:s26+$0x1070] =	vst v0;
	v0 =	vmul.f32 v4, v7;
	v5 =	vadd.f32 v5, v6  }
0x6b: {  	v4 =	vld [tilespmem:s26+$0x40]  }
0x6c: {  	v6 =	vld [tilespmem:s26+$0x840];
	[tilespmem:s26+$0x1000] =	vst v0;
	v0 =	vmul.f32 v5, v7  }
0x6d: {  	v5 =	vld [tilespmem:s26+$0x50]  }
0x6e: {  	[tilespmem:s26+$0x1010] =	vst v0;
	v0 =	vld [tilespmem:s26+$0x60]  }
0x6f: {  	v1 =	vadd.f32 v3, v1  }
0x70: {  	v2 =	vadd.f32 v8, v2  }
0x71: {  	v1 =	vmul.f32 v1, v7;
	v3 =	vadd.f32 v6, v4  }
0x72: {  	v2 =	vmul.f32 v2, v7;
	v4 =	vadd.f32 v61, v5  }
0x73: {  	[tilespmem:s26+$0x1020] =	vst v1;
	v1 =	vmul.f32 v3, v7;
	v0 =	vadd.f32 v10, v0  }
0x74: {  	[tilespmem:s26+$0x1030] =	vst v2;
	v2 =	vmul.f32 v4, v7  }
0x75: {  	[tilespmem:s26+$0x1040] =	vst v1;
	v0 =	vmul.f32 v0, v7  }
0x76: {  	[tilespmem:s26+$0x1050] =	vst v2  }
0x77: {  	[tilespmem:s26+$0x1060] =	vst v0  }
0x78: {  	[hbm4b:s7+s22] =	stream.strided.scatter [tilespmem:s23], [sflag:$0x1], $0x800, s23, s22, $0x38;
	[tilespmem:$0x3000] =	vst v63  }
0x79: {  	_ =	swait.ge [sflag:s19], $0x800  }
0x7a: {  	[sflag:s19] =	ssyncset.done $0x0  }
0x7b: {  	s31 =	simm.s32 $0x0;
	[sflag:s19] =	ssyncadd.s32 $0xFFFFF800  }
0x7c: {  	[tilespmem:s31], [sflag:$0x1] =	stream.linear.gather [hbm4b:s8+s31], $0x800, $0x38;
	[tilespmem:$0x3000] =	vst v63  }
0x7d: {  	_ =	swait.ge [sflag:s19], $0x800  }
0x7e: {  	[sflag:s19] =	ssyncset.done $0x0  }
0x7f: {  	[sflag:s19] =	ssyncadd.s32 $0xFFFFF800  }
0x80: {  	[tilespmem:s21], [sflag:$0x1] =	stream.linear.gather [hbm4b:s9+s31], $0x800, $0x38;
	[tilespmem:$0x3000] =	vst v63  }
0x81: {  	_ =	swait.ge [sflag:s19], $0x800  }
0x82: {  	[sflag:s19] =	ssyncset.done $0x0  }
0x83: {  	s25 =	simm.s32 $0x0;
	[sflag:s19] =	ssyncadd.s32 $0xFFFFF800  }
0x84: {  	v1 =	vld [tilespmem:s25+$0x70]  }
0x85: {  	v2 =	vld [tilespmem:s25+$0x870]  }
0x86: {  	v3 =	vld [tilespmem:s25+$0x0]  }
0x87: {  	v0 =	vld [tilespmem:s25+$0x2800]  }
0x88: {  	v4 =	vld [tilespmem:s25+$0x800]  }
0x89: {  	v5 =	vld [tilespmem:s25+$0x10]  }
0x8a: {  	v6 =	vld [tilespmem:s25+$0x810]  }
0x8b: {  	v7 =	vld [tilespmem:s25+$0x820]  }
0x8c: {  	v1 =	vadd.f32 v2, v1;
	v2 =	vld [tilespmem:s25+$0x20]  }
0x8d: {  	v8 =	vld [tilespmem:s25+$0x30]  }
0x8e: {  	v62 =	vld [tilespmem:s25+$0x830];
	v3 =	vadd.f32 v4, v3;
	v1 =	vmul.f32 v1, v0  }
0x8f: {  	v63 =	vld [tilespmem:s25+$0x40]  }
0x90: {  	v11 =	vld [tilespmem:s25+$0x840];
	[tilespmem:s25+$0x1070] =	vst v1;
	v1 =	vmul.f32 v3, v0;
	v3 =	vadd.f32 v6, v5  }
0x91: {  	v4 =	vld [tilespmem:s25+$0x850];
	v2 =	vadd.f32 v7, v2  }
0x92: {  	[tilespmem:s25+$0x1000] =	vst v1;
	v1 =	vmul.f32 v3, v0;
	v3 =	vld [tilespmem:s25+$0x50]  }
0x93: {  	v5 =	vld [tilespmem:s25+$0x860];
	v7 =	vadd.f32 v62, v8;
	v6 =	vmul.f32 v2, v0  }
0x94: {  	s26 =	simm.s32 $0x80;
	[tilespmem:s25+$0x1010] =	vst v1;
	v1 =	vld [tilespmem:s25+$0x60]  }
0x95: {  	s28 =	simm.s32 $0x400;
	v2 =	vld [tilespmem:s26+$0x70];
	[tilespmem:s25+$0x1020] =	vst v6;
	v6 =	vmul.f32 v7, v0;
	v7 =	vadd.f32 v11, v63  }
.LBB2_6:
0x96: {  	p0 =	sne.s32 s28, $0x1E00;
	v8 =	vld [tilespmem:s26+$0x870]  }
0x97: {  	v9 =	vld [tilespmem:s26+$0x0];
	[tilespmem:s25+$0x1030] =	vst v6;
	v6 =	vmul.f32 v7, v0;
	v3 =	vadd.f32 v4, v3  }
0x98: {  	v4 =	vld [tilespmem:s26+$0x2800]  }
0x99: {  	v7 =	vld [tilespmem:s26+$0x800];
	[tilespmem:s25+$0x1040] =	vst v6;
	v3 =	vmul.f32 v3, v0;
	v1 =	vadd.f32 v5, v1  }
0x9a: {  	v5 =	vld [tilespmem:s26+$0x10]  }
0x9b: {  	v6 =	vld [tilespmem:s26+$0x810];
	v2 =	vadd.f32 v8, v2;
	[tilespmem:s25+$0x1050] =	vst v3;
	v8 =	vmul.f32 v1, v0  }
0x9c: {  	v1 =	vld [tilespmem:s26+$0x20]  }
0x9d: {  	v3 =	vld [tilespmem:s26+$0x820];
	v2 =	vmul.f32 v2, v4;
	[tilespmem:s25+$0x1060] =	vst v8;
	v0 =	vmov v4;
	s25 =	smov.u32 s26  }
0x9e: {  	v4 =	vadd.f32 v7, v9;
	v7 =	vld [tilespmem:s25+$0x30]  }
0x9f: {  	v8 =	vld [tilespmem:s25+$0x830];
	[tilespmem:s25+$0x1070] =	vst v2  }
0xa0: {  	v2 =	vmul.f32 v4, v0;
	v4 =	vadd.f32 v6, v5;
	v9 =	vld [tilespmem:s25+$0x40]  }
0xa1: {  	v10 =	vld [tilespmem:s25+$0x840]  }
.Ltmp2:
0xa2: {  	[tilespmem:s25+$0x1000] =	vst v2;
	v2 =	vmul.f32 v4, v0;
	v1 =	vadd.f32 v3, v1;
	v3 =	vld [tilespmem:s25+$0x50];
	(pc) =	sbr.rel @p0 .LBB2_6-.Ltmp2, $4  }
0xa3: {  	v4 =	vld [tilespmem:s25+$0x850]  }
0xa4: {  	[tilespmem:s25+$0x1010] =	vst v2;
	v6 =	vmul.f32 v1, v0;
	v7 =	vadd.f32 v8, v7;
	v1 =	vld [tilespmem:s25+$0x60]  }
0xa5: {  	s26 =	sshra.s32 s28, $0x2;
	v5 =	vld [tilespmem:s25+$0x860]  }
0xa6: {  	s28 =	sadd.s32 $0x200, s28;
	v2 =	vld [tilespmem:s26+$0x70];
	[tilespmem:s25+$0x1020] =	vst v6;
	v6 =	vmul.f32 v7, v0;
	v7 =	vadd.f32 v10, v9  }
0xa7: {  	v8 =	vld [tilespmem:s26+$0x870]  }
0xa8: {  	v9 =	vld [tilespmem:s26+$0x0];
	[tilespmem:s25+$0x1030] =	vst v6;
	v6 =	vmul.f32 v7, v0;
	v3 =	vadd.f32 v4, v3  }
0xa9: {  	v7 =	vld [tilespmem:s26+$0x2800]  }
0xaa: {  	v4 =	vld [tilespmem:s26+$0x800];
	[tilespmem:s25+$0x1040] =	vst v6;
	v3 =	vmul.f32 v3, v0;
	v1 =	vadd.f32 v5, v1  }
0xab: {  	v6 =	vld [tilespmem:s26+$0x10]  }
0xac: {  	v5 =	vld [tilespmem:s26+$0x810];
	[tilespmem:s25+$0x1050] =	vst v3;
	v0 =	vmul.f32 v1, v0  }
0xad: {  	v2 =	vadd.f32 v8, v2;
	v1 =	vld [tilespmem:s26+$0x20]  }
0xae: {  	v3 =	vld [tilespmem:s26+$0x820];
	[tilespmem:s25+$0x1060] =	vst v0  }
0xaf: {  	v0 =	vmul.f32 v2, v7;
	v2 =	vld [tilespmem:s26+$0x30]  }
0xb0: {  	v4 =	vadd.f32 v4, v9;
	v8 =	vld [tilespmem:s26+$0x830]  }
0xb1: {  	v61 =	vld [tilespmem:s26+$0x850]  }
0xb2: {  	v10 =	vld [tilespmem:s26+$0x860];
	[tilespmem:s26+$0x1070] =	vst v0;
	v0 =	vmul.f32 v4, v7;
	v5 =	vadd.f32 v5, v6  }
0xb3: {  	v4 =	vld [tilespmem:s26+$0x40]  }
0xb4: {  	v6 =	vld [tilespmem:s26+$0x840];
	[tilespmem:s26+$0x1000] =	vst v0;
	v0 =	vmul.f32 v5, v7  }
0xb5: {  	v5 =	vld [tilespmem:s26+$0x50]  }
0xb6: {  	[tilespmem:s26+$0x1010] =	vst v0;
	v0 =	vld [tilespmem:s26+$0x60]  }
0xb7: {  	v1 =	vadd.f32 v3, v1  }
0xb8: {  	v2 =	vadd.f32 v8, v2  }
0xb9: {  	v1 =	vmul.f32 v1, v7;
	v3 =	vadd.f32 v6, v4  }
0xba: {  	v2 =	vmul.f32 v2, v7;
	v4 =	vadd.f32 v61, v5  }
0xbb: {  	[tilespmem:s26+$0x1020] =	vst v1;
	v1 =	vmul.f32 v3, v7;
	v0 =	vadd.f32 v10, v0  }
0xbc: {  	[tilespmem:s26+$0x1030] =	vst v2;
	v2 =	vmul.f32 v4, v7  }
0xbd: {  	[tilespmem:s26+$0x1040] =	vst v1;
	v0 =	vmul.f32 v0, v7  }
0xbe: {  	[tilespmem:s26+$0x1050] =	vst v2  }
0xbf: {  	[tilespmem:s26+$0x1060] =	vst v0  }
0xc0: {  	[hbm4b:s10+s22] =	stream.strided.scatter [tilespmem:s23], [sflag:$0x1], $0x800, s23, s22, $0x38;
	[tilespmem:$0x3000] =	vst v63  }
0xc1: {  	_ =	swait.ge [sflag:s19], $0x800  }
0xc2: {  	[sflag:s19] =	ssyncset.done $0x0  }
0xc3: {  	s31 =	simm.s32 $0x0;
	[sflag:s19] =	ssyncadd.s32 $0xFFFFF800  }
0xc4: {  	[tilespmem:s31], [sflag:$0x1] =	stream.linear.gather [hbm4b:s11+s31], $0x800, $0x38;
	[tilespmem:$0x3000] =	vst v63  }
0xc5: {  	_ =	swait.ge [sflag:s19], $0x800  }
0xc6: {  	[sflag:s19] =	ssyncset.done $0x0  }
0xc7: {  	[sflag:s19] =	ssyncadd.s32 $0xFFFFF800  }
0xc8: {  	[tilespmem:s21], [sflag:$0x1] =	stream.linear.gather [hbm4b:s12+s31], $0x800, $0x38;
	[tilespmem:$0x3000] =	vst v63  }
0xc9: {  	_ =	swait.ge [sflag:s19], $0x800  }
0xca: {  	[sflag:s19] =	ssyncset.done $0x0  }
0xcb: {  	s25 =	simm.s32 $0x0;
	[sflag:s19] =	ssyncadd.s32 $0xFFFFF800  }
0xcc: {  	v1 =	vld [tilespmem:s25+$0x70]  }
0xcd: {  	v2 =	vld [tilespmem:s25+$0x870]  }
0xce: {  	v3 =	vld [tilespmem:s25+$0x0]  }
0xcf: {  	v0 =	vld [tilespmem:s25+$0x2800]  }
0xd0: {  	v4 =	vld [tilespmem:s25+$0x800]  }
0xd1: {  	v5 =	vld [tilespmem:s25+$0x10]  }
0xd2: {  	v6 =	vld [tilespmem:s25+$0x810]  }
0xd3: {  	v7 =	vld [tilespmem:s25+$0x820]  }
0xd4: {  	v1 =	vadd.f32 v2, v1;
	v2 =	vld [tilespmem:s25+$0x20]  }
0xd5: {  	v8 =	vld [tilespmem:s25+$0x30]  }
0xd6: {  	v62 =	vld [tilespmem:s25+$0x830];
	v3 =	vadd.f32 v4, v3;
	v1 =	vmul.f32 v1, v0  }
0xd7: {  	v63 =	vld [tilespmem:s25+$0x40]  }
0xd8: {  	v11 =	vld [tilespmem:s25+$0x840];
	[tilespmem:s25+$0x1070] =	vst v1;
	v1 =	vmul.f32 v3, v0;
	v3 =	vadd.f32 v6, v5  }
0xd9: {  	v4 =	vld [tilespmem:s25+$0x850];
	v2 =	vadd.f32 v7, v2  }
0xda: {  	[tilespmem:s25+$0x1000] =	vst v1;
	v1 =	vmul.f32 v3, v0;
	v3 =	vld [tilespmem:s25+$0x50]  }
0xdb: {  	v5 =	vld [tilespmem:s25+$0x860];
	v7 =	vadd.f32 v62, v8;
	v6 =	vmul.f32 v2, v0  }
0xdc: {  	s26 =	simm.s32 $0x80;
	[tilespmem:s25+$0x1010] =	vst v1;
	v1 =	vld [tilespmem:s25+$0x60]  }
0xdd: {  	s28 =	simm.s32 $0x400;
	v2 =	vld [tilespmem:s26+$0x70];
	[tilespmem:s25+$0x1020] =	vst v6;
	v6 =	vmul.f32 v7, v0;
	v7 =	vadd.f32 v11, v63  }
.LBB2_8:
0xde: {  	p0 =	sne.s32 s28, $0x1E00;
	v8 =	vld [tilespmem:s26+$0x870]  }
0xdf: {  	v9 =	vld [tilespmem:s26+$0x0];
	[tilespmem:s25+$0x1030] =	vst v6;
	v6 =	vmul.f32 v7, v0;
	v3 =	vadd.f32 v4, v3  }
0xe0: {  	v4 =	vld [tilespmem:s26+$0x2800]  }
0xe1: {  	v7 =	vld [tilespmem:s26+$0x800];
	[tilespmem:s25+$0x1040] =	vst v6;
	v3 =	vmul.f32 v3, v0;
	v1 =	vadd.f32 v5, v1  }
0xe2: {  	v5 =	vld [tilespmem:s26+$0x10]  }
0xe3: {  	v6 =	vld [tilespmem:s26+$0x810];
	v2 =	vadd.f32 v8, v2;
	[tilespmem:s25+$0x1050] =	vst v3;
	v8 =	vmul.f32 v1, v0  }
0xe4: {  	v1 =	vld [tilespmem:s26+$0x20]  }
0xe5: {  	v3 =	vld [tilespmem:s26+$0x820];
	v2 =	vmul.f32 v2, v4;
	[tilespmem:s25+$0x1060] =	vst v8;
	v0 =	vmov v4;
	s25 =	smov.u32 s26  }
0xe6: {  	v4 =	vadd.f32 v7, v9;
	v7 =	vld [tilespmem:s25+$0x30]  }
0xe7: {  	v8 =	vld [tilespmem:s25+$0x830];
	[tilespmem:s25+$0x1070] =	vst v2  }
0xe8: {  	v2 =	vmul.f32 v4, v0;
	v4 =	vadd.f32 v6, v5;
	v9 =	vld [tilespmem:s25+$0x40]  }
0xe9: {  	v10 =	vld [tilespmem:s25+$0x840]  }
.Ltmp3:
0xea: {  	[tilespmem:s25+$0x1000] =	vst v2;
	v2 =	vmul.f32 v4, v0;
	v1 =	vadd.f32 v3, v1;
	v3 =	vld [tilespmem:s25+$0x50];
	(pc) =	sbr.rel @p0 .LBB2_8-.Ltmp3, $4  }
0xeb: {  	v4 =	vld [tilespmem:s25+$0x850]  }
0xec: {  	[tilespmem:s25+$0x1010] =	vst v2;
	v6 =	vmul.f32 v1, v0;
	v7 =	vadd.f32 v8, v7;
	v1 =	vld [tilespmem:s25+$0x60]  }
0xed: {  	s26 =	sshra.s32 s28, $0x2;
	v5 =	vld [tilespmem:s25+$0x860]  }
0xee: {  	s28 =	sadd.s32 $0x200, s28;
	v2 =	vld [tilespmem:s26+$0x70];
	[tilespmem:s25+$0x1020] =	vst v6;
	v6 =	vmul.f32 v7, v0;
	v7 =	vadd.f32 v10, v9  }
0xef: {  	v8 =	vld [tilespmem:s26+$0x870]  }
0xf0: {  	v9 =	vld [tilespmem:s26+$0x0];
	[tilespmem:s25+$0x1030] =	vst v6;
	v6 =	vmul.f32 v7, v0;
	v3 =	vadd.f32 v4, v3  }
0xf1: {  	v7 =	vld [tilespmem:s26+$0x2800]  }
0xf2: {  	v4 =	vld [tilespmem:s26+$0x800];
	[tilespmem:s25+$0x1040] =	vst v6;
	v3 =	vmul.f32 v3, v0;
	v1 =	vadd.f32 v5, v1  }
0xf3: {  	v6 =	vld [tilespmem:s26+$0x10]  }
0xf4: {  	v5 =	vld [tilespmem:s26+$0x810];
	[tilespmem:s25+$0x1050] =	vst v3;
	v0 =	vmul.f32 v1, v0  }
0xf5: {  	v2 =	vadd.f32 v8, v2;
	v1 =	vld [tilespmem:s26+$0x20]  }
0xf6: {  	v3 =	vld [tilespmem:s26+$0x820];
	[tilespmem:s25+$0x1060] =	vst v0  }
0xf7: {  	v0 =	vmul.f32 v2, v7;
	v2 =	vld [tilespmem:s26+$0x30]  }
0xf8: {  	v4 =	vadd.f32 v4, v9;
	v8 =	vld [tilespmem:s26+$0x830]  }
0xf9: {  	v61 =	vld [tilespmem:s26+$0x850]  }
0xfa: {  	v10 =	vld [tilespmem:s26+$0x860];
	[tilespmem:s26+$0x1070] =	vst v0;
	v0 =	vmul.f32 v4, v7;
	v5 =	vadd.f32 v5, v6  }
0xfb: {  	v4 =	vld [tilespmem:s26+$0x40]  }
0xfc: {  	v6 =	vld [tilespmem:s26+$0x840];
	[tilespmem:s26+$0x1000] =	vst v0;
	v0 =	vmul.f32 v5, v7  }
0xfd: {  	v5 =	vld [tilespmem:s26+$0x50]  }
0xfe: {  	[tilespmem:s26+$0x1010] =	vst v0;
	v0 =	vld [tilespmem:s26+$0x60]  }
0xff: {  	v1 =	vadd.f32 v3, v1  }
0x100: {  	v2 =	vadd.f32 v8, v2  }
0x101: {  	v1 =	vmul.f32 v1, v7;
	v3 =	vadd.f32 v6, v4  }
0x102: {  	v2 =	vmul.f32 v2, v7;
	v4 =	vadd.f32 v61, v5  }
0x103: {  	[tilespmem:s26+$0x1020] =	vst v1;
	v1 =	vmul.f32 v3, v7;
	v0 =	vadd.f32 v10, v0  }
0x104: {  	[tilespmem:s26+$0x1030] =	vst v2;
	v2 =	vmul.f32 v4, v7  }
0x105: {  	[tilespmem:s26+$0x1040] =	vst v1;
	v0 =	vmul.f32 v0, v7  }
0x106: {  	[tilespmem:s26+$0x1050] =	vst v2  }
0x107: {  	[tilespmem:s26+$0x1060] =	vst v0  }
0x108: {  	[hbm4b:s13+s22] =	stream.strided.scatter [tilespmem:s23], [sflag:$0x1], $0x800, s23, s22, $0x38;
	[tilespmem:$0x3000] =	vst v63  }
0x109: {  	_ =	swait.ge [sflag:s19], $0x800  }
0x10a: {  	[sflag:s19] =	ssyncset.done $0x0  }
0x10b: {  	s31 =	simm.s32 $0x0;
	[sflag:s19] =	ssyncadd.s32 $0xFFFFF800  }
0x10c: {  	[tilespmem:s31], [sflag:$0x1] =	stream.linear.gather [hbm4b:s14+s31], $0x800, $0x38;
	[tilespmem:$0x3000] =	vst v63  }
0x10d: {  	_ =	swait.ge [sflag:s19], $0x800  }
0x10e: {  	[sflag:s19] =	ssyncset.done $0x0  }
0x10f: {  	[sflag:s19] =	ssyncadd.s32 $0xFFFFF800  }
0x110: {  	[tilespmem:s21], [sflag:$0x1] =	stream.linear.gather [hbm4b:s15+s31], $0x800, $0x38;
	[tilespmem:$0x3000] =	vst v63  }
0x111: {  	_ =	swait.ge [sflag:s19], $0x800  }
0x112: {  	[sflag:s19] =	ssyncset.done $0x0  }
0x113: {  	s25 =	simm.s32 $0x0;
	[sflag:s19] =	ssyncadd.s32 $0xFFFFF800  }
0x114: {  	v1 =	vld [tilespmem:s25+$0x70]  }
0x115: {  	v2 =	vld [tilespmem:s25+$0x870]  }
0x116: {  	v3 =	vld [tilespmem:s25+$0x0]  }
0x117: {  	v0 =	vld [tilespmem:s25+$0x2800]  }
0x118: {  	v4 =	vld [tilespmem:s25+$0x800]  }
0x119: {  	v5 =	vld [tilespmem:s25+$0x10]  }
0x11a: {  	v6 =	vld [tilespmem:s25+$0x810]  }
0x11b: {  	v7 =	vld [tilespmem:s25+$0x820]  }
0x11c: {  	v1 =	vadd.f32 v2, v1;
	v2 =	vld [tilespmem:s25+$0x20]  }
0x11d: {  	v8 =	vld [tilespmem:s25+$0x30]  }
0x11e: {  	v62 =	vld [tilespmem:s25+$0x830];
	v3 =	vadd.f32 v4, v3;
	v1 =	vmul.f32 v1, v0  }
0x11f: {  	v63 =	vld [tilespmem:s25+$0x40]  }
0x120: {  	v11 =	vld [tilespmem:s25+$0x840];
	[tilespmem:s25+$0x1070] =	vst v1;
	v1 =	vmul.f32 v3, v0;
	v3 =	vadd.f32 v6, v5  }
0x121: {  	v4 =	vld [tilespmem:s25+$0x850];
	v2 =	vadd.f32 v7, v2  }
0x122: {  	[tilespmem:s25+$0x1000] =	vst v1;
	v1 =	vmul.f32 v3, v0;
	v3 =	vld [tilespmem:s25+$0x50]  }
0x123: {  	v5 =	vld [tilespmem:s25+$0x860];
	v7 =	vadd.f32 v62, v8;
	v6 =	vmul.f32 v2, v0  }
0x124: {  	s26 =	simm.s32 $0x80;
	[tilespmem:s25+$0x1010] =	vst v1;
	v1 =	vld [tilespmem:s25+$0x60]  }
0x125: {  	s28 =	simm.s32 $0x400;
	v2 =	vld [tilespmem:s26+$0x70];
	[tilespmem:s25+$0x1020] =	vst v6;
	v6 =	vmul.f32 v7, v0;
	v7 =	vadd.f32 v11, v63  }
.LBB2_10:
0x126: {  	p0 =	sne.s32 s28, $0x1E00;
	v8 =	vld [tilespmem:s26+$0x870]  }
0x127: {  	v9 =	vld [tilespmem:s26+$0x0];
	[tilespmem:s25+$0x1030] =	vst v6;
	v6 =	vmul.f32 v7, v0;
	v3 =	vadd.f32 v4, v3  }
0x128: {  	v4 =	vld [tilespmem:s26+$0x2800]  }
0x129: {  	v7 =	vld [tilespmem:s26+$0x800];
	[tilespmem:s25+$0x1040] =	vst v6;
	v3 =	vmul.f32 v3, v0;
	v1 =	vadd.f32 v5, v1  }
0x12a: {  	v5 =	vld [tilespmem:s26+$0x10]  }
0x12b: {  	v6 =	vld [tilespmem:s26+$0x810];
	v2 =	vadd.f32 v8, v2;
	[tilespmem:s25+$0x1050] =	vst v3;
	v8 =	vmul.f32 v1, v0  }
0x12c: {  	v1 =	vld [tilespmem:s26+$0x20]  }
0x12d: {  	v3 =	vld [tilespmem:s26+$0x820];
	v2 =	vmul.f32 v2, v4;
	[tilespmem:s25+$0x1060] =	vst v8;
	v0 =	vmov v4;
	s25 =	smov.u32 s26  }
0x12e: {  	v4 =	vadd.f32 v7, v9;
	v7 =	vld [tilespmem:s25+$0x30]  }
0x12f: {  	v8 =	vld [tilespmem:s25+$0x830];
	[tilespmem:s25+$0x1070] =	vst v2  }
0x130: {  	v2 =	vmul.f32 v4, v0;
	v4 =	vadd.f32 v6, v5;
	v9 =	vld [tilespmem:s25+$0x40]  }
0x131: {  	v10 =	vld [tilespmem:s25+$0x840]  }
.Ltmp4:
0x132: {  	[tilespmem:s25+$0x1000] =	vst v2;
	v2 =	vmul.f32 v4, v0;
	v1 =	vadd.f32 v3, v1;
	v3 =	vld [tilespmem:s25+$0x50];
	(pc) =	sbr.rel @p0 .LBB2_10-.Ltmp4, $4  }
0x133: {  	v4 =	vld [tilespmem:s25+$0x850]  }
0x134: {  	[tilespmem:s25+$0x1010] =	vst v2;
	v6 =	vmul.f32 v1, v0;
	v7 =	vadd.f32 v8, v7;
	v1 =	vld [tilespmem:s25+$0x60]  }
0x135: {  	s26 =	sshra.s32 s28, $0x2;
	v5 =	vld [tilespmem:s25+$0x860]  }
0x136: {  	s28 =	sadd.s32 $0x200, s28;
	v2 =	vld [tilespmem:s26+$0x70];
	[tilespmem:s25+$0x1020] =	vst v6;
	v6 =	vmul.f32 v7, v0;
	v7 =	vadd.f32 v10, v9  }
0x137: {  	v8 =	vld [tilespmem:s26+$0x870]  }
0x138: {  	v9 =	vld [tilespmem:s26+$0x0];
	[tilespmem:s25+$0x1030] =	vst v6;
	v44 =	vmul.f32 v7, v0;
	v3 =	vadd.f32 v4, v3  }
0x139: {  	v45 =	vld [tilespmem:s26+$0x2800]  }
0x13a: {  	v46 =	vld [tilespmem:s26+$0x800];
	[tilespmem:s25+$0x1040] =	vst v44;
	v3 =	vmul.f32 v3, v0;
	v1 =	vadd.f32 v5, v1  }
0x13b: {  	v6 =	vld [tilespmem:s26+$0x10]  }
0x13c: {  	v47 =	vld [tilespmem:s26+$0x810];
	[tilespmem:s25+$0x1050] =	vst v3;
	v48 =	vmul.f32 v1, v0  }
0x13d: {  	v49 =	vld [tilespmem:s26+$0x20]  }
0x13e: {  	v3 =	vld [tilespmem:s26+$0x820];
	[tilespmem:s25+$0x1060] =	vst v48  }
0x13f: {  	v51 =	vld [tilespmem:s26+$0x30]  }
0x140: {  	v52 =	vld [tilespmem:s26+$0x830]  }
0x141: {  	v54 =	vld [tilespmem:s26+$0x40]  }
0x142: {  	v55 =	vld [tilespmem:s26+$0x840]  }
0x143: {  	v57 =	vld [tilespmem:s26+$0x50]  }
0x144: {  	v2 =	vadd.f32 v8, v2;
	v58 =	vld [tilespmem:s26+$0x850]  }
0x145: {  	v4 =	vadd.f32 v46, v9;
	v59 =	vld [tilespmem:s26+$0x60]  }
0x146: {  	v50 =	vmul.f32 v2, v45;
	v10 =	vld [tilespmem:s26+$0x860];
	v5 =	vadd.f32 v47, v6  }
0x147: {  	v53 =	vmul.f32 v4, v45;
	v1 =	vadd.f32 v3, v49  }
0x148: {  	[tilespmem:s26+$0x1070] =	vst v50;
	v56 =	vmul.f32 v5, v45;
	v2 =	vadd.f32 v52, v51  }
0x149: {  	[tilespmem:s26+$0x1000] =	vst v53;
	v1 =	vmul.f32 v1, v45;
	v60 =	vadd.f32 v55, v54  }
0x14a: {  	[tilespmem:s26+$0x1010] =	vst v56;
	v61 =	vadd.f32 v58, v57;
	v2 =	vmul.f32 v2, v45  }
0x14b: {  	v0 =	vadd.f32 v10, v59;
	[tilespmem:s26+$0x1020] =	vst v1;
	v62 =	vmul.f32 v60, v45  }
0x14c: {  	v63 =	vmul.f32 v61, v45;
	[tilespmem:s26+$0x1030] =	vst v2  }
0x14d: {  	s24 =	sadd.s32 $0x1, s24;
	v0 =	vmul.f32 v0, v45;
	[tilespmem:s26+$0x1040] =	vst v62  }
0x14e: {  	p0 =	sne.s32 s24, s17;
	[tilespmem:s26+$0x1050] =	vst v63  }
.Ltmp5:
0x14f: {  	[tilespmem:s26+$0x1060] =	vst v0;
	(pc) =	sbr.rel @p0 .LBB2_1-.Ltmp5, $4  }
0x150: {  	[hbm4b:s16+s22] =	stream.strided.scatter [tilespmem:s23], [sflag:$0x1], $0x800, s23, s22, $0x38;
	[tilespmem:$0x3000] =	vst v63  }
0x151: {  	_ =	swait.ge [sflag:s19], $0x800  }
0x152: {  	[sflag:s19] =	ssyncset.done $0x0  }
0x153: {  	[sflag:s19] =	ssyncadd.s32 $0xFFFFF800  }
0x154: {  	_ =	sfence.sel $0x180000  }
0x155: {  	[bflag:$0x0] =	sbarrier.arrive $0xFFFF  }
0x156: {  	p0 =	sne.s32 s1, $0x0;
	_ =	strace $0x9000004A  }
0x157: {  	s0 =	sadd.s32 @!p0 $0x100000, s0;
	[bflag:$0x2] =	sbarrier.arrive $0xFFFF  }
0x158: {  	[sflag:s0] =	ssyncadd.tile.s32 @!p0 $0x1;
	_ =	shalt  }
.Lfunc_end2:
_tile_overlayer_lowered:
.L_overlay_start_2:
0x159: {  	(tag) =	ssettag $0x2  }
0x15a: {  	s0 =	rddreg [dreg:$0x0];
	s2 =	stileid.u32  }
0x15b: {  	s1 =	rddreg [dreg:$0x1];
	p0 =	sne.s32 s2, $0x0  }
0x15c: {  	s3 =	rddreg [dreg:$0x2];
	[bflag:$0x3] =	sbarrier.arrive $0xFFFF;
	s2 =	simm.s32 @!p0 $0x1C01  }
0x15d: {  	[timem:s3], [sflag:s2] =	dma.local @!p0 [hbm:s0], s1  }
0x15e: {  	s0 =	simm.s32 @!p0 $0x1  }
0x15f: {  	_ =	swait.ge @!p0 [sflag:s0], s1  }
0x160: {  	s1 =	ssub.s32 @!p0 $0x0, s1;
	[sflag:s0] =	ssyncset.done @!p0 $0x0  }
0x161: {  	[sflag:s0] =	ssyncadd.s32 @!p0 s1  }
0x162: {  	[bflag:$0x3] =	sbarrier.arrive $0xFFFF  }
0x163: {  	_ =	shalt  }

</sc_bundles>
